<compile_context>
chip_gen: v7x
topology: tpu7x:2x2x1
jax: 0.10.2.dev20260603
libtpu: 0.0.44.dev20260713+nightly
codegen_flags: <defaults>
</compile_context>

<pallas_src>
import functools

import jax
import jax.numpy as jnp
from jax import lax
from jax.experimental import pallas as pl
from jax.experimental.pallas import tpu as pltpu
from jax.experimental.pallas import tpu_sc as plsc

EMBED = 64
PADW = 128
BCHUNK = 256


@functools.partial(jax.jit, static_argnames=("n_b", "n_t"))
def _emb_lookup_t(x_t, w_pad, n_b, n_t):
    info = plsc.get_sparse_core_info()
    nw = info.num_cores * info.num_subcores
    n_tg = 8
    n_bg = nw // n_tg
    t_per = n_t // n_tg
    b_per = n_b // n_bg
    cb_per = b_per // BCHUNK
    n_chunks = t_per * cb_per
    assert n_chunks % 2 == 0

    mesh = plsc.VectorSubcoreMesh(core_axis_name="c", subcore_axis_name="s")

    out_shape = (n_t, EMBED // 8, n_b // 128, 8, 128)

    @functools.partial(
        pl.kernel,
        mesh=mesh,
        out_type=jax.ShapeDtypeStruct(out_shape, jnp.float32),
        scratch_types=[
            pltpu.VMEM((t_per, b_per), jnp.int32),
            pltpu.VMEM((BCHUNK, PADW), jnp.float32),
            pltpu.VMEM((BCHUNK, PADW), jnp.float32),
            pltpu.VMEM((BCHUNK // 128, EMBED // 8, 8, 128), jnp.float32),
            pltpu.SemaphoreType.DMA,
            pltpu.SemaphoreType.DMA,
        ],
        compiler_params=pltpu.CompilerParams(
            use_tc_tiling_on_sc=False, needs_layout_passes=False
        ),
    )
    def k(xt_hbm, w_hbm, out_hbm, idx_v, buf0, buf1, blk, sem0, sem1):
        wid = lax.axis_index("s") * info.num_cores + lax.axis_index("c")
        tg = wid // n_bg
        bg = lax.rem(wid, n_bg)
        t0 = tg * t_per
        b0 = bg * b_per
        pltpu.sync_copy(xt_hbm.at[pl.ds(t0, t_per), pl.ds(b0, b_per)], idx_v)

        bufs = (buf0, buf1)
        sems = (sem0, sem1)

        def start_gather(m, b):
            t_loc = m // cb_per
            cb = lax.rem(m, cb_per)
            pltpu.async_copy(
                w_hbm.at[idx_v.at[t_loc, pl.ds(cb * BCHUNK, BCHUNK)]],
                bufs[b],
                sems[b],
            )

        start_gather(0, 0)

        lanes = jnp.arange(16, dtype=jnp.int32)
        diag_m = [(lanes + k) % 16 for k in range(16)]
        diag_chi = [m // 8 for m in diag_m]
        diag_clo = [m % 8 for m in diag_m]

        def pair_body(g, _):
            for b in range(2):
                m = 2 * g + b
                t_loc = m // cb_per
                cb = lax.rem(m, cb_per)
                pltpu.make_async_copy(
                    w_hbm.at[idx_v.at[t_loc, pl.ds(cb * BCHUNK, BCHUNK)]],
                    bufs[b],
                    sems[b],
                ).wait()

                @pl.when(m + 1 < n_chunks)
                def _():
                    start_gather(m + 1, 1 - b)

                def rt_body(rt, _):
                    r0 = rt * 16
                    bh = r0 // 128
                    bl0 = lax.rem(r0, 128)
                    bh_v = jnp.full((16,), bh, dtype=jnp.int32)
                    b_v = lanes + bl0
                    row_v = lanes + r0
                    for ct in range(EMBED // 16):
                        c0 = ct * 16
                        vs = [
                            plsc.load_gather(
                                bufs[b], [row_v, diag_m[k] + c0]
                            )
                            for k in range(16)
                        ]
                        for k in range(16):
                            plsc.store_scatter(
                                blk,
                                [
                                    bh_v,
                                    diag_chi[k] + (c0 // 8),
                                    diag_clo[k],
                                    b_v,
                                ],
                                vs[k],
                            )
                    return 0

                lax.fori_loop(0, BCHUNK // 16, rt_body, 0)
                b_hi0 = (b0 + cb * BCHUNK) // 128
                for bh in range(BCHUNK // 128):
                    pltpu.sync_copy(
                        blk.at[bh],
                        out_hbm.at[t0 + t_loc, :, b_hi0 + bh],
                    )
            return 0

        lax.fori_loop(0, n_chunks // 2, pair_body, 0)

    return k(x_t, w_pad)


def kernel(x, W_embed):
    n_b, n_t = x.shape
    v, d = W_embed.shape
    x_t = x.T.astype(jnp.int32)
    w_pad = jnp.pad(lax.optimization_barrier(W_embed), ((0, 0), (0, PADW - d)))
    out5 = _emb_lookup_t(x_t, w_pad, n_b, n_t)
    out3 = out5.transpose(0, 1, 3, 2, 4).reshape(n_t, EMBED, n_b)
    return out3.transpose(2, 0, 1)

# --- scband reference (transcript-rebuilt; emitter-appended) ---
"""Pipeline reference for scband-word-embedding-60292750901481 (READ-ONLY COPY).

The authoritative reference and input builder live on the scoring server;
editing this copy changes nothing except your own understanding.
"""

import math
import jax, jax.numpy as jnp
import numpy as np

VOCAB_SIZE = 1000000
EMBED_SIZE = 64

def setup_inputs(seed: int = 0) -> dict:
    key = jax.random.key(seed)
    k_idx, k_w = jax.random.split(key)
    x = jax.random.randint(k_idx, (4096, 200), 0, VOCAB_SIZE, dtype=jnp.int64 if jax.config.jax_enable_x64 else jnp.int32)
    W_embed = jax.random.normal(k_w, (VOCAB_SIZE, EMBED_SIZE), dtype=jnp.float32) / math.sqrt(VOCAB_SIZE)
    return {"x": x, "W_embed": W_embed}

def reference(x, W_embed):
    # W_embed[x] : gather rows of the embedding table
    return jnp.take(W_embed, x, axis=0)

if __name__ == "__main__":
    import jax
    _d = setup_inputs()
    print(jax.jit(kernel)(*tuple(_d.values())))

</pallas_src>

<mosaic_0001>
#map = affine_map<(d0, d1) -> (0, 0)>
#map1 = affine_map<(d0, d1) -> (0, 0, 0, 0, 0)>
module attributes {stable_mosaic.version = 14 : i64} {
  func.func @k(%arg0: i32, %arg1: i32, %arg2: memref<200x4096xi32, #tpu.memory_space<hbm>>, %arg3: memref<1000000x128xf32, #tpu.memory_space<hbm>>, %arg4: memref<200x8x32x8x128xf32, #tpu.memory_space<hbm>>, %arg5: memref<25x1024xi32, #tpu.memory_space<vmem>>, %arg6: memref<256x128xf32, #tpu.memory_space<vmem>>, %arg7: memref<256x128xf32, #tpu.memory_space<vmem>>, %arg8: memref<2x8x8x128xf32, #tpu.memory_space<vmem>>, %arg9: memref<!tpu.dma_semaphore, #tpu.memory_space<semaphore_mem>>, %arg10: memref<!tpu.dma_semaphore, #tpu.memory_space<semaphore_mem>>) attributes {dimension_semantics = [#tpu.dimension_semantics<core_parallel>, #tpu.dimension_semantics<subcore_parallel>], iteration_bounds = array<i64: 2, 16>, scalar_prefetch = 0 : i64, scratch_operands = 6 : i64, tpu.core_type = #tpu.core_type<sc_vector_subcore>, window_params = [{transform_indices = #map}, {transform_indices = #map}, {transform_indices = #map1}]} {
    %mul3A = arith.constant 2 : i32
    %mul3A_0 = arith.muli %arg1, %mul3A : i32
    %add3A = arith.addi %mul3A_0, %arg0 : i32
    %jit3A = arith.constant 4 : i32
    %div3A = arith.divsi %add3A, %jit3A : i32
    %sign3A = arith.constant 0 : i32
    %sign3A_1 = arith.cmpi sgt, %add3A, %sign3A : i32
    %sign3A_2 = arith.extui %sign3A_1 : i1 to i32
    %sign3A_3 = arith.constant 0 : i32
    %sign3A_4 = arith.cmpi slt, %add3A, %sign3A_3 : i32
    %sign3A_5 = arith.extui %sign3A_4 : i1 to i32
    %sign3A_6 = arith.subi %sign3A_2, %sign3A_5 : i32
    %sign3A_7 = arith.constant 0 : i32
    %sign3A_8 = arith.cmpi sgt, %jit3A, %sign3A_7 : i32
    %sign3A_9 = arith.extui %sign3A_8 : i1 to i32
    %sign3A_10 = arith.constant 0 : i32
    %sign3A_11 = arith.cmpi slt, %jit3A, %sign3A_10 : i32
    %sign3A_12 = arith.extui %sign3A_11 : i1 to i32
    %sign3A_13 = arith.subi %sign3A_9, %sign3A_12 : i32
    %ne3A = arith.cmpi ne, %sign3A_6, %sign3A_13 : i32
    %rem3A = arith.remsi %add3A, %jit3A : i32
    %ne3A_14 = arith.constant 0 : i32
    %ne3A_15 = arith.cmpi ne, %rem3A, %ne3A_14 : i32
    %and3A = arith.andi %ne3A, %ne3A_15 : i1
    %sub3A = arith.constant 1 : i32
    %sub3A_16 = arith.subi %div3A, %sub3A : i32
    %select_n3A = arith.select %and3A, %sub3A_16, %div3A : i32
    %rem3A_17 = arith.constant 4 : i32
    %rem3A_18 = arith.remsi %add3A, %rem3A_17 : i32
    %mul3A_19 = arith.constant 25 : i32
    %mul3A_20 = arith.muli %select_n3A, %mul3A_19 : i32
    %mul3A_21 = arith.constant 1024 : i32
    %mul3A_22 = arith.muli %rem3A_18, %mul3A_21 : i32
    "tpu.region"() ({
      %run_scoped3A = tpu.sem_alloc : memref<!tpu.dma_semaphore, #tpu.memory_space<semaphore_mem>>
      %dma_start3A_1285 = tpu.memref_slice %arg2[%mul3A_20, %mul3A_22] : memref<200x4096xi32, #tpu.memory_space<hbm>> -> memref<25x1024xi32, #tpu.memory_space<hbm>>
      %dma_start3A_1286 = tpu.memref_slice %arg2[%mul3A_20, %mul3A_22] : memref<200x4096xi32, #tpu.memory_space<hbm>> -> memref<25x1024xi32, #tpu.memory_space<hbm>>
      tpu.enqueue_dma source(%dma_start3A_1286 : memref<25x1024xi32, #tpu.memory_space<hbm>>) target(%arg5 : memref<25x1024xi32, #tpu.memory_space<vmem>>) target_semaphore(%run_scoped3A : memref<!tpu.dma_semaphore, #tpu.memory_space<semaphore_mem>>)
      %dma_wait3A = tpu.memref_slice %arg2[%mul3A_20, %mul3A_22] : memref<200x4096xi32, #tpu.memory_space<hbm>> -> memref<25x1024xi32, #tpu.memory_space<hbm>>
      %dma_wait3A_1287 = tpu.memref_slice %arg2[%mul3A_20, %mul3A_22] : memref<200x4096xi32, #tpu.memory_space<hbm>> -> memref<25x1024xi32, #tpu.memory_space<hbm>>
      tpu.wait_dma2 semaphore(%run_scoped3A : memref<!tpu.dma_semaphore, #tpu.memory_space<semaphore_mem>>) src(%dma_wait3A_1287 : memref<25x1024xi32, #tpu.memory_space<hbm>>) dst(%arg5 : memref<25x1024xi32, #tpu.memory_space<vmem>>)
      tpu.yield
    }) : () -> ()
    %rem3A_23 = arith.constant 0 : i32
    %rem3A_24 = arith.constant 4 : i32
    %rem3A_25 = arith.remsi %rem3A_23, %rem3A_24 : i32
    %mul3A_26 = arith.constant 256 : i32
    %mul3A_27 = arith.muli %rem3A_25, %mul3A_26 : i32
    %dma_start3A = arith.constant 0 : i32
    %dma_start3A_28 = tpu.memref_slice %arg5[%dma_start3A, %mul3A_27] : memref<25x1024xi32, #tpu.memory_space<vmem>> -> memref<1x256xi32, #tpu.memory_space<vmem>>
    %dma_start3A_29 = tpu.memref_squeeze %dma_start3A_28 : memref<1x256xi32, #tpu.memory_space<vmem>> -> memref<256xi32, #tpu.memory_space<vmem>>
    %dma_start3A_30 = arith.constant 0 : i32
    %dma_start3A_31 = arith.constant 0 : i32
    %dma_start3A_32 = tpu.memref_slice %arg3[%dma_start3A_30, %dma_start3A_31] : memref<1000000x128xf32, #tpu.memory_space<hbm>> -> memref<1000000x128xf32, #tpu.memory_space<hbm>>
    tpu.enqueue_indirect_dma source(%dma_start3A_32 : memref<1000000x128xf32, #tpu.memory_space<hbm>>) target(%arg6 : memref<256x128xf32, #tpu.memory_space<vmem>>) offsets(%dma_start3A_29 : memref<256xi32, #tpu.memory_space<vmem>>) semaphore(%arg9 : memref<!tpu.dma_semaphore, #tpu.memory_space<semaphore_mem>>)
    %iota3A = tpu.iota {dimensions = array<i32: 0>} : vector<16xi32>
    %add3A_33 = arith.constant 0 : i32
    %add3A_34 = vector.broadcast %add3A_33 : i32 to vector<16xi32>
    %add3A_35 = arith.addi %iota3A, %add3A_34 : vector<16xi32>
    %jit3A_36 = arith.constant 16 : i32
    %eq3A = arith.constant 0 : i32
    %eq3A_37 = arith.cmpi eq, %jit3A_36, %eq3A : i32
    %jit3A_38 = arith.constant 1 : i32
    %select_n3A_39 = arith.select %eq3A_37, %jit3A_38, %jit3A_36 : i32
    %rem3A_40 = vector.broadcast %select_n3A_39 : i32 to vector<16xi32>
    %rem3A_41 = arith.remsi %add3A_35, %rem3A_40 : vector<16xi32>
    %ne3A_42 = arith.constant 0 : i32
    %ne3A_43 = vector.broadcast %ne3A_42 : i32 to vector<16xi32>
    %ne3A_44 = arith.cmpi ne, %rem3A_41, %ne3A_43 : vector<16xi32>
    %lt3A = arith.constant 0 : i32
    %lt3A_45 = vector.broadcast %lt3A : i32 to vector<16xi32>
    %lt3A_46 = arith.cmpi slt, %rem3A_41, %lt3A_45 : vector<16xi32>
    %lt3A_47 = arith.constant 0 : i32
    %lt3A_48 = arith.cmpi slt, %select_n3A_39, %lt3A_47 : i32
    %ne3A_49 = vector.broadcast %lt3A_48 : i1 to vector<16xi1>
    %ne3A_50 = vector.broadcast %ne3A_49 : vector<16xi1> to vector<16xi1>
    %ne3A_51 = arith.xori %lt3A_46, %ne3A_50 : vector<16xi1>
    %and3A_52 = arith.andi %ne3A_51, %ne3A_44 : vector<16xi1>
    %add3A_53 = vector.broadcast %select_n3A_39 : i32 to vector<16xi32>
    %add3A_54 = arith.addi %rem3A_41, %add3A_53 : vector<16xi32>
    %select_n3A_55 = arith.select %and3A_52, %add3A_54, %rem3A_41 : vector<16xi1>, vector<16xi32>
    %add3A_56 = arith.constant 1 : i32
    %add3A_57 = vector.broadcast %add3A_56 : i32 to vector<16xi32>
    %add3A_58 = arith.addi %iota3A, %add3A_57 : vector<16xi32>
    %jit3A_59 = arith.constant 16 : i32
    %eq3A_60 = arith.constant 0 : i32
    %eq3A_61 = arith.cmpi eq, %jit3A_59, %eq3A_60 : i32
    %jit3A_62 = arith.constant 1 : i32
    %select_n3A_63 = arith.select %eq3A_61, %jit3A_62, %jit3A_59 : i32
    %rem3A_64 = vector.broadcast %select_n3A_63 : i32 to vector<16xi32>
    %rem3A_65 = arith.remsi %add3A_58, %rem3A_64 : vector<16xi32>
    %ne3A_66 = arith.constant 0 : i32
    %ne3A_67 = vector.broadcast %ne3A_66 : i32 to vector<16xi32>
    %ne3A_68 = arith.cmpi ne, %rem3A_65, %ne3A_67 : vector<16xi32>
    %lt3A_69 = arith.constant 0 : i32
    %lt3A_70 = vector.broadcast %lt3A_69 : i32 to vector<16xi32>
    %lt3A_71 = arith.cmpi slt, %rem3A_65, %lt3A_70 : vector<16xi32>
    %lt3A_72 = arith.constant 0 : i32
    %lt3A_73 = arith.cmpi slt, %select_n3A_63, %lt3A_72 : i32
    %ne3A_74 = vector.broadcast %lt3A_73 : i1 to vector<16xi1>
    %ne3A_75 = vector.broadcast %ne3A_74 : vector<16xi1> to vector<16xi1>
    %ne3A_76 = arith.xori %lt3A_71, %ne3A_75 : vector<16xi1>
    %and3A_77 = arith.andi %ne3A_76, %ne3A_68 : vector<16xi1>
    %add3A_78 = vector.broadcast %select_n3A_63 : i32 to vector<16xi32>
    %add3A_79 = arith.addi %rem3A_65, %add3A_78 : vector<16xi32>
    %select_n3A_80 = arith.select %and3A_77, %add3A_79, %rem3A_65 : vector<16xi1>, vector<16xi32>
    %add3A_81 = arith.constant 2 : i32
    %add3A_82 = vector.broadcast %add3A_81 : i32 to vector<16xi32>
    %add3A_83 = arith.addi %iota3A, %add3A_82 : vector<16xi32>
    %jit3A_84 = arith.constant 16 : i32
    %eq3A_85 = arith.constant 0 : i32
    %eq3A_86 = arith.cmpi eq, %jit3A_84, %eq3A_85 : i32
    %jit3A_87 = arith.constant 1 : i32
    %select_n3A_88 = arith.select %eq3A_86, %jit3A_87, %jit3A_84 : i32
    %rem3A_89 = vector.broadcast %select_n3A_88 : i32 to vector<16xi32>
    %rem3A_90 = arith.remsi %add3A_83, %rem3A_89 : vector<16xi32>
    %ne3A_91 = arith.constant 0 : i32
    %ne3A_92 = vector.broadcast %ne3A_91 : i32 to vector<16xi32>
    %ne3A_93 = arith.cmpi ne, %rem3A_90, %ne3A_92 : vector<16xi32>
    %lt3A_94 = arith.constant 0 : i32
    %lt3A_95 = vector.broadcast %lt3A_94 : i32 to vector<16xi32>
    %lt3A_96 = arith.cmpi slt, %rem3A_90, %lt3A_95 : vector<16xi32>
    %lt3A_97 = arith.constant 0 : i32
    %lt3A_98 = arith.cmpi slt, %select_n3A_88, %lt3A_97 : i32
    %ne3A_99 = vector.broadcast %lt3A_98 : i1 to vector<16xi1>
    %ne3A_100 = vector.broadcast %ne3A_99 : vector<16xi1> to vector<16xi1>
    %ne3A_101 = arith.xori %lt3A_96, %ne3A_100 : vector<16xi1>
    %and3A_102 = arith.andi %ne3A_101, %ne3A_93 : vector<16xi1>
    %add3A_103 = vector.broadcast %select_n3A_88 : i32 to vector<16xi32>
    %add3A_104 = arith.addi %rem3A_90, %add3A_103 : vector<16xi32>
    %select_n3A_105 = arith.select %and3A_102, %add3A_104, %rem3A_90 : vector<16xi1>, vector<16xi32>
    %add3A_106 = arith.constant 3 : i32
    %add3A_107 = vector.broadcast %add3A_106 : i32 to vector<16xi32>
    %add3A_108 = arith.addi %iota3A, %add3A_107 : vector<16xi32>
    %jit3A_109 = arith.constant 16 : i32
    %eq3A_110 = arith.constant 0 : i32
    %eq3A_111 = arith.cmpi eq, %jit3A_109, %eq3A_110 : i32
    %jit3A_112 = arith.constant 1 : i32
    %select_n3A_113 = arith.select %eq3A_111, %jit3A_112, %jit3A_109 : i32
    %rem3A_114 = vector.broadcast %select_n3A_113 : i32 to vector<16xi32>
    %rem3A_115 = arith.remsi %add3A_108, %rem3A_114 : vector<16xi32>
    %ne3A_116 = arith.constant 0 : i32
    %ne3A_117 = vector.broadcast %ne3A_116 : i32 to vector<16xi32>
    %ne3A_118 = arith.cmpi ne, %rem3A_115, %ne3A_117 : vector<16xi32>
    %lt3A_119 = arith.constant 0 : i32
    %lt3A_120 = vector.broadcast %lt3A_119 : i32 to vector<16xi32>
    %lt3A_121 = arith.cmpi slt, %rem3A_115, %lt3A_120 : vector<16xi32>
    %lt3A_122 = arith.constant 0 : i32
    %lt3A_123 = arith.cmpi slt, %select_n3A_113, %lt3A_122 : i32
    %ne3A_124 = vector.broadcast %lt3A_123 : i1 to vector<16xi1>
    %ne3A_125 = vector.broadcast %ne3A_124 : vector<16xi1> to vector<16xi1>
    %ne3A_126 = arith.xori %lt3A_121, %ne3A_125 : vector<16xi1>
    %and3A_127 = arith.andi %ne3A_126, %ne3A_118 : vector<16xi1>
    %add3A_128 = vector.broadcast %select_n3A_113 : i32 to vector<16xi32>
    %add3A_129 = arith.addi %rem3A_115, %add3A_128 : vector<16xi32>
    %select_n3A_130 = arith.select %and3A_127, %add3A_129, %rem3A_115 : vector<16xi1>, vector<16xi32>
    %add3A_131 = arith.constant 4 : i32
    %add3A_132 = vector.broadcast %add3A_131 : i32 to vector<16xi32>
    %add3A_133 = arith.addi %iota3A, %add3A_132 : vector<16xi32>
    %jit3A_134 = arith.constant 16 : i32
    %eq3A_135 = arith.constant 0 : i32
    %eq3A_136 = arith.cmpi eq, %jit3A_134, %eq3A_135 : i32
    %jit3A_137 = arith.constant 1 : i32
    %select_n3A_138 = arith.select %eq3A_136, %jit3A_137, %jit3A_134 : i32
    %rem3A_139 = vector.broadcast %select_n3A_138 : i32 to vector<16xi32>
    %rem3A_140 = arith.remsi %add3A_133, %rem3A_139 : vector<16xi32>
    %ne3A_141 = arith.constant 0 : i32
    %ne3A_142 = vector.broadcast %ne3A_141 : i32 to vector<16xi32>
    %ne3A_143 = arith.cmpi ne, %rem3A_140, %ne3A_142 : vector<16xi32>
    %lt3A_144 = arith.constant 0 : i32
    %lt3A_145 = vector.broadcast %lt3A_144 : i32 to vector<16xi32>
    %lt3A_146 = arith.cmpi slt, %rem3A_140, %lt3A_145 : vector<16xi32>
    %lt3A_147 = arith.constant 0 : i32
    %lt3A_148 = arith.cmpi slt, %select_n3A_138, %lt3A_147 : i32
    %ne3A_149 = vector.broadcast %lt3A_148 : i1 to vector<16xi1>
    %ne3A_150 = vector.broadcast %ne3A_149 : vector<16xi1> to vector<16xi1>
    %ne3A_151 = arith.xori %lt3A_146, %ne3A_150 : vector<16xi1>
    %and3A_152 = arith.andi %ne3A_151, %ne3A_143 : vector<16xi1>
    %add3A_153 = vector.broadcast %select_n3A_138 : i32 to vector<16xi32>
    %add3A_154 = arith.addi %rem3A_140, %add3A_153 : vector<16xi32>
    %select_n3A_155 = arith.select %and3A_152, %add3A_154, %rem3A_140 : vector<16xi1>, vector<16xi32>
    %add3A_156 = arith.constant 5 : i32
    %add3A_157 = vector.broadcast %add3A_156 : i32 to vector<16xi32>
    %add3A_158 = arith.addi %iota3A, %add3A_157 : vector<16xi32>
    %jit3A_159 = arith.constant 16 : i32
    %eq3A_160 = arith.constant 0 : i32
    %eq3A_161 = arith.cmpi eq, %jit3A_159, %eq3A_160 : i32
    %jit3A_162 = arith.constant 1 : i32
    %select_n3A_163 = arith.select %eq3A_161, %jit3A_162, %jit3A_159 : i32
    %rem3A_164 = vector.broadcast %select_n3A_163 : i32 to vector<16xi32>
    %rem3A_165 = arith.remsi %add3A_158, %rem3A_164 : vector<16xi32>
    %ne3A_166 = arith.constant 0 : i32
    %ne3A_167 = vector.broadcast %ne3A_166 : i32 to vector<16xi32>
    %ne3A_168 = arith.cmpi ne, %rem3A_165, %ne3A_167 : vector<16xi32>
    %lt3A_169 = arith.constant 0 : i32
    %lt3A_170 = vector.broadcast %lt3A_169 : i32 to vector<16xi32>
    %lt3A_171 = arith.cmpi slt, %rem3A_165, %lt3A_170 : vector<16xi32>
    %lt3A_172 = arith.constant 0 : i32
    %lt3A_173 = arith.cmpi slt, %select_n3A_163, %lt3A_172 : i32
    %ne3A_174 = vector.broadcast %lt3A_173 : i1 to vector<16xi1>
    %ne3A_175 = vector.broadcast %ne3A_174 : vector<16xi1> to vector<16xi1>
    %ne3A_176 = arith.xori %lt3A_171, %ne3A_175 : vector<16xi1>
    %and3A_177 = arith.andi %ne3A_176, %ne3A_168 : vector<16xi1>
    %add3A_178 = vector.broadcast %select_n3A_163 : i32 to vector<16xi32>
    %add3A_179 = arith.addi %rem3A_165, %add3A_178 : vector<16xi32>
    %select_n3A_180 = arith.select %and3A_177, %add3A_179, %rem3A_165 : vector<16xi1>, vector<16xi32>
    %add3A_181 = arith.constant 6 : i32
    %add3A_182 = vector.broadcast %add3A_181 : i32 to vector<16xi32>
    %add3A_183 = arith.addi %iota3A, %add3A_182 : vector<16xi32>
    %jit3A_184 = arith.constant 16 : i32
    %eq3A_185 = arith.constant 0 : i32
    %eq3A_186 = arith.cmpi eq, %jit3A_184, %eq3A_185 : i32
    %jit3A_187 = arith.constant 1 : i32
    %select_n3A_188 = arith.select %eq3A_186, %jit3A_187, %jit3A_184 : i32
    %rem3A_189 = vector.broadcast %select_n3A_188 : i32 to vector<16xi32>
    %rem3A_190 = arith.remsi %add3A_183, %rem3A_189 : vector<16xi32>
    %ne3A_191 = arith.constant 0 : i32
    %ne3A_192 = vector.broadcast %ne3A_191 : i32 to vector<16xi32>
    %ne3A_193 = arith.cmpi ne, %rem3A_190, %ne3A_192 : vector<16xi32>
    %lt3A_194 = arith.constant 0 : i32
    %lt3A_195 = vector.broadcast %lt3A_194 : i32 to vector<16xi32>
    %lt3A_196 = arith.cmpi slt, %rem3A_190, %lt3A_195 : vector<16xi32>
    %lt3A_197 = arith.constant 0 : i32
    %lt3A_198 = arith.cmpi slt, %select_n3A_188, %lt3A_197 : i32
    %ne3A_199 = vector.broadcast %lt3A_198 : i1 to vector<16xi1>
    %ne3A_200 = vector.broadcast %ne3A_199 : vector<16xi1> to vector<16xi1>
    %ne3A_201 = arith.xori %lt3A_196, %ne3A_200 : vector<16xi1>
    %and3A_202 = arith.andi %ne3A_201, %ne3A_193 : vector<16xi1>
    %add3A_203 = vector.broadcast %select_n3A_188 : i32 to vector<16xi32>
    %add3A_204 = arith.addi %rem3A_190, %add3A_203 : vector<16xi32>
    %select_n3A_205 = arith.select %and3A_202, %add3A_204, %rem3A_190 : vector<16xi1>, vector<16xi32>
    %add3A_206 = arith.constant 7 : i32
    %add3A_207 = vector.broadcast %add3A_206 : i32 to vector<16xi32>
    %add3A_208 = arith.addi %iota3A, %add3A_207 : vector<16xi32>
    %jit3A_209 = arith.constant 16 : i32
    %eq3A_210 = arith.constant 0 : i32
    %eq3A_211 = arith.cmpi eq, %jit3A_209, %eq3A_210 : i32
    %jit3A_212 = arith.constant 1 : i32
    %select_n3A_213 = arith.select %eq3A_211, %jit3A_212, %jit3A_209 : i32
    %rem3A_214 = vector.broadcast %select_n3A_213 : i32 to vector<16xi32>
    %rem3A_215 = arith.remsi %add3A_208, %rem3A_214 : vector<16xi32>
    %ne3A_216 = arith.constant 0 : i32
    %ne3A_217 = vector.broadcast %ne3A_216 : i32 to vector<16xi32>
    %ne3A_218 = arith.cmpi ne, %rem3A_215, %ne3A_217 : vector<16xi32>
    %lt3A_219 = arith.constant 0 : i32
    %lt3A_220 = vector.broadcast %lt3A_219 : i32 to vector<16xi32>
    %lt3A_221 = arith.cmpi slt, %rem3A_215, %lt3A_220 : vector<16xi32>
    %lt3A_222 = arith.constant 0 : i32
    %lt3A_223 = arith.cmpi slt, %select_n3A_213, %lt3A_222 : i32
    %ne3A_224 = vector.broadcast %lt3A_223 : i1 to vector<16xi1>
    %ne3A_225 = vector.broadcast %ne3A_224 : vector<16xi1> to vector<16xi1>
    %ne3A_226 = arith.xori %lt3A_221, %ne3A_225 : vector<16xi1>
    %and3A_227 = arith.andi %ne3A_226, %ne3A_218 : vector<16xi1>
    %add3A_228 = vector.broadcast %select_n3A_213 : i32 to vector<16xi32>
    %add3A_229 = arith.addi %rem3A_215, %add3A_228 : vector<16xi32>
    %select_n3A_230 = arith.select %and3A_227, %add3A_229, %rem3A_215 : vector<16xi1>, vector<16xi32>
    %add3A_231 = arith.constant 8 : i32
    %add3A_232 = vector.broadcast %add3A_231 : i32 to vector<16xi32>
    %add3A_233 = arith.addi %iota3A, %add3A_232 : vector<16xi32>
    %jit3A_234 = arith.constant 16 : i32
    %eq3A_235 = arith.constant 0 : i32
    %eq3A_236 = arith.cmpi eq, %jit3A_234, %eq3A_235 : i32
    %jit3A_237 = arith.constant 1 : i32
    %select_n3A_238 = arith.select %eq3A_236, %jit3A_237, %jit3A_234 : i32
    %rem3A_239 = vector.broadcast %select_n3A_238 : i32 to vector<16xi32>
    %rem3A_240 = arith.remsi %add3A_233, %rem3A_239 : vector<16xi32>
    %ne3A_241 = arith.constant 0 : i32
    %ne3A_242 = vector.broadcast %ne3A_241 : i32 to vector<16xi32>
    %ne3A_243 = arith.cmpi ne, %rem3A_240, %ne3A_242 : vector<16xi32>
    %lt3A_244 = arith.constant 0 : i32
    %lt3A_245 = vector.broadcast %lt3A_244 : i32 to vector<16xi32>
    %lt3A_246 = arith.cmpi slt, %rem3A_240, %lt3A_245 : vector<16xi32>
    %lt3A_247 = arith.constant 0 : i32
    %lt3A_248 = arith.cmpi slt, %select_n3A_238, %lt3A_247 : i32
    %ne3A_249 = vector.broadcast %lt3A_248 : i1 to vector<16xi1>
    %ne3A_250 = vector.broadcast %ne3A_249 : vector<16xi1> to vector<16xi1>
    %ne3A_251 = arith.xori %lt3A_246, %ne3A_250 : vector<16xi1>
    %and3A_252 = arith.andi %ne3A_251, %ne3A_243 : vector<16xi1>
    %add3A_253 = vector.broadcast %select_n3A_238 : i32 to vector<16xi32>
    %add3A_254 = arith.addi %rem3A_240, %add3A_253 : vector<16xi32>
    %select_n3A_255 = arith.select %and3A_252, %add3A_254, %rem3A_240 : vector<16xi1>, vector<16xi32>
    %add3A_256 = arith.constant 9 : i32
    %add3A_257 = vector.broadcast %add3A_256 : i32 to vector<16xi32>
    %add3A_258 = arith.addi %iota3A, %add3A_257 : vector<16xi32>
    %jit3A_259 = arith.constant 16 : i32
    %eq3A_260 = arith.constant 0 : i32
    %eq3A_261 = arith.cmpi eq, %jit3A_259, %eq3A_260 : i32
    %jit3A_262 = arith.constant 1 : i32
    %select_n3A_263 = arith.select %eq3A_261, %jit3A_262, %jit3A_259 : i32
    %rem3A_264 = vector.broadcast %select_n3A_263 : i32 to vector<16xi32>
    %rem3A_265 = arith.remsi %add3A_258, %rem3A_264 : vector<16xi32>
    %ne3A_266 = arith.constant 0 : i32
    %ne3A_267 = vector.broadcast %ne3A_266 : i32 to vector<16xi32>
    %ne3A_268 = arith.cmpi ne, %rem3A_265, %ne3A_267 : vector<16xi32>
    %lt3A_269 = arith.constant 0 : i32
    %lt3A_270 = vector.broadcast %lt3A_269 : i32 to vector<16xi32>
    %lt3A_271 = arith.cmpi slt, %rem3A_265, %lt3A_270 : vector<16xi32>
    %lt3A_272 = arith.constant 0 : i32
    %lt3A_273 = arith.cmpi slt, %select_n3A_263, %lt3A_272 : i32
    %ne3A_274 = vector.broadcast %lt3A_273 : i1 to vector<16xi1>
    %ne3A_275 = vector.broadcast %ne3A_274 : vector<16xi1> to vector<16xi1>
    %ne3A_276 = arith.xori %lt3A_271, %ne3A_275 : vector<16xi1>
    %and3A_277 = arith.andi %ne3A_276, %ne3A_268 : vector<16xi1>
    %add3A_278 = vector.broadcast %select_n3A_263 : i32 to vector<16xi32>
    %add3A_279 = arith.addi %rem3A_265, %add3A_278 : vector<16xi32>
    %select_n3A_280 = arith.select %and3A_277, %add3A_279, %rem3A_265 : vector<16xi1>, vector<16xi32>
    %add3A_281 = arith.constant 10 : i32
    %add3A_282 = vector.broadcast %add3A_281 : i32 to vector<16xi32>
    %add3A_283 = arith.addi %iota3A, %add3A_282 : vector<16xi32>
    %jit3A_284 = arith.constant 16 : i32
    %eq3A_285 = arith.constant 0 : i32
    %eq3A_286 = arith.cmpi eq, %jit3A_284, %eq3A_285 : i32
    %jit3A_287 = arith.constant 1 : i32
    %select_n3A_288 = arith.select %eq3A_286, %jit3A_287, %jit3A_284 : i32
    %rem3A_289 = vector.broadcast %select_n3A_288 : i32 to vector<16xi32>
    %rem3A_290 = arith.remsi %add3A_283, %rem3A_289 : vector<16xi32>
    %ne3A_291 = arith.constant 0 : i32
    %ne3A_292 = vector.broadcast %ne3A_291 : i32 to vector<16xi32>
    %ne3A_293 = arith.cmpi ne, %rem3A_290, %ne3A_292 : vector<16xi32>
    %lt3A_294 = arith.constant 0 : i32
    %lt3A_295 = vector.broadcast %lt3A_294 : i32 to vector<16xi32>
    %lt3A_296 = arith.cmpi slt, %rem3A_290, %lt3A_295 : vector<16xi32>
    %lt3A_297 = arith.constant 0 : i32
    %lt3A_298 = arith.cmpi slt, %select_n3A_288, %lt3A_297 : i32
    %ne3A_299 = vector.broadcast %lt3A_298 : i1 to vector<16xi1>
    %ne3A_300 = vector.broadcast %ne3A_299 : vector<16xi1> to vector<16xi1>
    %ne3A_301 = arith.xori %lt3A_296, %ne3A_300 : vector<16xi1>
    %and3A_302 = arith.andi %ne3A_301, %ne3A_293 : vector<16xi1>
    %add3A_303 = vector.broadcast %select_n3A_288 : i32 to vector<16xi32>
    %add3A_304 = arith.addi %rem3A_290, %add3A_303 : vector<16xi32>
    %select_n3A_305 = arith.select %and3A_302, %add3A_304, %rem3A_290 : vector<16xi1>, vector<16xi32>
    %add3A_306 = arith.constant 11 : i32
    %add3A_307 = vector.broadcast %add3A_306 : i32 to vector<16xi32>
    %add3A_308 = arith.addi %iota3A, %add3A_307 : vector<16xi32>
    %jit3A_309 = arith.constant 16 : i32
    %eq3A_310 = arith.constant 0 : i32
    %eq3A_311 = arith.cmpi eq, %jit3A_309, %eq3A_310 : i32
    %jit3A_312 = arith.constant 1 : i32
    %select_n3A_313 = arith.select %eq3A_311, %jit3A_312, %jit3A_309 : i32
    %rem3A_314 = vector.broadcast %select_n3A_313 : i32 to vector<16xi32>
    %rem3A_315 = arith.remsi %add3A_308, %rem3A_314 : vector<16xi32>
    %ne3A_316 = arith.constant 0 : i32
    %ne3A_317 = vector.broadcast %ne3A_316 : i32 to vector<16xi32>
    %ne3A_318 = arith.cmpi ne, %rem3A_315, %ne3A_317 : vector<16xi32>
    %lt3A_319 = arith.constant 0 : i32
    %lt3A_320 = vector.broadcast %lt3A_319 : i32 to vector<16xi32>
    %lt3A_321 = arith.cmpi slt, %rem3A_315, %lt3A_320 : vector<16xi32>
    %lt3A_322 = arith.constant 0 : i32
    %lt3A_323 = arith.cmpi slt, %select_n3A_313, %lt3A_322 : i32
    %ne3A_324 = vector.broadcast %lt3A_323 : i1 to vector<16xi1>
    %ne3A_325 = vector.broadcast %ne3A_324 : vector<16xi1> to vector<16xi1>
    %ne3A_326 = arith.xori %lt3A_321, %ne3A_325 : vector<16xi1>
    %and3A_327 = arith.andi %ne3A_326, %ne3A_318 : vector<16xi1>
    %add3A_328 = vector.broadcast %select_n3A_313 : i32 to vector<16xi32>
    %add3A_329 = arith.addi %rem3A_315, %add3A_328 : vector<16xi32>
    %select_n3A_330 = arith.select %and3A_327, %add3A_329, %rem3A_315 : vector<16xi1>, vector<16xi32>
    %add3A_331 = arith.constant 12 : i32
    %add3A_332 = vector.broadcast %add3A_331 : i32 to vector<16xi32>
    %add3A_333 = arith.addi %iota3A, %add3A_332 : vector<16xi32>
    %jit3A_334 = arith.constant 16 : i32
    %eq3A_335 = arith.constant 0 : i32
    %eq3A_336 = arith.cmpi eq, %jit3A_334, %eq3A_335 : i32
    %jit3A_337 = arith.constant 1 : i32
    %select_n3A_338 = arith.select %eq3A_336, %jit3A_337, %jit3A_334 : i32
    %rem3A_339 = vector.broadcast %select_n3A_338 : i32 to vector<16xi32>
    %rem3A_340 = arith.remsi %add3A_333, %rem3A_339 : vector<16xi32>
    %ne3A_341 = arith.constant 0 : i32
    %ne3A_342 = vector.broadcast %ne3A_341 : i32 to vector<16xi32>
    %ne3A_343 = arith.cmpi ne, %rem3A_340, %ne3A_342 : vector<16xi32>
    %lt3A_344 = arith.constant 0 : i32
    %lt3A_345 = vector.broadcast %lt3A_344 : i32 to vector<16xi32>
    %lt3A_346 = arith.cmpi slt, %rem3A_340, %lt3A_345 : vector<16xi32>
    %lt3A_347 = arith.constant 0 : i32
    %lt3A_348 = arith.cmpi slt, %select_n3A_338, %lt3A_347 : i32
    %ne3A_349 = vector.broadcast %lt3A_348 : i1 to vector<16xi1>
    %ne3A_350 = vector.broadcast %ne3A_349 : vector<16xi1> to vector<16xi1>
    %ne3A_351 = arith.xori %lt3A_346, %ne3A_350 : vector<16xi1>
    %and3A_352 = arith.andi %ne3A_351, %ne3A_343 : vector<16xi1>
    %add3A_353 = vector.broadcast %select_n3A_338 : i32 to vector<16xi32>
    %add3A_354 = arith.addi %rem3A_340, %add3A_353 : vector<16xi32>
    %select_n3A_355 = arith.select %and3A_352, %add3A_354, %rem3A_340 : vector<16xi1>, vector<16xi32>
    %add3A_356 = arith.constant 13 : i32
    %add3A_357 = vector.broadcast %add3A_356 : i32 to vector<16xi32>
    %add3A_358 = arith.addi %iota3A, %add3A_357 : vector<16xi32>
    %jit3A_359 = arith.constant 16 : i32
    %eq3A_360 = arith.constant 0 : i32
    %eq3A_361 = arith.cmpi eq, %jit3A_359, %eq3A_360 : i32
    %jit3A_362 = arith.constant 1 : i32
    %select_n3A_363 = arith.select %eq3A_361, %jit3A_362, %jit3A_359 : i32
    %rem3A_364 = vector.broadcast %select_n3A_363 : i32 to vector<16xi32>
    %rem3A_365 = arith.remsi %add3A_358, %rem3A_364 : vector<16xi32>
    %ne3A_366 = arith.constant 0 : i32
    %ne3A_367 = vector.broadcast %ne3A_366 : i32 to vector<16xi32>
    %ne3A_368 = arith.cmpi ne, %rem3A_365, %ne3A_367 : vector<16xi32>
    %lt3A_369 = arith.constant 0 : i32
    %lt3A_370 = vector.broadcast %lt3A_369 : i32 to vector<16xi32>
    %lt3A_371 = arith.cmpi slt, %rem3A_365, %lt3A_370 : vector<16xi32>
    %lt3A_372 = arith.constant 0 : i32
    %lt3A_373 = arith.cmpi slt, %select_n3A_363, %lt3A_372 : i32
    %ne3A_374 = vector.broadcast %lt3A_373 : i1 to vector<16xi1>
    %ne3A_375 = vector.broadcast %ne3A_374 : vector<16xi1> to vector<16xi1>
    %ne3A_376 = arith.xori %lt3A_371, %ne3A_375 : vector<16xi1>
    %and3A_377 = arith.andi %ne3A_376, %ne3A_368 : vector<16xi1>
    %add3A_378 = vector.broadcast %select_n3A_363 : i32 to vector<16xi32>
    %add3A_379 = arith.addi %rem3A_365, %add3A_378 : vector<16xi32>
    %select_n3A_380 = arith.select %and3A_377, %add3A_379, %rem3A_365 : vector<16xi1>, vector<16xi32>
    %add3A_381 = arith.constant 14 : i32
    %add3A_382 = vector.broadcast %add3A_381 : i32 to vector<16xi32>
    %add3A_383 = arith.addi %iota3A, %add3A_382 : vector<16xi32>
    %jit3A_384 = arith.constant 16 : i32
    %eq3A_385 = arith.constant 0 : i32
    %eq3A_386 = arith.cmpi eq, %jit3A_384, %eq3A_385 : i32
    %jit3A_387 = arith.constant 1 : i32
    %select_n3A_388 = arith.select %eq3A_386, %jit3A_387, %jit3A_384 : i32
    %rem3A_389 = vector.broadcast %select_n3A_388 : i32 to vector<16xi32>
    %rem3A_390 = arith.remsi %add3A_383, %rem3A_389 : vector<16xi32>
    %ne3A_391 = arith.constant 0 : i32
    %ne3A_392 = vector.broadcast %ne3A_391 : i32 to vector<16xi32>
    %ne3A_393 = arith.cmpi ne, %rem3A_390, %ne3A_392 : vector<16xi32>
    %lt3A_394 = arith.constant 0 : i32
    %lt3A_395 = vector.broadcast %lt3A_394 : i32 to vector<16xi32>
    %lt3A_396 = arith.cmpi slt, %rem3A_390, %lt3A_395 : vector<16xi32>
    %lt3A_397 = arith.constant 0 : i32
    %lt3A_398 = arith.cmpi slt, %select_n3A_388, %lt3A_397 : i32
    %ne3A_399 = vector.broadcast %lt3A_398 : i1 to vector<16xi1>
    %ne3A_400 = vector.broadcast %ne3A_399 : vector<16xi1> to vector<16xi1>
    %ne3A_401 = arith.xori %lt3A_396, %ne3A_400 : vector<16xi1>
    %and3A_402 = arith.andi %ne3A_401, %ne3A_393 : vector<16xi1>
    %add3A_403 = vector.broadcast %select_n3A_388 : i32 to vector<16xi32>
    %add3A_404 = arith.addi %rem3A_390, %add3A_403 : vector<16xi32>
    %select_n3A_405 = arith.select %and3A_402, %add3A_404, %rem3A_390 : vector<16xi1>, vector<16xi32>
    %add3A_406 = arith.constant 15 : i32
    %add3A_407 = vector.broadcast %add3A_406 : i32 to vector<16xi32>
    %add3A_408 = arith.addi %iota3A, %add3A_407 : vector<16xi32>
    %jit3A_409 = arith.constant 16 : i32
    %eq3A_410 = arith.constant 0 : i32
    %eq3A_411 = arith.cmpi eq, %jit3A_409, %eq3A_410 : i32
    %jit3A_412 = arith.constant 1 : i32
    %select_n3A_413 = arith.select %eq3A_411, %jit3A_412, %jit3A_409 : i32
    %rem3A_414 = vector.broadcast %select_n3A_413 : i32 to vector<16xi32>
    %rem3A_415 = arith.remsi %add3A_408, %rem3A_414 : vector<16xi32>
    %ne3A_416 = arith.constant 0 : i32
    %ne3A_417 = vector.broadcast %ne3A_416 : i32 to vector<16xi32>
    %ne3A_418 = arith.cmpi ne, %rem3A_415, %ne3A_417 : vector<16xi32>
    %lt3A_419 = arith.constant 0 : i32
    %lt3A_420 = vector.broadcast %lt3A_419 : i32 to vector<16xi32>
    %lt3A_421 = arith.cmpi slt, %rem3A_415, %lt3A_420 : vector<16xi32>
    %lt3A_422 = arith.constant 0 : i32
    %lt3A_423 = arith.cmpi slt, %select_n3A_413, %lt3A_422 : i32
    %ne3A_424 = vector.broadcast %lt3A_423 : i1 to vector<16xi1>
    %ne3A_425 = vector.broadcast %ne3A_424 : vector<16xi1> to vector<16xi1>
    %ne3A_426 = arith.xori %lt3A_421, %ne3A_425 : vector<16xi1>
    %and3A_427 = arith.andi %ne3A_426, %ne3A_418 : vector<16xi1>
    %add3A_428 = vector.broadcast %select_n3A_413 : i32 to vector<16xi32>
    %add3A_429 = arith.addi %rem3A_415, %add3A_428 : vector<16xi32>
    %select_n3A_430 = arith.select %and3A_427, %add3A_429, %rem3A_415 : vector<16xi1>, vector<16xi32>
    %jit3A_431 = arith.constant 8 : i32
    %div3A_432 = vector.broadcast %jit3A_431 : i32 to vector<16xi32>
    %div3A_433 = arith.divsi %select_n3A_55, %div3A_432 : vector<16xi32>
    %sign3A_434 = arith.constant 0 : i32
    %sign3A_435 = vector.broadcast %sign3A_434 : i32 to vector<16xi32>
    %sign3A_436 = arith.cmpi sgt, %select_n3A_55, %sign3A_435 : vector<16xi32>
    %sign3A_437 = arith.extui %sign3A_436 : vector<16xi1> to vector<16xi32>
    %sign3A_438 = arith.constant 0 : i32
    %sign3A_439 = vector.broadcast %sign3A_438 : i32 to vector<16xi32>
    %sign3A_440 = arith.cmpi slt, %select_n3A_55, %sign3A_439 : vector<16xi32>
    %sign3A_441 = arith.extui %sign3A_440 : vector<16xi1> to vector<16xi32>
    %sign3A_442 = arith.subi %sign3A_437, %sign3A_441 : vector<16xi32>
    %sign3A_443 = arith.constant 0 : i32
    %sign3A_444 = arith.cmpi sgt, %jit3A_431, %sign3A_443 : i32
    %sign3A_445 = arith.extui %sign3A_444 : i1 to i32
    %sign3A_446 = arith.constant 0 : i32
    %sign3A_447 = arith.cmpi slt, %jit3A_431, %sign3A_446 : i32
    %sign3A_448 = arith.extui %sign3A_447 : i1 to i32
    %sign3A_449 = arith.subi %sign3A_445, %sign3A_448 : i32
    %ne3A_450 = vector.broadcast %sign3A_449 : i32 to vector<16xi32>
    %ne3A_451 = arith.cmpi ne, %sign3A_442, %ne3A_450 : vector<16xi32>
    %rem3A_452 = vector.broadcast %jit3A_431 : i32 to vector<16xi32>
    %rem3A_453 = arith.remsi %select_n3A_55, %rem3A_452 : vector<16xi32>
    %ne3A_454 = arith.constant 0 : i32
    %ne3A_455 = vector.broadcast %ne3A_454 : i32 to vector<16xi32>
    %ne3A_456 = arith.cmpi ne, %rem3A_453, %ne3A_455 : vector<16xi32>
    %and3A_457 = arith.andi %ne3A_451, %ne3A_456 : vector<16xi1>
    %sub3A_458 = arith.constant 1 : i32
    %sub3A_459 = vector.broadcast %sub3A_458 : i32 to vector<16xi32>
    %sub3A_460 = arith.subi %div3A_433, %sub3A_459 : vector<16xi32>
    %select_n3A_461 = arith.select %and3A_457, %sub3A_460, %div3A_433 : vector<16xi1>, vector<16xi32>
    %jit3A_462 = arith.constant 8 : i32
    %div3A_463 = vector.broadcast %jit3A_462 : i32 to vector<16xi32>
    %div3A_464 = arith.divsi %select_n3A_80, %div3A_463 : vector<16xi32>
    %sign3A_465 = arith.constant 0 : i32
    %sign3A_466 = vector.broadcast %sign3A_465 : i32 to vector<16xi32>
    %sign3A_467 = arith.cmpi sgt, %select_n3A_80, %sign3A_466 : vector<16xi32>
    %sign3A_468 = arith.extui %sign3A_467 : vector<16xi1> to vector<16xi32>
    %sign3A_469 = arith.constant 0 : i32
    %sign3A_470 = vector.broadcast %sign3A_469 : i32 to vector<16xi32>
    %sign3A_471 = arith.cmpi slt, %select_n3A_80, %sign3A_470 : vector<16xi32>
    %sign3A_472 = arith.extui %sign3A_471 : vector<16xi1> to vector<16xi32>
    %sign3A_473 = arith.subi %sign3A_468, %sign3A_472 : vector<16xi32>
    %sign3A_474 = arith.constant 0 : i32
    %sign3A_475 = arith.cmpi sgt, %jit3A_462, %sign3A_474 : i32
    %sign3A_476 = arith.extui %sign3A_475 : i1 to i32
    %sign3A_477 = arith.constant 0 : i32
    %sign3A_478 = arith.cmpi slt, %jit3A_462, %sign3A_477 : i32
    %sign3A_479 = arith.extui %sign3A_478 : i1 to i32
    %sign3A_480 = arith.subi %sign3A_476, %sign3A_479 : i32
    %ne3A_481 = vector.broadcast %sign3A_480 : i32 to vector<16xi32>
    %ne3A_482 = arith.cmpi ne, %sign3A_473, %ne3A_481 : vector<16xi32>
    %rem3A_483 = vector.broadcast %jit3A_462 : i32 to vector<16xi32>
    %rem3A_484 = arith.remsi %select_n3A_80, %rem3A_483 : vector<16xi32>
    %ne3A_485 = arith.constant 0 : i32
    %ne3A_486 = vector.broadcast %ne3A_485 : i32 to vector<16xi32>
    %ne3A_487 = arith.cmpi ne, %rem3A_484, %ne3A_486 : vector<16xi32>
    %and3A_488 = arith.andi %ne3A_482, %ne3A_487 : vector<16xi1>
    %sub3A_489 = arith.constant 1 : i32
    %sub3A_490 = vector.broadcast %sub3A_489 : i32 to vector<16xi32>
    %sub3A_491 = arith.subi %div3A_464, %sub3A_490 : vector<16xi32>
    %select_n3A_492 = arith.select %and3A_488, %sub3A_491, %div3A_464 : vector<16xi1>, vector<16xi32>
    %jit3A_493 = arith.constant 8 : i32
    %div3A_494 = vector.broadcast %jit3A_493 : i32 to vector<16xi32>
    %div3A_495 = arith.divsi %select_n3A_105, %div3A_494 : vector<16xi32>
    %sign3A_496 = arith.constant 0 : i32
    %sign3A_497 = vector.broadcast %sign3A_496 : i32 to vector<16xi32>
    %sign3A_498 = arith.cmpi sgt, %select_n3A_105, %sign3A_497 : vector<16xi32>
    %sign3A_499 = arith.extui %sign3A_498 : vector<16xi1> to vector<16xi32>
    %sign3A_500 = arith.constant 0 : i32
    %sign3A_501 = vector.broadcast %sign3A_500 : i32 to vector<16xi32>
    %sign3A_502 = arith.cmpi slt, %select_n3A_105, %sign3A_501 : vector<16xi32>
    %sign3A_503 = arith.extui %sign3A_502 : vector<16xi1> to vector<16xi32>
    %sign3A_504 = arith.subi %sign3A_499, %sign3A_503 : vector<16xi32>
    %sign3A_505 = arith.constant 0 : i32
    %sign3A_506 = arith.cmpi sgt, %jit3A_493, %sign3A_505 : i32
    %sign3A_507 = arith.extui %sign3A_506 : i1 to i32
    %sign3A_508 = arith.constant 0 : i32
    %sign3A_509 = arith.cmpi slt, %jit3A_493, %sign3A_508 : i32
    %sign3A_510 = arith.extui %sign3A_509 : i1 to i32
    %sign3A_511 = arith.subi %sign3A_507, %sign3A_510 : i32
    %ne3A_512 = vector.broadcast %sign3A_511 : i32 to vector<16xi32>
    %ne3A_513 = arith.cmpi ne, %sign3A_504, %ne3A_512 : vector<16xi32>
    %rem3A_514 = vector.broadcast %jit3A_493 : i32 to vector<16xi32>
    %rem3A_515 = arith.remsi %select_n3A_105, %rem3A_514 : vector<16xi32>
    %ne3A_516 = arith.constant 0 : i32
    %ne3A_517 = vector.broadcast %ne3A_516 : i32 to vector<16xi32>
    %ne3A_518 = arith.cmpi ne, %rem3A_515, %ne3A_517 : vector<16xi32>
    %and3A_519 = arith.andi %ne3A_513, %ne3A_518 : vector<16xi1>
    %sub3A_520 = arith.constant 1 : i32
    %sub3A_521 = vector.broadcast %sub3A_520 : i32 to vector<16xi32>
    %sub3A_522 = arith.subi %div3A_495, %sub3A_521 : vector<16xi32>
    %select_n3A_523 = arith.select %and3A_519, %sub3A_522, %div3A_495 : vector<16xi1>, vector<16xi32>
    %jit3A_524 = arith.constant 8 : i32
    %div3A_525 = vector.broadcast %jit3A_524 : i32 to vector<16xi32>
    %div3A_526 = arith.divsi %select_n3A_130, %div3A_525 : vector<16xi32>
    %sign3A_527 = arith.constant 0 : i32
    %sign3A_528 = vector.broadcast %sign3A_527 : i32 to vector<16xi32>
    %sign3A_529 = arith.cmpi sgt, %select_n3A_130, %sign3A_528 : vector<16xi32>
    %sign3A_530 = arith.extui %sign3A_529 : vector<16xi1> to vector<16xi32>
    %sign3A_531 = arith.constant 0 : i32
    %sign3A_532 = vector.broadcast %sign3A_531 : i32 to vector<16xi32>
    %sign3A_533 = arith.cmpi slt, %select_n3A_130, %sign3A_532 : vector<16xi32>
    %sign3A_534 = arith.extui %sign3A_533 : vector<16xi1> to vector<16xi32>
    %sign3A_535 = arith.subi %sign3A_530, %sign3A_534 : vector<16xi32>
    %sign3A_536 = arith.constant 0 : i32
    %sign3A_537 = arith.cmpi sgt, %jit3A_524, %sign3A_536 : i32
    %sign3A_538 = arith.extui %sign3A_537 : i1 to i32
    %sign3A_539 = arith.constant 0 : i32
    %sign3A_540 = arith.cmpi slt, %jit3A_524, %sign3A_539 : i32
    %sign3A_541 = arith.extui %sign3A_540 : i1 to i32
    %sign3A_542 = arith.subi %sign3A_538, %sign3A_541 : i32
    %ne3A_543 = vector.broadcast %sign3A_542 : i32 to vector<16xi32>
    %ne3A_544 = arith.cmpi ne, %sign3A_535, %ne3A_543 : vector<16xi32>
    %rem3A_545 = vector.broadcast %jit3A_524 : i32 to vector<16xi32>
    %rem3A_546 = arith.remsi %select_n3A_130, %rem3A_545 : vector<16xi32>
    %ne3A_547 = arith.constant 0 : i32
    %ne3A_548 = vector.broadcast %ne3A_547 : i32 to vector<16xi32>
    %ne3A_549 = arith.cmpi ne, %rem3A_546, %ne3A_548 : vector<16xi32>
    %and3A_550 = arith.andi %ne3A_544, %ne3A_549 : vector<16xi1>
    %sub3A_551 = arith.constant 1 : i32
    %sub3A_552 = vector.broadcast %sub3A_551 : i32 to vector<16xi32>
    %sub3A_553 = arith.subi %div3A_526, %sub3A_552 : vector<16xi32>
    %select_n3A_554 = arith.select %and3A_550, %sub3A_553, %div3A_526 : vector<16xi1>, vector<16xi32>
    %jit3A_555 = arith.constant 8 : i32
    %div3A_556 = vector.broadcast %jit3A_555 : i32 to vector<16xi32>
    %div3A_557 = arith.divsi %select_n3A_155, %div3A_556 : vector<16xi32>
    %sign3A_558 = arith.constant 0 : i32
    %sign3A_559 = vector.broadcast %sign3A_558 : i32 to vector<16xi32>
    %sign3A_560 = arith.cmpi sgt, %select_n3A_155, %sign3A_559 : vector<16xi32>
    %sign3A_561 = arith.extui %sign3A_560 : vector<16xi1> to vector<16xi32>
    %sign3A_562 = arith.constant 0 : i32
    %sign3A_563 = vector.broadcast %sign3A_562 : i32 to vector<16xi32>
    %sign3A_564 = arith.cmpi slt, %select_n3A_155, %sign3A_563 : vector<16xi32>
    %sign3A_565 = arith.extui %sign3A_564 : vector<16xi1> to vector<16xi32>
    %sign3A_566 = arith.subi %sign3A_561, %sign3A_565 : vector<16xi32>
    %sign3A_567 = arith.constant 0 : i32
    %sign3A_568 = arith.cmpi sgt, %jit3A_555, %sign3A_567 : i32
    %sign3A_569 = arith.extui %sign3A_568 : i1 to i32
    %sign3A_570 = arith.constant 0 : i32
    %sign3A_571 = arith.cmpi slt, %jit3A_555, %sign3A_570 : i32
    %sign3A_572 = arith.extui %sign3A_571 : i1 to i32
    %sign3A_573 = arith.subi %sign3A_569, %sign3A_572 : i32
    %ne3A_574 = vector.broadcast %sign3A_573 : i32 to vector<16xi32>
    %ne3A_575 = arith.cmpi ne, %sign3A_566, %ne3A_574 : vector<16xi32>
    %rem3A_576 = vector.broadcast %jit3A_555 : i32 to vector<16xi32>
    %rem3A_577 = arith.remsi %select_n3A_155, %rem3A_576 : vector<16xi32>
    %ne3A_578 = arith.constant 0 : i32
    %ne3A_579 = vector.broadcast %ne3A_578 : i32 to vector<16xi32>
    %ne3A_580 = arith.cmpi ne, %rem3A_577, %ne3A_579 : vector<16xi32>
    %and3A_581 = arith.andi %ne3A_575, %ne3A_580 : vector<16xi1>
    %sub3A_582 = arith.constant 1 : i32
    %sub3A_583 = vector.broadcast %sub3A_582 : i32 to vector<16xi32>
    %sub3A_584 = arith.subi %div3A_557, %sub3A_583 : vector<16xi32>
    %select_n3A_585 = arith.select %and3A_581, %sub3A_584, %div3A_557 : vector<16xi1>, vector<16xi32>
    %jit3A_586 = arith.constant 8 : i32
    %div3A_587 = vector.broadcast %jit3A_586 : i32 to vector<16xi32>
    %div3A_588 = arith.divsi %select_n3A_180, %div3A_587 : vector<16xi32>
    %sign3A_589 = arith.constant 0 : i32
    %sign3A_590 = vector.broadcast %sign3A_589 : i32 to vector<16xi32>
    %sign3A_591 = arith.cmpi sgt, %select_n3A_180, %sign3A_590 : vector<16xi32>
    %sign3A_592 = arith.extui %sign3A_591 : vector<16xi1> to vector<16xi32>
    %sign3A_593 = arith.constant 0 : i32
    %sign3A_594 = vector.broadcast %sign3A_593 : i32 to vector<16xi32>
    %sign3A_595 = arith.cmpi slt, %select_n3A_180, %sign3A_594 : vector<16xi32>
    %sign3A_596 = arith.extui %sign3A_595 : vector<16xi1> to vector<16xi32>
    %sign3A_597 = arith.subi %sign3A_592, %sign3A_596 : vector<16xi32>
    %sign3A_598 = arith.constant 0 : i32
    %sign3A_599 = arith.cmpi sgt, %jit3A_586, %sign3A_598 : i32
    %sign3A_600 = arith.extui %sign3A_599 : i1 to i32
    %sign3A_601 = arith.constant 0 : i32
    %sign3A_602 = arith.cmpi slt, %jit3A_586, %sign3A_601 : i32
    %sign3A_603 = arith.extui %sign3A_602 : i1 to i32
    %sign3A_604 = arith.subi %sign3A_600, %sign3A_603 : i32
    %ne3A_605 = vector.broadcast %sign3A_604 : i32 to vector<16xi32>
    %ne3A_606 = arith.cmpi ne, %sign3A_597, %ne3A_605 : vector<16xi32>
    %rem3A_607 = vector.broadcast %jit3A_586 : i32 to vector<16xi32>
    %rem3A_608 = arith.remsi %select_n3A_180, %rem3A_607 : vector<16xi32>
    %ne3A_609 = arith.constant 0 : i32
    %ne3A_610 = vector.broadcast %ne3A_609 : i32 to vector<16xi32>
    %ne3A_611 = arith.cmpi ne, %rem3A_608, %ne3A_610 : vector<16xi32>
    %and3A_612 = arith.andi %ne3A_606, %ne3A_611 : vector<16xi1>
    %sub3A_613 = arith.constant 1 : i32
    %sub3A_614 = vector.broadcast %sub3A_613 : i32 to vector<16xi32>
    %sub3A_615 = arith.subi %div3A_588, %sub3A_614 : vector<16xi32>
    %select_n3A_616 = arith.select %and3A_612, %sub3A_615, %div3A_588 : vector<16xi1>, vector<16xi32>
    %jit3A_617 = arith.constant 8 : i32
    %div3A_618 = vector.broadcast %jit3A_617 : i32 to vector<16xi32>
    %div3A_619 = arith.divsi %select_n3A_205, %div3A_618 : vector<16xi32>
    %sign3A_620 = arith.constant 0 : i32
    %sign3A_621 = vector.broadcast %sign3A_620 : i32 to vector<16xi32>
    %sign3A_622 = arith.cmpi sgt, %select_n3A_205, %sign3A_621 : vector<16xi32>
    %sign3A_623 = arith.extui %sign3A_622 : vector<16xi1> to vector<16xi32>
    %sign3A_624 = arith.constant 0 : i32
    %sign3A_625 = vector.broadcast %sign3A_624 : i32 to vector<16xi32>
    %sign3A_626 = arith.cmpi slt, %select_n3A_205, %sign3A_625 : vector<16xi32>
    %sign3A_627 = arith.extui %sign3A_626 : vector<16xi1> to vector<16xi32>
    %sign3A_628 = arith.subi %sign3A_623, %sign3A_627 : vector<16xi32>
    %sign3A_629 = arith.constant 0 : i32
    %sign3A_630 = arith.cmpi sgt, %jit3A_617, %sign3A_629 : i32
    %sign3A_631 = arith.extui %sign3A_630 : i1 to i32
    %sign3A_632 = arith.constant 0 : i32
    %sign3A_633 = arith.cmpi slt, %jit3A_617, %sign3A_632 : i32
    %sign3A_634 = arith.extui %sign3A_633 : i1 to i32
    %sign3A_635 = arith.subi %sign3A_631, %sign3A_634 : i32
    %ne3A_636 = vector.broadcast %sign3A_635 : i32 to vector<16xi32>
    %ne3A_637 = arith.cmpi ne, %sign3A_628, %ne3A_636 : vector<16xi32>
    %rem3A_638 = vector.broadcast %jit3A_617 : i32 to vector<16xi32>
    %rem3A_639 = arith.remsi %select_n3A_205, %rem3A_638 : vector<16xi32>
    %ne3A_640 = arith.constant 0 : i32
    %ne3A_641 = vector.broadcast %ne3A_640 : i32 to vector<16xi32>
    %ne3A_642 = arith.cmpi ne, %rem3A_639, %ne3A_641 : vector<16xi32>
    %and3A_643 = arith.andi %ne3A_637, %ne3A_642 : vector<16xi1>
    %sub3A_644 = arith.constant 1 : i32
    %sub3A_645 = vector.broadcast %sub3A_644 : i32 to vector<16xi32>
    %sub3A_646 = arith.subi %div3A_619, %sub3A_645 : vector<16xi32>
    %select_n3A_647 = arith.select %and3A_643, %sub3A_646, %div3A_619 : vector<16xi1>, vector<16xi32>
    %jit3A_648 = arith.constant 8 : i32
    %div3A_649 = vector.broadcast %jit3A_648 : i32 to vector<16xi32>
    %div3A_650 = arith.divsi %select_n3A_230, %div3A_649 : vector<16xi32>
    %sign3A_651 = arith.constant 0 : i32
    %sign3A_652 = vector.broadcast %sign3A_651 : i32 to vector<16xi32>
    %sign3A_653 = arith.cmpi sgt, %select_n3A_230, %sign3A_652 : vector<16xi32>
    %sign3A_654 = arith.extui %sign3A_653 : vector<16xi1> to vector<16xi32>
    %sign3A_655 = arith.constant 0 : i32
    %sign3A_656 = vector.broadcast %sign3A_655 : i32 to vector<16xi32>
    %sign3A_657 = arith.cmpi slt, %select_n3A_230, %sign3A_656 : vector<16xi32>
    %sign3A_658 = arith.extui %sign3A_657 : vector<16xi1> to vector<16xi32>
    %sign3A_659 = arith.subi %sign3A_654, %sign3A_658 : vector<16xi32>
    %sign3A_660 = arith.constant 0 : i32
    %sign3A_661 = arith.cmpi sgt, %jit3A_648, %sign3A_660 : i32
    %sign3A_662 = arith.extui %sign3A_661 : i1 to i32
    %sign3A_663 = arith.constant 0 : i32
    %sign3A_664 = arith.cmpi slt, %jit3A_648, %sign3A_663 : i32
    %sign3A_665 = arith.extui %sign3A_664 : i1 to i32
    %sign3A_666 = arith.subi %sign3A_662, %sign3A_665 : i32
    %ne3A_667 = vector.broadcast %sign3A_666 : i32 to vector<16xi32>
    %ne3A_668 = arith.cmpi ne, %sign3A_659, %ne3A_667 : vector<16xi32>
    %rem3A_669 = vector.broadcast %jit3A_648 : i32 to vector<16xi32>
    %rem3A_670 = arith.remsi %select_n3A_230, %rem3A_669 : vector<16xi32>
    %ne3A_671 = arith.constant 0 : i32
    %ne3A_672 = vector.broadcast %ne3A_671 : i32 to vector<16xi32>
    %ne3A_673 = arith.cmpi ne, %rem3A_670, %ne3A_672 : vector<16xi32>
    %and3A_674 = arith.andi %ne3A_668, %ne3A_673 : vector<16xi1>
    %sub3A_675 = arith.constant 1 : i32
    %sub3A_676 = vector.broadcast %sub3A_675 : i32 to vector<16xi32>
    %sub3A_677 = arith.subi %div3A_650, %sub3A_676 : vector<16xi32>
    %select_n3A_678 = arith.select %and3A_674, %sub3A_677, %div3A_650 : vector<16xi1>, vector<16xi32>
    %jit3A_679 = arith.constant 8 : i32
    %div3A_680 = vector.broadcast %jit3A_679 : i32 to vector<16xi32>
    %div3A_681 = arith.divsi %select_n3A_255, %div3A_680 : vector<16xi32>
    %sign3A_682 = arith.constant 0 : i32
    %sign3A_683 = vector.broadcast %sign3A_682 : i32 to vector<16xi32>
    %sign3A_684 = arith.cmpi sgt, %select_n3A_255, %sign3A_683 : vector<16xi32>
    %sign3A_685 = arith.extui %sign3A_684 : vector<16xi1> to vector<16xi32>
    %sign3A_686 = arith.constant 0 : i32
    %sign3A_687 = vector.broadcast %sign3A_686 : i32 to vector<16xi32>
    %sign3A_688 = arith.cmpi slt, %select_n3A_255, %sign3A_687 : vector<16xi32>
    %sign3A_689 = arith.extui %sign3A_688 : vector<16xi1> to vector<16xi32>
    %sign3A_690 = arith.subi %sign3A_685, %sign3A_689 : vector<16xi32>
    %sign3A_691 = arith.constant 0 : i32
    %sign3A_692 = arith.cmpi sgt, %jit3A_679, %sign3A_691 : i32
    %sign3A_693 = arith.extui %sign3A_692 : i1 to i32
    %sign3A_694 = arith.constant 0 : i32
    %sign3A_695 = arith.cmpi slt, %jit3A_679, %sign3A_694 : i32
    %sign3A_696 = arith.extui %sign3A_695 : i1 to i32
    %sign3A_697 = arith.subi %sign3A_693, %sign3A_696 : i32
    %ne3A_698 = vector.broadcast %sign3A_697 : i32 to vector<16xi32>
    %ne3A_699 = arith.cmpi ne, %sign3A_690, %ne3A_698 : vector<16xi32>
    %rem3A_700 = vector.broadcast %jit3A_679 : i32 to vector<16xi32>
    %rem3A_701 = arith.remsi %select_n3A_255, %rem3A_700 : vector<16xi32>
    %ne3A_702 = arith.constant 0 : i32
    %ne3A_703 = vector.broadcast %ne3A_702 : i32 to vector<16xi32>
    %ne3A_704 = arith.cmpi ne, %rem3A_701, %ne3A_703 : vector<16xi32>
    %and3A_705 = arith.andi %ne3A_699, %ne3A_704 : vector<16xi1>
    %sub3A_706 = arith.constant 1 : i32
    %sub3A_707 = vector.broadcast %sub3A_706 : i32 to vector<16xi32>
    %sub3A_708 = arith.subi %div3A_681, %sub3A_707 : vector<16xi32>
    %select_n3A_709 = arith.select %and3A_705, %sub3A_708, %div3A_681 : vector<16xi1>, vector<16xi32>
    %jit3A_710 = arith.constant 8 : i32
    %div3A_711 = vector.broadcast %jit3A_710 : i32 to vector<16xi32>
    %div3A_712 = arith.divsi %select_n3A_280, %div3A_711 : vector<16xi32>
    %sign3A_713 = arith.constant 0 : i32
    %sign3A_714 = vector.broadcast %sign3A_713 : i32 to vector<16xi32>
    %sign3A_715 = arith.cmpi sgt, %select_n3A_280, %sign3A_714 : vector<16xi32>
    %sign3A_716 = arith.extui %sign3A_715 : vector<16xi1> to vector<16xi32>
    %sign3A_717 = arith.constant 0 : i32
    %sign3A_718 = vector.broadcast %sign3A_717 : i32 to vector<16xi32>
    %sign3A_719 = arith.cmpi slt, %select_n3A_280, %sign3A_718 : vector<16xi32>
    %sign3A_720 = arith.extui %sign3A_719 : vector<16xi1> to vector<16xi32>
    %sign3A_721 = arith.subi %sign3A_716, %sign3A_720 : vector<16xi32>
    %sign3A_722 = arith.constant 0 : i32
    %sign3A_723 = arith.cmpi sgt, %jit3A_710, %sign3A_722 : i32
    %sign3A_724 = arith.extui %sign3A_723 : i1 to i32
    %sign3A_725 = arith.constant 0 : i32
    %sign3A_726 = arith.cmpi slt, %jit3A_710, %sign3A_725 : i32
    %sign3A_727 = arith.extui %sign3A_726 : i1 to i32
    %sign3A_728 = arith.subi %sign3A_724, %sign3A_727 : i32
    %ne3A_729 = vector.broadcast %sign3A_728 : i32 to vector<16xi32>
    %ne3A_730 = arith.cmpi ne, %sign3A_721, %ne3A_729 : vector<16xi32>
    %rem3A_731 = vector.broadcast %jit3A_710 : i32 to vector<16xi32>
    %rem3A_732 = arith.remsi %select_n3A_280, %rem3A_731 : vector<16xi32>
    %ne3A_733 = arith.constant 0 : i32
    %ne3A_734 = vector.broadcast %ne3A_733 : i32 to vector<16xi32>
    %ne3A_735 = arith.cmpi ne, %rem3A_732, %ne3A_734 : vector<16xi32>
    %and3A_736 = arith.andi %ne3A_730, %ne3A_735 : vector<16xi1>
    %sub3A_737 = arith.constant 1 : i32
    %sub3A_738 = vector.broadcast %sub3A_737 : i32 to vector<16xi32>
    %sub3A_739 = arith.subi %div3A_712, %sub3A_738 : vector<16xi32>
    %select_n3A_740 = arith.select %and3A_736, %sub3A_739, %div3A_712 : vector<16xi1>, vector<16xi32>
    %jit3A_741 = arith.constant 8 : i32
    %div3A_742 = vector.broadcast %jit3A_741 : i32 to vector<16xi32>
    %div3A_743 = arith.divsi %select_n3A_305, %div3A_742 : vector<16xi32>
    %sign3A_744 = arith.constant 0 : i32
    %sign3A_745 = vector.broadcast %sign3A_744 : i32 to vector<16xi32>
    %sign3A_746 = arith.cmpi sgt, %select_n3A_305, %sign3A_745 : vector<16xi32>
    %sign3A_747 = arith.extui %sign3A_746 : vector<16xi1> to vector<16xi32>
    %sign3A_748 = arith.constant 0 : i32
    %sign3A_749 = vector.broadcast %sign3A_748 : i32 to vector<16xi32>
    %sign3A_750 = arith.cmpi slt, %select_n3A_305, %sign3A_749 : vector<16xi32>
    %sign3A_751 = arith.extui %sign3A_750 : vector<16xi1> to vector<16xi32>
    %sign3A_752 = arith.subi %sign3A_747, %sign3A_751 : vector<16xi32>
    %sign3A_753 = arith.constant 0 : i32
    %sign3A_754 = arith.cmpi sgt, %jit3A_741, %sign3A_753 : i32
    %sign3A_755 = arith.extui %sign3A_754 : i1 to i32
    %sign3A_756 = arith.constant 0 : i32
    %sign3A_757 = arith.cmpi slt, %jit3A_741, %sign3A_756 : i32
    %sign3A_758 = arith.extui %sign3A_757 : i1 to i32
    %sign3A_759 = arith.subi %sign3A_755, %sign3A_758 : i32
    %ne3A_760 = vector.broadcast %sign3A_759 : i32 to vector<16xi32>
    %ne3A_761 = arith.cmpi ne, %sign3A_752, %ne3A_760 : vector<16xi32>
    %rem3A_762 = vector.broadcast %jit3A_741 : i32 to vector<16xi32>
    %rem3A_763 = arith.remsi %select_n3A_305, %rem3A_762 : vector<16xi32>
    %ne3A_764 = arith.constant 0 : i32
    %ne3A_765 = vector.broadcast %ne3A_764 : i32 to vector<16xi32>
    %ne3A_766 = arith.cmpi ne, %rem3A_763, %ne3A_765 : vector<16xi32>
    %and3A_767 = arith.andi %ne3A_761, %ne3A_766 : vector<16xi1>
    %sub3A_768 = arith.constant 1 : i32
    %sub3A_769 = vector.broadcast %sub3A_768 : i32 to vector<16xi32>
    %sub3A_770 = arith.subi %div3A_743, %sub3A_769 : vector<16xi32>
    %select_n3A_771 = arith.select %and3A_767, %sub3A_770, %div3A_743 : vector<16xi1>, vector<16xi32>
    %jit3A_772 = arith.constant 8 : i32
    %div3A_773 = vector.broadcast %jit3A_772 : i32 to vector<16xi32>
    %div3A_774 = arith.divsi %select_n3A_330, %div3A_773 : vector<16xi32>
    %sign3A_775 = arith.constant 0 : i32
    %sign3A_776 = vector.broadcast %sign3A_775 : i32 to vector<16xi32>
    %sign3A_777 = arith.cmpi sgt, %select_n3A_330, %sign3A_776 : vector<16xi32>
    %sign3A_778 = arith.extui %sign3A_777 : vector<16xi1> to vector<16xi32>
    %sign3A_779 = arith.constant 0 : i32
    %sign3A_780 = vector.broadcast %sign3A_779 : i32 to vector<16xi32>
    %sign3A_781 = arith.cmpi slt, %select_n3A_330, %sign3A_780 : vector<16xi32>
    %sign3A_782 = arith.extui %sign3A_781 : vector<16xi1> to vector<16xi32>
    %sign3A_783 = arith.subi %sign3A_778, %sign3A_782 : vector<16xi32>
    %sign3A_784 = arith.constant 0 : i32
    %sign3A_785 = arith.cmpi sgt, %jit3A_772, %sign3A_784 : i32
    %sign3A_786 = arith.extui %sign3A_785 : i1 to i32
    %sign3A_787 = arith.constant 0 : i32
    %sign3A_788 = arith.cmpi slt, %jit3A_772, %sign3A_787 : i32
    %sign3A_789 = arith.extui %sign3A_788 : i1 to i32
    %sign3A_790 = arith.subi %sign3A_786, %sign3A_789 : i32
    %ne3A_791 = vector.broadcast %sign3A_790 : i32 to vector<16xi32>
    %ne3A_792 = arith.cmpi ne, %sign3A_783, %ne3A_791 : vector<16xi32>
    %rem3A_793 = vector.broadcast %jit3A_772 : i32 to vector<16xi32>
    %rem3A_794 = arith.remsi %select_n3A_330, %rem3A_793 : vector<16xi32>
    %ne3A_795 = arith.constant 0 : i32
    %ne3A_796 = vector.broadcast %ne3A_795 : i32 to vector<16xi32>
    %ne3A_797 = arith.cmpi ne, %rem3A_794, %ne3A_796 : vector<16xi32>
    %and3A_798 = arith.andi %ne3A_792, %ne3A_797 : vector<16xi1>
    %sub3A_799 = arith.constant 1 : i32
    %sub3A_800 = vector.broadcast %sub3A_799 : i32 to vector<16xi32>
    %sub3A_801 = arith.subi %div3A_774, %sub3A_800 : vector<16xi32>
    %select_n3A_802 = arith.select %and3A_798, %sub3A_801, %div3A_774 : vector<16xi1>, vector<16xi32>
    %jit3A_803 = arith.constant 8 : i32
    %div3A_804 = vector.broadcast %jit3A_803 : i32 to vector<16xi32>
    %div3A_805 = arith.divsi %select_n3A_355, %div3A_804 : vector<16xi32>
    %sign3A_806 = arith.constant 0 : i32
    %sign3A_807 = vector.broadcast %sign3A_806 : i32 to vector<16xi32>
    %sign3A_808 = arith.cmpi sgt, %select_n3A_355, %sign3A_807 : vector<16xi32>
    %sign3A_809 = arith.extui %sign3A_808 : vector<16xi1> to vector<16xi32>
    %sign3A_810 = arith.constant 0 : i32
    %sign3A_811 = vector.broadcast %sign3A_810 : i32 to vector<16xi32>
    %sign3A_812 = arith.cmpi slt, %select_n3A_355, %sign3A_811 : vector<16xi32>
    %sign3A_813 = arith.extui %sign3A_812 : vector<16xi1> to vector<16xi32>
    %sign3A_814 = arith.subi %sign3A_809, %sign3A_813 : vector<16xi32>
    %sign3A_815 = arith.constant 0 : i32
    %sign3A_816 = arith.cmpi sgt, %jit3A_803, %sign3A_815 : i32
    %sign3A_817 = arith.extui %sign3A_816 : i1 to i32
    %sign3A_818 = arith.constant 0 : i32
    %sign3A_819 = arith.cmpi slt, %jit3A_803, %sign3A_818 : i32
    %sign3A_820 = arith.extui %sign3A_819 : i1 to i32
    %sign3A_821 = arith.subi %sign3A_817, %sign3A_820 : i32
    %ne3A_822 = vector.broadcast %sign3A_821 : i32 to vector<16xi32>
    %ne3A_823 = arith.cmpi ne, %sign3A_814, %ne3A_822 : vector<16xi32>
    %rem3A_824 = vector.broadcast %jit3A_803 : i32 to vector<16xi32>
    %rem3A_825 = arith.remsi %select_n3A_355, %rem3A_824 : vector<16xi32>
    %ne3A_826 = arith.constant 0 : i32
    %ne3A_827 = vector.broadcast %ne3A_826 : i32 to vector<16xi32>
    %ne3A_828 = arith.cmpi ne, %rem3A_825, %ne3A_827 : vector<16xi32>
    %and3A_829 = arith.andi %ne3A_823, %ne3A_828 : vector<16xi1>
    %sub3A_830 = arith.constant 1 : i32
    %sub3A_831 = vector.broadcast %sub3A_830 : i32 to vector<16xi32>
    %sub3A_832 = arith.subi %div3A_805, %sub3A_831 : vector<16xi32>
    %select_n3A_833 = arith.select %and3A_829, %sub3A_832, %div3A_805 : vector<16xi1>, vector<16xi32>
    %jit3A_834 = arith.constant 8 : i32
    %div3A_835 = vector.broadcast %jit3A_834 : i32 to vector<16xi32>
    %div3A_836 = arith.divsi %select_n3A_380, %div3A_835 : vector<16xi32>
    %sign3A_837 = arith.constant 0 : i32
    %sign3A_838 = vector.broadcast %sign3A_837 : i32 to vector<16xi32>
    %sign3A_839 = arith.cmpi sgt, %select_n3A_380, %sign3A_838 : vector<16xi32>
    %sign3A_840 = arith.extui %sign3A_839 : vector<16xi1> to vector<16xi32>
    %sign3A_841 = arith.constant 0 : i32
    %sign3A_842 = vector.broadcast %sign3A_841 : i32 to vector<16xi32>
    %sign3A_843 = arith.cmpi slt, %select_n3A_380, %sign3A_842 : vector<16xi32>
    %sign3A_844 = arith.extui %sign3A_843 : vector<16xi1> to vector<16xi32>
    %sign3A_845 = arith.subi %sign3A_840, %sign3A_844 : vector<16xi32>
    %sign3A_846 = arith.constant 0 : i32
    %sign3A_847 = arith.cmpi sgt, %jit3A_834, %sign3A_846 : i32
    %sign3A_848 = arith.extui %sign3A_847 : i1 to i32
    %sign3A_849 = arith.constant 0 : i32
    %sign3A_850 = arith.cmpi slt, %jit3A_834, %sign3A_849 : i32
    %sign3A_851 = arith.extui %sign3A_850 : i1 to i32
    %sign3A_852 = arith.subi %sign3A_848, %sign3A_851 : i32
    %ne3A_853 = vector.broadcast %sign3A_852 : i32 to vector<16xi32>
    %ne3A_854 = arith.cmpi ne, %sign3A_845, %ne3A_853 : vector<16xi32>
    %rem3A_855 = vector.broadcast %jit3A_834 : i32 to vector<16xi32>
    %rem3A_856 = arith.remsi %select_n3A_380, %rem3A_855 : vector<16xi32>
    %ne3A_857 = arith.constant 0 : i32
    %ne3A_858 = vector.broadcast %ne3A_857 : i32 to vector<16xi32>
    %ne3A_859 = arith.cmpi ne, %rem3A_856, %ne3A_858 : vector<16xi32>
    %and3A_860 = arith.andi %ne3A_854, %ne3A_859 : vector<16xi1>
    %sub3A_861 = arith.constant 1 : i32
    %sub3A_862 = vector.broadcast %sub3A_861 : i32 to vector<16xi32>
    %sub3A_863 = arith.subi %div3A_836, %sub3A_862 : vector<16xi32>
    %select_n3A_864 = arith.select %and3A_860, %sub3A_863, %div3A_836 : vector<16xi1>, vector<16xi32>
    %jit3A_865 = arith.constant 8 : i32
    %div3A_866 = vector.broadcast %jit3A_865 : i32 to vector<16xi32>
    %div3A_867 = arith.divsi %select_n3A_405, %div3A_866 : vector<16xi32>
    %sign3A_868 = arith.constant 0 : i32
    %sign3A_869 = vector.broadcast %sign3A_868 : i32 to vector<16xi32>
    %sign3A_870 = arith.cmpi sgt, %select_n3A_405, %sign3A_869 : vector<16xi32>
    %sign3A_871 = arith.extui %sign3A_870 : vector<16xi1> to vector<16xi32>
    %sign3A_872 = arith.constant 0 : i32
    %sign3A_873 = vector.broadcast %sign3A_872 : i32 to vector<16xi32>
    %sign3A_874 = arith.cmpi slt, %select_n3A_405, %sign3A_873 : vector<16xi32>
    %sign3A_875 = arith.extui %sign3A_874 : vector<16xi1> to vector<16xi32>
    %sign3A_876 = arith.subi %sign3A_871, %sign3A_875 : vector<16xi32>
    %sign3A_877 = arith.constant 0 : i32
    %sign3A_878 = arith.cmpi sgt, %jit3A_865, %sign3A_877 : i32
    %sign3A_879 = arith.extui %sign3A_878 : i1 to i32
    %sign3A_880 = arith.constant 0 : i32
    %sign3A_881 = arith.cmpi slt, %jit3A_865, %sign3A_880 : i32
    %sign3A_882 = arith.extui %sign3A_881 : i1 to i32
    %sign3A_883 = arith.subi %sign3A_879, %sign3A_882 : i32
    %ne3A_884 = vector.broadcast %sign3A_883 : i32 to vector<16xi32>
    %ne3A_885 = arith.cmpi ne, %sign3A_876, %ne3A_884 : vector<16xi32>
    %rem3A_886 = vector.broadcast %jit3A_865 : i32 to vector<16xi32>
    %rem3A_887 = arith.remsi %select_n3A_405, %rem3A_886 : vector<16xi32>
    %ne3A_888 = arith.constant 0 : i32
    %ne3A_889 = vector.broadcast %ne3A_888 : i32 to vector<16xi32>
    %ne3A_890 = arith.cmpi ne, %rem3A_887, %ne3A_889 : vector<16xi32>
    %and3A_891 = arith.andi %ne3A_885, %ne3A_890 : vector<16xi1>
    %sub3A_892 = arith.constant 1 : i32
    %sub3A_893 = vector.broadcast %sub3A_892 : i32 to vector<16xi32>
    %sub3A_894 = arith.subi %div3A_867, %sub3A_893 : vector<16xi32>
    %select_n3A_895 = arith.select %and3A_891, %sub3A_894, %div3A_867 : vector<16xi1>, vector<16xi32>
    %jit3A_896 = arith.constant 8 : i32
    %div3A_897 = vector.broadcast %jit3A_896 : i32 to vector<16xi32>
    %div3A_898 = arith.divsi %select_n3A_430, %div3A_897 : vector<16xi32>
    %sign3A_899 = arith.constant 0 : i32
    %sign3A_900 = vector.broadcast %sign3A_899 : i32 to vector<16xi32>
    %sign3A_901 = arith.cmpi sgt, %select_n3A_430, %sign3A_900 : vector<16xi32>
    %sign3A_902 = arith.extui %sign3A_901 : vector<16xi1> to vector<16xi32>
    %sign3A_903 = arith.constant 0 : i32
    %sign3A_904 = vector.broadcast %sign3A_903 : i32 to vector<16xi32>
    %sign3A_905 = arith.cmpi slt, %select_n3A_430, %sign3A_904 : vector<16xi32>
    %sign3A_906 = arith.extui %sign3A_905 : vector<16xi1> to vector<16xi32>
    %sign3A_907 = arith.subi %sign3A_902, %sign3A_906 : vector<16xi32>
    %sign3A_908 = arith.constant 0 : i32
    %sign3A_909 = arith.cmpi sgt, %jit3A_896, %sign3A_908 : i32
    %sign3A_910 = arith.extui %sign3A_909 : i1 to i32
    %sign3A_911 = arith.constant 0 : i32
    %sign3A_912 = arith.cmpi slt, %jit3A_896, %sign3A_911 : i32
    %sign3A_913 = arith.extui %sign3A_912 : i1 to i32
    %sign3A_914 = arith.subi %sign3A_910, %sign3A_913 : i32
    %ne3A_915 = vector.broadcast %sign3A_914 : i32 to vector<16xi32>
    %ne3A_916 = arith.cmpi ne, %sign3A_907, %ne3A_915 : vector<16xi32>
    %rem3A_917 = vector.broadcast %jit3A_896 : i32 to vector<16xi32>
    %rem3A_918 = arith.remsi %select_n3A_430, %rem3A_917 : vector<16xi32>
    %ne3A_919 = arith.constant 0 : i32
    %ne3A_920 = vector.broadcast %ne3A_919 : i32 to vector<16xi32>
    %ne3A_921 = arith.cmpi ne, %rem3A_918, %ne3A_920 : vector<16xi32>
    %and3A_922 = arith.andi %ne3A_916, %ne3A_921 : vector<16xi1>
    %sub3A_923 = arith.constant 1 : i32
    %sub3A_924 = vector.broadcast %sub3A_923 : i32 to vector<16xi32>
    %sub3A_925 = arith.subi %div3A_898, %sub3A_924 : vector<16xi32>
    %select_n3A_926 = arith.select %and3A_922, %sub3A_925, %div3A_898 : vector<16xi1>, vector<16xi32>
    %jit3A_927 = arith.constant 8 : i32
    %eq3A_928 = arith.constant 0 : i32
    %eq3A_929 = arith.cmpi eq, %jit3A_927, %eq3A_928 : i32
    %jit3A_930 = arith.constant 1 : i32
    %select_n3A_931 = arith.select %eq3A_929, %jit3A_930, %jit3A_927 : i32
    %rem3A_932 = vector.broadcast %select_n3A_931 : i32 to vector<16xi32>
    %rem3A_933 = arith.remsi %select_n3A_55, %rem3A_932 : vector<16xi32>
    %ne3A_934 = arith.constant 0 : i32
    %ne3A_935 = vector.broadcast %ne3A_934 : i32 to vector<16xi32>
    %ne3A_936 = arith.cmpi ne, %rem3A_933, %ne3A_935 : vector<16xi32>
    %lt3A_937 = arith.constant 0 : i32
    %lt3A_938 = vector.broadcast %lt3A_937 : i32 to vector<16xi32>
    %lt3A_939 = arith.cmpi slt, %rem3A_933, %lt3A_938 : vector<16xi32>
    %lt3A_940 = arith.constant 0 : i32
    %lt3A_941 = arith.cmpi slt, %select_n3A_931, %lt3A_940 : i32
    %ne3A_942 = vector.broadcast %lt3A_941 : i1 to vector<16xi1>
    %ne3A_943 = vector.broadcast %ne3A_942 : vector<16xi1> to vector<16xi1>
    %ne3A_944 = arith.xori %lt3A_939, %ne3A_943 : vector<16xi1>
    %and3A_945 = arith.andi %ne3A_944, %ne3A_936 : vector<16xi1>
    %add3A_946 = vector.broadcast %select_n3A_931 : i32 to vector<16xi32>
    %add3A_947 = arith.addi %rem3A_933, %add3A_946 : vector<16xi32>
    %select_n3A_948 = arith.select %and3A_945, %add3A_947, %rem3A_933 : vector<16xi1>, vector<16xi32>
    %jit3A_949 = arith.constant 8 : i32
    %eq3A_950 = arith.constant 0 : i32
    %eq3A_951 = arith.cmpi eq, %jit3A_949, %eq3A_950 : i32
    %jit3A_952 = arith.constant 1 : i32
    %select_n3A_953 = arith.select %eq3A_951, %jit3A_952, %jit3A_949 : i32
    %rem3A_954 = vector.broadcast %select_n3A_953 : i32 to vector<16xi32>
    %rem3A_955 = arith.remsi %select_n3A_80, %rem3A_954 : vector<16xi32>
    %ne3A_956 = arith.constant 0 : i32
    %ne3A_957 = vector.broadcast %ne3A_956 : i32 to vector<16xi32>
    %ne3A_958 = arith.cmpi ne, %rem3A_955, %ne3A_957 : vector<16xi32>
    %lt3A_959 = arith.constant 0 : i32
    %lt3A_960 = vector.broadcast %lt3A_959 : i32 to vector<16xi32>
    %lt3A_961 = arith.cmpi slt, %rem3A_955, %lt3A_960 : vector<16xi32>
    %lt3A_962 = arith.constant 0 : i32
    %lt3A_963 = arith.cmpi slt, %select_n3A_953, %lt3A_962 : i32
    %ne3A_964 = vector.broadcast %lt3A_963 : i1 to vector<16xi1>
    %ne3A_965 = vector.broadcast %ne3A_964 : vector<16xi1> to vector<16xi1>
    %ne3A_966 = arith.xori %lt3A_961, %ne3A_965 : vector<16xi1>
    %and3A_967 = arith.andi %ne3A_966, %ne3A_958 : vector<16xi1>
    %add3A_968 = vector.broadcast %select_n3A_953 : i32 to vector<16xi32>
    %add3A_969 = arith.addi %rem3A_955, %add3A_968 : vector<16xi32>
    %select_n3A_970 = arith.select %and3A_967, %add3A_969, %rem3A_955 : vector<16xi1>, vector<16xi32>
    %jit3A_971 = arith.constant 8 : i32
    %eq3A_972 = arith.constant 0 : i32
    %eq3A_973 = arith.cmpi eq, %jit3A_971, %eq3A_972 : i32
    %jit3A_974 = arith.constant 1 : i32
    %select_n3A_975 = arith.select %eq3A_973, %jit3A_974, %jit3A_971 : i32
    %rem3A_976 = vector.broadcast %select_n3A_975 : i32 to vector<16xi32>
    %rem3A_977 = arith.remsi %select_n3A_105, %rem3A_976 : vector<16xi32>
    %ne3A_978 = arith.constant 0 : i32
    %ne3A_979 = vector.broadcast %ne3A_978 : i32 to vector<16xi32>
    %ne3A_980 = arith.cmpi ne, %rem3A_977, %ne3A_979 : vector<16xi32>
    %lt3A_981 = arith.constant 0 : i32
    %lt3A_982 = vector.broadcast %lt3A_981 : i32 to vector<16xi32>
    %lt3A_983 = arith.cmpi slt, %rem3A_977, %lt3A_982 : vector<16xi32>
    %lt3A_984 = arith.constant 0 : i32
    %lt3A_985 = arith.cmpi slt, %select_n3A_975, %lt3A_984 : i32
    %ne3A_986 = vector.broadcast %lt3A_985 : i1 to vector<16xi1>
    %ne3A_987 = vector.broadcast %ne3A_986 : vector<16xi1> to vector<16xi1>
    %ne3A_988 = arith.xori %lt3A_983, %ne3A_987 : vector<16xi1>
    %and3A_989 = arith.andi %ne3A_988, %ne3A_980 : vector<16xi1>
    %add3A_990 = vector.broadcast %select_n3A_975 : i32 to vector<16xi32>
    %add3A_991 = arith.addi %rem3A_977, %add3A_990 : vector<16xi32>
    %select_n3A_992 = arith.select %and3A_989, %add3A_991, %rem3A_977 : vector<16xi1>, vector<16xi32>
    %jit3A_993 = arith.constant 8 : i32
    %eq3A_994 = arith.constant 0 : i32
    %eq3A_995 = arith.cmpi eq, %jit3A_993, %eq3A_994 : i32
    %jit3A_996 = arith.constant 1 : i32
    %select_n3A_997 = arith.select %eq3A_995, %jit3A_996, %jit3A_993 : i32
    %rem3A_998 = vector.broadcast %select_n3A_997 : i32 to vector<16xi32>
    %rem3A_999 = arith.remsi %select_n3A_130, %rem3A_998 : vector<16xi32>
    %ne3A_1000 = arith.constant 0 : i32
    %ne3A_1001 = vector.broadcast %ne3A_1000 : i32 to vector<16xi32>
    %ne3A_1002 = arith.cmpi ne, %rem3A_999, %ne3A_1001 : vector<16xi32>
    %lt3A_1003 = arith.constant 0 : i32
    %lt3A_1004 = vector.broadcast %lt3A_1003 : i32 to vector<16xi32>
    %lt3A_1005 = arith.cmpi slt, %rem3A_999, %lt3A_1004 : vector<16xi32>
    %lt3A_1006 = arith.constant 0 : i32
    %lt3A_1007 = arith.cmpi slt, %select_n3A_997, %lt3A_1006 : i32
    %ne3A_1008 = vector.broadcast %lt3A_1007 : i1 to vector<16xi1>
    %ne3A_1009 = vector.broadcast %ne3A_1008 : vector<16xi1> to vector<16xi1>
    %ne3A_1010 = arith.xori %lt3A_1005, %ne3A_1009 : vector<16xi1>
    %and3A_1011 = arith.andi %ne3A_1010, %ne3A_1002 : vector<16xi1>
    %add3A_1012 = vector.broadcast %select_n3A_997 : i32 to vector<16xi32>
    %add3A_1013 = arith.addi %rem3A_999, %add3A_1012 : vector<16xi32>
    %select_n3A_1014 = arith.select %and3A_1011, %add3A_1013, %rem3A_999 : vector<16xi1>, vector<16xi32>
    %jit3A_1015 = arith.constant 8 : i32
    %eq3A_1016 = arith.constant 0 : i32
    %eq3A_1017 = arith.cmpi eq, %jit3A_1015, %eq3A_1016 : i32
    %jit3A_1018 = arith.constant 1 : i32
    %select_n3A_1019 = arith.select %eq3A_1017, %jit3A_1018, %jit3A_1015 : i32
    %rem3A_1020 = vector.broadcast %select_n3A_1019 : i32 to vector<16xi32>
    %rem3A_1021 = arith.remsi %select_n3A_155, %rem3A_1020 : vector<16xi32>
    %ne3A_1022 = arith.constant 0 : i32
    %ne3A_1023 = vector.broadcast %ne3A_1022 : i32 to vector<16xi32>
    %ne3A_1024 = arith.cmpi ne, %rem3A_1021, %ne3A_1023 : vector<16xi32>
    %lt3A_1025 = arith.constant 0 : i32
    %lt3A_1026 = vector.broadcast %lt3A_1025 : i32 to vector<16xi32>
    %lt3A_1027 = arith.cmpi slt, %rem3A_1021, %lt3A_1026 : vector<16xi32>
    %lt3A_1028 = arith.constant 0 : i32
    %lt3A_1029 = arith.cmpi slt, %select_n3A_1019, %lt3A_1028 : i32
    %ne3A_1030 = vector.broadcast %lt3A_1029 : i1 to vector<16xi1>
    %ne3A_1031 = vector.broadcast %ne3A_1030 : vector<16xi1> to vector<16xi1>
    %ne3A_1032 = arith.xori %lt3A_1027, %ne3A_1031 : vector<16xi1>
    %and3A_1033 = arith.andi %ne3A_1032, %ne3A_1024 : vector<16xi1>
    %add3A_1034 = vector.broadcast %select_n3A_1019 : i32 to vector<16xi32>
    %add3A_1035 = arith.addi %rem3A_1021, %add3A_1034 : vector<16xi32>
    %select_n3A_1036 = arith.select %and3A_1033, %add3A_1035, %rem3A_1021 : vector<16xi1>, vector<16xi32>
    %jit3A_1037 = arith.constant 8 : i32
    %eq3A_1038 = arith.constant 0 : i32
    %eq3A_1039 = arith.cmpi eq, %jit3A_1037, %eq3A_1038 : i32
    %jit3A_1040 = arith.constant 1 : i32
    %select_n3A_1041 = arith.select %eq3A_1039, %jit3A_1040, %jit3A_1037 : i32
    %rem3A_1042 = vector.broadcast %select_n3A_1041 : i32 to vector<16xi32>
    %rem3A_1043 = arith.remsi %select_n3A_180, %rem3A_1042 : vector<16xi32>
    %ne3A_1044 = arith.constant 0 : i32
    %ne3A_1045 = vector.broadcast %ne3A_1044 : i32 to vector<16xi32>
    %ne3A_1046 = arith.cmpi ne, %rem3A_1043, %ne3A_1045 : vector<16xi32>
    %lt3A_1047 = arith.constant 0 : i32
    %lt3A_1048 = vector.broadcast %lt3A_1047 : i32 to vector<16xi32>
    %lt3A_1049 = arith.cmpi slt, %rem3A_1043, %lt3A_1048 : vector<16xi32>
    %lt3A_1050 = arith.constant 0 : i32
    %lt3A_1051 = arith.cmpi slt, %select_n3A_1041, %lt3A_1050 : i32
    %ne3A_1052 = vector.broadcast %lt3A_1051 : i1 to vector<16xi1>
    %ne3A_1053 = vector.broadcast %ne3A_1052 : vector<16xi1> to vector<16xi1>
    %ne3A_1054 = arith.xori %lt3A_1049, %ne3A_1053 : vector<16xi1>
    %and3A_1055 = arith.andi %ne3A_1054, %ne3A_1046 : vector<16xi1>
    %add3A_1056 = vector.broadcast %select_n3A_1041 : i32 to vector<16xi32>
    %add3A_1057 = arith.addi %rem3A_1043, %add3A_1056 : vector<16xi32>
    %select_n3A_1058 = arith.select %and3A_1055, %add3A_1057, %rem3A_1043 : vector<16xi1>, vector<16xi32>
    %jit3A_1059 = arith.constant 8 : i32
    %eq3A_1060 = arith.constant 0 : i32
    %eq3A_1061 = arith.cmpi eq, %jit3A_1059, %eq3A_1060 : i32
    %jit3A_1062 = arith.constant 1 : i32
    %select_n3A_1063 = arith.select %eq3A_1061, %jit3A_1062, %jit3A_1059 : i32
    %rem3A_1064 = vector.broadcast %select_n3A_1063 : i32 to vector<16xi32>
    %rem3A_1065 = arith.remsi %select_n3A_205, %rem3A_1064 : vector<16xi32>
    %ne3A_1066 = arith.constant 0 : i32
    %ne3A_1067 = vector.broadcast %ne3A_1066 : i32 to vector<16xi32>
    %ne3A_1068 = arith.cmpi ne, %rem3A_1065, %ne3A_1067 : vector<16xi32>
    %lt3A_1069 = arith.constant 0 : i32
    %lt3A_1070 = vector.broadcast %lt3A_1069 : i32 to vector<16xi32>
    %lt3A_1071 = arith.cmpi slt, %rem3A_1065, %lt3A_1070 : vector<16xi32>
    %lt3A_1072 = arith.constant 0 : i32
    %lt3A_1073 = arith.cmpi slt, %select_n3A_1063, %lt3A_1072 : i32
    %ne3A_1074 = vector.broadcast %lt3A_1073 : i1 to vector<16xi1>
    %ne3A_1075 = vector.broadcast %ne3A_1074 : vector<16xi1> to vector<16xi1>
    %ne3A_1076 = arith.xori %lt3A_1071, %ne3A_1075 : vector<16xi1>
    %and3A_1077 = arith.andi %ne3A_1076, %ne3A_1068 : vector<16xi1>
    %add3A_1078 = vector.broadcast %select_n3A_1063 : i32 to vector<16xi32>
    %add3A_1079 = arith.addi %rem3A_1065, %add3A_1078 : vector<16xi32>
    %select_n3A_1080 = arith.select %and3A_1077, %add3A_1079, %rem3A_1065 : vector<16xi1>, vector<16xi32>
    %jit3A_1081 = arith.constant 8 : i32
    %eq3A_1082 = arith.constant 0 : i32
    %eq3A_1083 = arith.cmpi eq, %jit3A_1081, %eq3A_1082 : i32
    %jit3A_1084 = arith.constant 1 : i32
    %select_n3A_1085 = arith.select %eq3A_1083, %jit3A_1084, %jit3A_1081 : i32
    %rem3A_1086 = vector.broadcast %select_n3A_1085 : i32 to vector<16xi32>
    %rem3A_1087 = arith.remsi %select_n3A_230, %rem3A_1086 : vector<16xi32>
    %ne3A_1088 = arith.constant 0 : i32
    %ne3A_1089 = vector.broadcast %ne3A_1088 : i32 to vector<16xi32>
    %ne3A_1090 = arith.cmpi ne, %rem3A_1087, %ne3A_1089 : vector<16xi32>
    %lt3A_1091 = arith.constant 0 : i32
    %lt3A_1092 = vector.broadcast %lt3A_1091 : i32 to vector<16xi32>
    %lt3A_1093 = arith.cmpi slt, %rem3A_1087, %lt3A_1092 : vector<16xi32>
    %lt3A_1094 = arith.constant 0 : i32
    %lt3A_1095 = arith.cmpi slt, %select_n3A_1085, %lt3A_1094 : i32
    %ne3A_1096 = vector.broadcast %lt3A_1095 : i1 to vector<16xi1>
    %ne3A_1097 = vector.broadcast %ne3A_1096 : vector<16xi1> to vector<16xi1>
    %ne3A_1098 = arith.xori %lt3A_1093, %ne3A_1097 : vector<16xi1>
    %and3A_1099 = arith.andi %ne3A_1098, %ne3A_1090 : vector<16xi1>
    %add3A_1100 = vector.broadcast %select_n3A_1085 : i32 to vector<16xi32>
    %add3A_1101 = arith.addi %rem3A_1087, %add3A_1100 : vector<16xi32>
    %select_n3A_1102 = arith.select %and3A_1099, %add3A_1101, %rem3A_1087 : vector<16xi1>, vector<16xi32>
    %jit3A_1103 = arith.constant 8 : i32
    %eq3A_1104 = arith.constant 0 : i32
    %eq3A_1105 = arith.cmpi eq, %jit3A_1103, %eq3A_1104 : i32
    %jit3A_1106 = arith.constant 1 : i32
    %select_n3A_1107 = arith.select %eq3A_1105, %jit3A_1106, %jit3A_1103 : i32
    %rem3A_1108 = vector.broadcast %select_n3A_1107 : i32 to vector<16xi32>
    %rem3A_1109 = arith.remsi %select_n3A_255, %rem3A_1108 : vector<16xi32>
    %ne3A_1110 = arith.constant 0 : i32
    %ne3A_1111 = vector.broadcast %ne3A_1110 : i32 to vector<16xi32>
    %ne3A_1112 = arith.cmpi ne, %rem3A_1109, %ne3A_1111 : vector<16xi32>
    %lt3A_1113 = arith.constant 0 : i32
    %lt3A_1114 = vector.broadcast %lt3A_1113 : i32 to vector<16xi32>
    %lt3A_1115 = arith.cmpi slt, %rem3A_1109, %lt3A_1114 : vector<16xi32>
    %lt3A_1116 = arith.constant 0 : i32
    %lt3A_1117 = arith.cmpi slt, %select_n3A_1107, %lt3A_1116 : i32
    %ne3A_1118 = vector.broadcast %lt3A_1117 : i1 to vector<16xi1>
    %ne3A_1119 = vector.broadcast %ne3A_1118 : vector<16xi1> to vector<16xi1>
    %ne3A_1120 = arith.xori %lt3A_1115, %ne3A_1119 : vector<16xi1>
    %and3A_1121 = arith.andi %ne3A_1120, %ne3A_1112 : vector<16xi1>
    %add3A_1122 = vector.broadcast %select_n3A_1107 : i32 to vector<16xi32>
    %add3A_1123 = arith.addi %rem3A_1109, %add3A_1122 : vector<16xi32>
    %select_n3A_1124 = arith.select %and3A_1121, %add3A_1123, %rem3A_1109 : vector<16xi1>, vector<16xi32>
    %jit3A_1125 = arith.constant 8 : i32
    %eq3A_1126 = arith.constant 0 : i32
    %eq3A_1127 = arith.cmpi eq, %jit3A_1125, %eq3A_1126 : i32
    %jit3A_1128 = arith.constant 1 : i32
    %select_n3A_1129 = arith.select %eq3A_1127, %jit3A_1128, %jit3A_1125 : i32
    %rem3A_1130 = vector.broadcast %select_n3A_1129 : i32 to vector<16xi32>
    %rem3A_1131 = arith.remsi %select_n3A_280, %rem3A_1130 : vector<16xi32>
    %ne3A_1132 = arith.constant 0 : i32
    %ne3A_1133 = vector.broadcast %ne3A_1132 : i32 to vector<16xi32>
    %ne3A_1134 = arith.cmpi ne, %rem3A_1131, %ne3A_1133 : vector<16xi32>
    %lt3A_1135 = arith.constant 0 : i32
    %lt3A_1136 = vector.broadcast %lt3A_1135 : i32 to vector<16xi32>
    %lt3A_1137 = arith.cmpi slt, %rem3A_1131, %lt3A_1136 : vector<16xi32>
    %lt3A_1138 = arith.constant 0 : i32
    %lt3A_1139 = arith.cmpi slt, %select_n3A_1129, %lt3A_1138 : i32
    %ne3A_1140 = vector.broadcast %lt3A_1139 : i1 to vector<16xi1>
    %ne3A_1141 = vector.broadcast %ne3A_1140 : vector<16xi1> to vector<16xi1>
    %ne3A_1142 = arith.xori %lt3A_1137, %ne3A_1141 : vector<16xi1>
    %and3A_1143 = arith.andi %ne3A_1142, %ne3A_1134 : vector<16xi1>
    %add3A_1144 = vector.broadcast %select_n3A_1129 : i32 to vector<16xi32>
    %add3A_1145 = arith.addi %rem3A_1131, %add3A_1144 : vector<16xi32>
    %select_n3A_1146 = arith.select %and3A_1143, %add3A_1145, %rem3A_1131 : vector<16xi1>, vector<16xi32>
    %jit3A_1147 = arith.constant 8 : i32
    %eq3A_1148 = arith.constant 0 : i32
    %eq3A_1149 = arith.cmpi eq, %jit3A_1147, %eq3A_1148 : i32
    %jit3A_1150 = arith.constant 1 : i32
    %select_n3A_1151 = arith.select %eq3A_1149, %jit3A_1150, %jit3A_1147 : i32
    %rem3A_1152 = vector.broadcast %select_n3A_1151 : i32 to vector<16xi32>
    %rem3A_1153 = arith.remsi %select_n3A_305, %rem3A_1152 : vector<16xi32>
    %ne3A_1154 = arith.constant 0 : i32
    %ne3A_1155 = vector.broadcast %ne3A_1154 : i32 to vector<16xi32>
    %ne3A_1156 = arith.cmpi ne, %rem3A_1153, %ne3A_1155 : vector<16xi32>
    %lt3A_1157 = arith.constant 0 : i32
    %lt3A_1158 = vector.broadcast %lt3A_1157 : i32 to vector<16xi32>
    %lt3A_1159 = arith.cmpi slt, %rem3A_1153, %lt3A_1158 : vector<16xi32>
    %lt3A_1160 = arith.constant 0 : i32
    %lt3A_1161 = arith.cmpi slt, %select_n3A_1151, %lt3A_1160 : i32
    %ne3A_1162 = vector.broadcast %lt3A_1161 : i1 to vector<16xi1>
    %ne3A_1163 = vector.broadcast %ne3A_1162 : vector<16xi1> to vector<16xi1>
    %ne3A_1164 = arith.xori %lt3A_1159, %ne3A_1163 : vector<16xi1>
    %and3A_1165 = arith.andi %ne3A_1164, %ne3A_1156 : vector<16xi1>
    %add3A_1166 = vector.broadcast %select_n3A_1151 : i32 to vector<16xi32>
    %add3A_1167 = arith.addi %rem3A_1153, %add3A_1166 : vector<16xi32>
    %select_n3A_1168 = arith.select %and3A_1165, %add3A_1167, %rem3A_1153 : vector<16xi1>, vector<16xi32>
    %jit3A_1169 = arith.constant 8 : i32
    %eq3A_1170 = arith.constant 0 : i32
    %eq3A_1171 = arith.cmpi eq, %jit3A_1169, %eq3A_1170 : i32
    %jit3A_1172 = arith.constant 1 : i32
    %select_n3A_1173 = arith.select %eq3A_1171, %jit3A_1172, %jit3A_1169 : i32
    %rem3A_1174 = vector.broadcast %select_n3A_1173 : i32 to vector<16xi32>
    %rem3A_1175 = arith.remsi %select_n3A_330, %rem3A_1174 : vector<16xi32>
    %ne3A_1176 = arith.constant 0 : i32
    %ne3A_1177 = vector.broadcast %ne3A_1176 : i32 to vector<16xi32>
    %ne3A_1178 = arith.cmpi ne, %rem3A_1175, %ne3A_1177 : vector<16xi32>
    %lt3A_1179 = arith.constant 0 : i32
    %lt3A_1180 = vector.broadcast %lt3A_1179 : i32 to vector<16xi32>
    %lt3A_1181 = arith.cmpi slt, %rem3A_1175, %lt3A_1180 : vector<16xi32>
    %lt3A_1182 = arith.constant 0 : i32
    %lt3A_1183 = arith.cmpi slt, %select_n3A_1173, %lt3A_1182 : i32
    %ne3A_1184 = vector.broadcast %lt3A_1183 : i1 to vector<16xi1>
    %ne3A_1185 = vector.broadcast %ne3A_1184 : vector<16xi1> to vector<16xi1>
    %ne3A_1186 = arith.xori %lt3A_1181, %ne3A_1185 : vector<16xi1>
    %and3A_1187 = arith.andi %ne3A_1186, %ne3A_1178 : vector<16xi1>
    %add3A_1188 = vector.broadcast %select_n3A_1173 : i32 to vector<16xi32>
    %add3A_1189 = arith.addi %rem3A_1175, %add3A_1188 : vector<16xi32>
    %select_n3A_1190 = arith.select %and3A_1187, %add3A_1189, %rem3A_1175 : vector<16xi1>, vector<16xi32>
    %jit3A_1191 = arith.constant 8 : i32
    %eq3A_1192 = arith.constant 0 : i32
    %eq3A_1193 = arith.cmpi eq, %jit3A_1191, %eq3A_1192 : i32
    %jit3A_1194 = arith.constant 1 : i32
    %select_n3A_1195 = arith.select %eq3A_1193, %jit3A_1194, %jit3A_1191 : i32
    %rem3A_1196 = vector.broadcast %select_n3A_1195 : i32 to vector<16xi32>
    %rem3A_1197 = arith.remsi %select_n3A_355, %rem3A_1196 : vector<16xi32>
    %ne3A_1198 = arith.constant 0 : i32
    %ne3A_1199 = vector.broadcast %ne3A_1198 : i32 to vector<16xi32>
    %ne3A_1200 = arith.cmpi ne, %rem3A_1197, %ne3A_1199 : vector<16xi32>
    %lt3A_1201 = arith.constant 0 : i32
    %lt3A_1202 = vector.broadcast %lt3A_1201 : i32 to vector<16xi32>
    %lt3A_1203 = arith.cmpi slt, %rem3A_1197, %lt3A_1202 : vector<16xi32>
    %lt3A_1204 = arith.constant 0 : i32
    %lt3A_1205 = arith.cmpi slt, %select_n3A_1195, %lt3A_1204 : i32
    %ne3A_1206 = vector.broadcast %lt3A_1205 : i1 to vector<16xi1>
    %ne3A_1207 = vector.broadcast %ne3A_1206 : vector<16xi1> to vector<16xi1>
    %ne3A_1208 = arith.xori %lt3A_1203, %ne3A_1207 : vector<16xi1>
    %and3A_1209 = arith.andi %ne3A_1208, %ne3A_1200 : vector<16xi1>
    %add3A_1210 = vector.broadcast %select_n3A_1195 : i32 to vector<16xi32>
    %add3A_1211 = arith.addi %rem3A_1197, %add3A_1210 : vector<16xi32>
    %select_n3A_1212 = arith.select %and3A_1209, %add3A_1211, %rem3A_1197 : vector<16xi1>, vector<16xi32>
    %jit3A_1213 = arith.constant 8 : i32
    %eq3A_1214 = arith.constant 0 : i32
    %eq3A_1215 = arith.cmpi eq, %jit3A_1213, %eq3A_1214 : i32
    %jit3A_1216 = arith.constant 1 : i32
    %select_n3A_1217 = arith.select %eq3A_1215, %jit3A_1216, %jit3A_1213 : i32
    %rem3A_1218 = vector.broadcast %select_n3A_1217 : i32 to vector<16xi32>
    %rem3A_1219 = arith.remsi %select_n3A_380, %rem3A_1218 : vector<16xi32>
    %ne3A_1220 = arith.constant 0 : i32
    %ne3A_1221 = vector.broadcast %ne3A_1220 : i32 to vector<16xi32>
    %ne3A_1222 = arith.cmpi ne, %rem3A_1219, %ne3A_1221 : vector<16xi32>
    %lt3A_1223 = arith.constant 0 : i32
    %lt3A_1224 = vector.broadcast %lt3A_1223 : i32 to vector<16xi32>
    %lt3A_1225 = arith.cmpi slt, %rem3A_1219, %lt3A_1224 : vector<16xi32>
    %lt3A_1226 = arith.constant 0 : i32
    %lt3A_1227 = arith.cmpi slt, %select_n3A_1217, %lt3A_1226 : i32
    %ne3A_1228 = vector.broadcast %lt3A_1227 : i1 to vector<16xi1>
    %ne3A_1229 = vector.broadcast %ne3A_1228 : vector<16xi1> to vector<16xi1>
    %ne3A_1230 = arith.xori %lt3A_1225, %ne3A_1229 : vector<16xi1>
    %and3A_1231 = arith.andi %ne3A_1230, %ne3A_1222 : vector<16xi1>
    %add3A_1232 = vector.broadcast %select_n3A_1217 : i32 to vector<16xi32>
    %add3A_1233 = arith.addi %rem3A_1219, %add3A_1232 : vector<16xi32>
    %select_n3A_1234 = arith.select %and3A_1231, %add3A_1233, %rem3A_1219 : vector<16xi1>, vector<16xi32>
    %jit3A_1235 = arith.constant 8 : i32
    %eq3A_1236 = arith.constant 0 : i32
    %eq3A_1237 = arith.cmpi eq, %jit3A_1235, %eq3A_1236 : i32
    %jit3A_1238 = arith.constant 1 : i32
    %select_n3A_1239 = arith.select %eq3A_1237, %jit3A_1238, %jit3A_1235 : i32
    %rem3A_1240 = vector.broadcast %select_n3A_1239 : i32 to vector<16xi32>
    %rem3A_1241 = arith.remsi %select_n3A_405, %rem3A_1240 : vector<16xi32>
    %ne3A_1242 = arith.constant 0 : i32
    %ne3A_1243 = vector.broadcast %ne3A_1242 : i32 to vector<16xi32>
    %ne3A_1244 = arith.cmpi ne, %rem3A_1241, %ne3A_1243 : vector<16xi32>
    %lt3A_1245 = arith.constant 0 : i32
    %lt3A_1246 = vector.broadcast %lt3A_1245 : i32 to vector<16xi32>
    %lt3A_1247 = arith.cmpi slt, %rem3A_1241, %lt3A_1246 : vector<16xi32>
    %lt3A_1248 = arith.constant 0 : i32
    %lt3A_1249 = arith.cmpi slt, %select_n3A_1239, %lt3A_1248 : i32
    %ne3A_1250 = vector.broadcast %lt3A_1249 : i1 to vector<16xi1>
    %ne3A_1251 = vector.broadcast %ne3A_1250 : vector<16xi1> to vector<16xi1>
    %ne3A_1252 = arith.xori %lt3A_1247, %ne3A_1251 : vector<16xi1>
    %and3A_1253 = arith.andi %ne3A_1252, %ne3A_1244 : vector<16xi1>
    %add3A_1254 = vector.broadcast %select_n3A_1239 : i32 to vector<16xi32>
    %add3A_1255 = arith.addi %rem3A_1241, %add3A_1254 : vector<16xi32>
    %select_n3A_1256 = arith.select %and3A_1253, %add3A_1255, %rem3A_1241 : vector<16xi1>, vector<16xi32>
    %jit3A_1257 = arith.constant 8 : i32
    %eq3A_1258 = arith.constant 0 : i32
    %eq3A_1259 = arith.cmpi eq, %jit3A_1257, %eq3A_1258 : i32
    %jit3A_1260 = arith.constant 1 : i32
    %select_n3A_1261 = arith.select %eq3A_1259, %jit3A_1260, %jit3A_1257 : i32
    %rem3A_1262 = vector.broadcast %select_n3A_1261 : i32 to vector<16xi32>
    %rem3A_1263 = arith.remsi %select_n3A_430, %rem3A_1262 : vector<16xi32>
    %ne3A_1264 = arith.constant 0 : i32
    %ne3A_1265 = vector.broadcast %ne3A_1264 : i32 to vector<16xi32>
    %ne3A_1266 = arith.cmpi ne, %rem3A_1263, %ne3A_1265 : vector<16xi32>
    %lt3A_1267 = arith.constant 0 : i32
    %lt3A_1268 = vector.broadcast %lt3A_1267 : i32 to vector<16xi32>
    %lt3A_1269 = arith.cmpi slt, %rem3A_1263, %lt3A_1268 : vector<16xi32>
    %lt3A_1270 = arith.constant 0 : i32
    %lt3A_1271 = arith.cmpi slt, %select_n3A_1261, %lt3A_1270 : i32
    %ne3A_1272 = vector.broadcast %lt3A_1271 : i1 to vector<16xi1>
    %ne3A_1273 = vector.broadcast %ne3A_1272 : vector<16xi1> to vector<16xi1>
    %ne3A_1274 = arith.xori %lt3A_1269, %ne3A_1273 : vector<16xi1>
    %and3A_1275 = arith.andi %ne3A_1274, %ne3A_1266 : vector<16xi1>
    %add3A_1276 = vector.broadcast %select_n3A_1261 : i32 to vector<16xi32>
    %add3A_1277 = arith.addi %rem3A_1263, %add3A_1276 : vector<16xi32>
    %select_n3A_1278 = arith.select %and3A_1275, %add3A_1277, %rem3A_1263 : vector<16xi1>, vector<16xi32>
    %scan3A = arith.constant 0 : i32
    %scan3A_1279 = arith.constant 0 : i32
    %scan3A_1280 = arith.constant 50 : i32
    %scan3A_1281 = arith.addi %scan3A_1279, %scan3A_1280 : i32
    %scan3A_1282 = arith.constant 1 : i32
    %scan3A_1283 = scf.for %scan3A_1285 = %scan3A_1279 to %scan3A_1281 step %scan3A_1282 iter_args(%scan3A_1286 = %scan3A) -> (i32)  : i32 {
      %mul3A_1287 = arith.constant 2 : i32
      %mul3A_1288 = arith.muli %mul3A_1287, %scan3A_1285 : i32
      %add3A_1289 = arith.constant 0 : i32
      %add3A_1290 = arith.addi %mul3A_1288, %add3A_1289 : i32
      %jit3A_1291 = arith.constant 4 : i32
      %div3A_1292 = arith.divsi %add3A_1290, %jit3A_1291 : i32
      %sign3A_1293 = arith.constant 0 : i32
      %sign3A_1294 = arith.cmpi sgt, %add3A_1290, %sign3A_1293 : i32
      %sign3A_1295 = arith.extui %sign3A_1294 : i1 to i32
      %sign3A_1296 = arith.constant 0 : i32
      %sign3A_1297 = arith.cmpi slt, %add3A_1290, %sign3A_1296 : i32
      %sign3A_1298 = arith.extui %sign3A_1297 : i1 to i32
      %sign3A_1299 = arith.subi %sign3A_1295, %sign3A_1298 : i32
      %sign3A_1300 = arith.constant 0 : i32
      %sign3A_1301 = arith.cmpi sgt, %jit3A_1291, %sign3A_1300 : i32
      %sign3A_1302 = arith.extui %sign3A_1301 : i1 to i32
      %sign3A_1303 = arith.constant 0 : i32
      %sign3A_1304 = arith.cmpi slt, %jit3A_1291, %sign3A_1303 : i32
      %sign3A_1305 = arith.extui %sign3A_1304 : i1 to i32
      %sign3A_1306 = arith.subi %sign3A_1302, %sign3A_1305 : i32
      %ne3A_1307 = arith.cmpi ne, %sign3A_1299, %sign3A_1306 : i32
      %rem3A_1308 = arith.remsi %add3A_1290, %jit3A_1291 : i32
      %ne3A_1309 = arith.constant 0 : i32
      %ne3A_1310 = arith.cmpi ne, %rem3A_1308, %ne3A_1309 : i32
      %and3A_1311 = arith.andi %ne3A_1307, %ne3A_1310 : i1
      %sub3A_1312 = arith.constant 1 : i32
      %sub3A_1313 = arith.subi %div3A_1292, %sub3A_1312 : i32
      %select_n3A_1314 = arith.select %and3A_1311, %sub3A_1313, %div3A_1292 : i32
      %rem3A_1315 = arith.constant 4 : i32
      %rem3A_1316 = arith.remsi %add3A_1290, %rem3A_1315 : i32
      %mul3A_1317 = arith.constant 256 : i32
      %mul3A_1318 = arith.muli %rem3A_1316, %mul3A_1317 : i32
      %dma_wait3A = tpu.memref_slice %arg5[%select_n3A_1314, %mul3A_1318] : memref<25x1024xi32, #tpu.memory_space<vmem>> -> memref<1x256xi32, #tpu.memory_space<vmem>>
      %dma_wait3A_1319 = tpu.memref_squeeze %dma_wait3A : memref<1x256xi32, #tpu.memory_space<vmem>> -> memref<256xi32, #tpu.memory_space<vmem>>
      %dma_wait3A_1320 = arith.constant 0 : i32
      %dma_wait3A_1321 = arith.constant 0 : i32
      %dma_wait3A_1322 = tpu.memref_slice %arg3[%dma_wait3A_1320, %dma_wait3A_1321] : memref<1000000x128xf32, #tpu.memory_space<hbm>> -> memref<1000000x128xf32, #tpu.memory_space<hbm>>
      tpu.wait_indirect_dma semaphore(%arg9 : memref<!tpu.dma_semaphore, #tpu.memory_space<semaphore_mem>>) src(%dma_wait3A_1322 : memref<1000000x128xf32, #tpu.memory_space<hbm>>) dst(%arg6 : memref<256x128xf32, #tpu.memory_space<vmem>>)
      %add3A_1323 = arith.constant 1 : i32
      %add3A_1324 = arith.addi %add3A_1290, %add3A_1323 : i32
      %lt3A_1325 = arith.constant 100 : i32
      %lt3A_1326 = arith.cmpi slt, %add3A_1324, %lt3A_1325 : i32
      %convert_element_type3A = arith.extui %lt3A_1326 : i1 to i32
      %cond3A = arith.constant 0 : i32
      %cond3A_1327 = arith.cmpi ne, %convert_element_type3A, %cond3A : i32
      scf.if %cond3A_1327 {
        %add3A_1456 = arith.constant 1 : i32
        %add3A_1457 = arith.addi %add3A_1290, %add3A_1456 : i32
        %jit3A_1458 = arith.constant 4 : i32
        %div3A_1459 = arith.divsi %add3A_1457, %jit3A_1458 : i32
        %sign3A_1460 = arith.constant 0 : i32
        %sign3A_1461 = arith.cmpi sgt, %add3A_1457, %sign3A_1460 : i32
        %sign3A_1462 = arith.extui %sign3A_1461 : i1 to i32
        %sign3A_1463 = arith.constant 0 : i32
        %sign3A_1464 = arith.cmpi slt, %add3A_1457, %sign3A_1463 : i32
        %sign3A_1465 = arith.extui %sign3A_1464 : i1 to i32
        %sign3A_1466 = arith.subi %sign3A_1462, %sign3A_1465 : i32
        %sign3A_1467 = arith.constant 0 : i32
        %sign3A_1468 = arith.cmpi sgt, %jit3A_1458, %sign3A_1467 : i32
        %sign3A_1469 = arith.extui %sign3A_1468 : i1 to i32
        %sign3A_1470 = arith.constant 0 : i32
        %sign3A_1471 = arith.cmpi slt, %jit3A_1458, %sign3A_1470 : i32
        %sign3A_1472 = arith.extui %sign3A_1471 : i1 to i32
        %sign3A_1473 = arith.subi %sign3A_1469, %sign3A_1472 : i32
        %ne3A_1474 = arith.cmpi ne, %sign3A_1466, %sign3A_1473 : i32
        %rem3A_1475 = arith.remsi %add3A_1457, %jit3A_1458 : i32
        %ne3A_1476 = arith.constant 0 : i32
        %ne3A_1477 = arith.cmpi ne, %rem3A_1475, %ne3A_1476 : i32
        %and3A_1478 = arith.andi %ne3A_1474, %ne3A_1477 : i1
        %sub3A_1479 = arith.constant 1 : i32
        %sub3A_1480 = arith.subi %div3A_1459, %sub3A_1479 : i32
        %select_n3A_1481 = arith.select %and3A_1478, %sub3A_1480, %div3A_1459 : i32
        %rem3A_1482 = arith.constant 4 : i32
        %rem3A_1483 = arith.remsi %add3A_1457, %rem3A_1482 : i32
        %mul3A_1484 = arith.constant 256 : i32
        %mul3A_1485 = arith.muli %rem3A_1483, %mul3A_1484 : i32
        %dma_start3A_1486 = tpu.memref_slice %arg5[%select_n3A_1481, %mul3A_1485] : memref<25x1024xi32, #tpu.memory_space<vmem>> -> memref<1x256xi32, #tpu.memory_space<vmem>>
        %dma_start3A_1487 = tpu.memref_squeeze %dma_start3A_1486 : memref<1x256xi32, #tpu.memory_space<vmem>> -> memref<256xi32, #tpu.memory_space<vmem>>
        %dma_start3A_1488 = arith.constant 0 : i32
        %dma_start3A_1489 = arith.constant 0 : i32
        %dma_start3A_1490 = tpu.memref_slice %arg3[%dma_start3A_1488, %dma_start3A_1489] : memref<1000000x128xf32, #tpu.memory_space<hbm>> -> memref<1000000x128xf32, #tpu.memory_space<hbm>>
        tpu.enqueue_indirect_dma source(%dma_start3A_1490 : memref<1000000x128xf32, #tpu.memory_space<hbm>>) target(%arg7 : memref<256x128xf32, #tpu.memory_space<vmem>>) offsets(%dma_start3A_1487 : memref<256xi32, #tpu.memory_space<vmem>>) semaphore(%arg10 : memref<!tpu.dma_semaphore, #tpu.memory_space<semaphore_mem>>)
      } else {
      }
      %scan3A_1328 = arith.constant 0 : i32
      %scan3A_1329 = arith.constant 0 : i32
      %scan3A_1330 = arith.constant 16 : i32
      %scan3A_1331 = arith.addi %scan3A_1329, %scan3A_1330 : i32
      %scan3A_1332 = arith.constant 1 : i32
      %scan3A_1333 = scf.for %scan3A_1456 = %scan3A_1329 to %scan3A_1331 step %scan3A_1332 iter_args(%scan3A_1457 = %scan3A_1328) -> (i32)  : i32 {
        %mul3A_1458 = arith.constant 16 : i32
        %mul3A_1459 = arith.muli %scan3A_1456, %mul3A_1458 : i32
        %jit3A_1460 = arith.constant 128 : i32
        %div3A_1461 = arith.divsi %mul3A_1459, %jit3A_1460 : i32
        %sign3A_1462 = arith.constant 0 : i32
        %sign3A_1463 = arith.cmpi sgt, %mul3A_1459, %sign3A_1462 : i32
        %sign3A_1464 = arith.extui %sign3A_1463 : i1 to i32
        %sign3A_1465 = arith.constant 0 : i32
        %sign3A_1466 = arith.cmpi slt, %mul3A_1459, %sign3A_1465 : i32
        %sign3A_1467 = arith.extui %sign3A_1466 : i1 to i32
        %sign3A_1468 = arith.subi %sign3A_1464, %sign3A_1467 : i32
        %sign3A_1469 = arith.constant 0 : i32
        %sign3A_1470 = arith.cmpi sgt, %jit3A_1460, %sign3A_1469 : i32
        %sign3A_1471 = arith.extui %sign3A_1470 : i1 to i32
        %sign3A_1472 = arith.constant 0 : i32
        %sign3A_1473 = arith.cmpi slt, %jit3A_1460, %sign3A_1472 : i32
        %sign3A_1474 = arith.extui %sign3A_1473 : i1 to i32
        %sign3A_1475 = arith.subi %sign3A_1471, %sign3A_1474 : i32
        %ne3A_1476 = arith.cmpi ne, %sign3A_1468, %sign3A_1475 : i32
        %rem3A_1477 = arith.remsi %mul3A_1459, %jit3A_1460 : i32
        %ne3A_1478 = arith.constant 0 : i32
        %ne3A_1479 = arith.cmpi ne, %rem3A_1477, %ne3A_1478 : i32
        %and3A_1480 = arith.andi %ne3A_1476, %ne3A_1479 : i1
        %sub3A_1481 = arith.constant 1 : i32
        %sub3A_1482 = arith.subi %div3A_1461, %sub3A_1481 : i32
        %select_n3A_1483 = arith.select %and3A_1480, %sub3A_1482, %div3A_1461 : i32
        %rem3A_1484 = arith.constant 128 : i32
        %rem3A_1485 = arith.remsi %mul3A_1459, %rem3A_1484 : i32
        %broadcast_in_dim3A = vector.broadcast %select_n3A_1483 : i32 to vector<16xi32>
        %add3A_1486 = vector.broadcast %rem3A_1485 : i32 to vector<16xi32>
        %add3A_1487 = arith.addi %iota3A, %add3A_1486 : vector<16xi32>
        %add3A_1488 = vector.broadcast %mul3A_1459 : i32 to vector<16xi32>
        %add3A_1489 = arith.addi %iota3A, %add3A_1488 : vector<16xi32>
        %add3A_1490 = arith.constant 0 : i32
        %add3A_1491 = vector.broadcast %add3A_1490 : i32 to vector<16xi32>
        %add3A_1492 = arith.addi %select_n3A_55, %add3A_1491 : vector<16xi32>
        %gather3A = tpu.vector_load_idx %arg6[%add3A_1489, %add3A_1492] : memref<256x128xf32, #tpu.memory_space<vmem>>[vector<16xi32>, vector<16xi32>], vector<16xf32>,
        %add3A_1493 = arith.constant 0 : i32
        %add3A_1494 = vector.broadcast %add3A_1493 : i32 to vector<16xi32>
        %add3A_1495 = arith.addi %select_n3A_80, %add3A_1494 : vector<16xi32>
        %gather3A_1496 = tpu.vector_load_idx %arg6[%add3A_1489, %add3A_1495] : memref<256x128xf32, #tpu.memory_space<vmem>>[vector<16xi32>, vector<16xi32>], vector<16xf32>,
        %add3A_1497 = arith.constant 0 : i32
        %add3A_1498 = vector.broadcast %add3A_1497 : i32 to vector<16xi32>
        %add3A_1499 = arith.addi %select_n3A_105, %add3A_1498 : vector<16xi32>
        %gather3A_1500 = tpu.vector_load_idx %arg6[%add3A_1489, %add3A_1499] : memref<256x128xf32, #tpu.memory_space<vmem>>[vector<16xi32>, vector<16xi32>], vector<16xf32>,
        %add3A_1501 = arith.constant 0 : i32
        %add3A_1502 = vector.broadcast %add3A_1501 : i32 to vector<16xi32>
        %add3A_1503 = arith.addi %select_n3A_130, %add3A_1502 : vector<16xi32>
        %gather3A_1504 = tpu.vector_load_idx %arg6[%add3A_1489, %add3A_1503] : memref<256x128xf32, #tpu.memory_space<vmem>>[vector<16xi32>, vector<16xi32>], vector<16xf32>,
        %add3A_1505 = arith.constant 0 : i32
        %add3A_1506 = vector.broadcast %add3A_1505 : i32 to vector<16xi32>
        %add3A_1507 = arith.addi %select_n3A_155, %add3A_1506 : vector<16xi32>
        %gather3A_1508 = tpu.vector_load_idx %arg6[%add3A_1489, %add3A_1507] : memref<256x128xf32, #tpu.memory_space<vmem>>[vector<16xi32>, vector<16xi32>], vector<16xf32>,
        %add3A_1509 = arith.constant 0 : i32
        %add3A_1510 = vector.broadcast %add3A_1509 : i32 to vector<16xi32>
        %add3A_1511 = arith.addi %select_n3A_180, %add3A_1510 : vector<16xi32>
        %gather3A_1512 = tpu.vector_load_idx %arg6[%add3A_1489, %add3A_1511] : memref<256x128xf32, #tpu.memory_space<vmem>>[vector<16xi32>, vector<16xi32>], vector<16xf32>,
        %add3A_1513 = arith.constant 0 : i32
        %add3A_1514 = vector.broadcast %add3A_1513 : i32 to vector<16xi32>
        %add3A_1515 = arith.addi %select_n3A_205, %add3A_1514 : vector<16xi32>
        %gather3A_1516 = tpu.vector_load_idx %arg6[%add3A_1489, %add3A_1515] : memref<256x128xf32, #tpu.memory_space<vmem>>[vector<16xi32>, vector<16xi32>], vector<16xf32>,
        %add3A_1517 = arith.constant 0 : i32
        %add3A_1518 = vector.broadcast %add3A_1517 : i32 to vector<16xi32>
        %add3A_1519 = arith.addi %select_n3A_230, %add3A_1518 : vector<16xi32>
        %gather3A_1520 = tpu.vector_load_idx %arg6[%add3A_1489, %add3A_1519] : memref<256x128xf32, #tpu.memory_space<vmem>>[vector<16xi32>, vector<16xi32>], vector<16xf32>,
        %add3A_1521 = arith.constant 0 : i32
        %add3A_1522 = vector.broadcast %add3A_1521 : i32 to vector<16xi32>
        %add3A_1523 = arith.addi %select_n3A_255, %add3A_1522 : vector<16xi32>
        %gather3A_1524 = tpu.vector_load_idx %arg6[%add3A_1489, %add3A_1523] : memref<256x128xf32, #tpu.memory_space<vmem>>[vector<16xi32>, vector<16xi32>], vector<16xf32>,
        %add3A_1525 = arith.constant 0 : i32
        %add3A_1526 = vector.broadcast %add3A_1525 : i32 to vector<16xi32>
        %add3A_1527 = arith.addi %select_n3A_280, %add3A_1526 : vector<16xi32>
        %gather3A_1528 = tpu.vector_load_idx %arg6[%add3A_1489, %add3A_1527] : memref<256x128xf32, #tpu.memory_space<vmem>>[vector<16xi32>, vector<16xi32>], vector<16xf32>,
        %add3A_1529 = arith.constant 0 : i32
        %add3A_1530 = vector.broadcast %add3A_1529 : i32 to vector<16xi32>
        %add3A_1531 = arith.addi %select_n3A_305, %add3A_1530 : vector<16xi32>
        %gather3A_1532 = tpu.vector_load_idx %arg6[%add3A_1489, %add3A_1531] : memref<256x128xf32, #tpu.memory_space<vmem>>[vector<16xi32>, vector<16xi32>], vector<16xf32>,
        %add3A_1533 = arith.constant 0 : i32
        %add3A_1534 = vector.broadcast %add3A_1533 : i32 to vector<16xi32>
        %add3A_1535 = arith.addi %select_n3A_330, %add3A_1534 : vector<16xi32>
        %gather3A_1536 = tpu.vector_load_idx %arg6[%add3A_1489, %add3A_1535] : memref<256x128xf32, #tpu.memory_space<vmem>>[vector<16xi32>, vector<16xi32>], vector<16xf32>,
        %add3A_1537 = arith.constant 0 : i32
        %add3A_1538 = vector.broadcast %add3A_1537 : i32 to vector<16xi32>
        %add3A_1539 = arith.addi %select_n3A_355, %add3A_1538 : vector<16xi32>
        %gather3A_1540 = tpu.vector_load_idx %arg6[%add3A_1489, %add3A_1539] : memref<256x128xf32, #tpu.memory_space<vmem>>[vector<16xi32>, vector<16xi32>], vector<16xf32>,
        %add3A_1541 = arith.constant 0 : i32
        %add3A_1542 = vector.broadcast %add3A_1541 : i32 to vector<16xi32>
        %add3A_1543 = arith.addi %select_n3A_380, %add3A_1542 : vector<16xi32>
        %gather3A_1544 = tpu.vector_load_idx %arg6[%add3A_1489, %add3A_1543] : memref<256x128xf32, #tpu.memory_space<vmem>>[vector<16xi32>, vector<16xi32>], vector<16xf32>,
        %add3A_1545 = arith.constant 0 : i32
        %add3A_1546 = vector.broadcast %add3A_1545 : i32 to vector<16xi32>
        %add3A_1547 = arith.addi %select_n3A_405, %add3A_1546 : vector<16xi32>
        %gather3A_1548 = tpu.vector_load_idx %arg6[%add3A_1489, %add3A_1547] : memref<256x128xf32, #tpu.memory_space<vmem>>[vector<16xi32>, vector<16xi32>], vector<16xf32>,
        %add3A_1549 = arith.constant 0 : i32
        %add3A_1550 = vector.broadcast %add3A_1549 : i32 to vector<16xi32>
        %add3A_1551 = arith.addi %select_n3A_430, %add3A_1550 : vector<16xi32>
        %gather3A_1552 = tpu.vector_load_idx %arg6[%add3A_1489, %add3A_1551] : memref<256x128xf32, #tpu.memory_space<vmem>>[vector<16xi32>, vector<16xi32>], vector<16xf32>,
        %add3A_1553 = arith.constant 0 : i32
        %add3A_1554 = vector.broadcast %add3A_1553 : i32 to vector<16xi32>
        %add3A_1555 = arith.addi %select_n3A_461, %add3A_1554 : vector<16xi32>
        tpu.vector_store_idx %arg8[%broadcast_in_dim3A, %add3A_1555, %select_n3A_948, %add3A_1487], %gather3A : memref<2x8x8x128xf32, #tpu.memory_space<vmem>>[vector<16xi32>, vector<16xi32>, vector<16xi32>, vector<16xi32>], vector<16xf32>,
        %add3A_1556 = arith.constant 0 : i32
        %add3A_1557 = vector.broadcast %add3A_1556 : i32 to vector<16xi32>
        %add3A_1558 = arith.addi %select_n3A_492, %add3A_1557 : vector<16xi32>
        tpu.vector_store_idx %arg8[%broadcast_in_dim3A, %add3A_1558, %select_n3A_970, %add3A_1487], %gather3A_1496 : memref<2x8x8x128xf32, #tpu.memory_space<vmem>>[vector<16xi32>, vector<16xi32>, vector<16xi32>, vector<16xi32>], vector<16xf32>,
        %add3A_1559 = arith.constant 0 : i32
        %add3A_1560 = vector.broadcast %add3A_1559 : i32 to vector<16xi32>
        %add3A_1561 = arith.addi %select_n3A_523, %add3A_1560 : vector<16xi32>
        tpu.vector_store_idx %arg8[%broadcast_in_dim3A, %add3A_1561, %select_n3A_992, %add3A_1487], %gather3A_1500 : memref<2x8x8x128xf32, #tpu.memory_space<vmem>>[vector<16xi32>, vector<16xi32>, vector<16xi32>, vector<16xi32>], vector<16xf32>,
        %add3A_1562 = arith.constant 0 : i32
        %add3A_1563 = vector.broadcast %add3A_1562 : i32 to vector<16xi32>
        %add3A_1564 = arith.addi %select_n3A_554, %add3A_1563 : vector<16xi32>
        tpu.vector_store_idx %arg8[%broadcast_in_dim3A, %add3A_1564, %select_n3A_1014, %add3A_1487], %gather3A_1504 : memref<2x8x8x128xf32, #tpu.memory_space<vmem>>[vector<16xi32>, vector<16xi32>, vector<16xi32>, vector<16xi32>], vector<16xf32>,
        %add3A_1565 = arith.constant 0 : i32
        %add3A_1566 = vector.broadcast %add3A_1565 : i32 to vector<16xi32>
        %add3A_1567 = arith.addi %select_n3A_585, %add3A_1566 : vector<16xi32>
        tpu.vector_store_idx %arg8[%broadcast_in_dim3A, %add3A_1567, %select_n3A_1036, %add3A_1487], %gather3A_1508 : memref<2x8x8x128xf32, #tpu.memory_space<vmem>>[vector<16xi32>, vector<16xi32>, vector<16xi32>, vector<16xi32>], vector<16xf32>,
        %add3A_1568 = arith.constant 0 : i32
        %add3A_1569 = vector.broadcast %add3A_1568 : i32 to vector<16xi32>
        %add3A_1570 = arith.addi %select_n3A_616, %add3A_1569 : vector<16xi32>
        tpu.vector_store_idx %arg8[%broadcast_in_dim3A, %add3A_1570, %select_n3A_1058, %add3A_1487], %gather3A_1512 : memref<2x8x8x128xf32, #tpu.memory_space<vmem>>[vector<16xi32>, vector<16xi32>, vector<16xi32>, vector<16xi32>], vector<16xf32>,
        %add3A_1571 = arith.constant 0 : i32
        %add3A_1572 = vector.broadcast %add3A_1571 : i32 to vector<16xi32>
        %add3A_1573 = arith.addi %select_n3A_647, %add3A_1572 : vector<16xi32>
        tpu.vector_store_idx %arg8[%broadcast_in_dim3A, %add3A_1573, %select_n3A_1080, %add3A_1487], %gather3A_1516 : memref<2x8x8x128xf32, #tpu.memory_space<vmem>>[vector<16xi32>, vector<16xi32>, vector<16xi32>, vector<16xi32>], vector<16xf32>,
        %add3A_1574 = arith.constant 0 : i32
        %add3A_1575 = vector.broadcast %add3A_1574 : i32 to vector<16xi32>
        %add3A_1576 = arith.addi %select_n3A_678, %add3A_1575 : vector<16xi32>
        tpu.vector_store_idx %arg8[%broadcast_in_dim3A, %add3A_1576, %select_n3A_1102, %add3A_1487], %gather3A_1520 : memref<2x8x8x128xf32, #tpu.memory_space<vmem>>[vector<16xi32>, vector<16xi32>, vector<16xi32>, vector<16xi32>], vector<16xf32>,
        %add3A_1577 = arith.constant 0 : i32
        %add3A_1578 = vector.broadcast %add3A_1577 : i32 to vector<16xi32>
        %add3A_1579 = arith.addi %select_n3A_709, %add3A_1578 : vector<16xi32>
        tpu.vector_store_idx %arg8[%broadcast_in_dim3A, %add3A_1579, %select_n3A_1124, %add3A_1487], %gather3A_1524 : memref<2x8x8x128xf32, #tpu.memory_space<vmem>>[vector<16xi32>, vector<16xi32>, vector<16xi32>, vector<16xi32>], vector<16xf32>,
        %add3A_1580 = arith.constant 0 : i32
        %add3A_1581 = vector.broadcast %add3A_1580 : i32 to vector<16xi32>
        %add3A_1582 = arith.addi %select_n3A_740, %add3A_1581 : vector<16xi32>
        tpu.vector_store_idx %arg8[%broadcast_in_dim3A, %add3A_1582, %select_n3A_1146, %add3A_1487], %gather3A_1528 : memref<2x8x8x128xf32, #tpu.memory_space<vmem>>[vector<16xi32>, vector<16xi32>, vector<16xi32>, vector<16xi32>], vector<16xf32>,
        %add3A_1583 = arith.constant 0 : i32
        %add3A_1584 = vector.broadcast %add3A_1583 : i32 to vector<16xi32>
        %add3A_1585 = arith.addi %select_n3A_771, %add3A_1584 : vector<16xi32>
        tpu.vector_store_idx %arg8[%broadcast_in_dim3A, %add3A_1585, %select_n3A_1168, %add3A_1487], %gather3A_1532 : memref<2x8x8x128xf32, #tpu.memory_space<vmem>>[vector<16xi32>, vector<16xi32>, vector<16xi32>, vector<16xi32>], vector<16xf32>,
        %add3A_1586 = arith.constant 0 : i32
        %add3A_1587 = vector.broadcast %add3A_1586 : i32 to vector<16xi32>
        %add3A_1588 = arith.addi %select_n3A_802, %add3A_1587 : vector<16xi32>
        tpu.vector_store_idx %arg8[%broadcast_in_dim3A, %add3A_1588, %select_n3A_1190, %add3A_1487], %gather3A_1536 : memref<2x8x8x128xf32, #tpu.memory_space<vmem>>[vector<16xi32>, vector<16xi32>, vector<16xi32>, vector<16xi32>], vector<16xf32>,
        %add3A_1589 = arith.constant 0 : i32
        %add3A_1590 = vector.broadcast %add3A_1589 : i32 to vector<16xi32>
        %add3A_1591 = arith.addi %select_n3A_833, %add3A_1590 : vector<16xi32>
        tpu.vector_store_idx %arg8[%broadcast_in_dim3A, %add3A_1591, %select_n3A_1212, %add3A_1487], %gather3A_1540 : memref<2x8x8x128xf32, #tpu.memory_space<vmem>>[vector<16xi32>, vector<16xi32>, vector<16xi32>, vector<16xi32>], vector<16xf32>,
        %add3A_1592 = arith.constant 0 : i32
        %add3A_1593 = vector.broadcast %add3A_1592 : i32 to vector<16xi32>
        %add3A_1594 = arith.addi %select_n3A_864, %add3A_1593 : vector<16xi32>
        tpu.vector_store_idx %arg8[%broadcast_in_dim3A, %add3A_1594, %select_n3A_1234, %add3A_1487], %gather3A_1544 : memref<2x8x8x128xf32, #tpu.memory_space<vmem>>[vector<16xi32>, vector<16xi32>, vector<16xi32>, vector<16xi32>], vector<16xf32>,
        %add3A_1595 = arith.constant 0 : i32
        %add3A_1596 = vector.broadcast %add3A_1595 : i32 to vector<16xi32>
        %add3A_1597 = arith.addi %select_n3A_895, %add3A_1596 : vector<16xi32>
        tpu.vector_store_idx %arg8[%broadcast_in_dim3A, %add3A_1597, %select_n3A_1256, %add3A_1487], %gather3A_1548 : memref<2x8x8x128xf32, #tpu.memory_space<vmem>>[vector<16xi32>, vector<16xi32>, vector<16xi32>, vector<16xi32>], vector<16xf32>,
        %add3A_1598 = arith.constant 0 : i32
        %add3A_1599 = vector.broadcast %add3A_1598 : i32 to vector<16xi32>
        %add3A_1600 = arith.addi %select_n3A_926, %add3A_1599 : vector<16xi32>
        tpu.vector_store_idx %arg8[%broadcast_in_dim3A, %add3A_1600, %select_n3A_1278, %add3A_1487], %gather3A_1552 : memref<2x8x8x128xf32, #tpu.memory_space<vmem>>[vector<16xi32>, vector<16xi32>, vector<16xi32>, vector<16xi32>], vector<16xf32>,
        %add3A_1601 = arith.constant 16 : i32
        %add3A_1602 = vector.broadcast %add3A_1601 : i32 to vector<16xi32>
        %add3A_1603 = arith.addi %select_n3A_55, %add3A_1602 : vector<16xi32>
        %gather3A_1604 = tpu.vector_load_idx %arg6[%add3A_1489, %add3A_1603] : memref<256x128xf32, #tpu.memory_space<vmem>>[vector<16xi32>, vector<16xi32>], vector<16xf32>,
        %add3A_1605 = arith.constant 16 : i32
        %add3A_1606 = vector.broadcast %add3A_1605 : i32 to vector<16xi32>
        %add3A_1607 = arith.addi %select_n3A_80, %add3A_1606 : vector<16xi32>
        %gather3A_1608 = tpu.vector_load_idx %arg6[%add3A_1489, %add3A_1607] : memref<256x128xf32, #tpu.memory_space<vmem>>[vector<16xi32>, vector<16xi32>], vector<16xf32>,
        %add3A_1609 = arith.constant 16 : i32
        %add3A_1610 = vector.broadcast %add3A_1609 : i32 to vector<16xi32>
        %add3A_1611 = arith.addi %select_n3A_105, %add3A_1610 : vector<16xi32>
        %gather3A_1612 = tpu.vector_load_idx %arg6[%add3A_1489, %add3A_1611] : memref<256x128xf32, #tpu.memory_space<vmem>>[vector<16xi32>, vector<16xi32>], vector<16xf32>,
        %add3A_1613 = arith.constant 16 : i32
        %add3A_1614 = vector.broadcast %add3A_1613 : i32 to vector<16xi32>
        %add3A_1615 = arith.addi %select_n3A_130, %add3A_1614 : vector<16xi32>
        %gather3A_1616 = tpu.vector_load_idx %arg6[%add3A_1489, %add3A_1615] : memref<256x128xf32, #tpu.memory_space<vmem>>[vector<16xi32>, vector<16xi32>], vector<16xf32>,
        %add3A_1617 = arith.constant 16 : i32
        %add3A_1618 = vector.broadcast %add3A_1617 : i32 to vector<16xi32>
        %add3A_1619 = arith.addi %select_n3A_155, %add3A_1618 : vector<16xi32>
        %gather3A_1620 = tpu.vector_load_idx %arg6[%add3A_1489, %add3A_1619] : memref<256x128xf32, #tpu.memory_space<vmem>>[vector<16xi32>, vector<16xi32>], vector<16xf32>,
        %add3A_1621 = arith.constant 16 : i32
        %add3A_1622 = vector.broadcast %add3A_1621 : i32 to vector<16xi32>
        %add3A_1623 = arith.addi %select_n3A_180, %add3A_1622 : vector<16xi32>
        %gather3A_1624 = tpu.vector_load_idx %arg6[%add3A_1489, %add3A_1623] : memref<256x128xf32, #tpu.memory_space<vmem>>[vector<16xi32>, vector<16xi32>], vector<16xf32>,
        %add3A_1625 = arith.constant 16 : i32
        %add3A_1626 = vector.broadcast %add3A_1625 : i32 to vector<16xi32>
        %add3A_1627 = arith.addi %select_n3A_205, %add3A_1626 : vector<16xi32>
        %gather3A_1628 = tpu.vector_load_idx %arg6[%add3A_1489, %add3A_1627] : memref<256x128xf32, #tpu.memory_space<vmem>>[vector<16xi32>, vector<16xi32>], vector<16xf32>,
        %add3A_1629 = arith.constant 16 : i32
        %add3A_1630 = vector.broadcast %add3A_1629 : i32 to vector<16xi32>
        %add3A_1631 = arith.addi %select_n3A_230, %add3A_1630 : vector<16xi32>
        %gather3A_1632 = tpu.vector_load_idx %arg6[%add3A_1489, %add3A_1631] : memref<256x128xf32, #tpu.memory_space<vmem>>[vector<16xi32>, vector<16xi32>], vector<16xf32>,
        %add3A_1633 = arith.constant 16 : i32
        %add3A_1634 = vector.broadcast %add3A_1633 : i32 to vector<16xi32>
        %add3A_1635 = arith.addi %select_n3A_255, %add3A_1634 : vector<16xi32>
        %gather3A_1636 = tpu.vector_load_idx %arg6[%add3A_1489, %add3A_1635] : memref<256x128xf32, #tpu.memory_space<vmem>>[vector<16xi32>, vector<16xi32>], vector<16xf32>,
        %add3A_1637 = arith.constant 16 : i32
        %add3A_1638 = vector.broadcast %add3A_1637 : i32 to vector<16xi32>
        %add3A_1639 = arith.addi %select_n3A_280, %add3A_1638 : vector<16xi32>
        %gather3A_1640 = tpu.vector_load_idx %arg6[%add3A_1489, %add3A_1639] : memref<256x128xf32, #tpu.memory_space<vmem>>[vector<16xi32>, vector<16xi32>], vector<16xf32>,
        %add3A_1641 = arith.constant 16 : i32
        %add3A_1642 = vector.broadcast %add3A_1641 : i32 to vector<16xi32>
        %add3A_1643 = arith.addi %select_n3A_305, %add3A_1642 : vector<16xi32>
        %gather3A_1644 = tpu.vector_load_idx %arg6[%add3A_1489, %add3A_1643] : memref<256x128xf32, #tpu.memory_space<vmem>>[vector<16xi32>, vector<16xi32>], vector<16xf32>,
        %add3A_1645 = arith.constant 16 : i32
        %add3A_1646 = vector.broadcast %add3A_1645 : i32 to vector<16xi32>
        %add3A_1647 = arith.addi %select_n3A_330, %add3A_1646 : vector<16xi32>
        %gather3A_1648 = tpu.vector_load_idx %arg6[%add3A_1489, %add3A_1647] : memref<256x128xf32, #tpu.memory_space<vmem>>[vector<16xi32>, vector<16xi32>], vector<16xf32>,
        %add3A_1649 = arith.constant 16 : i32
        %add3A_1650 = vector.broadcast %add3A_1649 : i32 to vector<16xi32>
        %add3A_1651 = arith.addi %select_n3A_355, %add3A_1650 : vector<16xi32>
        %gather3A_1652 = tpu.vector_load_idx %arg6[%add3A_1489, %add3A_1651] : memref<256x128xf32, #tpu.memory_space<vmem>>[vector<16xi32>, vector<16xi32>], vector<16xf32>,
        %add3A_1653 = arith.constant 16 : i32
        %add3A_1654 = vector.broadcast %add3A_1653 : i32 to vector<16xi32>
        %add3A_1655 = arith.addi %select_n3A_380, %add3A_1654 : vector<16xi32>
        %gather3A_1656 = tpu.vector_load_idx %arg6[%add3A_1489, %add3A_1655] : memref<256x128xf32, #tpu.memory_space<vmem>>[vector<16xi32>, vector<16xi32>], vector<16xf32>,
        %add3A_1657 = arith.constant 16 : i32
        %add3A_1658 = vector.broadcast %add3A_1657 : i32 to vector<16xi32>
        %add3A_1659 = arith.addi %select_n3A_405, %add3A_1658 : vector<16xi32>
        %gather3A_1660 = tpu.vector_load_idx %arg6[%add3A_1489, %add3A_1659] : memref<256x128xf32, #tpu.memory_space<vmem>>[vector<16xi32>, vector<16xi32>], vector<16xf32>,
        %add3A_1661 = arith.constant 16 : i32
        %add3A_1662 = vector.broadcast %add3A_1661 : i32 to vector<16xi32>
        %add3A_1663 = arith.addi %select_n3A_430, %add3A_1662 : vector<16xi32>
        %gather3A_1664 = tpu.vector_load_idx %arg6[%add3A_1489, %add3A_1663] : memref<256x128xf32, #tpu.memory_space<vmem>>[vector<16xi32>, vector<16xi32>], vector<16xf32>,
        %add3A_1665 = arith.constant 2 : i32
        %add3A_1666 = vector.broadcast %add3A_1665 : i32 to vector<16xi32>
        %add3A_1667 = arith.addi %select_n3A_461, %add3A_1666 : vector<16xi32>
        tpu.vector_store_idx %arg8[%broadcast_in_dim3A, %add3A_1667, %select_n3A_948, %add3A_1487], %gather3A_1604 : memref<2x8x8x128xf32, #tpu.memory_space<vmem>>[vector<16xi32>, vector<16xi32>, vector<16xi32>, vector<16xi32>], vector<16xf32>,
        %add3A_1668 = arith.constant 2 : i32
        %add3A_1669 = vector.broadcast %add3A_1668 : i32 to vector<16xi32>
        %add3A_1670 = arith.addi %select_n3A_492, %add3A_1669 : vector<16xi32>
        tpu.vector_store_idx %arg8[%broadcast_in_dim3A, %add3A_1670, %select_n3A_970, %add3A_1487], %gather3A_1608 : memref<2x8x8x128xf32, #tpu.memory_space<vmem>>[vector<16xi32>, vector<16xi32>, vector<16xi32>, vector<16xi32>], vector<16xf32>,
        %add3A_1671 = arith.constant 2 : i32
        %add3A_1672 = vector.broadcast %add3A_1671 : i32 to vector<16xi32>
        %add3A_1673 = arith.addi %select_n3A_523, %add3A_1672 : vector<16xi32>
        tpu.vector_store_idx %arg8[%broadcast_in_dim3A, %add3A_1673, %select_n3A_992, %add3A_1487], %gather3A_1612 : memref<2x8x8x128xf32, #tpu.memory_space<vmem>>[vector<16xi32>, vector<16xi32>, vector<16xi32>, vector<16xi32>], vector<16xf32>,
        %add3A_1674 = arith.constant 2 : i32
        %add3A_1675 = vector.broadcast %add3A_1674 : i32 to vector<16xi32>
        %add3A_1676 = arith.addi %select_n3A_554, %add3A_1675 : vector<16xi32>
        tpu.vector_store_idx %arg8[%broadcast_in_dim3A, %add3A_1676, %select_n3A_1014, %add3A_1487], %gather3A_1616 : memref<2x8x8x128xf32, #tpu.memory_space<vmem>>[vector<16xi32>, vector<16xi32>, vector<16xi32>, vector<16xi32>], vector<16xf32>,
        %add3A_1677 = arith.constant 2 : i32
        %add3A_1678 = vector.broadcast %add3A_1677 : i32 to vector<16xi32>
        %add3A_1679 = arith.addi %select_n3A_585, %add3A_1678 : vector<16xi32>
        tpu.vector_store_idx %arg8[%broadcast_in_dim3A, %add3A_1679, %select_n3A_1036, %add3A_1487], %gather3A_1620 : memref<2x8x8x128xf32, #tpu.memory_space<vmem>>[vector<16xi32>, vector<16xi32>, vector<16xi32>, vector<16xi32>], vector<16xf32>,
        %add3A_1680 = arith.constant 2 : i32
        %add3A_1681 = vector.broadcast %add3A_1680 : i32 to vector<16xi32>
        %add3A_1682 = arith.addi %select_n3A_616, %add3A_1681 : vector<16xi32>
        tpu.vector_store_idx %arg8[%broadcast_in_dim3A, %add3A_1682, %select_n3A_1058, %add3A_1487], %gather3A_1624 : memref<2x8x8x128xf32, #tpu.memory_space<vmem>>[vector<16xi32>, vector<16xi32>, vector<16xi32>, vector<16xi32>], vector<16xf32>,
        %add3A_1683 = arith.constant 2 : i32
        %add3A_1684 = vector.broadcast %add3A_1683 : i32 to vector<16xi32>
        %add3A_1685 = arith.addi %select_n3A_647, %add3A_1684 : vector<16xi32>
        tpu.vector_store_idx %arg8[%broadcast_in_dim3A, %add3A_1685, %select_n3A_1080, %add3A_1487], %gather3A_1628 : memref<2x8x8x128xf32, #tpu.memory_space<vmem>>[vector<16xi32>, vector<16xi32>, vector<16xi32>, vector<16xi32>], vector<16xf32>,
        %add3A_1686 = arith.constant 2 : i32
        %add3A_1687 = vector.broadcast %add3A_1686 : i32 to vector<16xi32>
        %add3A_1688 = arith.addi %select_n3A_678, %add3A_1687 : vector<16xi32>
        tpu.vector_store_idx %arg8[%broadcast_in_dim3A, %add3A_1688, %select_n3A_1102, %add3A_1487], %gather3A_1632 : memref<2x8x8x128xf32, #tpu.memory_space<vmem>>[vector<16xi32>, vector<16xi32>, vector<16xi32>, vector<16xi32>], vector<16xf32>,
        %add3A_1689 = arith.constant 2 : i32
        %add3A_1690 = vector.broadcast %add3A_1689 : i32 to vector<16xi32>
        %add3A_1691 = arith.addi %select_n3A_709, %add3A_1690 : vector<16xi32>
        tpu.vector_store_idx %arg8[%broadcast_in_dim3A, %add3A_1691, %select_n3A_1124, %add3A_1487], %gather3A_1636 : memref<2x8x8x128xf32, #tpu.memory_space<vmem>>[vector<16xi32>, vector<16xi32>, vector<16xi32>, vector<16xi32>], vector<16xf32>,
        %add3A_1692 = arith.constant 2 : i32
        %add3A_1693 = vector.broadcast %add3A_1692 : i32 to vector<16xi32>
        %add3A_1694 = arith.addi %select_n3A_740, %add3A_1693 : vector<16xi32>
        tpu.vector_store_idx %arg8[%broadcast_in_dim3A, %add3A_1694, %select_n3A_1146, %add3A_1487], %gather3A_1640 : memref<2x8x8x128xf32, #tpu.memory_space<vmem>>[vector<16xi32>, vector<16xi32>, vector<16xi32>, vector<16xi32>], vector<16xf32>,
        %add3A_1695 = arith.constant 2 : i32
        %add3A_1696 = vector.broadcast %add3A_1695 : i32 to vector<16xi32>
        %add3A_1697 = arith.addi %select_n3A_771, %add3A_1696 : vector<16xi32>
        tpu.vector_store_idx %arg8[%broadcast_in_dim3A, %add3A_1697, %select_n3A_1168, %add3A_1487], %gather3A_1644 : memref<2x8x8x128xf32, #tpu.memory_space<vmem>>[vector<16xi32>, vector<16xi32>, vector<16xi32>, vector<16xi32>], vector<16xf32>,
        %add3A_1698 = arith.constant 2 : i32
        %add3A_1699 = vector.broadcast %add3A_1698 : i32 to vector<16xi32>
        %add3A_1700 = arith.addi %select_n3A_802, %add3A_1699 : vector<16xi32>
        tpu.vector_store_idx %arg8[%broadcast_in_dim3A, %add3A_1700, %select_n3A_1190, %add3A_1487], %gather3A_1648 : memref<2x8x8x128xf32, #tpu.memory_space<vmem>>[vector<16xi32>, vector<16xi32>, vector<16xi32>, vector<16xi32>], vector<16xf32>,
        %add3A_1701 = arith.constant 2 : i32
        %add3A_1702 = vector.broadcast %add3A_1701 : i32 to vector<16xi32>
        %add3A_1703 = arith.addi %select_n3A_833, %add3A_1702 : vector<16xi32>
        tpu.vector_store_idx %arg8[%broadcast_in_dim3A, %add3A_1703, %select_n3A_1212, %add3A_1487], %gather3A_1652 : memref<2x8x8x128xf32, #tpu.memory_space<vmem>>[vector<16xi32>, vector<16xi32>, vector<16xi32>, vector<16xi32>], vector<16xf32>,
        %add3A_1704 = arith.constant 2 : i32
        %add3A_1705 = vector.broadcast %add3A_1704 : i32 to vector<16xi32>
        %add3A_1706 = arith.addi %select_n3A_864, %add3A_1705 : vector<16xi32>
        tpu.vector_store_idx %arg8[%broadcast_in_dim3A, %add3A_1706, %select_n3A_1234, %add3A_1487], %gather3A_1656 : memref<2x8x8x128xf32, #tpu.memory_space<vmem>>[vector<16xi32>, vector<16xi32>, vector<16xi32>, vector<16xi32>], vector<16xf32>,
        %add3A_1707 = arith.constant 2 : i32
        %add3A_1708 = vector.broadcast %add3A_1707 : i32 to vector<16xi32>
        %add3A_1709 = arith.addi %select_n3A_895, %add3A_1708 : vector<16xi32>
        tpu.vector_store_idx %arg8[%broadcast_in_dim3A, %add3A_1709, %select_n3A_1256, %add3A_1487], %gather3A_1660 : memref<2x8x8x128xf32, #tpu.memory_space<vmem>>[vector<16xi32>, vector<16xi32>, vector<16xi32>, vector<16xi32>], vector<16xf32>,
        %add3A_1710 = arith.constant 2 : i32
        %add3A_1711 = vector.broadcast %add3A_1710 : i32 to vector<16xi32>
        %add3A_1712 = arith.addi %select_n3A_926, %add3A_1711 : vector<16xi32>
        tpu.vector_store_idx %arg8[%broadcast_in_dim3A, %add3A_1712, %select_n3A_1278, %add3A_1487], %gather3A_1664 : memref<2x8x8x128xf32, #tpu.memory_space<vmem>>[vector<16xi32>, vector<16xi32>, vector<16xi32>, vector<16xi32>], vector<16xf32>,
        %add3A_1713 = arith.constant 32 : i32
        %add3A_1714 = vector.broadcast %add3A_1713 : i32 to vector<16xi32>
        %add3A_1715 = arith.addi %select_n3A_55, %add3A_1714 : vector<16xi32>
        %gather3A_1716 = tpu.vector_load_idx %arg6[%add3A_1489, %add3A_1715] : memref<256x128xf32, #tpu.memory_space<vmem>>[vector<16xi32>, vector<16xi32>], vector<16xf32>,
        %add3A_1717 = arith.constant 32 : i32
        %add3A_1718 = vector.broadcast %add3A_1717 : i32 to vector<16xi32>
        %add3A_1719 = arith.addi %select_n3A_80, %add3A_1718 : vector<16xi32>
        %gather3A_1720 = tpu.vector_load_idx %arg6[%add3A_1489, %add3A_1719] : memref<256x128xf32, #tpu.memory_space<vmem>>[vector<16xi32>, vector<16xi32>], vector<16xf32>,
        %add3A_1721 = arith.constant 32 : i32
        %add3A_1722 = vector.broadcast %add3A_1721 : i32 to vector<16xi32>
        %add3A_1723 = arith.addi %select_n3A_105, %add3A_1722 : vector<16xi32>
        %gather3A_1724 = tpu.vector_load_idx %arg6[%add3A_1489, %add3A_1723] : memref<256x128xf32, #tpu.memory_space<vmem>>[vector<16xi32>, vector<16xi32>], vector<16xf32>,
        %add3A_1725 = arith.constant 32 : i32
        %add3A_1726 = vector.broadcast %add3A_1725 : i32 to vector<16xi32>
        %add3A_1727 = arith.addi %select_n3A_130, %add3A_1726 : vector<16xi32>
        %gather3A_1728 = tpu.vector_load_idx %arg6[%add3A_1489, %add3A_1727] : memref<256x128xf32, #tpu.memory_space<vmem>>[vector<16xi32>, vector<16xi32>], vector<16xf32>,
        %add3A_1729 = arith.constant 32 : i32
        %add3A_1730 = vector.broadcast %add3A_1729 : i32 to vector<16xi32>
        %add3A_1731 = arith.addi %select_n3A_155, %add3A_1730 : vector<16xi32>
        %gather3A_1732 = tpu.vector_load_idx %arg6[%add3A_1489, %add3A_1731] : memref<256x128xf32, #tpu.memory_space<vmem>>[vector<16xi32>, vector<16xi32>], vector<16xf32>,
        %add3A_1733 = arith.constant 32 : i32
        %add3A_1734 = vector.broadcast %add3A_1733 : i32 to vector<16xi32>
        %add3A_1735 = arith.addi %select_n3A_180, %add3A_1734 : vector<16xi32>
        %gather3A_1736 = tpu.vector_load_idx %arg6[%add3A_1489, %add3A_1735] : memref<256x128xf32, #tpu.memory_space<vmem>>[vector<16xi32>, vector<16xi32>], vector<16xf32>,
        %add3A_1737 = arith.constant 32 : i32
        %add3A_1738 = vector.broadcast %add3A_1737 : i32 to vector<16xi32>
        %add3A_1739 = arith.addi %select_n3A_205, %add3A_1738 : vector<16xi32>
        %gather3A_1740 = tpu.vector_load_idx %arg6[%add3A_1489, %add3A_1739] : memref<256x128xf32, #tpu.memory_space<vmem>>[vector<16xi32>, vector<16xi32>], vector<16xf32>,
        %add3A_1741 = arith.constant 32 : i32
        %add3A_1742 = vector.broadcast %add3A_1741 : i32 to vector<16xi32>
        %add3A_1743 = arith.addi %select_n3A_230, %add3A_1742 : vector<16xi32>
        %gather3A_1744 = tpu.vector_load_idx %arg6[%add3A_1489, %add3A_1743] : memref<256x128xf32, #tpu.memory_space<vmem>>[vector<16xi32>, vector<16xi32>], vector<16xf32>,
        %add3A_1745 = arith.constant 32 : i32
        %add3A_1746 = vector.broadcast %add3A_1745 : i32 to vector<16xi32>
        %add3A_1747 = arith.addi %select_n3A_255, %add3A_1746 : vector<16xi32>
        %gather3A_1748 = tpu.vector_load_idx %arg6[%add3A_1489, %add3A_1747] : memref<256x128xf32, #tpu.memory_space<vmem>>[vector<16xi32>, vector<16xi32>], vector<16xf32>,
        %add3A_1749 = arith.constant 32 : i32
        %add3A_1750 = vector.broadcast %add3A_1749 : i32 to vector<16xi32>
        %add3A_1751 = arith.addi %select_n3A_280, %add3A_1750 : vector<16xi32>
        %gather3A_1752 = tpu.vector_load_idx %arg6[%add3A_1489, %add3A_1751] : memref<256x128xf32, #tpu.memory_space<vmem>>[vector<16xi32>, vector<16xi32>], vector<16xf32>,
        %add3A_1753 = arith.constant 32 : i32
        %add3A_1754 = vector.broadcast %add3A_1753 : i32 to vector<16xi32>
        %add3A_1755 = arith.addi %select_n3A_305, %add3A_1754 : vector<16xi32>
        %gather3A_1756 = tpu.vector_load_idx %arg6[%add3A_1489, %add3A_1755] : memref<256x128xf32, #tpu.memory_space<vmem>>[vector<16xi32>, vector<16xi32>], vector<16xf32>,
        %add3A_1757 = arith.constant 32 : i32
        %add3A_1758 = vector.broadcast %add3A_1757 : i32 to vector<16xi32>
        %add3A_1759 = arith.addi %select_n3A_330, %add3A_1758 : vector<16xi32>
        %gather3A_1760 = tpu.vector_load_idx %arg6[%add3A_1489, %add3A_1759] : memref<256x128xf32, #tpu.memory_space<vmem>>[vector<16xi32>, vector<16xi32>], vector<16xf32>,
        %add3A_1761 = arith.constant 32 : i32
        %add3A_1762 = vector.broadcast %add3A_1761 : i32 to vector<16xi32>
        %add3A_1763 = arith.addi %select_n3A_355, %add3A_1762 : vector<16xi32>
        %gather3A_1764 = tpu.vector_load_idx %arg6[%add3A_1489, %add3A_1763] : memref<256x128xf32, #tpu.memory_space<vmem>>[vector<16xi32>, vector<16xi32>], vector<16xf32>,
        %add3A_1765 = arith.constant 32 : i32
        %add3A_1766 = vector.broadcast %add3A_1765 : i32 to vector<16xi32>
        %add3A_1767 = arith.addi %select_n3A_380, %add3A_1766 : vector<16xi32>
        %gather3A_1768 = tpu.vector_load_idx %arg6[%add3A_1489, %add3A_1767] : memref<256x128xf32, #tpu.memory_space<vmem>>[vector<16xi32>, vector<16xi32>], vector<16xf32>,
        %add3A_1769 = arith.constant 32 : i32
        %add3A_1770 = vector.broadcast %add3A_1769 : i32 to vector<16xi32>
        %add3A_1771 = arith.addi %select_n3A_405, %add3A_1770 : vector<16xi32>
        %gather3A_1772 = tpu.vector_load_idx %arg6[%add3A_1489, %add3A_1771] : memref<256x128xf32, #tpu.memory_space<vmem>>[vector<16xi32>, vector<16xi32>], vector<16xf32>,
        %add3A_1773 = arith.constant 32 : i32
        %add3A_1774 = vector.broadcast %add3A_1773 : i32 to vector<16xi32>
        %add3A_1775 = arith.addi %select_n3A_430, %add3A_1774 : vector<16xi32>
        %gather3A_1776 = tpu.vector_load_idx %arg6[%add3A_1489, %add3A_1775] : memref<256x128xf32, #tpu.memory_space<vmem>>[vector<16xi32>, vector<16xi32>], vector<16xf32>,
        %add3A_1777 = arith.constant 4 : i32
        %add3A_1778 = vector.broadcast %add3A_1777 : i32 to vector<16xi32>
        %add3A_1779 = arith.addi %select_n3A_461, %add3A_1778 : vector<16xi32>
        tpu.vector_store_idx %arg8[%broadcast_in_dim3A, %add3A_1779, %select_n3A_948, %add3A_1487], %gather3A_1716 : memref<2x8x8x128xf32, #tpu.memory_space<vmem>>[vector<16xi32>, vector<16xi32>, vector<16xi32>, vector<16xi32>], vector<16xf32>,
        %add3A_1780 = arith.constant 4 : i32
        %add3A_1781 = vector.broadcast %add3A_1780 : i32 to vector<16xi32>
        %add3A_1782 = arith.addi %select_n3A_492, %add3A_1781 : vector<16xi32>
        tpu.vector_store_idx %arg8[%broadcast_in_dim3A, %add3A_1782, %select_n3A_970, %add3A_1487], %gather3A_1720 : memref<2x8x8x128xf32, #tpu.memory_space<vmem>>[vector<16xi32>, vector<16xi32>, vector<16xi32>, vector<16xi32>], vector<16xf32>,
        %add3A_1783 = arith.constant 4 : i32
        %add3A_1784 = vector.broadcast %add3A_1783 : i32 to vector<16xi32>
        %add3A_1785 = arith.addi %select_n3A_523, %add3A_1784 : vector<16xi32>
        tpu.vector_store_idx %arg8[%broadcast_in_dim3A, %add3A_1785, %select_n3A_992, %add3A_1487], %gather3A_1724 : memref<2x8x8x128xf32, #tpu.memory_space<vmem>>[vector<16xi32>, vector<16xi32>, vector<16xi32>, vector<16xi32>], vector<16xf32>,
        %add3A_1786 = arith.constant 4 : i32
        %add3A_1787 = vector.broadcast %add3A_1786 : i32 to vector<16xi32>
        %add3A_1788 = arith.addi %select_n3A_554, %add3A_1787 : vector<16xi32>
        tpu.vector_store_idx %arg8[%broadcast_in_dim3A, %add3A_1788, %select_n3A_1014, %add3A_1487], %gather3A_1728 : memref<2x8x8x128xf32, #tpu.memory_space<vmem>>[vector<16xi32>, vector<16xi32>, vector<16xi32>, vector<16xi32>], vector<16xf32>,
        %add3A_1789 = arith.constant 4 : i32
        %add3A_1790 = vector.broadcast %add3A_1789 : i32 to vector<16xi32>
        %add3A_1791 = arith.addi %select_n3A_585, %add3A_1790 : vector<16xi32>
        tpu.vector_store_idx %arg8[%broadcast_in_dim3A, %add3A_1791, %select_n3A_1036, %add3A_1487], %gather3A_1732 : memref<2x8x8x128xf32, #tpu.memory_space<vmem>>[vector<16xi32>, vector<16xi32>, vector<16xi32>, vector<16xi32>], vector<16xf32>,
        %add3A_1792 = arith.constant 4 : i32
        %add3A_1793 = vector.broadcast %add3A_1792 : i32 to vector<16xi32>
        %add3A_1794 = arith.addi %select_n3A_616, %add3A_1793 : vector<16xi32>
        tpu.vector_store_idx %arg8[%broadcast_in_dim3A, %add3A_1794, %select_n3A_1058, %add3A_1487], %gather3A_1736 : memref<2x8x8x128xf32, #tpu.memory_space<vmem>>[vector<16xi32>, vector<16xi32>, vector<16xi32>, vector<16xi32>], vector<16xf32>,
        %add3A_1795 = arith.constant 4 : i32
        %add3A_1796 = vector.broadcast %add3A_1795 : i32 to vector<16xi32>
        %add3A_1797 = arith.addi %select_n3A_647, %add3A_1796 : vector<16xi32>
        tpu.vector_store_idx %arg8[%broadcast_in_dim3A, %add3A_1797, %select_n3A_1080, %add3A_1487], %gather3A_1740 : memref<2x8x8x128xf32, #tpu.memory_space<vmem>>[vector<16xi32>, vector<16xi32>, vector<16xi32>, vector<16xi32>], vector<16xf32>,
        %add3A_1798 = arith.constant 4 : i32
        %add3A_1799 = vector.broadcast %add3A_1798 : i32 to vector<16xi32>
        %add3A_1800 = arith.addi %select_n3A_678, %add3A_1799 : vector<16xi32>
        tpu.vector_store_idx %arg8[%broadcast_in_dim3A, %add3A_1800, %select_n3A_1102, %add3A_1487], %gather3A_1744 : memref<2x8x8x128xf32, #tpu.memory_space<vmem>>[vector<16xi32>, vector<16xi32>, vector<16xi32>, vector<16xi32>], vector<16xf32>,
        %add3A_1801 = arith.constant 4 : i32
        %add3A_1802 = vector.broadcast %add3A_1801 : i32 to vector<16xi32>
        %add3A_1803 = arith.addi %select_n3A_709, %add3A_1802 : vector<16xi32>
        tpu.vector_store_idx %arg8[%broadcast_in_dim3A, %add3A_1803, %select_n3A_1124, %add3A_1487], %gather3A_1748 : memref<2x8x8x128xf32, #tpu.memory_space<vmem>>[vector<16xi32>, vector<16xi32>, vector<16xi32>, vector<16xi32>], vector<16xf32>,
        %add3A_1804 = arith.constant 4 : i32
        %add3A_1805 = vector.broadcast %add3A_1804 : i32 to vector<16xi32>
        %add3A_1806 = arith.addi %select_n3A_740, %add3A_1805 : vector<16xi32>
        tpu.vector_store_idx %arg8[%broadcast_in_dim3A, %add3A_1806, %select_n3A_1146, %add3A_1487], %gather3A_1752 : memref<2x8x8x128xf32, #tpu.memory_space<vmem>>[vector<16xi32>, vector<16xi32>, vector<16xi32>, vector<16xi32>], vector<16xf32>,
        %add3A_1807 = arith.constant 4 : i32
        %add3A_1808 = vector.broadcast %add3A_1807 : i32 to vector<16xi32>
        %add3A_1809 = arith.addi %select_n3A_771, %add3A_1808 : vector<16xi32>
        tpu.vector_store_idx %arg8[%broadcast_in_dim3A, %add3A_1809, %select_n3A_1168, %add3A_1487], %gather3A_1756 : memref<2x8x8x128xf32, #tpu.memory_space<vmem>>[vector<16xi32>, vector<16xi32>, vector<16xi32>, vector<16xi32>], vector<16xf32>,
        %add3A_1810 = arith.constant 4 : i32
        %add3A_1811 = vector.broadcast %add3A_1810 : i32 to vector<16xi32>
        %add3A_1812 = arith.addi %select_n3A_802, %add3A_1811 : vector<16xi32>
        tpu.vector_store_idx %arg8[%broadcast_in_dim3A, %add3A_1812, %select_n3A_1190, %add3A_1487], %gather3A_1760 : memref<2x8x8x128xf32, #tpu.memory_space<vmem>>[vector<16xi32>, vector<16xi32>, vector<16xi32>, vector<16xi32>], vector<16xf32>,
        %add3A_1813 = arith.constant 4 : i32
        %add3A_1814 = vector.broadcast %add3A_1813 : i32 to vector<16xi32>
        %add3A_1815 = arith.addi %select_n3A_833, %add3A_1814 : vector<16xi32>
        tpu.vector_store_idx %arg8[%broadcast_in_dim3A, %add3A_1815, %select_n3A_1212, %add3A_1487], %gather3A_1764 : memref<2x8x8x128xf32, #tpu.memory_space<vmem>>[vector<16xi32>, vector<16xi32>, vector<16xi32>, vector<16xi32>], vector<16xf32>,
        %add3A_1816 = arith.constant 4 : i32
        %add3A_1817 = vector.broadcast %add3A_1816 : i32 to vector<16xi32>
        %add3A_1818 = arith.addi %select_n3A_864, %add3A_1817 : vector<16xi32>
        tpu.vector_store_idx %arg8[%broadcast_in_dim3A, %add3A_1818, %select_n3A_1234, %add3A_1487], %gather3A_1768 : memref<2x8x8x128xf32, #tpu.memory_space<vmem>>[vector<16xi32>, vector<16xi32>, vector<16xi32>, vector<16xi32>], vector<16xf32>,
        %add3A_1819 = arith.constant 4 : i32
        %add3A_1820 = vector.broadcast %add3A_1819 : i32 to vector<16xi32>
        %add3A_1821 = arith.addi %select_n3A_895, %add3A_1820 : vector<16xi32>
        tpu.vector_store_idx %arg8[%broadcast_in_dim3A, %add3A_1821, %select_n3A_1256, %add3A_1487], %gather3A_1772 : memref<2x8x8x128xf32, #tpu.memory_space<vmem>>[vector<16xi32>, vector<16xi32>, vector<16xi32>, vector<16xi32>], vector<16xf32>,
        %add3A_1822 = arith.constant 4 : i32
        %add3A_1823 = vector.broadcast %add3A_1822 : i32 to vector<16xi32>
        %add3A_1824 = arith.addi %select_n3A_926, %add3A_1823 : vector<16xi32>
        tpu.vector_store_idx %arg8[%broadcast_in_dim3A, %add3A_1824, %select_n3A_1278, %add3A_1487], %gather3A_1776 : memref<2x8x8x128xf32, #tpu.memory_space<vmem>>[vector<16xi32>, vector<16xi32>, vector<16xi32>, vector<16xi32>], vector<16xf32>,
        %add3A_1825 = arith.constant 48 : i32
        %add3A_1826 = vector.broadcast %add3A_1825 : i32 to vector<16xi32>
        %add3A_1827 = arith.addi %select_n3A_55, %add3A_1826 : vector<16xi32>
        %gather3A_1828 = tpu.vector_load_idx %arg6[%add3A_1489, %add3A_1827] : memref<256x128xf32, #tpu.memory_space<vmem>>[vector<16xi32>, vector<16xi32>], vector<16xf32>,
        %add3A_1829 = arith.constant 48 : i32
        %add3A_1830 = vector.broadcast %add3A_1829 : i32 to vector<16xi32>
        %add3A_1831 = arith.addi %select_n3A_80, %add3A_1830 : vector<16xi32>
        %gather3A_1832 = tpu.vector_load_idx %arg6[%add3A_1489, %add3A_1831] : memref<256x128xf32, #tpu.memory_space<vmem>>[vector<16xi32>, vector<16xi32>], vector<16xf32>,
        %add3A_1833 = arith.constant 48 : i32
        %add3A_1834 = vector.broadcast %add3A_1833 : i32 to vector<16xi32>
        %add3A_1835 = arith.addi %select_n3A_105, %add3A_1834 : vector<16xi32>
        %gather3A_1836 = tpu.vector_load_idx %arg6[%add3A_1489, %add3A_1835] : memref<256x128xf32, #tpu.memory_space<vmem>>[vector<16xi32>, vector<16xi32>], vector<16xf32>,
        %add3A_1837 = arith.constant 48 : i32
        %add3A_1838 = vector.broadcast %add3A_1837 : i32 to vector<16xi32>
        %add3A_1839 = arith.addi %select_n3A_130, %add3A_1838 : vector<16xi32>
        %gather3A_1840 = tpu.vector_load_idx %arg6[%add3A_1489, %add3A_1839] : memref<256x128xf32, #tpu.memory_space<vmem>>[vector<16xi32>, vector<16xi32>], vector<16xf32>,
        %add3A_1841 = arith.constant 48 : i32
        %add3A_1842 = vector.broadcast %add3A_1841 : i32 to vector<16xi32>
        %add3A_1843 = arith.addi %select_n3A_155, %add3A_1842 : vector<16xi32>
        %gather3A_1844 = tpu.vector_load_idx %arg6[%add3A_1489, %add3A_1843] : memref<256x128xf32, #tpu.memory_space<vmem>>[vector<16xi32>, vector<16xi32>], vector<16xf32>,
        %add3A_1845 = arith.constant 48 : i32
        %add3A_1846 = vector.broadcast %add3A_1845 : i32 to vector<16xi32>
        %add3A_1847 = arith.addi %select_n3A_180, %add3A_1846 : vector<16xi32>
        %gather3A_1848 = tpu.vector_load_idx %arg6[%add3A_1489, %add3A_1847] : memref<256x128xf32, #tpu.memory_space<vmem>>[vector<16xi32>, vector<16xi32>], vector<16xf32>,
        %add3A_1849 = arith.constant 48 : i32
        %add3A_1850 = vector.broadcast %add3A_1849 : i32 to vector<16xi32>
        %add3A_1851 = arith.addi %select_n3A_205, %add3A_1850 : vector<16xi32>
        %gather3A_1852 = tpu.vector_load_idx %arg6[%add3A_1489, %add3A_1851] : memref<256x128xf32, #tpu.memory_space<vmem>>[vector<16xi32>, vector<16xi32>], vector<16xf32>,
        %add3A_1853 = arith.constant 48 : i32
        %add3A_1854 = vector.broadcast %add3A_1853 : i32 to vector<16xi32>
        %add3A_1855 = arith.addi %select_n3A_230, %add3A_1854 : vector<16xi32>
        %gather3A_1856 = tpu.vector_load_idx %arg6[%add3A_1489, %add3A_1855] : memref<256x128xf32, #tpu.memory_space<vmem>>[vector<16xi32>, vector<16xi32>], vector<16xf32>,
        %add3A_1857 = arith.constant 48 : i32
        %add3A_1858 = vector.broadcast %add3A_1857 : i32 to vector<16xi32>
        %add3A_1859 = arith.addi %select_n3A_255, %add3A_1858 : vector<16xi32>
        %gather3A_1860 = tpu.vector_load_idx %arg6[%add3A_1489, %add3A_1859] : memref<256x128xf32, #tpu.memory_space<vmem>>[vector<16xi32>, vector<16xi32>], vector<16xf32>,
        %add3A_1861 = arith.constant 48 : i32
        %add3A_1862 = vector.broadcast %add3A_1861 : i32 to vector<16xi32>
        %add3A_1863 = arith.addi %select_n3A_280, %add3A_1862 : vector<16xi32>
        %gather3A_1864 = tpu.vector_load_idx %arg6[%add3A_1489, %add3A_1863] : memref<256x128xf32, #tpu.memory_space<vmem>>[vector<16xi32>, vector<16xi32>], vector<16xf32>,
        %add3A_1865 = arith.constant 48 : i32
        %add3A_1866 = vector.broadcast %add3A_1865 : i32 to vector<16xi32>
        %add3A_1867 = arith.addi %select_n3A_305, %add3A_1866 : vector<16xi32>
        %gather3A_1868 = tpu.vector_load_idx %arg6[%add3A_1489, %add3A_1867] : memref<256x128xf32, #tpu.memory_space<vmem>>[vector<16xi32>, vector<16xi32>], vector<16xf32>,
        %add3A_1869 = arith.constant 48 : i32
        %add3A_1870 = vector.broadcast %add3A_1869 : i32 to vector<16xi32>
        %add3A_1871 = arith.addi %select_n3A_330, %add3A_1870 : vector<16xi32>
        %gather3A_1872 = tpu.vector_load_idx %arg6[%add3A_1489, %add3A_1871] : memref<256x128xf32, #tpu.memory_space<vmem>>[vector<16xi32>, vector<16xi32>], vector<16xf32>,
        %add3A_1873 = arith.constant 48 : i32
        %add3A_1874 = vector.broadcast %add3A_1873 : i32 to vector<16xi32>
        %add3A_1875 = arith.addi %select_n3A_355, %add3A_1874 : vector<16xi32>
        %gather3A_1876 = tpu.vector_load_idx %arg6[%add3A_1489, %add3A_1875] : memref<256x128xf32, #tpu.memory_space<vmem>>[vector<16xi32>, vector<16xi32>], vector<16xf32>,
        %add3A_1877 = arith.constant 48 : i32
        %add3A_1878 = vector.broadcast %add3A_1877 : i32 to vector<16xi32>
        %add3A_1879 = arith.addi %select_n3A_380, %add3A_1878 : vector<16xi32>
        %gather3A_1880 = tpu.vector_load_idx %arg6[%add3A_1489, %add3A_1879] : memref<256x128xf32, #tpu.memory_space<vmem>>[vector<16xi32>, vector<16xi32>], vector<16xf32>,
        %add3A_1881 = arith.constant 48 : i32
        %add3A_1882 = vector.broadcast %add3A_1881 : i32 to vector<16xi32>
        %add3A_1883 = arith.addi %select_n3A_405, %add3A_1882 : vector<16xi32>
        %gather3A_1884 = tpu.vector_load_idx %arg6[%add3A_1489, %add3A_1883] : memref<256x128xf32, #tpu.memory_space<vmem>>[vector<16xi32>, vector<16xi32>], vector<16xf32>,
        %add3A_1885 = arith.constant 48 : i32
        %add3A_1886 = vector.broadcast %add3A_1885 : i32 to vector<16xi32>
        %add3A_1887 = arith.addi %select_n3A_430, %add3A_1886 : vector<16xi32>
        %gather3A_1888 = tpu.vector_load_idx %arg6[%add3A_1489, %add3A_1887] : memref<256x128xf32, #tpu.memory_space<vmem>>[vector<16xi32>, vector<16xi32>], vector<16xf32>,
        %add3A_1889 = arith.constant 6 : i32
        %add3A_1890 = vector.broadcast %add3A_1889 : i32 to vector<16xi32>
        %add3A_1891 = arith.addi %select_n3A_461, %add3A_1890 : vector<16xi32>
        tpu.vector_store_idx %arg8[%broadcast_in_dim3A, %add3A_1891, %select_n3A_948, %add3A_1487], %gather3A_1828 : memref<2x8x8x128xf32, #tpu.memory_space<vmem>>[vector<16xi32>, vector<16xi32>, vector<16xi32>, vector<16xi32>], vector<16xf32>,
        %add3A_1892 = arith.constant 6 : i32
        %add3A_1893 = vector.broadcast %add3A_1892 : i32 to vector<16xi32>
        %add3A_1894 = arith.addi %select_n3A_492, %add3A_1893 : vector<16xi32>
        tpu.vector_store_idx %arg8[%broadcast_in_dim3A, %add3A_1894, %select_n3A_970, %add3A_1487], %gather3A_1832 : memref<2x8x8x128xf32, #tpu.memory_space<vmem>>[vector<16xi32>, vector<16xi32>, vector<16xi32>, vector<16xi32>], vector<16xf32>,
        %add3A_1895 = arith.constant 6 : i32
        %add3A_1896 = vector.broadcast %add3A_1895 : i32 to vector<16xi32>
        %add3A_1897 = arith.addi %select_n3A_523, %add3A_1896 : vector<16xi32>
        tpu.vector_store_idx %arg8[%broadcast_in_dim3A, %add3A_1897, %select_n3A_992, %add3A_1487], %gather3A_1836 : memref<2x8x8x128xf32, #tpu.memory_space<vmem>>[vector<16xi32>, vector<16xi32>, vector<16xi32>, vector<16xi32>], vector<16xf32>,
        %add3A_1898 = arith.constant 6 : i32
        %add3A_1899 = vector.broadcast %add3A_1898 : i32 to vector<16xi32>
        %add3A_1900 = arith.addi %select_n3A_554, %add3A_1899 : vector<16xi32>
        tpu.vector_store_idx %arg8[%broadcast_in_dim3A, %add3A_1900, %select_n3A_1014, %add3A_1487], %gather3A_1840 : memref<2x8x8x128xf32, #tpu.memory_space<vmem>>[vector<16xi32>, vector<16xi32>, vector<16xi32>, vector<16xi32>], vector<16xf32>,
        %add3A_1901 = arith.constant 6 : i32
        %add3A_1902 = vector.broadcast %add3A_1901 : i32 to vector<16xi32>
        %add3A_1903 = arith.addi %select_n3A_585, %add3A_1902 : vector<16xi32>
        tpu.vector_store_idx %arg8[%broadcast_in_dim3A, %add3A_1903, %select_n3A_1036, %add3A_1487], %gather3A_1844 : memref<2x8x8x128xf32, #tpu.memory_space<vmem>>[vector<16xi32>, vector<16xi32>, vector<16xi32>, vector<16xi32>], vector<16xf32>,
        %add3A_1904 = arith.constant 6 : i32
        %add3A_1905 = vector.broadcast %add3A_1904 : i32 to vector<16xi32>
        %add3A_1906 = arith.addi %select_n3A_616, %add3A_1905 : vector<16xi32>
        tpu.vector_store_idx %arg8[%broadcast_in_dim3A, %add3A_1906, %select_n3A_1058, %add3A_1487], %gather3A_1848 : memref<2x8x8x128xf32, #tpu.memory_space<vmem>>[vector<16xi32>, vector<16xi32>, vector<16xi32>, vector<16xi32>], vector<16xf32>,
        %add3A_1907 = arith.constant 6 : i32
        %add3A_1908 = vector.broadcast %add3A_1907 : i32 to vector<16xi32>
        %add3A_1909 = arith.addi %select_n3A_647, %add3A_1908 : vector<16xi32>
        tpu.vector_store_idx %arg8[%broadcast_in_dim3A, %add3A_1909, %select_n3A_1080, %add3A_1487], %gather3A_1852 : memref<2x8x8x128xf32, #tpu.memory_space<vmem>>[vector<16xi32>, vector<16xi32>, vector<16xi32>, vector<16xi32>], vector<16xf32>,
        %add3A_1910 = arith.constant 6 : i32
        %add3A_1911 = vector.broadcast %add3A_1910 : i32 to vector<16xi32>
        %add3A_1912 = arith.addi %select_n3A_678, %add3A_1911 : vector<16xi32>
        tpu.vector_store_idx %arg8[%broadcast_in_dim3A, %add3A_1912, %select_n3A_1102, %add3A_1487], %gather3A_1856 : memref<2x8x8x128xf32, #tpu.memory_space<vmem>>[vector<16xi32>, vector<16xi32>, vector<16xi32>, vector<16xi32>], vector<16xf32>,
        %add3A_1913 = arith.constant 6 : i32
        %add3A_1914 = vector.broadcast %add3A_1913 : i32 to vector<16xi32>
        %add3A_1915 = arith.addi %select_n3A_709, %add3A_1914 : vector<16xi32>
        tpu.vector_store_idx %arg8[%broadcast_in_dim3A, %add3A_1915, %select_n3A_1124, %add3A_1487], %gather3A_1860 : memref<2x8x8x128xf32, #tpu.memory_space<vmem>>[vector<16xi32>, vector<16xi32>, vector<16xi32>, vector<16xi32>], vector<16xf32>,
        %add3A_1916 = arith.constant 6 : i32
        %add3A_1917 = vector.broadcast %add3A_1916 : i32 to vector<16xi32>
        %add3A_1918 = arith.addi %select_n3A_740, %add3A_1917 : vector<16xi32>
        tpu.vector_store_idx %arg8[%broadcast_in_dim3A, %add3A_1918, %select_n3A_1146, %add3A_1487], %gather3A_1864 : memref<2x8x8x128xf32, #tpu.memory_space<vmem>>[vector<16xi32>, vector<16xi32>, vector<16xi32>, vector<16xi32>], vector<16xf32>,
        %add3A_1919 = arith.constant 6 : i32
        %add3A_1920 = vector.broadcast %add3A_1919 : i32 to vector<16xi32>
        %add3A_1921 = arith.addi %select_n3A_771, %add3A_1920 : vector<16xi32>
        tpu.vector_store_idx %arg8[%broadcast_in_dim3A, %add3A_1921, %select_n3A_1168, %add3A_1487], %gather3A_1868 : memref<2x8x8x128xf32, #tpu.memory_space<vmem>>[vector<16xi32>, vector<16xi32>, vector<16xi32>, vector<16xi32>], vector<16xf32>,
        %add3A_1922 = arith.constant 6 : i32
        %add3A_1923 = vector.broadcast %add3A_1922 : i32 to vector<16xi32>
        %add3A_1924 = arith.addi %select_n3A_802, %add3A_1923 : vector<16xi32>
        tpu.vector_store_idx %arg8[%broadcast_in_dim3A, %add3A_1924, %select_n3A_1190, %add3A_1487], %gather3A_1872 : memref<2x8x8x128xf32, #tpu.memory_space<vmem>>[vector<16xi32>, vector<16xi32>, vector<16xi32>, vector<16xi32>], vector<16xf32>,
        %add3A_1925 = arith.constant 6 : i32
        %add3A_1926 = vector.broadcast %add3A_1925 : i32 to vector<16xi32>
        %add3A_1927 = arith.addi %select_n3A_833, %add3A_1926 : vector<16xi32>
        tpu.vector_store_idx %arg8[%broadcast_in_dim3A, %add3A_1927, %select_n3A_1212, %add3A_1487], %gather3A_1876 : memref<2x8x8x128xf32, #tpu.memory_space<vmem>>[vector<16xi32>, vector<16xi32>, vector<16xi32>, vector<16xi32>], vector<16xf32>,
        %add3A_1928 = arith.constant 6 : i32
        %add3A_1929 = vector.broadcast %add3A_1928 : i32 to vector<16xi32>
        %add3A_1930 = arith.addi %select_n3A_864, %add3A_1929 : vector<16xi32>
        tpu.vector_store_idx %arg8[%broadcast_in_dim3A, %add3A_1930, %select_n3A_1234, %add3A_1487], %gather3A_1880 : memref<2x8x8x128xf32, #tpu.memory_space<vmem>>[vector<16xi32>, vector<16xi32>, vector<16xi32>, vector<16xi32>], vector<16xf32>,
        %add3A_1931 = arith.constant 6 : i32
        %add3A_1932 = vector.broadcast %add3A_1931 : i32 to vector<16xi32>
        %add3A_1933 = arith.addi %select_n3A_895, %add3A_1932 : vector<16xi32>
        tpu.vector_store_idx %arg8[%broadcast_in_dim3A, %add3A_1933, %select_n3A_1256, %add3A_1487], %gather3A_1884 : memref<2x8x8x128xf32, #tpu.memory_space<vmem>>[vector<16xi32>, vector<16xi32>, vector<16xi32>, vector<16xi32>], vector<16xf32>,
        %add3A_1934 = arith.constant 6 : i32
        %add3A_1935 = vector.broadcast %add3A_1934 : i32 to vector<16xi32>
        %add3A_1936 = arith.addi %select_n3A_926, %add3A_1935 : vector<16xi32>
        tpu.vector_store_idx %arg8[%broadcast_in_dim3A, %add3A_1936, %select_n3A_1278, %add3A_1487], %gather3A_1888 : memref<2x8x8x128xf32, #tpu.memory_space<vmem>>[vector<16xi32>, vector<16xi32>, vector<16xi32>, vector<16xi32>], vector<16xf32>,
        %scan3A_1937 = arith.constant 0 : i32
        scf.yield %scan3A_1937 : i32
      }
      %scan3A_1334 = arith.constant 16 : i32
      %mul3A_1335 = arith.constant 256 : i32
      %mul3A_1336 = arith.muli %rem3A_1316, %mul3A_1335 : i32
      %add3A_1337 = arith.addi %mul3A_22, %mul3A_1336 : i32
      %jit3A_1338 = arith.constant 128 : i32
      %div3A_1339 = arith.divsi %add3A_1337, %jit3A_1338 : i32
      %sign3A_1340 = arith.constant 0 : i32
      %sign3A_1341 = arith.cmpi sgt, %add3A_1337, %sign3A_1340 : i32
      %sign3A_1342 = arith.extui %sign3A_1341 : i1 to i32
      %sign3A_1343 = arith.constant 0 : i32
      %sign3A_1344 = arith.cmpi slt, %add3A_1337, %sign3A_1343 : i32
      %sign3A_1345 = arith.extui %sign3A_1344 : i1 to i32
      %sign3A_1346 = arith.subi %sign3A_1342, %sign3A_1345 : i32
      %sign3A_1347 = arith.constant 0 : i32
      %sign3A_1348 = arith.cmpi sgt, %jit3A_1338, %sign3A_1347 : i32
      %sign3A_1349 = arith.extui %sign3A_1348 : i1 to i32
      %sign3A_1350 = arith.constant 0 : i32
      %sign3A_1351 = arith.cmpi slt, %jit3A_1338, %sign3A_1350 : i32
      %sign3A_1352 = arith.extui %sign3A_1351 : i1 to i32
      %sign3A_1353 = arith.subi %sign3A_1349, %sign3A_1352 : i32
      %ne3A_1354 = arith.cmpi ne, %sign3A_1346, %sign3A_1353 : i32
      %rem3A_1355 = arith.remsi %add3A_1337, %jit3A_1338 : i32
      %ne3A_1356 = arith.constant 0 : i32
      %ne3A_1357 = arith.cmpi ne, %rem3A_1355, %ne3A_1356 : i32
      %and3A_1358 = arith.andi %ne3A_1354, %ne3A_1357 : i1
      %sub3A_1359 = arith.constant 1 : i32
      %sub3A_1360 = arith.subi %div3A_1339, %sub3A_1359 : i32
      %select_n3A_1361 = arith.select %and3A_1358, %sub3A_1360, %div3A_1339 : i32
      %add3A_1362 = arith.addi %mul3A_20, %select_n3A_1314 : i32
      %add3A_1363 = arith.constant 0 : i32
      %add3A_1364 = arith.addi %select_n3A_1361, %add3A_1363 : i32
      %run_scoped3A = arith.constant 0 : i32
      "tpu.region"() ({
        %run_scoped3A_1456 = tpu.sem_alloc : memref<!tpu.dma_semaphore, #tpu.memory_space<semaphore_mem>>
        %dma_start3A_1457 = arith.constant 0 : i32
        %dma_start3A_1458 = arith.constant 0 : i32
        %dma_start3A_1459 = arith.constant 0 : i32
        %dma_start3A_1460 = tpu.memref_slice %arg8[%run_scoped3A, %dma_start3A_1457, %dma_start3A_1458, %dma_start3A_1459] : memref<2x8x8x128xf32, #tpu.memory_space<vmem>> -> memref<1x8x8x128xf32, #tpu.memory_space<vmem>>
        %dma_start3A_1461 = tpu.memref_squeeze %dma_start3A_1460 : memref<1x8x8x128xf32, #tpu.memory_space<vmem>> -> memref<8x8x128xf32, #tpu.memory_space<vmem>>
        %dma_start3A_1462 = arith.constant 0 : i32
        %dma_start3A_1463 = arith.constant 0 : i32
        %dma_start3A_1464 = arith.constant 0 : i32
        %dma_start3A_1465 = tpu.memref_slice %arg4[%add3A_1362, %dma_start3A_1462, %add3A_1364, %dma_start3A_1463, %dma_start3A_1464] : memref<200x8x32x8x128xf32, #tpu.memory_space<hbm>> -> memref<1x8x1x8x128xf32, #tpu.memory_space<hbm>>
        %dma_start3A_1466 = tpu.memref_squeeze %dma_start3A_1465 : memref<1x8x1x8x128xf32, #tpu.memory_space<hbm>> -> memref<8x8x128xf32, #tpu.memory_space<hbm>>
        %dma_start3A_1467 = arith.constant 0 : i32
        %dma_start3A_1468 = arith.constant 0 : i32
        %dma_start3A_1469 = arith.constant 0 : i32
        %dma_start3A_1470 = tpu.memref_slice %arg4[%add3A_1362, %dma_start3A_1467, %add3A_1364, %dma_start3A_1468, %dma_start3A_1469] : memref<200x8x32x8x128xf32, #tpu.memory_space<hbm>> -> memref<1x8x1x8x128xf32, #tpu.memory_space<hbm>>
        %dma_start3A_1471 = tpu.memref_squeeze %dma_start3A_1470 : memref<1x8x1x8x128xf32, #tpu.memory_space<hbm>> -> memref<8x8x128xf32, #tpu.memory_space<hbm>>
        %dma_start3A_1472 = arith.constant 0 : i32
        %dma_start3A_1473 = arith.constant 0 : i32
        %dma_start3A_1474 = arith.constant 0 : i32
        %dma_start3A_1475 = tpu.memref_slice %arg8[%run_scoped3A, %dma_start3A_1472, %dma_start3A_1473, %dma_start3A_1474] : memref<2x8x8x128xf32, #tpu.memory_space<vmem>> -> memref<1x8x8x128xf32, #tpu.memory_space<vmem>>
        %dma_start3A_1476 = tpu.memref_squeeze %dma_start3A_1475 : memref<1x8x8x128xf32, #tpu.memory_space<vmem>> -> memref<8x8x128xf32, #tpu.memory_space<vmem>>
        tpu.enqueue_dma source(%dma_start3A_1476 : memref<8x8x128xf32, #tpu.memory_space<vmem>>) target(%dma_start3A_1471 : memref<8x8x128xf32, #tpu.memory_space<hbm>>) target_semaphore(%run_scoped3A_1456 : memref<!tpu.dma_semaphore, #tpu.memory_space<semaphore_mem>>)
        %dma_wait3A_1477 = arith.constant 0 : i32
        %dma_wait3A_1478 = arith.constant 0 : i32
        %dma_wait3A_1479 = arith.constant 0 : i32
        %dma_wait3A_1480 = tpu.memref_slice %arg8[%run_scoped3A, %dma_wait3A_1477, %dma_wait3A_1478, %dma_wait3A_1479] : memref<2x8x8x128xf32, #tpu.memory_space<vmem>> -> memref<1x8x8x128xf32, #tpu.memory_space<vmem>>
        %dma_wait3A_1481 = tpu.memref_squeeze %dma_wait3A_1480 : memref<1x8x8x128xf32, #tpu.memory_space<vmem>> -> memref<8x8x128xf32, #tpu.memory_space<vmem>>
        %dma_wait3A_1482 = arith.constant 0 : i32
        %dma_wait3A_1483 = arith.constant 0 : i32
        %dma_wait3A_1484 = arith.constant 0 : i32
        %dma_wait3A_1485 = tpu.memref_slice %arg4[%add3A_1362, %dma_wait3A_1482, %add3A_1364, %dma_wait3A_1483, %dma_wait3A_1484] : memref<200x8x32x8x128xf32, #tpu.memory_space<hbm>> -> memref<1x8x1x8x128xf32, #tpu.memory_space<hbm>>
        %dma_wait3A_1486 = tpu.memref_squeeze %dma_wait3A_1485 : memref<1x8x1x8x128xf32, #tpu.memory_space<hbm>> -> memref<8x8x128xf32, #tpu.memory_space<hbm>>
        %dma_wait3A_1487 = arith.constant 0 : i32
        %dma_wait3A_1488 = arith.constant 0 : i32
        %dma_wait3A_1489 = arith.constant 0 : i32
        %dma_wait3A_1490 = tpu.memref_slice %arg4[%add3A_1362, %dma_wait3A_1487, %add3A_1364, %dma_wait3A_1488, %dma_wait3A_1489] : memref<200x8x32x8x128xf32, #tpu.memory_space<hbm>> -> memref<1x8x1x8x128xf32, #tpu.memory_space<hbm>>
        %dma_wait3A_1491 = tpu.memref_squeeze %dma_wait3A_1490 : memref<1x8x1x8x128xf32, #tpu.memory_space<hbm>> -> memref<8x8x128xf32, #tpu.memory_space<hbm>>
        %dma_wait3A_1492 = arith.constant 0 : i32
        %dma_wait3A_1493 = arith.constant 0 : i32
        %dma_wait3A_1494 = arith.constant 0 : i32
        %dma_wait3A_1495 = tpu.memref_slice %arg8[%run_scoped3A, %dma_wait3A_1492, %dma_wait3A_1493, %dma_wait3A_1494] : memref<2x8x8x128xf32, #tpu.memory_space<vmem>> -> memref<1x8x8x128xf32, #tpu.memory_space<vmem>>
        %dma_wait3A_1496 = tpu.memref_squeeze %dma_wait3A_1495 : memref<1x8x8x128xf32, #tpu.memory_space<vmem>> -> memref<8x8x128xf32, #tpu.memory_space<vmem>>
        tpu.wait_dma2 semaphore(%run_scoped3A_1456 : memref<!tpu.dma_semaphore, #tpu.memory_space<semaphore_mem>>) src(%dma_wait3A_1496 : memref<8x8x128xf32, #tpu.memory_space<vmem>>) dst(%dma_wait3A_1491 : memref<8x8x128xf32, #tpu.memory_space<hbm>>)
        tpu.yield
      }) : () -> ()
      %add3A_1365 = arith.addi %mul3A_20, %select_n3A_1314 : i32
      %add3A_1366 = arith.constant 1 : i32
      %add3A_1367 = arith.addi %select_n3A_1361, %add3A_1366 : i32
      %run_scoped3A_1368 = arith.constant 1 : i32
      "tpu.region"() ({
        %run_scoped3A_1456 = tpu.sem_alloc : memref<!tpu.dma_semaphore, #tpu.memory_space<semaphore_mem>>
        %dma_start3A_1457 = arith.constant 0 : i32
        %dma_start3A_1458 = arith.constant 0 : i32
        %dma_start3A_1459 = arith.constant 0 : i32
        %dma_start3A_1460 = tpu.memref_slice %arg8[%run_scoped3A_1368, %dma_start3A_1457, %dma_start3A_1458, %dma_start3A_1459] : memref<2x8x8x128xf32, #tpu.memory_space<vmem>> -> memref<1x8x8x128xf32, #tpu.memory_space<vmem>>
        %dma_start3A_1461 = tpu.memref_squeeze %dma_start3A_1460 : memref<1x8x8x128xf32, #tpu.memory_space<vmem>> -> memref<8x8x128xf32, #tpu.memory_space<vmem>>
        %dma_start3A_1462 = arith.constant 0 : i32
        %dma_start3A_1463 = arith.constant 0 : i32
        %dma_start3A_1464 = arith.constant 0 : i32
        %dma_start3A_1465 = tpu.memref_slice %arg4[%add3A_1365, %dma_start3A_1462, %add3A_1367, %dma_start3A_1463, %dma_start3A_1464] : memref<200x8x32x8x128xf32, #tpu.memory_space<hbm>> -> memref<1x8x1x8x128xf32, #tpu.memory_space<hbm>>
        %dma_start3A_1466 = tpu.memref_squeeze %dma_start3A_1465 : memref<1x8x1x8x128xf32, #tpu.memory_space<hbm>> -> memref<8x8x128xf32, #tpu.memory_space<hbm>>
        %dma_start3A_1467 = arith.constant 0 : i32
        %dma_start3A_1468 = arith.constant 0 : i32
        %dma_start3A_1469 = arith.constant 0 : i32
        %dma_start3A_1470 = tpu.memref_slice %arg4[%add3A_1365, %dma_start3A_1467, %add3A_1367, %dma_start3A_1468, %dma_start3A_1469] : memref<200x8x32x8x128xf32, #tpu.memory_space<hbm>> -> memref<1x8x1x8x128xf32, #tpu.memory_space<hbm>>
        %dma_start3A_1471 = tpu.memref_squeeze %dma_start3A_1470 : memref<1x8x1x8x128xf32, #tpu.memory_space<hbm>> -> memref<8x8x128xf32, #tpu.memory_space<hbm>>
        %dma_start3A_1472 = arith.constant 0 : i32
        %dma_start3A_1473 = arith.constant 0 : i32
        %dma_start3A_1474 = arith.constant 0 : i32
        %dma_start3A_1475 = tpu.memref_slice %arg8[%run_scoped3A_1368, %dma_start3A_1472, %dma_start3A_1473, %dma_start3A_1474] : memref<2x8x8x128xf32, #tpu.memory_space<vmem>> -> memref<1x8x8x128xf32, #tpu.memory_space<vmem>>
        %dma_start3A_1476 = tpu.memref_squeeze %dma_start3A_1475 : memref<1x8x8x128xf32, #tpu.memory_space<vmem>> -> memref<8x8x128xf32, #tpu.memory_space<vmem>>
        tpu.enqueue_dma source(%dma_start3A_1476 : memref<8x8x128xf32, #tpu.memory_space<vmem>>) target(%dma_start3A_1471 : memref<8x8x128xf32, #tpu.memory_space<hbm>>) target_semaphore(%run_scoped3A_1456 : memref<!tpu.dma_semaphore, #tpu.memory_space<semaphore_mem>>)
        %dma_wait3A_1477 = arith.constant 0 : i32
        %dma_wait3A_1478 = arith.constant 0 : i32
        %dma_wait3A_1479 = arith.constant 0 : i32
        %dma_wait3A_1480 = tpu.memref_slice %arg8[%run_scoped3A_1368, %dma_wait3A_1477, %dma_wait3A_1478, %dma_wait3A_1479] : memref<2x8x8x128xf32, #tpu.memory_space<vmem>> -> memref<1x8x8x128xf32, #tpu.memory_space<vmem>>
        %dma_wait3A_1481 = tpu.memref_squeeze %dma_wait3A_1480 : memref<1x8x8x128xf32, #tpu.memory_space<vmem>> -> memref<8x8x128xf32, #tpu.memory_space<vmem>>
        %dma_wait3A_1482 = arith.constant 0 : i32
        %dma_wait3A_1483 = arith.constant 0 : i32
        %dma_wait3A_1484 = arith.constant 0 : i32
        %dma_wait3A_1485 = tpu.memref_slice %arg4[%add3A_1365, %dma_wait3A_1482, %add3A_1367, %dma_wait3A_1483, %dma_wait3A_1484] : memref<200x8x32x8x128xf32, #tpu.memory_space<hbm>> -> memref<1x8x1x8x128xf32, #tpu.memory_space<hbm>>
        %dma_wait3A_1486 = tpu.memref_squeeze %dma_wait3A_1485 : memref<1x8x1x8x128xf32, #tpu.memory_space<hbm>> -> memref<8x8x128xf32, #tpu.memory_space<hbm>>
        %dma_wait3A_1487 = arith.constant 0 : i32
        %dma_wait3A_1488 = arith.constant 0 : i32
        %dma_wait3A_1489 = arith.constant 0 : i32
        %dma_wait3A_1490 = tpu.memref_slice %arg4[%add3A_1365, %dma_wait3A_1487, %add3A_1367, %dma_wait3A_1488, %dma_wait3A_1489] : memref<200x8x32x8x128xf32, #tpu.memory_space<hbm>> -> memref<1x8x1x8x128xf32, #tpu.memory_space<hbm>>
        %dma_wait3A_1491 = tpu.memref_squeeze %dma_wait3A_1490 : memref<1x8x1x8x128xf32, #tpu.memory_space<hbm>> -> memref<8x8x128xf32, #tpu.memory_space<hbm>>
        %dma_wait3A_1492 = arith.constant 0 : i32
        %dma_wait3A_1493 = arith.constant 0 : i32
        %dma_wait3A_1494 = arith.constant 0 : i32
        %dma_wait3A_1495 = tpu.memref_slice %arg8[%run_scoped3A_1368, %dma_wait3A_1492, %dma_wait3A_1493, %dma_wait3A_1494] : memref<2x8x8x128xf32, #tpu.memory_space<vmem>> -> memref<1x8x8x128xf32, #tpu.memory_space<vmem>>
        %dma_wait3A_1496 = tpu.memref_squeeze %dma_wait3A_1495 : memref<1x8x8x128xf32, #tpu.memory_space<vmem>> -> memref<8x8x128xf32, #tpu.memory_space<vmem>>
        tpu.wait_dma2 semaphore(%run_scoped3A_1456 : memref<!tpu.dma_semaphore, #tpu.memory_space<semaphore_mem>>) src(%dma_wait3A_1496 : memref<8x8x128xf32, #tpu.memory_space<vmem>>) dst(%dma_wait3A_1491 : memref<8x8x128xf32, #tpu.memory_space<hbm>>)
        tpu.yield
      }) : () -> ()
      %mul3A_1369 = arith.constant 2 : i32
      %mul3A_1370 = arith.muli %mul3A_1369, %scan3A_1285 : i32
      %add3A_1371 = arith.constant 1 : i32
      %add3A_1372 = arith.addi %mul3A_1370, %add3A_1371 : i32
      %jit3A_1373 = arith.constant 4 : i32
      %div3A_1374 = arith.divsi %add3A_1372, %jit3A_1373 : i32
      %sign3A_1375 = arith.constant 0 : i32
      %sign3A_1376 = arith.cmpi sgt, %add3A_1372, %sign3A_1375 : i32
      %sign3A_1377 = arith.extui %sign3A_1376 : i1 to i32
      %sign3A_1378 = arith.constant 0 : i32
      %sign3A_1379 = arith.cmpi slt, %add3A_1372, %sign3A_1378 : i32
      %sign3A_1380 = arith.extui %sign3A_1379 : i1 to i32
      %sign3A_1381 = arith.subi %sign3A_1377, %sign3A_1380 : i32
      %sign3A_1382 = arith.constant 0 : i32
      %sign3A_1383 = arith.cmpi sgt, %jit3A_1373, %sign3A_1382 : i32
      %sign3A_1384 = arith.extui %sign3A_1383 : i1 to i32
      %sign3A_1385 = arith.constant 0 : i32
      %sign3A_1386 = arith.cmpi slt, %jit3A_1373, %sign3A_1385 : i32
      %sign3A_1387 = arith.extui %sign3A_1386 : i1 to i32
      %sign3A_1388 = arith.subi %sign3A_1384, %sign3A_1387 : i32
      %ne3A_1389 = arith.cmpi ne, %sign3A_1381, %sign3A_1388 : i32
      %rem3A_1390 = arith.remsi %add3A_1372, %jit3A_1373 : i32
      %ne3A_1391 = arith.constant 0 : i32
      %ne3A_1392 = arith.cmpi ne, %rem3A_1390, %ne3A_1391 : i32
      %and3A_1393 = arith.andi %ne3A_1389, %ne3A_1392 : i1
      %sub3A_1394 = arith.constant 1 : i32
      %sub3A_1395 = arith.subi %div3A_1374, %sub3A_1394 : i32
      %select_n3A_1396 = arith.select %and3A_1393, %sub3A_1395, %div3A_1374 : i32
      %rem3A_1397 = arith.constant 4 : i32
      %rem3A_1398 = arith.remsi %add3A_1372, %rem3A_1397 : i32
      %mul3A_1399 = arith.constant 256 : i32
      %mul3A_1400 = arith.muli %rem3A_1398, %mul3A_1399 : i32
      %dma_wait3A_1401 = tpu.memref_slice %arg5[%select_n3A_1396, %mul3A_1400] : memref<25x1024xi32, #tpu.memory_space<vmem>> -> memref<1x256xi32, #tpu.memory_space<vmem>>
      %dma_wait3A_1402 = tpu.memref_squeeze %dma_wait3A_1401 : memref<1x256xi32, #tpu.memory_space<vmem>> -> memref<256xi32, #tpu.memory_space<vmem>>
      %dma_wait3A_1403 = arith.constant 0 : i32
      %dma_wait3A_1404 = arith.constant 0 : i32
      %dma_wait3A_1405 = tpu.memref_slice %arg3[%dma_wait3A_1403, %dma_wait3A_1404] : memref<1000000x128xf32, #tpu.memory_space<hbm>> -> memref<1000000x128xf32, #tpu.memory_space<hbm>>
      tpu.wait_indirect_dma semaphore(%arg10 : memref<!tpu.dma_semaphore, #tpu.memory_space<semaphore_mem>>) src(%dma_wait3A_1405 : memref<1000000x128xf32, #tpu.memory_space<hbm>>) dst(%arg7 : memref<256x128xf32, #tpu.memory_space<vmem>>)
      %add3A_1406 = arith.constant 1 : i32
      %add3A_1407 = arith.addi %add3A_1372, %add3A_1406 : i32
      %lt3A_1408 = arith.constant 100 : i32
      %lt3A_1409 = arith.cmpi slt, %add3A_1407, %lt3A_1408 : i32
      %convert_element_type3A_1410 = arith.extui %lt3A_1409 : i1 to i32
      %cond3A_1411 = arith.constant 0 : i32
      %cond3A_1412 = arith.cmpi ne, %convert_element_type3A_1410, %cond3A_1411 : i32
      scf.if %cond3A_1412 {
        %add3A_1456 = arith.constant 1 : i32
        %add3A_1457 = arith.addi %add3A_1372, %add3A_1456 : i32
        %jit3A_1458 = arith.constant 4 : i32
        %div3A_1459 = arith.divsi %add3A_1457, %jit3A_1458 : i32
        %sign3A_1460 = arith.constant 0 : i32
        %sign3A_1461 = arith.cmpi sgt, %add3A_1457, %sign3A_1460 : i32
        %sign3A_1462 = arith.extui %sign3A_1461 : i1 to i32
        %sign3A_1463 = arith.constant 0 : i32
        %sign3A_1464 = arith.cmpi slt, %add3A_1457, %sign3A_1463 : i32
        %sign3A_1465 = arith.extui %sign3A_1464 : i1 to i32
        %sign3A_1466 = arith.subi %sign3A_1462, %sign3A_1465 : i32
        %sign3A_1467 = arith.constant 0 : i32
        %sign3A_1468 = arith.cmpi sgt, %jit3A_1458, %sign3A_1467 : i32
        %sign3A_1469 = arith.extui %sign3A_1468 : i1 to i32
        %sign3A_1470 = arith.constant 0 : i32
        %sign3A_1471 = arith.cmpi slt, %jit3A_1458, %sign3A_1470 : i32
        %sign3A_1472 = arith.extui %sign3A_1471 : i1 to i32
        %sign3A_1473 = arith.subi %sign3A_1469, %sign3A_1472 : i32
        %ne3A_1474 = arith.cmpi ne, %sign3A_1466, %sign3A_1473 : i32
        %rem3A_1475 = arith.remsi %add3A_1457, %jit3A_1458 : i32
        %ne3A_1476 = arith.constant 0 : i32
        %ne3A_1477 = arith.cmpi ne, %rem3A_1475, %ne3A_1476 : i32
        %and3A_1478 = arith.andi %ne3A_1474, %ne3A_1477 : i1
        %sub3A_1479 = arith.constant 1 : i32
        %sub3A_1480 = arith.subi %div3A_1459, %sub3A_1479 : i32
        %select_n3A_1481 = arith.select %and3A_1478, %sub3A_1480, %div3A_1459 : i32
        %rem3A_1482 = arith.constant 4 : i32
        %rem3A_1483 = arith.remsi %add3A_1457, %rem3A_1482 : i32
        %mul3A_1484 = arith.constant 256 : i32
        %mul3A_1485 = arith.muli %rem3A_1483, %mul3A_1484 : i32
        %dma_start3A_1486 = tpu.memref_slice %arg5[%select_n3A_1481, %mul3A_1485] : memref<25x1024xi32, #tpu.memory_space<vmem>> -> memref<1x256xi32, #tpu.memory_space<vmem>>
        %dma_start3A_1487 = tpu.memref_squeeze %dma_start3A_1486 : memref<1x256xi32, #tpu.memory_space<vmem>> -> memref<256xi32, #tpu.memory_space<vmem>>
        %dma_start3A_1488 = arith.constant 0 : i32
        %dma_start3A_1489 = arith.constant 0 : i32
        %dma_start3A_1490 = tpu.memref_slice %arg3[%dma_start3A_1488, %dma_start3A_1489] : memref<1000000x128xf32, #tpu.memory_space<hbm>> -> memref<1000000x128xf32, #tpu.memory_space<hbm>>
        tpu.enqueue_indirect_dma source(%dma_start3A_1490 : memref<1000000x128xf32, #tpu.memory_space<hbm>>) target(%arg6 : memref<256x128xf32, #tpu.memory_space<vmem>>) offsets(%dma_start3A_1487 : memref<256xi32, #tpu.memory_space<vmem>>) semaphore(%arg9 : memref<!tpu.dma_semaphore, #tpu.memory_space<semaphore_mem>>)
      } else {
      }
      %scan3A_1413 = arith.constant 0 : i32
      %scan3A_1414 = arith.constant 0 : i32
      %scan3A_1415 = arith.constant 16 : i32
      %scan3A_1416 = arith.addi %scan3A_1414, %scan3A_1415 : i32
      %scan3A_1417 = arith.constant 1 : i32
      %scan3A_1418 = scf.for %scan3A_1456 = %scan3A_1414 to %scan3A_1416 step %scan3A_1417 iter_args(%scan3A_1457 = %scan3A_1413) -> (i32)  : i32 {
        %mul3A_1458 = arith.constant 16 : i32
        %mul3A_1459 = arith.muli %scan3A_1456, %mul3A_1458 : i32
        %jit3A_1460 = arith.constant 128 : i32
        %div3A_1461 = arith.divsi %mul3A_1459, %jit3A_1460 : i32
        %sign3A_1462 = arith.constant 0 : i32
        %sign3A_1463 = arith.cmpi sgt, %mul3A_1459, %sign3A_1462 : i32
        %sign3A_1464 = arith.extui %sign3A_1463 : i1 to i32
        %sign3A_1465 = arith.constant 0 : i32
        %sign3A_1466 = arith.cmpi slt, %mul3A_1459, %sign3A_1465 : i32
        %sign3A_1467 = arith.extui %sign3A_1466 : i1 to i32
        %sign3A_1468 = arith.subi %sign3A_1464, %sign3A_1467 : i32
        %sign3A_1469 = arith.constant 0 : i32
        %sign3A_1470 = arith.cmpi sgt, %jit3A_1460, %sign3A_1469 : i32
        %sign3A_1471 = arith.extui %sign3A_1470 : i1 to i32
        %sign3A_1472 = arith.constant 0 : i32
        %sign3A_1473 = arith.cmpi slt, %jit3A_1460, %sign3A_1472 : i32
        %sign3A_1474 = arith.extui %sign3A_1473 : i1 to i32
        %sign3A_1475 = arith.subi %sign3A_1471, %sign3A_1474 : i32
        %ne3A_1476 = arith.cmpi ne, %sign3A_1468, %sign3A_1475 : i32
        %rem3A_1477 = arith.remsi %mul3A_1459, %jit3A_1460 : i32
        %ne3A_1478 = arith.constant 0 : i32
        %ne3A_1479 = arith.cmpi ne, %rem3A_1477, %ne3A_1478 : i32
        %and3A_1480 = arith.andi %ne3A_1476, %ne3A_1479 : i1
        %sub3A_1481 = arith.constant 1 : i32
        %sub3A_1482 = arith.subi %div3A_1461, %sub3A_1481 : i32
        %select_n3A_1483 = arith.select %and3A_1480, %sub3A_1482, %div3A_1461 : i32
        %rem3A_1484 = arith.constant 128 : i32
        %rem3A_1485 = arith.remsi %mul3A_1459, %rem3A_1484 : i32
        %broadcast_in_dim3A = vector.broadcast %select_n3A_1483 : i32 to vector<16xi32>
        %add3A_1486 = vector.broadcast %rem3A_1485 : i32 to vector<16xi32>
        %add3A_1487 = arith.addi %iota3A, %add3A_1486 : vector<16xi32>
        %add3A_1488 = vector.broadcast %mul3A_1459 : i32 to vector<16xi32>
        %add3A_1489 = arith.addi %iota3A, %add3A_1488 : vector<16xi32>
        %add3A_1490 = arith.constant 0 : i32
        %add3A_1491 = vector.broadcast %add3A_1490 : i32 to vector<16xi32>
        %add3A_1492 = arith.addi %select_n3A_55, %add3A_1491 : vector<16xi32>
        %gather3A = tpu.vector_load_idx %arg7[%add3A_1489, %add3A_1492] : memref<256x128xf32, #tpu.memory_space<vmem>>[vector<16xi32>, vector<16xi32>], vector<16xf32>,
        %add3A_1493 = arith.constant 0 : i32
        %add3A_1494 = vector.broadcast %add3A_1493 : i32 to vector<16xi32>
        %add3A_1495 = arith.addi %select_n3A_80, %add3A_1494 : vector<16xi32>
        %gather3A_1496 = tpu.vector_load_idx %arg7[%add3A_1489, %add3A_1495] : memref<256x128xf32, #tpu.memory_space<vmem>>[vector<16xi32>, vector<16xi32>], vector<16xf32>,
        %add3A_1497 = arith.constant 0 : i32
        %add3A_1498 = vector.broadcast %add3A_1497 : i32 to vector<16xi32>
        %add3A_1499 = arith.addi %select_n3A_105, %add3A_1498 : vector<16xi32>
        %gather3A_1500 = tpu.vector_load_idx %arg7[%add3A_1489, %add3A_1499] : memref<256x128xf32, #tpu.memory_space<vmem>>[vector<16xi32>, vector<16xi32>], vector<16xf32>,
        %add3A_1501 = arith.constant 0 : i32
        %add3A_1502 = vector.broadcast %add3A_1501 : i32 to vector<16xi32>
        %add3A_1503 = arith.addi %select_n3A_130, %add3A_1502 : vector<16xi32>
        %gather3A_1504 = tpu.vector_load_idx %arg7[%add3A_1489, %add3A_1503] : memref<256x128xf32, #tpu.memory_space<vmem>>[vector<16xi32>, vector<16xi32>], vector<16xf32>,
        %add3A_1505 = arith.constant 0 : i32
        %add3A_1506 = vector.broadcast %add3A_1505 : i32 to vector<16xi32>
        %add3A_1507 = arith.addi %select_n3A_155, %add3A_1506 : vector<16xi32>
        %gather3A_1508 = tpu.vector_load_idx %arg7[%add3A_1489, %add3A_1507] : memref<256x128xf32, #tpu.memory_space<vmem>>[vector<16xi32>, vector<16xi32>], vector<16xf32>,
        %add3A_1509 = arith.constant 0 : i32
        %add3A_1510 = vector.broadcast %add3A_1509 : i32 to vector<16xi32>
        %add3A_1511 = arith.addi %select_n3A_180, %add3A_1510 : vector<16xi32>
        %gather3A_1512 = tpu.vector_load_idx %arg7[%add3A_1489, %add3A_1511] : memref<256x128xf32, #tpu.memory_space<vmem>>[vector<16xi32>, vector<16xi32>], vector<16xf32>,
        %add3A_1513 = arith.constant 0 : i32
        %add3A_1514 = vector.broadcast %add3A_1513 : i32 to vector<16xi32>
        %add3A_1515 = arith.addi %select_n3A_205, %add3A_1514 : vector<16xi32>
        %gather3A_1516 = tpu.vector_load_idx %arg7[%add3A_1489, %add3A_1515] : memref<256x128xf32, #tpu.memory_space<vmem>>[vector<16xi32>, vector<16xi32>], vector<16xf32>,
        %add3A_1517 = arith.constant 0 : i32
        %add3A_1518 = vector.broadcast %add3A_1517 : i32 to vector<16xi32>
        %add3A_1519 = arith.addi %select_n3A_230, %add3A_1518 : vector<16xi32>
        %gather3A_1520 = tpu.vector_load_idx %arg7[%add3A_1489, %add3A_1519] : memref<256x128xf32, #tpu.memory_space<vmem>>[vector<16xi32>, vector<16xi32>], vector<16xf32>,
        %add3A_1521 = arith.constant 0 : i32
        %add3A_1522 = vector.broadcast %add3A_1521 : i32 to vector<16xi32>
        %add3A_1523 = arith.addi %select_n3A_255, %add3A_1522 : vector<16xi32>
        %gather3A_1524 = tpu.vector_load_idx %arg7[%add3A_1489, %add3A_1523] : memref<256x128xf32, #tpu.memory_space<vmem>>[vector<16xi32>, vector<16xi32>], vector<16xf32>,
        %add3A_1525 = arith.constant 0 : i32
        %add3A_1526 = vector.broadcast %add3A_1525 : i32 to vector<16xi32>
        %add3A_1527 = arith.addi %select_n3A_280, %add3A_1526 : vector<16xi32>
        %gather3A_1528 = tpu.vector_load_idx %arg7[%add3A_1489, %add3A_1527] : memref<256x128xf32, #tpu.memory_space<vmem>>[vector<16xi32>, vector<16xi32>], vector<16xf32>,
        %add3A_1529 = arith.constant 0 : i32
        %add3A_1530 = vector.broadcast %add3A_1529 : i32 to vector<16xi32>
        %add3A_1531 = arith.addi %select_n3A_305, %add3A_1530 : vector<16xi32>
        %gather3A_1532 = tpu.vector_load_idx %arg7[%add3A_1489, %add3A_1531] : memref<256x128xf32, #tpu.memory_space<vmem>>[vector<16xi32>, vector<16xi32>], vector<16xf32>,
        %add3A_1533 = arith.constant 0 : i32
        %add3A_1534 = vector.broadcast %add3A_1533 : i32 to vector<16xi32>
        %add3A_1535 = arith.addi %select_n3A_330, %add3A_1534 : vector<16xi32>
        %gather3A_1536 = tpu.vector_load_idx %arg7[%add3A_1489, %add3A_1535] : memref<256x128xf32, #tpu.memory_space<vmem>>[vector<16xi32>, vector<16xi32>], vector<16xf32>,
        %add3A_1537 = arith.constant 0 : i32
        %add3A_1538 = vector.broadcast %add3A_1537 : i32 to vector<16xi32>
        %add3A_1539 = arith.addi %select_n3A_355, %add3A_1538 : vector<16xi32>
        %gather3A_1540 = tpu.vector_load_idx %arg7[%add3A_1489, %add3A_1539] : memref<256x128xf32, #tpu.memory_space<vmem>>[vector<16xi32>, vector<16xi32>], vector<16xf32>,
        %add3A_1541 = arith.constant 0 : i32
        %add3A_1542 = vector.broadcast %add3A_1541 : i32 to vector<16xi32>
        %add3A_1543 = arith.addi %select_n3A_380, %add3A_1542 : vector<16xi32>
        %gather3A_1544 = tpu.vector_load_idx %arg7[%add3A_1489, %add3A_1543] : memref<256x128xf32, #tpu.memory_space<vmem>>[vector<16xi32>, vector<16xi32>], vector<16xf32>,
        %add3A_1545 = arith.constant 0 : i32
        %add3A_1546 = vector.broadcast %add3A_1545 : i32 to vector<16xi32>
        %add3A_1547 = arith.addi %select_n3A_405, %add3A_1546 : vector<16xi32>
        %gather3A_1548 = tpu.vector_load_idx %arg7[%add3A_1489, %add3A_1547] : memref<256x128xf32, #tpu.memory_space<vmem>>[vector<16xi32>, vector<16xi32>], vector<16xf32>,
        %add3A_1549 = arith.constant 0 : i32
        %add3A_1550 = vector.broadcast %add3A_1549 : i32 to vector<16xi32>
        %add3A_1551 = arith.addi %select_n3A_430, %add3A_1550 : vector<16xi32>
        %gather3A_1552 = tpu.vector_load_idx %arg7[%add3A_1489, %add3A_1551] : memref<256x128xf32, #tpu.memory_space<vmem>>[vector<16xi32>, vector<16xi32>], vector<16xf32>,
        %add3A_1553 = arith.constant 0 : i32
        %add3A_1554 = vector.broadcast %add3A_1553 : i32 to vector<16xi32>
        %add3A_1555 = arith.addi %select_n3A_461, %add3A_1554 : vector<16xi32>
        tpu.vector_store_idx %arg8[%broadcast_in_dim3A, %add3A_1555, %select_n3A_948, %add3A_1487], %gather3A : memref<2x8x8x128xf32, #tpu.memory_space<vmem>>[vector<16xi32>, vector<16xi32>, vector<16xi32>, vector<16xi32>], vector<16xf32>,
        %add3A_1556 = arith.constant 0 : i32
        %add3A_1557 = vector.broadcast %add3A_1556 : i32 to vector<16xi32>
        %add3A_1558 = arith.addi %select_n3A_492, %add3A_1557 : vector<16xi32>
        tpu.vector_store_idx %arg8[%broadcast_in_dim3A, %add3A_1558, %select_n3A_970, %add3A_1487], %gather3A_1496 : memref<2x8x8x128xf32, #tpu.memory_space<vmem>>[vector<16xi32>, vector<16xi32>, vector<16xi32>, vector<16xi32>], vector<16xf32>,
        %add3A_1559 = arith.constant 0 : i32
        %add3A_1560 = vector.broadcast %add3A_1559 : i32 to vector<16xi32>
        %add3A_1561 = arith.addi %select_n3A_523, %add3A_1560 : vector<16xi32>
        tpu.vector_store_idx %arg8[%broadcast_in_dim3A, %add3A_1561, %select_n3A_992, %add3A_1487], %gather3A_1500 : memref<2x8x8x128xf32, #tpu.memory_space<vmem>>[vector<16xi32>, vector<16xi32>, vector<16xi32>, vector<16xi32>], vector<16xf32>,
        %add3A_1562 = arith.constant 0 : i32
        %add3A_1563 = vector.broadcast %add3A_1562 : i32 to vector<16xi32>
        %add3A_1564 = arith.addi %select_n3A_554, %add3A_1563 : vector<16xi32>
        tpu.vector_store_idx %arg8[%broadcast_in_dim3A, %add3A_1564, %select_n3A_1014, %add3A_1487], %gather3A_1504 : memref<2x8x8x128xf32, #tpu.memory_space<vmem>>[vector<16xi32>, vector<16xi32>, vector<16xi32>, vector<16xi32>], vector<16xf32>,
        %add3A_1565 = arith.constant 0 : i32
        %add3A_1566 = vector.broadcast %add3A_1565 : i32 to vector<16xi32>
        %add3A_1567 = arith.addi %select_n3A_585, %add3A_1566 : vector<16xi32>
        tpu.vector_store_idx %arg8[%broadcast_in_dim3A, %add3A_1567, %select_n3A_1036, %add3A_1487], %gather3A_1508 : memref<2x8x8x128xf32, #tpu.memory_space<vmem>>[vector<16xi32>, vector<16xi32>, vector<16xi32>, vector<16xi32>], vector<16xf32>,
        %add3A_1568 = arith.constant 0 : i32
        %add3A_1569 = vector.broadcast %add3A_1568 : i32 to vector<16xi32>
        %add3A_1570 = arith.addi %select_n3A_616, %add3A_1569 : vector<16xi32>
        tpu.vector_store_idx %arg8[%broadcast_in_dim3A, %add3A_1570, %select_n3A_1058, %add3A_1487], %gather3A_1512 : memref<2x8x8x128xf32, #tpu.memory_space<vmem>>[vector<16xi32>, vector<16xi32>, vector<16xi32>, vector<16xi32>], vector<16xf32>,
        %add3A_1571 = arith.constant 0 : i32
        %add3A_1572 = vector.broadcast %add3A_1571 : i32 to vector<16xi32>
        %add3A_1573 = arith.addi %select_n3A_647, %add3A_1572 : vector<16xi32>
        tpu.vector_store_idx %arg8[%broadcast_in_dim3A, %add3A_1573, %select_n3A_1080, %add3A_1487], %gather3A_1516 : memref<2x8x8x128xf32, #tpu.memory_space<vmem>>[vector<16xi32>, vector<16xi32>, vector<16xi32>, vector<16xi32>], vector<16xf32>,
        %add3A_1574 = arith.constant 0 : i32
        %add3A_1575 = vector.broadcast %add3A_1574 : i32 to vector<16xi32>
        %add3A_1576 = arith.addi %select_n3A_678, %add3A_1575 : vector<16xi32>
        tpu.vector_store_idx %arg8[%broadcast_in_dim3A, %add3A_1576, %select_n3A_1102, %add3A_1487], %gather3A_1520 : memref<2x8x8x128xf32, #tpu.memory_space<vmem>>[vector<16xi32>, vector<16xi32>, vector<16xi32>, vector<16xi32>], vector<16xf32>,
        %add3A_1577 = arith.constant 0 : i32
        %add3A_1578 = vector.broadcast %add3A_1577 : i32 to vector<16xi32>
        %add3A_1579 = arith.addi %select_n3A_709, %add3A_1578 : vector<16xi32>
        tpu.vector_store_idx %arg8[%broadcast_in_dim3A, %add3A_1579, %select_n3A_1124, %add3A_1487], %gather3A_1524 : memref<2x8x8x128xf32, #tpu.memory_space<vmem>>[vector<16xi32>, vector<16xi32>, vector<16xi32>, vector<16xi32>], vector<16xf32>,
        %add3A_1580 = arith.constant 0 : i32
        %add3A_1581 = vector.broadcast %add3A_1580 : i32 to vector<16xi32>
        %add3A_1582 = arith.addi %select_n3A_740, %add3A_1581 : vector<16xi32>
        tpu.vector_store_idx %arg8[%broadcast_in_dim3A, %add3A_1582, %select_n3A_1146, %add3A_1487], %gather3A_1528 : memref<2x8x8x128xf32, #tpu.memory_space<vmem>>[vector<16xi32>, vector<16xi32>, vector<16xi32>, vector<16xi32>], vector<16xf32>,
        %add3A_1583 = arith.constant 0 : i32
        %add3A_1584 = vector.broadcast %add3A_1583 : i32 to vector<16xi32>
        %add3A_1585 = arith.addi %select_n3A_771, %add3A_1584 : vector<16xi32>
        tpu.vector_store_idx %arg8[%broadcast_in_dim3A, %add3A_1585, %select_n3A_1168, %add3A_1487], %gather3A_1532 : memref<2x8x8x128xf32, #tpu.memory_space<vmem>>[vector<16xi32>, vector<16xi32>, vector<16xi32>, vector<16xi32>], vector<16xf32>,
        %add3A_1586 = arith.constant 0 : i32
        %add3A_1587 = vector.broadcast %add3A_1586 : i32 to vector<16xi32>
        %add3A_1588 = arith.addi %select_n3A_802, %add3A_1587 : vector<16xi32>
        tpu.vector_store_idx %arg8[%broadcast_in_dim3A, %add3A_1588, %select_n3A_1190, %add3A_1487], %gather3A_1536 : memref<2x8x8x128xf32, #tpu.memory_space<vmem>>[vector<16xi32>, vector<16xi32>, vector<16xi32>, vector<16xi32>], vector<16xf32>,
        %add3A_1589 = arith.constant 0 : i32
        %add3A_1590 = vector.broadcast %add3A_1589 : i32 to vector<16xi32>
        %add3A_1591 = arith.addi %select_n3A_833, %add3A_1590 : vector<16xi32>
        tpu.vector_store_idx %arg8[%broadcast_in_dim3A, %add3A_1591, %select_n3A_1212, %add3A_1487], %gather3A_1540 : memref<2x8x8x128xf32, #tpu.memory_space<vmem>>[vector<16xi32>, vector<16xi32>, vector<16xi32>, vector<16xi32>], vector<16xf32>,
        %add3A_1592 = arith.constant 0 : i32
        %add3A_1593 = vector.broadcast %add3A_1592 : i32 to vector<16xi32>
        %add3A_1594 = arith.addi %select_n3A_864, %add3A_1593 : vector<16xi32>
        tpu.vector_store_idx %arg8[%broadcast_in_dim3A, %add3A_1594, %select_n3A_1234, %add3A_1487], %gather3A_1544 : memref<2x8x8x128xf32, #tpu.memory_space<vmem>>[vector<16xi32>, vector<16xi32>, vector<16xi32>, vector<16xi32>], vector<16xf32>,
        %add3A_1595 = arith.constant 0 : i32
        %add3A_1596 = vector.broadcast %add3A_1595 : i32 to vector<16xi32>
        %add3A_1597 = arith.addi %select_n3A_895, %add3A_1596 : vector<16xi32>
        tpu.vector_store_idx %arg8[%broadcast_in_dim3A, %add3A_1597, %select_n3A_1256, %add3A_1487], %gather3A_1548 : memref<2x8x8x128xf32, #tpu.memory_space<vmem>>[vector<16xi32>, vector<16xi32>, vector<16xi32>, vector<16xi32>], vector<16xf32>,
        %add3A_1598 = arith.constant 0 : i32
        %add3A_1599 = vector.broadcast %add3A_1598 : i32 to vector<16xi32>
        %add3A_1600 = arith.addi %select_n3A_926, %add3A_1599 : vector<16xi32>
        tpu.vector_store_idx %arg8[%broadcast_in_dim3A, %add3A_1600, %select_n3A_1278, %add3A_1487], %gather3A_1552 : memref<2x8x8x128xf32, #tpu.memory_space<vmem>>[vector<16xi32>, vector<16xi32>, vector<16xi32>, vector<16xi32>], vector<16xf32>,
        %add3A_1601 = arith.constant 16 : i32
        %add3A_1602 = vector.broadcast %add3A_1601 : i32 to vector<16xi32>
        %add3A_1603 = arith.addi %select_n3A_55, %add3A_1602 : vector<16xi32>
        %gather3A_1604 = tpu.vector_load_idx %arg7[%add3A_1489, %add3A_1603] : memref<256x128xf32, #tpu.memory_space<vmem>>[vector<16xi32>, vector<16xi32>], vector<16xf32>,
        %add3A_1605 = arith.constant 16 : i32
        %add3A_1606 = vector.broadcast %add3A_1605 : i32 to vector<16xi32>
        %add3A_1607 = arith.addi %select_n3A_80, %add3A_1606 : vector<16xi32>
        %gather3A_1608 = tpu.vector_load_idx %arg7[%add3A_1489, %add3A_1607] : memref<256x128xf32, #tpu.memory_space<vmem>>[vector<16xi32>, vector<16xi32>], vector<16xf32>,
        %add3A_1609 = arith.constant 16 : i32
        %add3A_1610 = vector.broadcast %add3A_1609 : i32 to vector<16xi32>
        %add3A_1611 = arith.addi %select_n3A_105, %add3A_1610 : vector<16xi32>
        %gather3A_1612 = tpu.vector_load_idx %arg7[%add3A_1489, %add3A_1611] : memref<256x128xf32, #tpu.memory_space<vmem>>[vector<16xi32>, vector<16xi32>], vector<16xf32>,
        %add3A_1613 = arith.constant 16 : i32
        %add3A_1614 = vector.broadcast %add3A_1613 : i32 to vector<16xi32>
        %add3A_1615 = arith.addi %select_n3A_130, %add3A_1614 : vector<16xi32>
        %gather3A_1616 = tpu.vector_load_idx %arg7[%add3A_1489, %add3A_1615] : memref<256x128xf32, #tpu.memory_space<vmem>>[vector<16xi32>, vector<16xi32>], vector<16xf32>,
        %add3A_1617 = arith.constant 16 : i32
        %add3A_1618 = vector.broadcast %add3A_1617 : i32 to vector<16xi32>
        %add3A_1619 = arith.addi %select_n3A_155, %add3A_1618 : vector<16xi32>
        %gather3A_1620 = tpu.vector_load_idx %arg7[%add3A_1489, %add3A_1619] : memref<256x128xf32, #tpu.memory_space<vmem>>[vector<16xi32>, vector<16xi32>], vector<16xf32>,
        %add3A_1621 = arith.constant 16 : i32
        %add3A_1622 = vector.broadcast %add3A_1621 : i32 to vector<16xi32>
        %add3A_1623 = arith.addi %select_n3A_180, %add3A_1622 : vector<16xi32>
        %gather3A_1624 = tpu.vector_load_idx %arg7[%add3A_1489, %add3A_1623] : memref<256x128xf32, #tpu.memory_space<vmem>>[vector<16xi32>, vector<16xi32>], vector<16xf32>,
        %add3A_1625 = arith.constant 16 : i32
        %add3A_1626 = vector.broadcast %add3A_1625 : i32 to vector<16xi32>
        %add3A_1627 = arith.addi %select_n3A_205, %add3A_1626 : vector<16xi32>
        %gather3A_1628 = tpu.vector_load_idx %arg7[%add3A_1489, %add3A_1627] : memref<256x128xf32, #tpu.memory_space<vmem>>[vector<16xi32>, vector<16xi32>], vector<16xf32>,
        %add3A_1629 = arith.constant 16 : i32
        %add3A_1630 = vector.broadcast %add3A_1629 : i32 to vector<16xi32>
        %add3A_1631 = arith.addi %select_n3A_230, %add3A_1630 : vector<16xi32>
        %gather3A_1632 = tpu.vector_load_idx %arg7[%add3A_1489, %add3A_1631] : memref<256x128xf32, #tpu.memory_space<vmem>>[vector<16xi32>, vector<16xi32>], vector<16xf32>,
        %add3A_1633 = arith.constant 16 : i32
        %add3A_1634 = vector.broadcast %add3A_1633 : i32 to vector<16xi32>
        %add3A_1635 = arith.addi %select_n3A_255, %add3A_1634 : vector<16xi32>
        %gather3A_1636 = tpu.vector_load_idx %arg7[%add3A_1489, %add3A_1635] : memref<256x128xf32, #tpu.memory_space<vmem>>[vector<16xi32>, vector<16xi32>], vector<16xf32>,
        %add3A_1637 = arith.constant 16 : i32
        %add3A_1638 = vector.broadcast %add3A_1637 : i32 to vector<16xi32>
        %add3A_1639 = arith.addi %select_n3A_280, %add3A_1638 : vector<16xi32>
        %gather3A_1640 = tpu.vector_load_idx %arg7[%add3A_1489, %add3A_1639] : memref<256x128xf32, #tpu.memory_space<vmem>>[vector<16xi32>, vector<16xi32>], vector<16xf32>,
        %add3A_1641 = arith.constant 16 : i32
        %add3A_1642 = vector.broadcast %add3A_1641 : i32 to vector<16xi32>
        %add3A_1643 = arith.addi %select_n3A_305, %add3A_1642 : vector<16xi32>
        %gather3A_1644 = tpu.vector_load_idx %arg7[%add3A_1489, %add3A_1643] : memref<256x128xf32, #tpu.memory_space<vmem>>[vector<16xi32>, vector<16xi32>], vector<16xf32>,
        %add3A_1645 = arith.constant 16 : i32
        %add3A_1646 = vector.broadcast %add3A_1645 : i32 to vector<16xi32>
        %add3A_1647 = arith.addi %select_n3A_330, %add3A_1646 : vector<16xi32>
        %gather3A_1648 = tpu.vector_load_idx %arg7[%add3A_1489, %add3A_1647] : memref<256x128xf32, #tpu.memory_space<vmem>>[vector<16xi32>, vector<16xi32>], vector<16xf32>,
        %add3A_1649 = arith.constant 16 : i32
        %add3A_1650 = vector.broadcast %add3A_1649 : i32 to vector<16xi32>
        %add3A_1651 = arith.addi %select_n3A_355, %add3A_1650 : vector<16xi32>
        %gather3A_1652 = tpu.vector_load_idx %arg7[%add3A_1489, %add3A_1651] : memref<256x128xf32, #tpu.memory_space<vmem>>[vector<16xi32>, vector<16xi32>], vector<16xf32>,
        %add3A_1653 = arith.constant 16 : i32
        %add3A_1654 = vector.broadcast %add3A_1653 : i32 to vector<16xi32>
        %add3A_1655 = arith.addi %select_n3A_380, %add3A_1654 : vector<16xi32>
        %gather3A_1656 = tpu.vector_load_idx %arg7[%add3A_1489, %add3A_1655] : memref<256x128xf32, #tpu.memory_space<vmem>>[vector<16xi32>, vector<16xi32>], vector<16xf32>,
        %add3A_1657 = arith.constant 16 : i32
        %add3A_1658 = vector.broadcast %add3A_1657 : i32 to vector<16xi32>
        %add3A_1659 = arith.addi %select_n3A_405, %add3A_1658 : vector<16xi32>
        %gather3A_1660 = tpu.vector_load_idx %arg7[%add3A_1489, %add3A_1659] : memref<256x128xf32, #tpu.memory_space<vmem>>[vector<16xi32>, vector<16xi32>], vector<16xf32>,
        %add3A_1661 = arith.constant 16 : i32
        %add3A_1662 = vector.broadcast %add3A_1661 : i32 to vector<16xi32>
        %add3A_1663 = arith.addi %select_n3A_430, %add3A_1662 : vector<16xi32>
        %gather3A_1664 = tpu.vector_load_idx %arg7[%add3A_1489, %add3A_1663] : memref<256x128xf32, #tpu.memory_space<vmem>>[vector<16xi32>, vector<16xi32>], vector<16xf32>,
        %add3A_1665 = arith.constant 2 : i32
        %add3A_1666 = vector.broadcast %add3A_1665 : i32 to vector<16xi32>
        %add3A_1667 = arith.addi %select_n3A_461, %add3A_1666 : vector<16xi32>
        tpu.vector_store_idx %arg8[%broadcast_in_dim3A, %add3A_1667, %select_n3A_948, %add3A_1487], %gather3A_1604 : memref<2x8x8x128xf32, #tpu.memory_space<vmem>>[vector<16xi32>, vector<16xi32>, vector<16xi32>, vector<16xi32>], vector<16xf32>,
        %add3A_1668 = arith.constant 2 : i32
        %add3A_1669 = vector.broadcast %add3A_1668 : i32 to vector<16xi32>
        %add3A_1670 = arith.addi %select_n3A_492, %add3A_1669 : vector<16xi32>
        tpu.vector_store_idx %arg8[%broadcast_in_dim3A, %add3A_1670, %select_n3A_970, %add3A_1487], %gather3A_1608 : memref<2x8x8x128xf32, #tpu.memory_space<vmem>>[vector<16xi32>, vector<16xi32>, vector<16xi32>, vector<16xi32>], vector<16xf32>,
        %add3A_1671 = arith.constant 2 : i32
        %add3A_1672 = vector.broadcast %add3A_1671 : i32 to vector<16xi32>
        %add3A_1673 = arith.addi %select_n3A_523, %add3A_1672 : vector<16xi32>
        tpu.vector_store_idx %arg8[%broadcast_in_dim3A, %add3A_1673, %select_n3A_992, %add3A_1487], %gather3A_1612 : memref<2x8x8x128xf32, #tpu.memory_space<vmem>>[vector<16xi32>, vector<16xi32>, vector<16xi32>, vector<16xi32>], vector<16xf32>,
        %add3A_1674 = arith.constant 2 : i32
        %add3A_1675 = vector.broadcast %add3A_1674 : i32 to vector<16xi32>
        %add3A_1676 = arith.addi %select_n3A_554, %add3A_1675 : vector<16xi32>
        tpu.vector_store_idx %arg8[%broadcast_in_dim3A, %add3A_1676, %select_n3A_1014, %add3A_1487], %gather3A_1616 : memref<2x8x8x128xf32, #tpu.memory_space<vmem>>[vector<16xi32>, vector<16xi32>, vector<16xi32>, vector<16xi32>], vector<16xf32>,
        %add3A_1677 = arith.constant 2 : i32
        %add3A_1678 = vector.broadcast %add3A_1677 : i32 to vector<16xi32>
        %add3A_1679 = arith.addi %select_n3A_585, %add3A_1678 : vector<16xi32>
        tpu.vector_store_idx %arg8[%broadcast_in_dim3A, %add3A_1679, %select_n3A_1036, %add3A_1487], %gather3A_1620 : memref<2x8x8x128xf32, #tpu.memory_space<vmem>>[vector<16xi32>, vector<16xi32>, vector<16xi32>, vector<16xi32>], vector<16xf32>,
        %add3A_1680 = arith.constant 2 : i32
        %add3A_1681 = vector.broadcast %add3A_1680 : i32 to vector<16xi32>
        %add3A_1682 = arith.addi %select_n3A_616, %add3A_1681 : vector<16xi32>
        tpu.vector_store_idx %arg8[%broadcast_in_dim3A, %add3A_1682, %select_n3A_1058, %add3A_1487], %gather3A_1624 : memref<2x8x8x128xf32, #tpu.memory_space<vmem>>[vector<16xi32>, vector<16xi32>, vector<16xi32>, vector<16xi32>], vector<16xf32>,
        %add3A_1683 = arith.constant 2 : i32
        %add3A_1684 = vector.broadcast %add3A_1683 : i32 to vector<16xi32>
        %add3A_1685 = arith.addi %select_n3A_647, %add3A_1684 : vector<16xi32>
        tpu.vector_store_idx %arg8[%broadcast_in_dim3A, %add3A_1685, %select_n3A_1080, %add3A_1487], %gather3A_1628 : memref<2x8x8x128xf32, #tpu.memory_space<vmem>>[vector<16xi32>, vector<16xi32>, vector<16xi32>, vector<16xi32>], vector<16xf32>,
        %add3A_1686 = arith.constant 2 : i32
        %add3A_1687 = vector.broadcast %add3A_1686 : i32 to vector<16xi32>
        %add3A_1688 = arith.addi %select_n3A_678, %add3A_1687 : vector<16xi32>
        tpu.vector_store_idx %arg8[%broadcast_in_dim3A, %add3A_1688, %select_n3A_1102, %add3A_1487], %gather3A_1632 : memref<2x8x8x128xf32, #tpu.memory_space<vmem>>[vector<16xi32>, vector<16xi32>, vector<16xi32>, vector<16xi32>], vector<16xf32>,
        %add3A_1689 = arith.constant 2 : i32
        %add3A_1690 = vector.broadcast %add3A_1689 : i32 to vector<16xi32>
        %add3A_1691 = arith.addi %select_n3A_709, %add3A_1690 : vector<16xi32>
        tpu.vector_store_idx %arg8[%broadcast_in_dim3A, %add3A_1691, %select_n3A_1124, %add3A_1487], %gather3A_1636 : memref<2x8x8x128xf32, #tpu.memory_space<vmem>>[vector<16xi32>, vector<16xi32>, vector<16xi32>, vector<16xi32>], vector<16xf32>,
        %add3A_1692 = arith.constant 2 : i32
        %add3A_1693 = vector.broadcast %add3A_1692 : i32 to vector<16xi32>
        %add3A_1694 = arith.addi %select_n3A_740, %add3A_1693 : vector<16xi32>
        tpu.vector_store_idx %arg8[%broadcast_in_dim3A, %add3A_1694, %select_n3A_1146, %add3A_1487], %gather3A_1640 : memref<2x8x8x128xf32, #tpu.memory_space<vmem>>[vector<16xi32>, vector<16xi32>, vector<16xi32>, vector<16xi32>], vector<16xf32>,
        %add3A_1695 = arith.constant 2 : i32
        %add3A_1696 = vector.broadcast %add3A_1695 : i32 to vector<16xi32>
        %add3A_1697 = arith.addi %select_n3A_771, %add3A_1696 : vector<16xi32>
        tpu.vector_store_idx %arg8[%broadcast_in_dim3A, %add3A_1697, %select_n3A_1168, %add3A_1487], %gather3A_1644 : memref<2x8x8x128xf32, #tpu.memory_space<vmem>>[vector<16xi32>, vector<16xi32>, vector<16xi32>, vector<16xi32>], vector<16xf32>,
        %add3A_1698 = arith.constant 2 : i32
        %add3A_1699 = vector.broadcast %add3A_1698 : i32 to vector<16xi32>
        %add3A_1700 = arith.addi %select_n3A_802, %add3A_1699 : vector<16xi32>
        tpu.vector_store_idx %arg8[%broadcast_in_dim3A, %add3A_1700, %select_n3A_1190, %add3A_1487], %gather3A_1648 : memref<2x8x8x128xf32, #tpu.memory_space<vmem>>[vector<16xi32>, vector<16xi32>, vector<16xi32>, vector<16xi32>], vector<16xf32>,
        %add3A_1701 = arith.constant 2 : i32
        %add3A_1702 = vector.broadcast %add3A_1701 : i32 to vector<16xi32>
        %add3A_1703 = arith.addi %select_n3A_833, %add3A_1702 : vector<16xi32>
        tpu.vector_store_idx %arg8[%broadcast_in_dim3A, %add3A_1703, %select_n3A_1212, %add3A_1487], %gather3A_1652 : memref<2x8x8x128xf32, #tpu.memory_space<vmem>>[vector<16xi32>, vector<16xi32>, vector<16xi32>, vector<16xi32>], vector<16xf32>,
        %add3A_1704 = arith.constant 2 : i32
        %add3A_1705 = vector.broadcast %add3A_1704 : i32 to vector<16xi32>
        %add3A_1706 = arith.addi %select_n3A_864, %add3A_1705 : vector<16xi32>
        tpu.vector_store_idx %arg8[%broadcast_in_dim3A, %add3A_1706, %select_n3A_1234, %add3A_1487], %gather3A_1656 : memref<2x8x8x128xf32, #tpu.memory_space<vmem>>[vector<16xi32>, vector<16xi32>, vector<16xi32>, vector<16xi32>], vector<16xf32>,
        %add3A_1707 = arith.constant 2 : i32
        %add3A_1708 = vector.broadcast %add3A_1707 : i32 to vector<16xi32>
        %add3A_1709 = arith.addi %select_n3A_895, %add3A_1708 : vector<16xi32>
        tpu.vector_store_idx %arg8[%broadcast_in_dim3A, %add3A_1709, %select_n3A_1256, %add3A_1487], %gather3A_1660 : memref<2x8x8x128xf32, #tpu.memory_space<vmem>>[vector<16xi32>, vector<16xi32>, vector<16xi32>, vector<16xi32>], vector<16xf32>,
        %add3A_1710 = arith.constant 2 : i32
        %add3A_1711 = vector.broadcast %add3A_1710 : i32 to vector<16xi32>
        %add3A_1712 = arith.addi %select_n3A_926, %add3A_1711 : vector<16xi32>
        tpu.vector_store_idx %arg8[%broadcast_in_dim3A, %add3A_1712, %select_n3A_1278, %add3A_1487], %gather3A_1664 : memref<2x8x8x128xf32, #tpu.memory_space<vmem>>[vector<16xi32>, vector<16xi32>, vector<16xi32>, vector<16xi32>], vector<16xf32>,
        %add3A_1713 = arith.constant 32 : i32
        %add3A_1714 = vector.broadcast %add3A_1713 : i32 to vector<16xi32>
        %add3A_1715 = arith.addi %select_n3A_55, %add3A_1714 : vector<16xi32>
        %gather3A_1716 = tpu.vector_load_idx %arg7[%add3A_1489, %add3A_1715] : memref<256x128xf32, #tpu.memory_space<vmem>>[vector<16xi32>, vector<16xi32>], vector<16xf32>,
        %add3A_1717 = arith.constant 32 : i32
        %add3A_1718 = vector.broadcast %add3A_1717 : i32 to vector<16xi32>
        %add3A_1719 = arith.addi %select_n3A_80, %add3A_1718 : vector<16xi32>
        %gather3A_1720 = tpu.vector_load_idx %arg7[%add3A_1489, %add3A_1719] : memref<256x128xf32, #tpu.memory_space<vmem>>[vector<16xi32>, vector<16xi32>], vector<16xf32>,
        %add3A_1721 = arith.constant 32 : i32
        %add3A_1722 = vector.broadcast %add3A_1721 : i32 to vector<16xi32>
        %add3A_1723 = arith.addi %select_n3A_105, %add3A_1722 : vector<16xi32>
        %gather3A_1724 = tpu.vector_load_idx %arg7[%add3A_1489, %add3A_1723] : memref<256x128xf32, #tpu.memory_space<vmem>>[vector<16xi32>, vector<16xi32>], vector<16xf32>,
        %add3A_1725 = arith.constant 32 : i32
        %add3A_1726 = vector.broadcast %add3A_1725 : i32 to vector<16xi32>
        %add3A_1727 = arith.addi %select_n3A_130, %add3A_1726 : vector<16xi32>
        %gather3A_1728 = tpu.vector_load_idx %arg7[%add3A_1489, %add3A_1727] : memref<256x128xf32, #tpu.memory_space<vmem>>[vector<16xi32>, vector<16xi32>], vector<16xf32>,
        %add3A_1729 = arith.constant 32 : i32
        %add3A_1730 = vector.broadcast %add3A_1729 : i32 to vector<16xi32>
        %add3A_1731 = arith.addi %select_n3A_155, %add3A_1730 : vector<16xi32>
        %gather3A_1732 = tpu.vector_load_idx %arg7[%add3A_1489, %add3A_1731] : memref<256x128xf32, #tpu.memory_space<vmem>>[vector<16xi32>, vector<16xi32>], vector<16xf32>,
        %add3A_1733 = arith.constant 32 : i32
        %add3A_1734 = vector.broadcast %add3A_1733 : i32 to vector<16xi32>
        %add3A_1735 = arith.addi %select_n3A_180, %add3A_1734 : vector<16xi32>
        %gather3A_1736 = tpu.vector_load_idx %arg7[%add3A_1489, %add3A_1735] : memref<256x128xf32, #tpu.memory_space<vmem>>[vector<16xi32>, vector<16xi32>], vector<16xf32>,
        %add3A_1737 = arith.constant 32 : i32
        %add3A_1738 = vector.broadcast %add3A_1737 : i32 to vector<16xi32>
        %add3A_1739 = arith.addi %select_n3A_205, %add3A_1738 : vector<16xi32>
        %gather3A_1740 = tpu.vector_load_idx %arg7[%add3A_1489, %add3A_1739] : memref<256x128xf32, #tpu.memory_space<vmem>>[vector<16xi32>, vector<16xi32>], vector<16xf32>,
        %add3A_1741 = arith.constant 32 : i32
        %add3A_1742 = vector.broadcast %add3A_1741 : i32 to vector<16xi32>
        %add3A_1743 = arith.addi %select_n3A_230, %add3A_1742 : vector<16xi32>
        %gather3A_1744 = tpu.vector_load_idx %arg7[%add3A_1489, %add3A_1743] : memref<256x128xf32, #tpu.memory_space<vmem>>[vector<16xi32>, vector<16xi32>], vector<16xf32>,
        %add3A_1745 = arith.constant 32 : i32
        %add3A_1746 = vector.broadcast %add3A_1745 : i32 to vector<16xi32>
        %add3A_1747 = arith.addi %select_n3A_255, %add3A_1746 : vector<16xi32>
        %gather3A_1748 = tpu.vector_load_idx %arg7[%add3A_1489, %add3A_1747] : memref<256x128xf32, #tpu.memory_space<vmem>>[vector<16xi32>, vector<16xi32>], vector<16xf32>,
        %add3A_1749 = arith.constant 32 : i32
        %add3A_1750 = vector.broadcast %add3A_1749 : i32 to vector<16xi32>
        %add3A_1751 = arith.addi %select_n3A_280, %add3A_1750 : vector<16xi32>
        %gather3A_1752 = tpu.vector_load_idx %arg7[%add3A_1489, %add3A_1751] : memref<256x128xf32, #tpu.memory_space<vmem>>[vector<16xi32>, vector<16xi32>], vector<16xf32>,
        %add3A_1753 = arith.constant 32 : i32
        %add3A_1754 = vector.broadcast %add3A_1753 : i32 to vector<16xi32>
        %add3A_1755 = arith.addi %select_n3A_305, %add3A_1754 : vector<16xi32>
        %gather3A_1756 = tpu.vector_load_idx %arg7[%add3A_1489, %add3A_1755] : memref<256x128xf32, #tpu.memory_space<vmem>>[vector<16xi32>, vector<16xi32>], vector<16xf32>,
        %add3A_1757 = arith.constant 32 : i32
        %add3A_1758 = vector.broadcast %add3A_1757 : i32 to vector<16xi32>
        %add3A_1759 = arith.addi %select_n3A_330, %add3A_1758 : vector<16xi32>
        %gather3A_1760 = tpu.vector_load_idx %arg7[%add3A_1489, %add3A_1759] : memref<256x128xf32, #tpu.memory_space<vmem>>[vector<16xi32>, vector<16xi32>], vector<16xf32>,
        %add3A_1761 = arith.constant 32 : i32
        %add3A_1762 = vector.broadcast %add3A_1761 : i32 to vector<16xi32>
        %add3A_1763 = arith.addi %select_n3A_355, %add3A_1762 : vector<16xi32>
        %gather3A_1764 = tpu.vector_load_idx %arg7[%add3A_1489, %add3A_1763] : memref<256x128xf32, #tpu.memory_space<vmem>>[vector<16xi32>, vector<16xi32>], vector<16xf32>,
        %add3A_1765 = arith.constant 32 : i32
        %add3A_1766 = vector.broadcast %add3A_1765 : i32 to vector<16xi32>
        %add3A_1767 = arith.addi %select_n3A_380, %add3A_1766 : vector<16xi32>
        %gather3A_1768 = tpu.vector_load_idx %arg7[%add3A_1489, %add3A_1767] : memref<256x128xf32, #tpu.memory_space<vmem>>[vector<16xi32>, vector<16xi32>], vector<16xf32>,
        %add3A_1769 = arith.constant 32 : i32
        %add3A_1770 = vector.broadcast %add3A_1769 : i32 to vector<16xi32>
        %add3A_1771 = arith.addi %select_n3A_405, %add3A_1770 : vector<16xi32>
        %gather3A_1772 = tpu.vector_load_idx %arg7[%add3A_1489, %add3A_1771] : memref<256x128xf32, #tpu.memory_space<vmem>>[vector<16xi32>, vector<16xi32>], vector<16xf32>,
        %add3A_1773 = arith.constant 32 : i32
        %add3A_1774 = vector.broadcast %add3A_1773 : i32 to vector<16xi32>
        %add3A_1775 = arith.addi %select_n3A_430, %add3A_1774 : vector<16xi32>
        %gather3A_1776 = tpu.vector_load_idx %arg7[%add3A_1489, %add3A_1775] : memref<256x128xf32, #tpu.memory_space<vmem>>[vector<16xi32>, vector<16xi32>], vector<16xf32>,
        %add3A_1777 = arith.constant 4 : i32
        %add3A_1778 = vector.broadcast %add3A_1777 : i32 to vector<16xi32>
        %add3A_1779 = arith.addi %select_n3A_461, %add3A_1778 : vector<16xi32>
        tpu.vector_store_idx %arg8[%broadcast_in_dim3A, %add3A_1779, %select_n3A_948, %add3A_1487], %gather3A_1716 : memref<2x8x8x128xf32, #tpu.memory_space<vmem>>[vector<16xi32>, vector<16xi32>, vector<16xi32>, vector<16xi32>], vector<16xf32>,
        %add3A_1780 = arith.constant 4 : i32
        %add3A_1781 = vector.broadcast %add3A_1780 : i32 to vector<16xi32>
        %add3A_1782 = arith.addi %select_n3A_492, %add3A_1781 : vector<16xi32>
        tpu.vector_store_idx %arg8[%broadcast_in_dim3A, %add3A_1782, %select_n3A_970, %add3A_1487], %gather3A_1720 : memref<2x8x8x128xf32, #tpu.memory_space<vmem>>[vector<16xi32>, vector<16xi32>, vector<16xi32>, vector<16xi32>], vector<16xf32>,
        %add3A_1783 = arith.constant 4 : i32
        %add3A_1784 = vector.broadcast %add3A_1783 : i32 to vector<16xi32>
        %add3A_1785 = arith.addi %select_n3A_523, %add3A_1784 : vector<16xi32>
        tpu.vector_store_idx %arg8[%broadcast_in_dim3A, %add3A_1785, %select_n3A_992, %add3A_1487], %gather3A_1724 : memref<2x8x8x128xf32, #tpu.memory_space<vmem>>[vector<16xi32>, vector<16xi32>, vector<16xi32>, vector<16xi32>], vector<16xf32>,
        %add3A_1786 = arith.constant 4 : i32
        %add3A_1787 = vector.broadcast %add3A_1786 : i32 to vector<16xi32>
        %add3A_1788 = arith.addi %select_n3A_554, %add3A_1787 : vector<16xi32>
        tpu.vector_store_idx %arg8[%broadcast_in_dim3A, %add3A_1788, %select_n3A_1014, %add3A_1487], %gather3A_1728 : memref<2x8x8x128xf32, #tpu.memory_space<vmem>>[vector<16xi32>, vector<16xi32>, vector<16xi32>, vector<16xi32>], vector<16xf32>,
        %add3A_1789 = arith.constant 4 : i32
        %add3A_1790 = vector.broadcast %add3A_1789 : i32 to vector<16xi32>
        %add3A_1791 = arith.addi %select_n3A_585, %add3A_1790 : vector<16xi32>
        tpu.vector_store_idx %arg8[%broadcast_in_dim3A, %add3A_1791, %select_n3A_1036, %add3A_1487], %gather3A_1732 : memref<2x8x8x128xf32, #tpu.memory_space<vmem>>[vector<16xi32>, vector<16xi32>, vector<16xi32>, vector<16xi32>], vector<16xf32>,
        %add3A_1792 = arith.constant 4 : i32
        %add3A_1793 = vector.broadcast %add3A_1792 : i32 to vector<16xi32>
        %add3A_1794 = arith.addi %select_n3A_616, %add3A_1793 : vector<16xi32>
        tpu.vector_store_idx %arg8[%broadcast_in_dim3A, %add3A_1794, %select_n3A_1058, %add3A_1487], %gather3A_1736 : memref<2x8x8x128xf32, #tpu.memory_space<vmem>>[vector<16xi32>, vector<16xi32>, vector<16xi32>, vector<16xi32>], vector<16xf32>,
        %add3A_1795 = arith.constant 4 : i32
        %add3A_1796 = vector.broadcast %add3A_1795 : i32 to vector<16xi32>
        %add3A_1797 = arith.addi %select_n3A_647, %add3A_1796 : vector<16xi32>
        tpu.vector_store_idx %arg8[%broadcast_in_dim3A, %add3A_1797, %select_n3A_1080, %add3A_1487], %gather3A_1740 : memref<2x8x8x128xf32, #tpu.memory_space<vmem>>[vector<16xi32>, vector<16xi32>, vector<16xi32>, vector<16xi32>], vector<16xf32>,
        %add3A_1798 = arith.constant 4 : i32
        %add3A_1799 = vector.broadcast %add3A_1798 : i32 to vector<16xi32>
        %add3A_1800 = arith.addi %select_n3A_678, %add3A_1799 : vector<16xi32>
        tpu.vector_store_idx %arg8[%broadcast_in_dim3A, %add3A_1800, %select_n3A_1102, %add3A_1487], %gather3A_1744 : memref<2x8x8x128xf32, #tpu.memory_space<vmem>>[vector<16xi32>, vector<16xi32>, vector<16xi32>, vector<16xi32>], vector<16xf32>,
        %add3A_1801 = arith.constant 4 : i32
        %add3A_1802 = vector.broadcast %add3A_1801 : i32 to vector<16xi32>
        %add3A_1803 = arith.addi %select_n3A_709, %add3A_1802 : vector<16xi32>
        tpu.vector_store_idx %arg8[%broadcast_in_dim3A, %add3A_1803, %select_n3A_1124, %add3A_1487], %gather3A_1748 : memref<2x8x8x128xf32, #tpu.memory_space<vmem>>[vector<16xi32>, vector<16xi32>, vector<16xi32>, vector<16xi32>], vector<16xf32>,
        %add3A_1804 = arith.constant 4 : i32
        %add3A_1805 = vector.broadcast %add3A_1804 : i32 to vector<16xi32>
        %add3A_1806 = arith.addi %select_n3A_740, %add3A_1805 : vector<16xi32>
        tpu.vector_store_idx %arg8[%broadcast_in_dim3A, %add3A_1806, %select_n3A_1146, %add3A_1487], %gather3A_1752 : memref<2x8x8x128xf32, #tpu.memory_space<vmem>>[vector<16xi32>, vector<16xi32>, vector<16xi32>, vector<16xi32>], vector<16xf32>,
        %add3A_1807 = arith.constant 4 : i32
        %add3A_1808 = vector.broadcast %add3A_1807 : i32 to vector<16xi32>
        %add3A_1809 = arith.addi %select_n3A_771, %add3A_1808 : vector<16xi32>
        tpu.vector_store_idx %arg8[%broadcast_in_dim3A, %add3A_1809, %select_n3A_1168, %add3A_1487], %gather3A_1756 : memref<2x8x8x128xf32, #tpu.memory_space<vmem>>[vector<16xi32>, vector<16xi32>, vector<16xi32>, vector<16xi32>], vector<16xf32>,
        %add3A_1810 = arith.constant 4 : i32
        %add3A_1811 = vector.broadcast %add3A_1810 : i32 to vector<16xi32>
        %add3A_1812 = arith.addi %select_n3A_802, %add3A_1811 : vector<16xi32>
        tpu.vector_store_idx %arg8[%broadcast_in_dim3A, %add3A_1812, %select_n3A_1190, %add3A_1487], %gather3A_1760 : memref<2x8x8x128xf32, #tpu.memory_space<vmem>>[vector<16xi32>, vector<16xi32>, vector<16xi32>, vector<16xi32>], vector<16xf32>,
        %add3A_1813 = arith.constant 4 : i32
        %add3A_1814 = vector.broadcast %add3A_1813 : i32 to vector<16xi32>
        %add3A_1815 = arith.addi %select_n3A_833, %add3A_1814 : vector<16xi32>
        tpu.vector_store_idx %arg8[%broadcast_in_dim3A, %add3A_1815, %select_n3A_1212, %add3A_1487], %gather3A_1764 : memref<2x8x8x128xf32, #tpu.memory_space<vmem>>[vector<16xi32>, vector<16xi32>, vector<16xi32>, vector<16xi32>], vector<16xf32>,
        %add3A_1816 = arith.constant 4 : i32
        %add3A_1817 = vector.broadcast %add3A_1816 : i32 to vector<16xi32>
        %add3A_1818 = arith.addi %select_n3A_864, %add3A_1817 : vector<16xi32>
        tpu.vector_store_idx %arg8[%broadcast_in_dim3A, %add3A_1818, %select_n3A_1234, %add3A_1487], %gather3A_1768 : memref<2x8x8x128xf32, #tpu.memory_space<vmem>>[vector<16xi32>, vector<16xi32>, vector<16xi32>, vector<16xi32>], vector<16xf32>,
        %add3A_1819 = arith.constant 4 : i32
        %add3A_1820 = vector.broadcast %add3A_1819 : i32 to vector<16xi32>
        %add3A_1821 = arith.addi %select_n3A_895, %add3A_1820 : vector<16xi32>
        tpu.vector_store_idx %arg8[%broadcast_in_dim3A, %add3A_1821, %select_n3A_1256, %add3A_1487], %gather3A_1772 : memref<2x8x8x128xf32, #tpu.memory_space<vmem>>[vector<16xi32>, vector<16xi32>, vector<16xi32>, vector<16xi32>], vector<16xf32>,
        %add3A_1822 = arith.constant 4 : i32
        %add3A_1823 = vector.broadcast %add3A_1822 : i32 to vector<16xi32>
        %add3A_1824 = arith.addi %select_n3A_926, %add3A_1823 : vector<16xi32>
        tpu.vector_store_idx %arg8[%broadcast_in_dim3A, %add3A_1824, %select_n3A_1278, %add3A_1487], %gather3A_1776 : memref<2x8x8x128xf32, #tpu.memory_space<vmem>>[vector<16xi32>, vector<16xi32>, vector<16xi32>, vector<16xi32>], vector<16xf32>,
        %add3A_1825 = arith.constant 48 : i32
        %add3A_1826 = vector.broadcast %add3A_1825 : i32 to vector<16xi32>
        %add3A_1827 = arith.addi %select_n3A_55, %add3A_1826 : vector<16xi32>
        %gather3A_1828 = tpu.vector_load_idx %arg7[%add3A_1489, %add3A_1827] : memref<256x128xf32, #tpu.memory_space<vmem>>[vector<16xi32>, vector<16xi32>], vector<16xf32>,
        %add3A_1829 = arith.constant 48 : i32
        %add3A_1830 = vector.broadcast %add3A_1829 : i32 to vector<16xi32>
        %add3A_1831 = arith.addi %select_n3A_80, %add3A_1830 : vector<16xi32>
        %gather3A_1832 = tpu.vector_load_idx %arg7[%add3A_1489, %add3A_1831] : memref<256x128xf32, #tpu.memory_space<vmem>>[vector<16xi32>, vector<16xi32>], vector<16xf32>,
        %add3A_1833 = arith.constant 48 : i32
        %add3A_1834 = vector.broadcast %add3A_1833 : i32 to vector<16xi32>
        %add3A_1835 = arith.addi %select_n3A_105, %add3A_1834 : vector<16xi32>
        %gather3A_1836 = tpu.vector_load_idx %arg7[%add3A_1489, %add3A_1835] : memref<256x128xf32, #tpu.memory_space<vmem>>[vector<16xi32>, vector<16xi32>], vector<16xf32>,
        %add3A_1837 = arith.constant 48 : i32
        %add3A_1838 = vector.broadcast %add3A_1837 : i32 to vector<16xi32>
        %add3A_1839 = arith.addi %select_n3A_130, %add3A_1838 : vector<16xi32>
        %gather3A_1840 = tpu.vector_load_idx %arg7[%add3A_1489, %add3A_1839] : memref<256x128xf32, #tpu.memory_space<vmem>>[vector<16xi32>, vector<16xi32>], vector<16xf32>,
        %add3A_1841 = arith.constant 48 : i32
        %add3A_1842 = vector.broadcast %add3A_1841 : i32 to vector<16xi32>
        %add3A_1843 = arith.addi %select_n3A_155, %add3A_1842 : vector<16xi32>
        %gather3A_1844 = tpu.vector_load_idx %arg7[%add3A_1489, %add3A_1843] : memref<256x128xf32, #tpu.memory_space<vmem>>[vector<16xi32>, vector<16xi32>], vector<16xf32>,
        %add3A_1845 = arith.constant 48 : i32
        %add3A_1846 = vector.broadcast %add3A_1845 : i32 to vector<16xi32>
        %add3A_1847 = arith.addi %select_n3A_180, %add3A_1846 : vector<16xi32>
        %gather3A_1848 = tpu.vector_load_idx %arg7[%add3A_1489, %add3A_1847] : memref<256x128xf32, #tpu.memory_space<vmem>>[vector<16xi32>, vector<16xi32>], vector<16xf32>,
        %add3A_1849 = arith.constant 48 : i32
        %add3A_1850 = vector.broadcast %add3A_1849 : i32 to vector<16xi32>
        %add3A_1851 = arith.addi %select_n3A_205, %add3A_1850 : vector<16xi32>
        %gather3A_1852 = tpu.vector_load_idx %arg7[%add3A_1489, %add3A_1851] : memref<256x128xf32, #tpu.memory_space<vmem>>[vector<16xi32>, vector<16xi32>], vector<16xf32>,
        %add3A_1853 = arith.constant 48 : i32
        %add3A_1854 = vector.broadcast %add3A_1853 : i32 to vector<16xi32>
        %add3A_1855 = arith.addi %select_n3A_230, %add3A_1854 : vector<16xi32>
        %gather3A_1856 = tpu.vector_load_idx %arg7[%add3A_1489, %add3A_1855] : memref<256x128xf32, #tpu.memory_space<vmem>>[vector<16xi32>, vector<16xi32>], vector<16xf32>,
        %add3A_1857 = arith.constant 48 : i32
        %add3A_1858 = vector.broadcast %add3A_1857 : i32 to vector<16xi32>
        %add3A_1859 = arith.addi %select_n3A_255, %add3A_1858 : vector<16xi32>
        %gather3A_1860 = tpu.vector_load_idx %arg7[%add3A_1489, %add3A_1859] : memref<256x128xf32, #tpu.memory_space<vmem>>[vector<16xi32>, vector<16xi32>], vector<16xf32>,
        %add3A_1861 = arith.constant 48 : i32
        %add3A_1862 = vector.broadcast %add3A_1861 : i32 to vector<16xi32>
        %add3A_1863 = arith.addi %select_n3A_280, %add3A_1862 : vector<16xi32>
        %gather3A_1864 = tpu.vector_load_idx %arg7[%add3A_1489, %add3A_1863] : memref<256x128xf32, #tpu.memory_space<vmem>>[vector<16xi32>, vector<16xi32>], vector<16xf32>,
        %add3A_1865 = arith.constant 48 : i32
        %add3A_1866 = vector.broadcast %add3A_1865 : i32 to vector<16xi32>
        %add3A_1867 = arith.addi %select_n3A_305, %add3A_1866 : vector<16xi32>
        %gather3A_1868 = tpu.vector_load_idx %arg7[%add3A_1489, %add3A_1867] : memref<256x128xf32, #tpu.memory_space<vmem>>[vector<16xi32>, vector<16xi32>], vector<16xf32>,
        %add3A_1869 = arith.constant 48 : i32
        %add3A_1870 = vector.broadcast %add3A_1869 : i32 to vector<16xi32>
        %add3A_1871 = arith.addi %select_n3A_330, %add3A_1870 : vector<16xi32>
        %gather3A_1872 = tpu.vector_load_idx %arg7[%add3A_1489, %add3A_1871] : memref<256x128xf32, #tpu.memory_space<vmem>>[vector<16xi32>, vector<16xi32>], vector<16xf32>,
        %add3A_1873 = arith.constant 48 : i32
        %add3A_1874 = vector.broadcast %add3A_1873 : i32 to vector<16xi32>
        %add3A_1875 = arith.addi %select_n3A_355, %add3A_1874 : vector<16xi32>
        %gather3A_1876 = tpu.vector_load_idx %arg7[%add3A_1489, %add3A_1875] : memref<256x128xf32, #tpu.memory_space<vmem>>[vector<16xi32>, vector<16xi32>], vector<16xf32>,
        %add3A_1877 = arith.constant 48 : i32
        %add3A_1878 = vector.broadcast %add3A_1877 : i32 to vector<16xi32>
        %add3A_1879 = arith.addi %select_n3A_380, %add3A_1878 : vector<16xi32>
        %gather3A_1880 = tpu.vector_load_idx %arg7[%add3A_1489, %add3A_1879] : memref<256x128xf32, #tpu.memory_space<vmem>>[vector<16xi32>, vector<16xi32>], vector<16xf32>,
        %add3A_1881 = arith.constant 48 : i32
        %add3A_1882 = vector.broadcast %add3A_1881 : i32 to vector<16xi32>
        %add3A_1883 = arith.addi %select_n3A_405, %add3A_1882 : vector<16xi32>
        %gather3A_1884 = tpu.vector_load_idx %arg7[%add3A_1489, %add3A_1883] : memref<256x128xf32, #tpu.memory_space<vmem>>[vector<16xi32>, vector<16xi32>], vector<16xf32>,
        %add3A_1885 = arith.constant 48 : i32
        %add3A_1886 = vector.broadcast %add3A_1885 : i32 to vector<16xi32>
        %add3A_1887 = arith.addi %select_n3A_430, %add3A_1886 : vector<16xi32>
        %gather3A_1888 = tpu.vector_load_idx %arg7[%add3A_1489, %add3A_1887] : memref<256x128xf32, #tpu.memory_space<vmem>>[vector<16xi32>, vector<16xi32>], vector<16xf32>,
        %add3A_1889 = arith.constant 6 : i32
        %add3A_1890 = vector.broadcast %add3A_1889 : i32 to vector<16xi32>
        %add3A_1891 = arith.addi %select_n3A_461, %add3A_1890 : vector<16xi32>
        tpu.vector_store_idx %arg8[%broadcast_in_dim3A, %add3A_1891, %select_n3A_948, %add3A_1487], %gather3A_1828 : memref<2x8x8x128xf32, #tpu.memory_space<vmem>>[vector<16xi32>, vector<16xi32>, vector<16xi32>, vector<16xi32>], vector<16xf32>,
        %add3A_1892 = arith.constant 6 : i32
        %add3A_1893 = vector.broadcast %add3A_1892 : i32 to vector<16xi32>
        %add3A_1894 = arith.addi %select_n3A_492, %add3A_1893 : vector<16xi32>
        tpu.vector_store_idx %arg8[%broadcast_in_dim3A, %add3A_1894, %select_n3A_970, %add3A_1487], %gather3A_1832 : memref<2x8x8x128xf32, #tpu.memory_space<vmem>>[vector<16xi32>, vector<16xi32>, vector<16xi32>, vector<16xi32>], vector<16xf32>,
        %add3A_1895 = arith.constant 6 : i32
        %add3A_1896 = vector.broadcast %add3A_1895 : i32 to vector<16xi32>
        %add3A_1897 = arith.addi %select_n3A_523, %add3A_1896 : vector<16xi32>
        tpu.vector_store_idx %arg8[%broadcast_in_dim3A, %add3A_1897, %select_n3A_992, %add3A_1487], %gather3A_1836 : memref<2x8x8x128xf32, #tpu.memory_space<vmem>>[vector<16xi32>, vector<16xi32>, vector<16xi32>, vector<16xi32>], vector<16xf32>,
        %add3A_1898 = arith.constant 6 : i32
        %add3A_1899 = vector.broadcast %add3A_1898 : i32 to vector<16xi32>
        %add3A_1900 = arith.addi %select_n3A_554, %add3A_1899 : vector<16xi32>
        tpu.vector_store_idx %arg8[%broadcast_in_dim3A, %add3A_1900, %select_n3A_1014, %add3A_1487], %gather3A_1840 : memref<2x8x8x128xf32, #tpu.memory_space<vmem>>[vector<16xi32>, vector<16xi32>, vector<16xi32>, vector<16xi32>], vector<16xf32>,
        %add3A_1901 = arith.constant 6 : i32
        %add3A_1902 = vector.broadcast %add3A_1901 : i32 to vector<16xi32>
        %add3A_1903 = arith.addi %select_n3A_585, %add3A_1902 : vector<16xi32>
        tpu.vector_store_idx %arg8[%broadcast_in_dim3A, %add3A_1903, %select_n3A_1036, %add3A_1487], %gather3A_1844 : memref<2x8x8x128xf32, #tpu.memory_space<vmem>>[vector<16xi32>, vector<16xi32>, vector<16xi32>, vector<16xi32>], vector<16xf32>,
        %add3A_1904 = arith.constant 6 : i32
        %add3A_1905 = vector.broadcast %add3A_1904 : i32 to vector<16xi32>
        %add3A_1906 = arith.addi %select_n3A_616, %add3A_1905 : vector<16xi32>
        tpu.vector_store_idx %arg8[%broadcast_in_dim3A, %add3A_1906, %select_n3A_1058, %add3A_1487], %gather3A_1848 : memref<2x8x8x128xf32, #tpu.memory_space<vmem>>[vector<16xi32>, vector<16xi32>, vector<16xi32>, vector<16xi32>], vector<16xf32>,
        %add3A_1907 = arith.constant 6 : i32
        %add3A_1908 = vector.broadcast %add3A_1907 : i32 to vector<16xi32>
        %add3A_1909 = arith.addi %select_n3A_647, %add3A_1908 : vector<16xi32>
        tpu.vector_store_idx %arg8[%broadcast_in_dim3A, %add3A_1909, %select_n3A_1080, %add3A_1487], %gather3A_1852 : memref<2x8x8x128xf32, #tpu.memory_space<vmem>>[vector<16xi32>, vector<16xi32>, vector<16xi32>, vector<16xi32>], vector<16xf32>,
        %add3A_1910 = arith.constant 6 : i32
        %add3A_1911 = vector.broadcast %add3A_1910 : i32 to vector<16xi32>
        %add3A_1912 = arith.addi %select_n3A_678, %add3A_1911 : vector<16xi32>
        tpu.vector_store_idx %arg8[%broadcast_in_dim3A, %add3A_1912, %select_n3A_1102, %add3A_1487], %gather3A_1856 : memref<2x8x8x128xf32, #tpu.memory_space<vmem>>[vector<16xi32>, vector<16xi32>, vector<16xi32>, vector<16xi32>], vector<16xf32>,
        %add3A_1913 = arith.constant 6 : i32
        %add3A_1914 = vector.broadcast %add3A_1913 : i32 to vector<16xi32>
        %add3A_1915 = arith.addi %select_n3A_709, %add3A_1914 : vector<16xi32>
        tpu.vector_store_idx %arg8[%broadcast_in_dim3A, %add3A_1915, %select_n3A_1124, %add3A_1487], %gather3A_1860 : memref<2x8x8x128xf32, #tpu.memory_space<vmem>>[vector<16xi32>, vector<16xi32>, vector<16xi32>, vector<16xi32>], vector<16xf32>,
        %add3A_1916 = arith.constant 6 : i32
        %add3A_1917 = vector.broadcast %add3A_1916 : i32 to vector<16xi32>
        %add3A_1918 = arith.addi %select_n3A_740, %add3A_1917 : vector<16xi32>
        tpu.vector_store_idx %arg8[%broadcast_in_dim3A, %add3A_1918, %select_n3A_1146, %add3A_1487], %gather3A_1864 : memref<2x8x8x128xf32, #tpu.memory_space<vmem>>[vector<16xi32>, vector<16xi32>, vector<16xi32>, vector<16xi32>], vector<16xf32>,
        %add3A_1919 = arith.constant 6 : i32
        %add3A_1920 = vector.broadcast %add3A_1919 : i32 to vector<16xi32>
        %add3A_1921 = arith.addi %select_n3A_771, %add3A_1920 : vector<16xi32>
        tpu.vector_store_idx %arg8[%broadcast_in_dim3A, %add3A_1921, %select_n3A_1168, %add3A_1487], %gather3A_1868 : memref<2x8x8x128xf32, #tpu.memory_space<vmem>>[vector<16xi32>, vector<16xi32>, vector<16xi32>, vector<16xi32>], vector<16xf32>,
        %add3A_1922 = arith.constant 6 : i32
        %add3A_1923 = vector.broadcast %add3A_1922 : i32 to vector<16xi32>
        %add3A_1924 = arith.addi %select_n3A_802, %add3A_1923 : vector<16xi32>
        tpu.vector_store_idx %arg8[%broadcast_in_dim3A, %add3A_1924, %select_n3A_1190, %add3A_1487], %gather3A_1872 : memref<2x8x8x128xf32, #tpu.memory_space<vmem>>[vector<16xi32>, vector<16xi32>, vector<16xi32>, vector<16xi32>], vector<16xf32>,
        %add3A_1925 = arith.constant 6 : i32
        %add3A_1926 = vector.broadcast %add3A_1925 : i32 to vector<16xi32>
        %add3A_1927 = arith.addi %select_n3A_833, %add3A_1926 : vector<16xi32>
        tpu.vector_store_idx %arg8[%broadcast_in_dim3A, %add3A_1927, %select_n3A_1212, %add3A_1487], %gather3A_1876 : memref<2x8x8x128xf32, #tpu.memory_space<vmem>>[vector<16xi32>, vector<16xi32>, vector<16xi32>, vector<16xi32>], vector<16xf32>,
        %add3A_1928 = arith.constant 6 : i32
        %add3A_1929 = vector.broadcast %add3A_1928 : i32 to vector<16xi32>
        %add3A_1930 = arith.addi %select_n3A_864, %add3A_1929 : vector<16xi32>
        tpu.vector_store_idx %arg8[%broadcast_in_dim3A, %add3A_1930, %select_n3A_1234, %add3A_1487], %gather3A_1880 : memref<2x8x8x128xf32, #tpu.memory_space<vmem>>[vector<16xi32>, vector<16xi32>, vector<16xi32>, vector<16xi32>], vector<16xf32>,
        %add3A_1931 = arith.constant 6 : i32
        %add3A_1932 = vector.broadcast %add3A_1931 : i32 to vector<16xi32>
        %add3A_1933 = arith.addi %select_n3A_895, %add3A_1932 : vector<16xi32>
        tpu.vector_store_idx %arg8[%broadcast_in_dim3A, %add3A_1933, %select_n3A_1256, %add3A_1487], %gather3A_1884 : memref<2x8x8x128xf32, #tpu.memory_space<vmem>>[vector<16xi32>, vector<16xi32>, vector<16xi32>, vector<16xi32>], vector<16xf32>,
        %add3A_1934 = arith.constant 6 : i32
        %add3A_1935 = vector.broadcast %add3A_1934 : i32 to vector<16xi32>
        %add3A_1936 = arith.addi %select_n3A_926, %add3A_1935 : vector<16xi32>
        tpu.vector_store_idx %arg8[%broadcast_in_dim3A, %add3A_1936, %select_n3A_1278, %add3A_1487], %gather3A_1888 : memref<2x8x8x128xf32, #tpu.memory_space<vmem>>[vector<16xi32>, vector<16xi32>, vector<16xi32>, vector<16xi32>], vector<16xf32>,
        %scan3A_1937 = arith.constant 0 : i32
        scf.yield %scan3A_1937 : i32
      }
      %scan3A_1419 = arith.constant 16 : i32
      %mul3A_1420 = arith.constant 256 : i32
      %mul3A_1421 = arith.muli %rem3A_1398, %mul3A_1420 : i32
      %add3A_1422 = arith.addi %mul3A_22, %mul3A_1421 : i32
      %jit3A_1423 = arith.constant 128 : i32
      %div3A_1424 = arith.divsi %add3A_1422, %jit3A_1423 : i32
      %sign3A_1425 = arith.constant 0 : i32
      %sign3A_1426 = arith.cmpi sgt, %add3A_1422, %sign3A_1425 : i32
      %sign3A_1427 = arith.extui %sign3A_1426 : i1 to i32
      %sign3A_1428 = arith.constant 0 : i32
      %sign3A_1429 = arith.cmpi slt, %add3A_1422, %sign3A_1428 : i32
      %sign3A_1430 = arith.extui %sign3A_1429 : i1 to i32
      %sign3A_1431 = arith.subi %sign3A_1427, %sign3A_1430 : i32
      %sign3A_1432 = arith.constant 0 : i32
      %sign3A_1433 = arith.cmpi sgt, %jit3A_1423, %sign3A_1432 : i32
      %sign3A_1434 = arith.extui %sign3A_1433 : i1 to i32
      %sign3A_1435 = arith.constant 0 : i32
      %sign3A_1436 = arith.cmpi slt, %jit3A_1423, %sign3A_1435 : i32
      %sign3A_1437 = arith.extui %sign3A_1436 : i1 to i32
      %sign3A_1438 = arith.subi %sign3A_1434, %sign3A_1437 : i32
      %ne3A_1439 = arith.cmpi ne, %sign3A_1431, %sign3A_1438 : i32
      %rem3A_1440 = arith.remsi %add3A_1422, %jit3A_1423 : i32
      %ne3A_1441 = arith.constant 0 : i32
      %ne3A_1442 = arith.cmpi ne, %rem3A_1440, %ne3A_1441 : i32
      %and3A_1443 = arith.andi %ne3A_1439, %ne3A_1442 : i1
      %sub3A_1444 = arith.constant 1 : i32
      %sub3A_1445 = arith.subi %div3A_1424, %sub3A_1444 : i32
      %select_n3A_1446 = arith.select %and3A_1443, %sub3A_1445, %div3A_1424 : i32
      %add3A_1447 = arith.addi %mul3A_20, %select_n3A_1396 : i32
      %add3A_1448 = arith.constant 0 : i32
      %add3A_1449 = arith.addi %select_n3A_1446, %add3A_1448 : i32
      %run_scoped3A_1450 = arith.constant 0 : i32
      "tpu.region"() ({
        %run_scoped3A_1456 = tpu.sem_alloc : memref<!tpu.dma_semaphore, #tpu.memory_space<semaphore_mem>>
        %dma_start3A_1457 = arith.constant 0 : i32
        %dma_start3A_1458 = arith.constant 0 : i32
        %dma_start3A_1459 = arith.constant 0 : i32
        %dma_start3A_1460 = tpu.memref_slice %arg8[%run_scoped3A_1450, %dma_start3A_1457, %dma_start3A_1458, %dma_start3A_1459] : memref<2x8x8x128xf32, #tpu.memory_space<vmem>> -> memref<1x8x8x128xf32, #tpu.memory_space<vmem>>
        %dma_start3A_1461 = tpu.memref_squeeze %dma_start3A_1460 : memref<1x8x8x128xf32, #tpu.memory_space<vmem>> -> memref<8x8x128xf32, #tpu.memory_space<vmem>>
        %dma_start3A_1462 = arith.constant 0 : i32
        %dma_start3A_1463 = arith.constant 0 : i32
        %dma_start3A_1464 = arith.constant 0 : i32
        %dma_start3A_1465 = tpu.memref_slice %arg4[%add3A_1447, %dma_start3A_1462, %add3A_1449, %dma_start3A_1463, %dma_start3A_1464] : memref<200x8x32x8x128xf32, #tpu.memory_space<hbm>> -> memref<1x8x1x8x128xf32, #tpu.memory_space<hbm>>
        %dma_start3A_1466 = tpu.memref_squeeze %dma_start3A_1465 : memref<1x8x1x8x128xf32, #tpu.memory_space<hbm>> -> memref<8x8x128xf32, #tpu.memory_space<hbm>>
        %dma_start3A_1467 = arith.constant 0 : i32
        %dma_start3A_1468 = arith.constant 0 : i32
        %dma_start3A_1469 = arith.constant 0 : i32
        %dma_start3A_1470 = tpu.memref_slice %arg4[%add3A_1447, %dma_start3A_1467, %add3A_1449, %dma_start3A_1468, %dma_start3A_1469] : memref<200x8x32x8x128xf32, #tpu.memory_space<hbm>> -> memref<1x8x1x8x128xf32, #tpu.memory_space<hbm>>
        %dma_start3A_1471 = tpu.memref_squeeze %dma_start3A_1470 : memref<1x8x1x8x128xf32, #tpu.memory_space<hbm>> -> memref<8x8x128xf32, #tpu.memory_space<hbm>>
        %dma_start3A_1472 = arith.constant 0 : i32
        %dma_start3A_1473 = arith.constant 0 : i32
        %dma_start3A_1474 = arith.constant 0 : i32
        %dma_start3A_1475 = tpu.memref_slice %arg8[%run_scoped3A_1450, %dma_start3A_1472, %dma_start3A_1473, %dma_start3A_1474] : memref<2x8x8x128xf32, #tpu.memory_space<vmem>> -> memref<1x8x8x128xf32, #tpu.memory_space<vmem>>
        %dma_start3A_1476 = tpu.memref_squeeze %dma_start3A_1475 : memref<1x8x8x128xf32, #tpu.memory_space<vmem>> -> memref<8x8x128xf32, #tpu.memory_space<vmem>>
        tpu.enqueue_dma source(%dma_start3A_1476 : memref<8x8x128xf32, #tpu.memory_space<vmem>>) target(%dma_start3A_1471 : memref<8x8x128xf32, #tpu.memory_space<hbm>>) target_semaphore(%run_scoped3A_1456 : memref<!tpu.dma_semaphore, #tpu.memory_space<semaphore_mem>>)
        %dma_wait3A_1477 = arith.constant 0 : i32
        %dma_wait3A_1478 = arith.constant 0 : i32
        %dma_wait3A_1479 = arith.constant 0 : i32
        %dma_wait3A_1480 = tpu.memref_slice %arg8[%run_scoped3A_1450, %dma_wait3A_1477, %dma_wait3A_1478, %dma_wait3A_1479] : memref<2x8x8x128xf32, #tpu.memory_space<vmem>> -> memref<1x8x8x128xf32, #tpu.memory_space<vmem>>
        %dma_wait3A_1481 = tpu.memref_squeeze %dma_wait3A_1480 : memref<1x8x8x128xf32, #tpu.memory_space<vmem>> -> memref<8x8x128xf32, #tpu.memory_space<vmem>>
        %dma_wait3A_1482 = arith.constant 0 : i32
        %dma_wait3A_1483 = arith.constant 0 : i32
        %dma_wait3A_1484 = arith.constant 0 : i32
        %dma_wait3A_1485 = tpu.memref_slice %arg4[%add3A_1447, %dma_wait3A_1482, %add3A_1449, %dma_wait3A_1483, %dma_wait3A_1484] : memref<200x8x32x8x128xf32, #tpu.memory_space<hbm>> -> memref<1x8x1x8x128xf32, #tpu.memory_space<hbm>>
        %dma_wait3A_1486 = tpu.memref_squeeze %dma_wait3A_1485 : memref<1x8x1x8x128xf32, #tpu.memory_space<hbm>> -> memref<8x8x128xf32, #tpu.memory_space<hbm>>
        %dma_wait3A_1487 = arith.constant 0 : i32
        %dma_wait3A_1488 = arith.constant 0 : i32
        %dma_wait3A_1489 = arith.constant 0 : i32
        %dma_wait3A_1490 = tpu.memref_slice %arg4[%add3A_1447, %dma_wait3A_1487, %add3A_1449, %dma_wait3A_1488, %dma_wait3A_1489] : memref<200x8x32x8x128xf32, #tpu.memory_space<hbm>> -> memref<1x8x1x8x128xf32, #tpu.memory_space<hbm>>
        %dma_wait3A_1491 = tpu.memref_squeeze %dma_wait3A_1490 : memref<1x8x1x8x128xf32, #tpu.memory_space<hbm>> -> memref<8x8x128xf32, #tpu.memory_space<hbm>>
        %dma_wait3A_1492 = arith.constant 0 : i32
        %dma_wait3A_1493 = arith.constant 0 : i32
        %dma_wait3A_1494 = arith.constant 0 : i32
        %dma_wait3A_1495 = tpu.memref_slice %arg8[%run_scoped3A_1450, %dma_wait3A_1492, %dma_wait3A_1493, %dma_wait3A_1494] : memref<2x8x8x128xf32, #tpu.memory_space<vmem>> -> memref<1x8x8x128xf32, #tpu.memory_space<vmem>>
        %dma_wait3A_1496 = tpu.memref_squeeze %dma_wait3A_1495 : memref<1x8x8x128xf32, #tpu.memory_space<vmem>> -> memref<8x8x128xf32, #tpu.memory_space<vmem>>
        tpu.wait_dma2 semaphore(%run_scoped3A_1456 : memref<!tpu.dma_semaphore, #tpu.memory_space<semaphore_mem>>) src(%dma_wait3A_1496 : memref<8x8x128xf32, #tpu.memory_space<vmem>>) dst(%dma_wait3A_1491 : memref<8x8x128xf32, #tpu.memory_space<hbm>>)
        tpu.yield
      }) : () -> ()
      %add3A_1451 = arith.addi %mul3A_20, %select_n3A_1396 : i32
      %add3A_1452 = arith.constant 1 : i32
      %add3A_1453 = arith.addi %select_n3A_1446, %add3A_1452 : i32
      %run_scoped3A_1454 = arith.constant 1 : i32
      "tpu.region"() ({
        %run_scoped3A_1456 = tpu.sem_alloc : memref<!tpu.dma_semaphore, #tpu.memory_space<semaphore_mem>>
        %dma_start3A_1457 = arith.constant 0 : i32
        %dma_start3A_1458 = arith.constant 0 : i32
        %dma_start3A_1459 = arith.constant 0 : i32
        %dma_start3A_1460 = tpu.memref_slice %arg8[%run_scoped3A_1454, %dma_start3A_1457, %dma_start3A_1458, %dma_start3A_1459] : memref<2x8x8x128xf32, #tpu.memory_space<vmem>> -> memref<1x8x8x128xf32, #tpu.memory_space<vmem>>
        %dma_start3A_1461 = tpu.memref_squeeze %dma_start3A_1460 : memref<1x8x8x128xf32, #tpu.memory_space<vmem>> -> memref<8x8x128xf32, #tpu.memory_space<vmem>>
        %dma_start3A_1462 = arith.constant 0 : i32
        %dma_start3A_1463 = arith.constant 0 : i32
        %dma_start3A_1464 = arith.constant 0 : i32
        %dma_start3A_1465 = tpu.memref_slice %arg4[%add3A_1451, %dma_start3A_1462, %add3A_1453, %dma_start3A_1463, %dma_start3A_1464] : memref<200x8x32x8x128xf32, #tpu.memory_space<hbm>> -> memref<1x8x1x8x128xf32, #tpu.memory_space<hbm>>
        %dma_start3A_1466 = tpu.memref_squeeze %dma_start3A_1465 : memref<1x8x1x8x128xf32, #tpu.memory_space<hbm>> -> memref<8x8x128xf32, #tpu.memory_space<hbm>>
        %dma_start3A_1467 = arith.constant 0 : i32
        %dma_start3A_1468 = arith.constant 0 : i32
        %dma_start3A_1469 = arith.constant 0 : i32
        %dma_start3A_1470 = tpu.memref_slice %arg4[%add3A_1451, %dma_start3A_1467, %add3A_1453, %dma_start3A_1468, %dma_start3A_1469] : memref<200x8x32x8x128xf32, #tpu.memory_space<hbm>> -> memref<1x8x1x8x128xf32, #tpu.memory_space<hbm>>
        %dma_start3A_1471 = tpu.memref_squeeze %dma_start3A_1470 : memref<1x8x1x8x128xf32, #tpu.memory_space<hbm>> -> memref<8x8x128xf32, #tpu.memory_space<hbm>>
        %dma_start3A_1472 = arith.constant 0 : i32
        %dma_start3A_1473 = arith.constant 0 : i32
        %dma_start3A_1474 = arith.constant 0 : i32
        %dma_start3A_1475 = tpu.memref_slice %arg8[%run_scoped3A_1454, %dma_start3A_1472, %dma_start3A_1473, %dma_start3A_1474] : memref<2x8x8x128xf32, #tpu.memory_space<vmem>> -> memref<1x8x8x128xf32, #tpu.memory_space<vmem>>
        %dma_start3A_1476 = tpu.memref_squeeze %dma_start3A_1475 : memref<1x8x8x128xf32, #tpu.memory_space<vmem>> -> memref<8x8x128xf32, #tpu.memory_space<vmem>>
        tpu.enqueue_dma source(%dma_start3A_1476 : memref<8x8x128xf32, #tpu.memory_space<vmem>>) target(%dma_start3A_1471 : memref<8x8x128xf32, #tpu.memory_space<hbm>>) target_semaphore(%run_scoped3A_1456 : memref<!tpu.dma_semaphore, #tpu.memory_space<semaphore_mem>>)
        %dma_wait3A_1477 = arith.constant 0 : i32
        %dma_wait3A_1478 = arith.constant 0 : i32
        %dma_wait3A_1479 = arith.constant 0 : i32
        %dma_wait3A_1480 = tpu.memref_slice %arg8[%run_scoped3A_1454, %dma_wait3A_1477, %dma_wait3A_1478, %dma_wait3A_1479] : memref<2x8x8x128xf32, #tpu.memory_space<vmem>> -> memref<1x8x8x128xf32, #tpu.memory_space<vmem>>
        %dma_wait3A_1481 = tpu.memref_squeeze %dma_wait3A_1480 : memref<1x8x8x128xf32, #tpu.memory_space<vmem>> -> memref<8x8x128xf32, #tpu.memory_space<vmem>>
        %dma_wait3A_1482 = arith.constant 0 : i32
        %dma_wait3A_1483 = arith.constant 0 : i32
        %dma_wait3A_1484 = arith.constant 0 : i32
        %dma_wait3A_1485 = tpu.memref_slice %arg4[%add3A_1451, %dma_wait3A_1482, %add3A_1453, %dma_wait3A_1483, %dma_wait3A_1484] : memref<200x8x32x8x128xf32, #tpu.memory_space<hbm>> -> memref<1x8x1x8x128xf32, #tpu.memory_space<hbm>>
        %dma_wait3A_1486 = tpu.memref_squeeze %dma_wait3A_1485 : memref<1x8x1x8x128xf32, #tpu.memory_space<hbm>> -> memref<8x8x128xf32, #tpu.memory_space<hbm>>
        %dma_wait3A_1487 = arith.constant 0 : i32
        %dma_wait3A_1488 = arith.constant 0 : i32
        %dma_wait3A_1489 = arith.constant 0 : i32
        %dma_wait3A_1490 = tpu.memref_slice %arg4[%add3A_1451, %dma_wait3A_1487, %add3A_1453, %dma_wait3A_1488, %dma_wait3A_1489] : memref<200x8x32x8x128xf32, #tpu.memory_space<hbm>> -> memref<1x8x1x8x128xf32, #tpu.memory_space<hbm>>
        %dma_wait3A_1491 = tpu.memref_squeeze %dma_wait3A_1490 : memref<1x8x1x8x128xf32, #tpu.memory_space<hbm>> -> memref<8x8x128xf32, #tpu.memory_space<hbm>>
        %dma_wait3A_1492 = arith.constant 0 : i32
        %dma_wait3A_1493 = arith.constant 0 : i32
        %dma_wait3A_1494 = arith.constant 0 : i32
        %dma_wait3A_1495 = tpu.memref_slice %arg8[%run_scoped3A_1454, %dma_wait3A_1492, %dma_wait3A_1493, %dma_wait3A_1494] : memref<2x8x8x128xf32, #tpu.memory_space<vmem>> -> memref<1x8x8x128xf32, #tpu.memory_space<vmem>>
        %dma_wait3A_1496 = tpu.memref_squeeze %dma_wait3A_1495 : memref<1x8x8x128xf32, #tpu.memory_space<vmem>> -> memref<8x8x128xf32, #tpu.memory_space<vmem>>
        tpu.wait_dma2 semaphore(%run_scoped3A_1456 : memref<!tpu.dma_semaphore, #tpu.memory_space<semaphore_mem>>) src(%dma_wait3A_1496 : memref<8x8x128xf32, #tpu.memory_space<vmem>>) dst(%dma_wait3A_1491 : memref<8x8x128xf32, #tpu.memory_space<hbm>>)
        tpu.yield
      }) : () -> ()
      %scan3A_1455 = arith.constant 0 : i32
      scf.yield %scan3A_1455 : i32
    }
    %scan3A_1284 = arith.constant 50 : i32
    return
  }
}

</mosaic_0001>

<sc_bundles>
// kernel: _emb_lookup_t.3.cloned.1.call-start
scs
__scs_entry_jumppad:
0x0: {  	(pc) =	sbr.rel $0x88, $3  }
0x1: {  	(tag) =	ssettag $0x0;
	lr =	simm.s32 $0x1  }
0x2: {  	[smem:$0x3F9F] =	sst lr;
	_ =	strace $0xD0000000  }
0x3: {  	_ = 	snop  }
0x4: {  	_ = 	snop  }
0x5: {  	_ = 	snop  }
0x6: {  	_ = 	snop  }
0x7: {  	_ = 	snop  }
__scs_overlays_trampoline_lowered:
0x8: {  	[smem:$0x3FAE] =	sst s0  }
0x9: {  	[smem:$0x3FAF] =	sst s1  }
0xa: {  	[smem:$0x3FB0] =	sst s2  }
0xb: {  	[smem:$0x3FB1] =	sst s3  }
0xc: {  	[smem:$0x3FB2] =	sst s4  }
0xd: {  	[smem:$0x3FB3] =	sst s5  }
0xe: {  	[smem:$0x3FB4] =	sst s6  }
0xf: {  	[smem:$0x3FB5] =	sst s7  }
0x10: {  	[smem:$0x3FB6] =	sst s8  }
0x11: {  	[smem:$0x3FB7] =	sst s9;
	s0 =	simm.s32 @!p0 $0x0  }
0x12: {  	s1 =	sld [smem:$0x3F9D];
	s0 =	simm.s32 @p0 $0x1  }
0x13: {  	[smem:$0x3FB8] =	sst s0;
	s0 =	simm.s32 @!p1 $0x0  }
0x14: {  	s2 =	sld [smem:$0x3F9C];
	s0 =	simm.s32 @p1 $0x1  }
0x15: {  	[smem:$0x3FB9] =	sst s0;
	s0 =	simm.s32 @!p2 $0x0  }
0x16: {  	s3 =	sld [smem:$0x3FDB];
	s0 =	simm.s32 @p2 $0x1  }
0x17: {  	s4 =	simm.s32 $0x1BF5;
	[smem:$0x3FBB] =	sst s0  }
0x18: {  	s0 =	sld [smem:$0x3F9E];
	_ =	swait.ge [sflag:s4], $0x0  }
0x19: {  	s7 =	sld [smem:$0x3F9F]  }
0x1a: {  	s8 =	sadd.s32 $0xFFFFE003, lr  }
0x1b: {  	s9 =	sadd.s32 $0xFFFFFEF7, lr;
	s5 =	simm.s32 $0xFFFFFFFF;
	p2 =	slt.u32 s8, $0xFFFFF086  }
0x1c: {  	p1 =	slt.u32 s9, $0xF7A;
	s5 =	simm.s32 @!p2 $0x0  }
0x1d: {  	s5 =	simm.s32 @p1 $0x1;
	p0 =	seq.s32 s7, s2  }
0x1e: {  	s7 =	smul.u32 @!p0 $0xF7A, s2;
	p2 =	seq.s32 @!p0 s5, $0x0  }
0x1f: {  	s9 =	smul.u32 $0xF7A, s1;
	s8 =	simm.s32 @!p0 $0x1BF5;
	p2 =	por !p2, p0  }
0x20: {  	[sflag:s8] =	ssyncset.s32 @!p0 $0xFFFFF086;
	s6 =	sadd.s32 @!p0 s3, s7;
	s7 =	simm.s32 @!p0 $0x108  }
0x21: {  	s3 =	sadd.s32 s3, s9;
	s6 =	sadd.s32 @!p0 $0x88, s6;
	s7 =	simm.s32 @p2 $0x1082  }
0x22: {  	[simem:s7], [sflag:s8] =	dma.local @!p0 [hbm:s6], $0xF7A  }
0x23: {  	s9 =	sor.u32 $0xD0000000, s2;
	s6 =	simm.s32 $0x108;
	_ =	swait.ge @!p0 [sflag:s8], $0x0  }
0x24: {  	s3 =	sadd.s32 $0x88, s3;
	s6 =	simm.s32 @!p1 $0x1082;
	[sflag:s4] =	ssyncset.s32 $0xFFFFF086  }
0x25: {  	[simem:s6], [sflag:s4] =	dma.local [hbm:s3], $0xF7A  }
0x26: {  	[smem:$0x3F9F] =	sst s1;
	(tag) =	ssettag s2;
	_ =	strace s9  }
0x27: {  	s1 =	sld [smem:$0x3FAF]  }
0x28: {  	s2 =	sld [smem:$0x3FB0]  }
0x29: {  	s4 =	sld [smem:$0x3FB2]  }
0x2a: {  	p0 =	seq.s32 s5, $0x0;
	s5 =	sld [smem:$0x3FB3]  }
0x2b: {  	s6 =	sld [smem:$0x3FB4]  }
0x2c: {  	s7 =	sld [smem:$0x3FB5]  }
0x2d: {  	s3 =	simm.s32 $0x108;
	s8 =	sld [smem:$0x3FB6]  }
0x2e: {  	s3 =	simm.s32 @!p0 $0x1082;
	s9 =	sld [smem:$0x3FB7]  }
0x2f: {  	lr =	sadd.s32 s0, s3;
	s0 =	sld [smem:$0x3FAE]  }
0x30: {  	s3 =	sld [smem:$0x3FB1]  }
0x31: {  	[smem:$0x3FBA] =	sst s10  }
0x32: {  	s10 =	sld [smem:$0x3FB8];
	_ =	sdelay $0x3  }
0x33: {  	p0 =	seq.s32 s10, $0x1;
	s10 =	sld [smem:$0x3FBA];
	_ =	sdelay $0x3  }
0x34: {  	[smem:$0x3FBA] =	sst s10  }
0x35: {  	s10 =	sld [smem:$0x3FB9];
	_ =	sdelay $0x3  }
0x36: {  	p1 =	seq.s32 s10, $0x1;
	s10 =	sld [smem:$0x3FBA];
	_ =	sdelay $0x3  }
0x37: {  	[smem:$0x3FBA] =	sst s10  }
0x38: {  	s10 =	sld [smem:$0x3FBB]  }
0x39: {  	_ = 	snop;
	(pc) =	sbr.ind lr, $3  }
0x3a: {  	_ = 	snop  }
0x3b: {  	_ = 	snop  }
0x3c: {  	p2 =	seq.s32 s10, $0x1;
	s10 =	sld [smem:$0x3FBA]  }
0x3d: {  	_ =	shalt  }
0x3e: {  	_ =	shalt  }
0x3f: {  	_ =	shalt  }
0x40: {  	_ =	shalt  }
0x41: {  	_ =	shalt  }
0x42: {  	_ =	shalt  }
0x43: {  	_ =	shalt  }
0x44: {  	_ =	shalt  }
0x45: {  	_ =	shalt  }
0x46: {  	_ =	shalt  }
0x47: {  	_ =	shalt  }
0x48: {  	_ =	shalt  }
0x49: {  	_ =	shalt  }
0x4a: {  	_ =	shalt  }
0x4b: {  	_ =	shalt  }
0x4c: {  	_ =	shalt  }
0x4d: {  	_ =	shalt  }
0x4e: {  	_ =	shalt  }
0x4f: {  	_ =	shalt  }
0x50: {  	_ =	shalt  }
0x51: {  	_ =	shalt  }
0x52: {  	_ =	shalt  }
0x53: {  	_ =	shalt  }
0x54: {  	_ =	shalt  }
0x55: {  	_ =	shalt  }
0x56: {  	_ =	shalt  }
0x57: {  	_ =	shalt  }
0x58: {  	_ =	shalt  }
0x59: {  	_ =	shalt  }
0x5a: {  	_ =	shalt  }
0x5b: {  	_ =	shalt  }
0x5c: {  	_ =	shalt  }
0x5d: {  	_ =	shalt  }
0x5e: {  	_ =	shalt  }
0x5f: {  	_ =	shalt  }
0x60: {  	_ =	shalt  }
0x61: {  	_ =	shalt  }
0x62: {  	_ =	shalt  }
0x63: {  	_ =	shalt  }
0x64: {  	_ =	shalt  }
0x65: {  	_ =	shalt  }
0x66: {  	_ =	shalt  }
0x67: {  	_ =	shalt  }
0x68: {  	_ =	shalt  }
0x69: {  	_ =	shalt  }
0x6a: {  	_ =	shalt  }
0x6b: {  	_ =	shalt  }
0x6c: {  	_ =	shalt  }
0x6d: {  	_ =	shalt  }
0x6e: {  	_ =	shalt  }
0x6f: {  	_ =	shalt  }
0x70: {  	_ =	shalt  }
0x71: {  	_ =	shalt  }
0x72: {  	_ =	shalt  }
0x73: {  	_ =	shalt  }
0x74: {  	_ =	shalt  }
0x75: {  	_ =	shalt  }
0x76: {  	_ =	shalt  }
0x77: {  	_ =	shalt  }
0x78: {  	_ =	shalt  }
0x79: {  	_ =	shalt  }
0x7a: {  	_ =	shalt  }
0x7b: {  	_ =	shalt  }
0x7c: {  	_ =	shalt  }
0x7d: {  	_ =	shalt  }
0x7e: {  	_ =	shalt  }
0x7f: {  	_ =	shalt  }
0x80: {  	_ =	shalt  }
0x81: {  	_ =	shalt  }
0x82: {  	_ =	shalt  }
0x83: {  	_ =	shalt  }
0x84: {  	_ =	shalt  }
0x85: {  	_ =	shalt  }
0x86: {  	_ =	shalt  }
0x87: {  	_ =	shalt  }
.Lfunc_end0:
.L_simem_size_0:
called_computation_lowered:
.L_overlay_start_0:
0x88: {  	s2 =	sld [smem:$0x3FD9]  }
0x89: {  	s3 =	sld [smem:$0x3FFE];
	_ =	sdelay $0x1  }
0x8a: {  	s1 =	srdreg.scid  }
0x8b: {  	s0 =	sand.u32 $0x1, s1  }
0x8c: {  	s17 =	sshll.u32 s0, $0xA;
	s2 =	sadd.s32 s3, s2  }
0x8d: {  	s2 =	sadd.s32 s2, s17  }
0x8e: {  	[smem:$0x3FC6] =	sst s2  }
0x8f: {  	_ = 	snop  }
0x90: {  	s2 =	sld [smem:$0x3FC8]  }
0x91: {  	s18 =	sld [smem:$0x3FD0];
	(tm) =	ssettm $0x1  }
0x92: {  	s4 =	sld [smem:$0x3FFB];
	_ =	sdelay $0x3  }
0x93: {  	_ =	strace s4  }
0x94: {  	s4 =	sld [smem:$0x3FFC];
	_ =	sdelay $0x3  }
0x95: {  	_ =	strace s4  }
0x96: {  	s4 =	sld [smem:$0x3FFD];
	_ =	sdelay $0x3  }
0x97: {  	_ =	strace s4  }
0x98: {  	_ =	strace $0x8FFFFFFF  }
0x99: {  	s19 =	sld [smem:$0x3FDB];
	_ =	sdelay $0x1  }
0x9a: {  	s5 =	simm.s32 $_scs_section_size  }
0x9b: {  	s6 =	simm.s32 $_size__tile_overlayer_lowered;
	s7 =	simm.s32 $_tile_overlayer_lowered  }
0x9c: {  	s22 =	simm.s32 $0x1BFF;
	s21 =	sshll.u32 s7, $0x1;
	s4 =	sadd.s32 s5, s19  }
0x9d: {  	s8 =	simm.s32 $0x0;
	s20 =	sshll.u32 s6, $0x1;
	s6 =	sadd.s32 s21, s4  }
0x9e: {  	[timem:s8], [sflag:s22] =	dma.local [hbm:s6], s20  }
0x9f: {  	_ =	swait.ge [sflag:s22], s20  }
0xa0: {  	s5 =	ssub.s32 $0x0, s20;
	[sflag:s22] =	ssyncset.done $0x0  }
0xa1: {  	[sflag:s22] =	ssyncadd.s32 s5;
	_ =	sdelay $0x1  }
0xa2: {  	s23 =	simm.s32 $0x1B8B  }
0xa3: {  	_ =	swait.ge [sflag:s23], $0x1  }
0xa4: {  	[sflag:s23] =	ssyncset.done $0x0  }
0xa5: {  	s25 =	simm.s32 $0x1B8E;
	s24 =	sld [smem:$0x3FFE];
	[sflag:s23] =	ssyncadd.s32 $0xFFFFFFFF  }
0xa6: {  	s26 =	simm.s32 $execute0_lowered;
	[smem:$0x3FD2] =	sst s25  }
0xa7: {  	s6 =	sshll.u32 s26, $0x1;
	_ =	strace $0x80000046;
	[dreg:$0x1] =	wrdreg $0xFFFFFFFF  }
0xa8: {  	s28 =	simm.s32 $_size_execute0_lowered;
	s4 =	sadd.s32 s4, s6;
	[dreg:$0x0] =	wrdreg $0x0  }
0xa9: {  	s6 =	sshll.u32 s28, $0x1;
	[dreg:$0x2] =	wrdreg s4  }
0xaa: {  	[dreg:$0x3] =	wrdreg s6  }
0xab: {  	[dreg:$0x4] =	wrdreg $0xC0  }
0xac: {  	_ =	task [dreg:s8], $0x5FFFF  }
0xad: {  	[dreg:$0x1] =	wrdreg $0xFFFFFFFF  }
0xae: {  	[dreg:$0x0] =	wrdreg $0x60  }
0xaf: {  	[dreg:$0x2] =	wrdreg s24  }
0xb0: {  	[dreg:$0x3] =	wrdreg s2  }
0xb1: {  	[dreg:$0x4] =	wrdreg s18  }
0xb2: {  	[dreg:$0x5] =	wrdreg $0x9  }
0xb3: {  	_ =	task.clear_ibuf [dreg:s8], $0x6FFFF;
	_ =	strace $0x90000046  }
0xb4: {  	s29 =	simm.s32 $0x9;
	_ =	strace $0x80000048  }
0xb5: {  	_ =	swait.ge [sflag:s29], $0x1  }
0xb6: {  	[sflag:s29] =	ssyncadd.s32 $0xFFFFFFFF  }
0xb7: {  	_ =	strace $0x90000048  }
0xb8: {  	_ =	sfence  }
0xb9: {  	s30 =	sld [smem:$0x0];
	_ =	sdelay $0x2  }
0xba: {  	s31 =	sshll.u32 s1, $0xD;
	s1 =	sshrl.u32 s1, $0x2  }
0xbb: {  	s3 =	sand.u32 $0x4000, s31;
	s1 =	sadd.s32 s1, s30  }
0xbc: {  	s0 =	sor.u32 s3, s0;
	s1 =	sshll.u32 s1, $0x11  }
0xbd: {  	s0 =	sor.u32 s1, s0  }
0xbe: {  	s0 =	sadd.s32 $0x8F2B, s0  }
0xbf: {  	[sflag:s0] =	ssyncadd.remote.s32 $0x1  }
0xc0: {  	_ =	sfence.sel $0xFFFF  }
0xc1: {  	[dreg:$0x0] =	wrdreg $0xFFFFFFFF;
	(pc) =	sbr.abs _section_cstart, $3  }
0xc2: {  	[dreg:$0x1] =	wrdreg $0xFFFFFFFF  }
0xc3: {  	_ =	task.clear_ibuf [dreg:s8], $0x2FFFF;
	_ =	strace $0x9FFFFFFF  }
0xc4: {  	(tm) =	ssettm $0x7FFFFFFF  }
0xc5: {  	_ =	shalt  }
tec
execute0_lowered:
.L_overlay_start_1:
0x0: {  	(tag) =	ssettag $0x1  }
0x1: {  	v0 =	vimm.s32 $0xFEDCBA9;
	v1 =	vimm.s32 $0x87654321  }
0x2: {  	v2 =	vimm.s32 $0x10FEDCBA;
	v3 =	vimm.s32 $0x98765432;
	v4 =	vimm.s32 $0x210FEDCB  }
0x3: {  	v5 =	vimm.s32 $0xA9876543;
	v6 =	vimm.s32 $0x3210FEDC;
	v7 =	vimm.s32 $0xBA987654  }
0x4: {  	v11 =	vimm.s32 $0x43210FED;
	v12 =	vimm.s32 $0xCBA98765;
	v53 =	vimm.s32 $0x543210FE  }
0x5: {  	v54 =	vimm.s32 $0xDCBA9876;
	v13 =	vimm.s32 $0x6543210F;
	v14 =	vimm.s32 $0xEDCBA987  }
0x6: {  	v16 =	vimm.s32 $0xFEDCBA98;
	v17 =	vimm.s32 $0x76543210;
	vm14 =	vcmask $0x300  }
0x7: {  	vm12 =	vcmask $0x704;
	vm13 =	vcmask $0xB08;
	vm11 =	vcmask $0xF0C  }
0x8: {  	vm9 =	vcmask $0x1310;
	vm10 =	vcmask $0x1714;
	vm8 =	vcmask $0x1B18  }
0x9: {  	vm6 =	vcmask $0x1F1C;
	vm7 =	vcmask $0x2320;
	v38 =	vimm.s32 $0x8F  }
0xa: {  	v39 =	vimm.s32 $0x10F;
	vm5 =	vcmask $0x2724;
	vm4 =	vcmask $0x2B28  }
0xb: {  	vm3 =	vcmask $0x2F2C;
	vm1 =	vcmask $0x3330;
	vm2 =	vcmask $0x3734  }
0xc: {  	vm0 =	vcmask $0x3B38;
	v42 =	vimm.s32 $0x18F;
	v44 =	vimm.s32 $0x20F  }
0xd: {  	v45 =	vimm.s32 $0x28F;
	v18 =	vimm.s32 $0x118F;
	v19 =	vimm.s32 $0x120F  }
0xe: {  	v20 =	vimm.s32 $0x128F;
	v21 =	vimm.s32 $0x130F;
	v22 =	vimm.s32 $0x138F  }
0xf: {  	v23 =	vimm.s32 $0x140F;
	v24 =	vimm.s32 $0x148F;
	v25 =	vimm.s32 $0x150F  }
0x10: {  	v26 =	vimm.s32 $0x158F;
	v27 =	vimm.s32 $0x160F;
	v28 =	vimm.s32 $0x168F  }
0x11: {  	v29 =	vimm.s32 $0x170F;
	v30 =	vimm.s32 $0x180F;
	v31 =	vimm.s32 $0x188F  }
0x12: {  	v0 =	vunpack.c.l.s4.s8 v0;
	v1 =	vunpack.c.l.s4.s8 v1;
	v2 =	vunpack.c.l.s4.s8 v2  }
0x13: {  	v3 =	vunpack.c.l.s4.s8 v3;
	v4 =	vunpack.c.l.s4.s8 v4;
	v5 =	vunpack.c.l.s4.s8 v5  }
0x14: {  	v6 =	vunpack.c.l.s4.s8 v6;
	v7 =	vunpack.c.l.s4.s8 v7;
	v48 =	vunpack.c.l.s4.s8 v11  }
0x15: {  	v49 =	vunpack.c.l.s4.s8 v12;
	v11 =	vunpack.c.l.s4.s8 v53;
	v12 =	vunpack.c.l.s4.s8 v54  }
0x16: {  	v13 =	vunpack.c.l.s4.s8 v13;
	v14 =	vunpack.c.l.s4.s8 v14;
	v16 =	vunpack.c.l.s4.s8 v16  }
0x17: {  	v56 =	vunpack.c.l.s4.s8 v17;
	v43 =	vsel vm14, $0x200, v42;
	v53 =	vimm.s32 $0x40F  }
0x18: {  	v42 =	vimm.s32 $0xC0F;
	v18 =	vsel vm14, $0x1200, v18;
	v19 =	vsel vm14, $0x1280, v19  }
0x19: {  	v20 =	vsel vm14, $0x1300, v20;
	v21 =	vsel vm14, $0x1380, v21;
	v22 =	vsel vm14, $0x1400, v22  }
0x1a: {  	v23 =	vsel vm14, $0x1480, v23;
	v24 =	vsel vm14, $0x1500, v24;
	v25 =	vsel vm14, $0x1580, v25  }
0x1b: {  	v26 =	vsel vm14, $0x1600, v26;
	v27 =	vsel vm14, $0x1680, v27;
	v28 =	vsel vm14, $0x1700, v28  }
0x1c: {  	v29 =	vsel vm14, $0x1780, v29;
	v30 =	vsel vm14, $0x1880, v30;
	v31 =	vsel vm14, $0x1900, v31  }
0x1d: {  	v18 =	vsel vm12, $0x1281, v18;
	v19 =	vsel vm12, $0x1301, v19;
	v20 =	vsel vm12, $0x1381, v20  }
0x1e: {  	v21 =	vsel vm12, $0x1401, v21;
	v22 =	vsel vm12, $0x1481, v22;
	v23 =	vsel vm12, $0x1501, v23  }
0x1f: {  	v24 =	vsel vm12, $0x1581, v24;
	v25 =	vsel vm12, $0x1601, v25;
	v26 =	vsel vm12, $0x1681, v26  }
0x20: {  	v27 =	vsel vm12, $0x1701, v27;
	v28 =	vsel vm12, $0x1781, v28;
	v29 =	vsel vm12, $0x1001, v29  }
0x21: {  	v30 =	vsel vm12, $0x1901, v30;
	v31 =	vsel vm12, $0x1981, v31;
	v0 =	vunpack.c.0.s8.s32 v0  }
0x22: {  	v1 =	vunpack.c.0.s8.s32 v1;
	v2 =	vunpack.c.0.s8.s32 v2;
	v3 =	vunpack.c.0.s8.s32 v3  }
0x23: {  	v4 =	vunpack.c.0.s8.s32 v4;
	v5 =	vunpack.c.0.s8.s32 v5;
	v6 =	vunpack.c.0.s8.s32 v6  }
0x24: {  	v7 =	vunpack.c.0.s8.s32 v7;
	v52 =	vunpack.c.0.s8.s32 v49;
	v11 =	vunpack.c.0.s8.s32 v11  }
0x25: {  	v12 =	vunpack.c.0.s8.s32 v12;
	v13 =	vunpack.c.0.s8.s32 v13;
	v14 =	vunpack.c.0.s8.s32 v14  }
0x26: {  	v16 =	vunpack.c.0.s8.s32 v16;
	v49 =	vimm.s32 $0x30F;
	v18 =	vsel vm13, $0x1302, v18  }
0x27: {  	v19 =	vsel vm13, $0x1382, v19;
	v20 =	vsel vm13, $0x1402, v20;
	v21 =	vsel vm13, $0x1482, v21  }
0x28: {  	v22 =	vsel vm13, $0x1502, v22;
	v23 =	vsel vm13, $0x1582, v23;
	v24 =	vsel vm13, $0x1602, v24  }
0x29: {  	v25 =	vsel vm13, $0x1682, v25;
	v26 =	vsel vm13, $0x1702, v26;
	v27 =	vsel vm13, $0x1782, v27  }
0x2a: {  	v28 =	vsel vm13, $0x1002, v28;
	v29 =	vsel vm13, $0x1082, v29;
	v30 =	vsel vm13, $0x1982, v30  }
0x2b: {  	v31 =	vsel vm13, $0x1A02, v31;
	v18 =	vsel vm11, $0x1383, v18;
	v19 =	vsel vm11, $0x1403, v19  }
0x2c: {  	v20 =	vsel vm11, $0x1483, v20;
	v21 =	vsel vm11, $0x1503, v21;
	v22 =	vsel vm11, $0x1583, v22  }
0x2d: {  	v23 =	vsel vm11, $0x1603, v23;
	v24 =	vsel vm11, $0x1683, v24;
	v25 =	vsel vm11, $0x1703, v25  }
0x2e: {  	v26 =	vsel vm11, $0x1783, v26;
	v27 =	vsel vm11, $0x1003, v27;
	v8 =	vcombine.low v1, v0  }
0x2f: {  	v28 =	vsel vm11, $0x1083, v28;
	v9 =	vcombine.low v3, v2;
	v10 =	vcombine.low v5, v4  }
0x30: {  	v29 =	vsel vm11, $0x1103, v29;
	v51 =	vcombine.low v7, v6;
	v57 =	vcombine.low v12, v11  }
0x31: {  	v30 =	vsel vm11, $0x1A03, v30;
	v58 =	vcombine.low v14, v13;
	v0 =	vcombine.low v0, v1  }
0x32: {  	v59 =	vcombine.low v2, v3;
	v62 =	vand.u32 $0xF, v16;
	v16 =	vcombine.low v6, v7  }
0x33: {  	v31 =	vsel vm11, $0x1A83, v31;
	v34 =	vcombine.low v11, v12;
	v35 =	vcombine.low v13, v14  }
0x34: {  	v2 =	vsel vm14, $0x180, v39;
	v12 =	vimm.s32 $0x1C1B1A19;
	v14 =	vimm.s32 $0x101F1E1D  }
0x35: {  	v39 =	vimm.s32 $0xA8F;
	v18 =	vsel vm9, $0x1404, v18;
	v19 =	vsel vm9, $0x1484, v19  }
0x36: {  	v20 =	vsel vm9, $0x1504, v20;
	v21 =	vsel vm9, $0x1584, v21;
	v22 =	vsel vm9, $0x1604, v22  }
0x37: {  	v23 =	vsel vm9, $0x1684, v23;
	v24 =	vsel vm9, $0x1704, v24;
	v25 =	vsel vm9, $0x1784, v25  }
0x38: {  	v26 =	vsel vm9, $0x1004, v26;
	v27 =	vsel vm9, $0x1084, v27;
	v28 =	vsel vm9, $0x1104, v28  }
0x39: {  	v29 =	vsel vm9, $0x1184, v29;
	v30 =	vsel vm9, $0x1A84, v30;
	v31 =	vsel vm9, $0x1B04, v31  }
0x3a: {  	v2 =	vsel vm12, $0x201, v2;
	v18 =	vsel vm10, $0x1485, v18;
	v19 =	vsel vm10, $0x1505, v19  }
0x3b: {  	v20 =	vsel vm10, $0x1585, v20;
	v21 =	vsel vm10, $0x1605, v21;
	v22 =	vsel vm10, $0x1685, v22  }
0x3c: {  	v23 =	vsel vm10, $0x1705, v23;
	v24 =	vsel vm10, $0x1785, v24;
	v25 =	vsel vm10, $0x1005, v25  }
0x3d: {  	v26 =	vsel vm10, $0x1085, v26;
	v27 =	vsel vm10, $0x1105, v27;
	v28 =	vsel vm10, $0x1185, v28  }
0x3e: {  	v29 =	vsel vm10, $0x1205, v29;
	v30 =	vsel vm10, $0x1B05, v30;
	v31 =	vsel vm10, $0x1B85, v31  }
0x3f: {  	v8 =	vand.u32 $0xF, v8;
	v9 =	vand.u32 $0xF, v9;
	v50 =	vand.u32 $0xF, v10  }
0x40: {  	v60 =	vand.u32 $0xF, v57;
	v61 =	vand.u32 $0xF, v58;
	v0 =	vand.u32 $0xF, v0  }
0x41: {  	v63 =	vand.u32 $0xF, v59;
	v32 =	vand.u32 $0xF, v16;
	v36 =	vand.u32 $0xF, v34  }
0x42: {  	v37 =	vand.u32 $0xF, v35;
	v2 =	vsel vm13, $0x282, v2;
	v16 =	vimm.s32 $0x18171615  }
0x43: {  	v35 =	vimm.s32 $0x88F;
	v18 =	vsel vm8, $0x1506, v18;
	v19 =	vsel vm8, $0x1586, v19  }
0x44: {  	v20 =	vsel vm8, $0x1606, v20;
	v21 =	vsel vm8, $0x1686, v21;
	v22 =	vsel vm8, $0x1706, v22;
	[tilespmem:$0x1FA90] =	vst v8  }
0x45: {  	v23 =	vsel vm8, $0x1786, v23;
	v24 =	vsel vm8, $0x1006, v24;
	v25 =	vsel vm8, $0x1086, v25;
	[tilespmem:$0x1F7F0] =	vst v9  }
0x46: {  	v26 =	vsel vm8, $0x1106, v26;
	v27 =	vsel vm8, $0x1186, v27;
	v28 =	vsel vm8, $0x1206, v28;
	[tilespmem:$0x1FAB0] =	vst v50  }
0x47: {  	v29 =	vsel vm8, $0x1286, v29;
	v30 =	vsel vm8, $0x1B86, v30;
	v31 =	vsel vm8, $0x1C06, v31;
	[tilespmem:$0x1FAE0] =	vst v60  }
0x48: {  	v8 =	vunpack.c.0.s8.s32 v48;
	v9 =	vand.u32 $0xF, v51;
	[tilespmem:$0x1FAF0] =	vst v32;
	v2 =	vsel vm11, $0x303, v2  }
0x49: {  	[tilespmem:$0x1F820] =	vst v36;
	v50 =	vsel vm14, $0x380, v49;
	v51 =	vimm.s32 $0x38F;
	v60 =	vimm.s32 $0x50F  }
0x4a: {  	[tilespmem:$0x1F830] =	vst v37;
	v32 =	vimm.s32 $0x11101F1E;
	v36 =	vimm.s32 $0x90F;
	v37 =	vimm.s32 $0x98F  }
0x4b: {  	v49 =	vimm.s32 $0xF0F;
	v18 =	vsel vm6, $0x1587, v18;
	v19 =	vsel vm6, $0x1607, v19  }
0x4c: {  	v20 =	vsel vm6, $0x1687, v20;
	v21 =	vsel vm6, $0x1707, v21;
	v22 =	vsel vm6, $0x1787, v22  }
0x4d: {  	v23 =	vsel vm6, $0x1007, v23;
	v24 =	vsel vm6, $0x1087, v24;
	v25 =	vsel vm6, $0x1107, v25  }
0x4e: {  	v26 =	vsel vm6, $0x1187, v26;
	v27 =	vsel vm6, $0x1207, v27;
	v28 =	vsel vm6, $0x1287, v28  }
0x4f: {  	v29 =	vsel vm6, $0x1307, v29;
	v30 =	vsel vm6, $0x1C07, v30;
	v31 =	vsel vm6, $0x1C87, v31  }
0x50: {  	[tilespmem:$0x1FAD0] =	vst v9;
	v9 =	vunpack.c.0.s8.s32 v56;
	v2 =	vsel vm9, $0x384, v2;
	v56 =	vimm.s32 $0x48F  }
0x51: {  	v3 =	vsel vm14, $0xA00, v37;
	v37 =	vimm.s32 $0x1B8F;
	v18 =	vsel vm7, $0x1608, v18  }
0x52: {  	v19 =	vsel vm7, $0x1688, v19;
	v20 =	vsel vm7, $0x1708, v20;
	v21 =	vsel vm7, $0x1788, v21  }
0x53: {  	v22 =	vsel vm7, $0x1008, v22;
	v23 =	vsel vm7, $0x1088, v23;
	v24 =	vsel vm7, $0x1108, v24  }
0x54: {  	v25 =	vsel vm7, $0x1188, v25;
	v26 =	vsel vm7, $0x1208, v26;
	v27 =	vsel vm7, $0x1288, v27  }
0x55: {  	v28 =	vsel vm7, $0x1308, v28;
	v29 =	vsel vm7, $0x1388, v29;
	v30 =	vsel vm7, $0x1C88, v30  }
0x56: {  	v31 =	vsel vm7, $0x1D08, v31;
	v15 =	vcombine.low v52, v8;
	v33 =	vcombine.low v8, v52  }
0x57: {  	v2 =	vsel vm10, $0x405, v2;
	v59 =	vsel vm14, $0x500, v56;
	v8 =	vimm.s32 $0x68F  }
0x58: {  	v37 =	vsel vm14, $0x1C00, v37;
	v3 =	vsel vm12, $0xA81, v3;
	v18 =	vsel vm5, $0x1689, v18  }
0x59: {  	v19 =	vsel vm5, $0x1709, v19;
	v20 =	vsel vm5, $0x1789, v20;
	v21 =	vsel vm5, $0x1009, v21  }
0x5a: {  	v22 =	vsel vm5, $0x1089, v22;
	v23 =	vsel vm5, $0x1109, v23;
	v24 =	vsel vm5, $0x1189, v24  }
0x5b: {  	v25 =	vsel vm5, $0x1209, v25;
	v26 =	vsel vm5, $0x1289, v26;
	v27 =	vsel vm5, $0x1309, v27  }
0x5c: {  	v28 =	vsel vm5, $0x1389, v28;
	v29 =	vsel vm5, $0x1409, v29;
	v30 =	vsel vm5, $0x1D09, v30  }
0x5d: {  	[tilespmem:$0x1FB00] =	vst v61;
	v31 =	vsel vm5, $0x1D89, v31;
	v61 =	vcombine.low v62, v9;
	v9 =	vcombine.low v4, v5  }
0x5e: {  	v2 =	vsel vm8, $0x486, v2;
	v62 =	vimm.s32 $0x58F;
	v5 =	vimm.s32 $0x60F  }
0x5f: {  	v3 =	vsel vm13, $0xB02, v3;
	v37 =	vsel vm12, $0x1C81, v37;
	v55 =	vand.u32 $0xF, v15  }
0x60: {  	v15 =	vimm.s32 $0xF;
	v52 =	vand.u32 $0xF, v33;
	v2 =	vsel vm6, $0x507, v2  }
0x61: {  	v7 =	vsel vm14, $0x680, v5;
	v33 =	vimm.s32 $0x80F;
	v5 =	vsel vm14, $0xB00, v39  }
0x62: {  	v39 =	vimm.s32 $0x1C8F;
	v37 =	vsel vm13, $0x1D02, v37;
	v3 =	vsel vm11, $0xB83, v3  }
0x63: {  	[tilespmem:$0x1FAA0] =	vst v0;
	v1 =	vsel vm14, $0x80, v15;
	v0 =	vand.u32 $0xF, v9;
	v2 =	vsel vm7, $0x588, v2  }
0x64: {  	v9 =	vimm.s32 $0x70F;
	v15 =	vimm.s32 $0x14131211;
	v34 =	vsel vm14, $0x880, v33  }
0x65: {  	v33 =	vimm.s32 $0x198F;
	v39 =	vsel vm14, $0x1D00, v39;
	v5 =	vsel vm12, $0xB81, v5  }
0x66: {  	v37 =	vsel vm11, $0x1D83, v37;
	v3 =	vsel vm9, $0xC04, v3;
	v17 =	vsel vm12, $0x101, v1  }
0x67: {  	v1 =	vsel vm14, $0x100, v38;
	v2 =	vsel vm5, $0x609, v2;
	v38 =	vimm.s32 $0xA0F  }
0x68: {  	v33 =	vsel vm14, $0x1A00, v33;
	v5 =	vsel vm13, $0xC02, v5;
	v39 =	vsel vm12, $0x1D81, v39  }
0x69: {  	[tilespmem:$0x1F810] =	vst v0;
	v3 =	vsel vm10, $0xC85, v3;
	v37 =	vsel vm9, $0x1E04, v37;
	v0 =	vsel vm13, $0x182, v17  }
0x6a: {  	v1 =	vsel vm12, $0x181, v1;
	v2 =	vsel vm4, $0x68A, v2;
	v17 =	vimm.s32 $0x1D1C1B1A  }
0x6b: {  	v33 =	vsel vm12, $0x1A81, v33;
	v39 =	vsel vm13, $0x1E02, v39;
	v5 =	vsel vm11, $0xC83, v5  }
0x6c: {  	v37 =	vsel vm10, $0x1E85, v37;
	v3 =	vsel vm8, $0xD06, v3;
	v0 =	vsel vm11, $0x203, v0  }
0x6d: {  	v1 =	vsel vm13, $0x202, v1;
	v2 =	vsel vm3, $0x70B, v2;
	v56 =	vunpack.c.0.s8.s32 v17  }
0x6e: {  	v33 =	vsel vm13, $0x1B02, v33;
	v39 =	vsel vm11, $0x1E83, v39;
	v5 =	vsel vm9, $0xD04, v5  }
0x6f: {  	v37 =	vsel vm8, $0x1F06, v37;
	v3 =	vsel vm6, $0xD87, v3;
	v0 =	vsel vm9, $0x284, v0  }
0x70: {  	v1 =	vsel vm11, $0x283, v1;
	v41 =	vsel vm1, $0x78C, v2;
	v2 =	vsel vm14, $0x300, v45  }
0x71: {  	v45 =	vimm.s32 $0xD8F;
	v33 =	vsel vm11, $0x1B83, v33;
	v5 =	vsel vm10, $0xD85, v5  }
0x72: {  	v39 =	vsel vm9, $0x1F04, v39;
	v3 =	vsel vm7, $0xE08, v3;
	v37 =	vsel vm6, $0x1F87, v37  }
0x73: {  	v0 =	vsel vm10, $0x305, v0;
	v1 =	vsel vm9, $0x304, v1;
	v2 =	vsel vm12, $0x381, v2  }
0x74: {  	v33 =	vsel vm9, $0x1C04, v33;
	v39 =	vsel vm10, $0x1F85, v39;
	v5 =	vsel vm8, $0xE06, v5  }
0x75: {  	v37 =	vsel vm7, $0x1808, v37;
	v3 =	vsel vm5, $0xE89, v3;
	v0 =	vsel vm8, $0x386, v0  }
0x76: {  	v1 =	vsel vm10, $0x385, v1;
	v2 =	vsel vm13, $0x402, v2;
	v33 =	vsel vm10, $0x1C85, v33  }
0x77: {  	v39 =	vsel vm8, $0x1806, v39;
	v5 =	vsel vm6, $0xE87, v5;
	v37 =	vsel vm5, $0x1889, v37  }
0x78: {  	v0 =	vsel vm6, $0x407, v0;
	v1 =	vsel vm8, $0x406, v1;
	v2 =	vsel vm11, $0x483, v2  }
0x79: {  	v33 =	vsel vm8, $0x1D06, v33;
	v5 =	vsel vm7, $0xF08, v5;
	v39 =	vsel vm6, $0x1887, v39  }
0x7a: {  	v0 =	vsel vm7, $0x488, v0;
	v1 =	vsel vm6, $0x487, v1;
	v2 =	vsel vm9, $0x504, v2  }
0x7b: {  	v33 =	vsel vm6, $0x1D87, v33;
	v39 =	vsel vm7, $0x1908, v39;
	v5 =	vsel vm5, $0xF89, v5  }
0x7c: {  	v0 =	vsel vm5, $0x509, v0;
	v1 =	vsel vm7, $0x508, v1;
	v2 =	vsel vm10, $0x585, v2  }
0x7d: {  	v33 =	vsel vm7, $0x1E08, v33;
	v39 =	vsel vm5, $0x1989, v39;
	v0 =	vsel vm4, $0x58A, v0  }
0x7e: {  	v1 =	vsel vm5, $0x589, v1;
	v2 =	vsel vm8, $0x606, v2;
	v33 =	vsel vm5, $0x1E89, v33  }
0x7f: {  	v0 =	vsel vm3, $0x60B, v0;
	v1 =	vsel vm4, $0x60A, v1;
	v2 =	vsel vm6, $0x687, v2  }
0x80: {  	v0 =	vsel vm1, $0x68C, v0;
	v1 =	vsel vm3, $0x68B, v1;
	v2 =	vsel vm7, $0x708, v2  }
0x81: {  	v0 =	vsel vm2, $0x70D, v0;
	v40 =	vsel vm1, $0x70C, v1;
	v1 =	vsel vm2, $0xD, v41  }
0x82: {  	v2 =	vsel vm5, $0x789, v2;
	v41 =	vimm.s32 $0xB8F;
	v0 =	vsel vm0, $0x78E, v0  }
0x83: {  	v48 =	vsel vm0, $0x8E, v1;
	v1 =	vsel vm14, $0x280, v44;
	v2 =	vsel vm4, $0xA, v2  }
0x84: {  	v44 =	vimm.s32 $0xD0F;
	[tilespmem:$0x1F840] =	vst v0;
	v0 =	vsel vm2, $0x78D, v40;
	v1 =	vsel vm12, $0x301, v1  }
0x85: {  	v2 =	vsel vm3, $0x8B, v2;
	v40 =	vimm.s32 $0xB0F;
	v0 =	vsel vm0, $0xE, v0  }
0x86: {  	v1 =	vsel vm13, $0x382, v1;
	v47 =	vsel vm1, $0x10C, v2;
	v2 =	vsel vm14, $0x480, v53  }
0x87: {  	v53 =	vunpack.c.0.s8.s32 v14;
	v14 =	vsel vm14, $0xF80, v49;
	v49 =	vimm.s32 $0x1211101F  }
0x88: {  	[tilespmem:$0x1F850] =	vst v0;
	v0 =	vsel vm12, $0x281, v43;
	v1 =	vsel vm11, $0x403, v1;
	v2 =	vsel vm12, $0x501, v2  }
0x89: {  	v43 =	vimm.s32 $0xC8F;
	v14 =	vsel vm12, $0x801, v14;
	v0 =	vsel vm13, $0x302, v0  }
0x8a: {  	v1 =	vsel vm9, $0x484, v1;
	v2 =	vsel vm13, $0x582, v2;
	v14 =	vsel vm13, $0x882, v14  }
0x8b: {  	v0 =	vsel vm11, $0x383, v0;
	v1 =	vsel vm10, $0x505, v1;
	v2 =	vsel vm11, $0x603, v2  }
0x8c: {  	v14 =	vsel vm11, $0x903, v14;
	v0 =	vsel vm9, $0x404, v0;
	v1 =	vsel vm8, $0x586, v1  }
0x8d: {  	v2 =	vsel vm9, $0x684, v2;
	v14 =	vsel vm9, $0x984, v14;
	v0 =	vsel vm10, $0x485, v0  }
0x8e: {  	v1 =	vsel vm6, $0x607, v1;
	v2 =	vsel vm10, $0x705, v2;
	v14 =	vsel vm10, $0xA05, v14  }
0x8f: {  	v0 =	vsel vm8, $0x506, v0;
	v1 =	vsel vm7, $0x688, v1;
	v2 =	vsel vm8, $0x786, v2  }
0x90: {  	v14 =	vsel vm8, $0xA86, v14;
	v0 =	vsel vm6, $0x587, v0;
	v1 =	vsel vm5, $0x709, v1  }
0x91: {  	v2 =	vsel vm6, $0x7, v2;
	v14 =	vsel vm6, $0xB07, v14;
	v0 =	vsel vm7, $0x608, v0  }
0x92: {  	v1 =	vsel vm4, $0x78A, v1;
	v2 =	vsel vm7, $0x88, v2;
	v14 =	vsel vm7, $0xB88, v14  }
0x93: {  	v0 =	vsel vm5, $0x689, v0;
	v1 =	vsel vm3, $0xB, v1;
	v2 =	vsel vm5, $0x109, v2  }
0x94: {  	v14 =	vsel vm5, $0xC09, v14;
	v0 =	vsel vm4, $0x70A, v0;
	v46 =	vsel vm1, $0x8C, v1  }
0x95: {  	v1 =	vsel vm2, $0x18D, v47;
	v2 =	vsel vm4, $0x18A, v2;
	v47 =	vimm.s32 $0xE8F  }
0x96: {  	v14 =	vsel vm4, $0xC8A, v14;
	v0 =	vsel vm3, $0x78B, v0;
	v58 =	vsel vm0, $0x20E, v1  }
0x97: {  	v1 =	vsel vm14, $0x400, v51;
	v2 =	vsel vm3, $0x20B, v2;
	v51 =	vimm.s32 $0x100F  }
0x98: {  	[tilespmem:$0x1F800] =	vst v55;
	v0 =	vsel vm1, $0xC, v0;
	v1 =	vsel vm12, $0x481, v1;
	v55 =	vsel vm1, $0x28C, v2  }
0x99: {  	v2 =	vsel vm14, $0x600, v62;
	v62 =	vunpack.c.0.s8.s32 v16;
	v0 =	vsel vm2, $0x8D, v0  }
0x9a: {  	v1 =	vsel vm13, $0x502, v1;
	v2 =	vsel vm12, $0x681, v2;
	v0 =	vsel vm0, $0x10E, v0  }
0x9b: {  	v1 =	vsel vm11, $0x583, v1;
	v2 =	vsel vm13, $0x702, v2;
	[tilespmem:$0x1F860] =	vst v0;
	v0 =	vsel vm2, $0x10D, v46  }
0x9c: {  	v1 =	vsel vm9, $0x604, v1;
	v2 =	vsel vm11, $0x783, v2;
	v46 =	vimm.s32 $0xE0F  }
0x9d: {  	v0 =	vsel vm0, $0x18E, v0;
	v1 =	vsel vm10, $0x685, v1;
	v2 =	vsel vm9, $0x4, v2  }
0x9e: {  	[tilespmem:$0x1F870] =	vst v0;
	v0 =	vsel vm12, $0x401, v50;
	v1 =	vsel vm8, $0x706, v1;
	v2 =	vsel vm10, $0x85, v2  }
0x9f: {  	v50 =	vunpack.c.0.s8.s32 v12;
	v12 =	vsel vm14, $0xE80, v46;
	v46 =	vimm.s32 $0x1E1D1C1B  }
0xa0: {  	v0 =	vsel vm13, $0x482, v0;
	v1 =	vsel vm6, $0x787, v1;
	v2 =	vsel vm8, $0x106, v2  }
0xa1: {  	v12 =	vsel vm12, $0xF01, v12;
	v0 =	vsel vm11, $0x503, v0;
	v1 =	vsel vm7, $0x8, v1  }
0xa2: {  	v2 =	vsel vm6, $0x187, v2;
	v12 =	vsel vm13, $0xF82, v12;
	v0 =	vsel vm9, $0x584, v0  }
0xa3: {  	v1 =	vsel vm5, $0x89, v1;
	v2 =	vsel vm7, $0x208, v2;
	v12 =	vsel vm11, $0x803, v12  }
0xa4: {  	v0 =	vsel vm10, $0x605, v0;
	v1 =	vsel vm4, $0x10A, v1;
	v2 =	vsel vm5, $0x289, v2  }
0xa5: {  	v12 =	vsel vm9, $0x884, v12;
	v0 =	vsel vm8, $0x686, v0;
	v1 =	vsel vm3, $0x18B, v1  }
0xa6: {  	v2 =	vsel vm4, $0x30A, v2;
	v12 =	vsel vm10, $0x905, v12;
	v0 =	vsel vm6, $0x707, v0  }
0xa7: {  	v54 =	vsel vm1, $0x20C, v1;
	v1 =	vsel vm2, $0x30D, v55;
	v2 =	vsel vm3, $0x38B, v2  }
0xa8: {  	v55 =	vimm.s32 $0x110F;
	v12 =	vsel vm8, $0x986, v12;
	v0 =	vsel vm7, $0x788, v0  }
0xa9: {  	v57 =	vsel vm0, $0x38E, v1;
	v1 =	vsel vm14, $0x580, v60;
	v4 =	vsel vm1, $0x40C, v2  }
0xaa: {  	v2 =	vsel vm14, $0x780, v9;
	v9 =	vsel vm14, $0xD00, v43;
	v17 =	vsel vm14, $0x1180, v55  }
0xab: {  	v43 =	vimm.s32 $0x1E8F;
	v60 =	vunpack.c.0.s8.s32 v46;
	v55 =	vimm.s32 $0x16151413  }
0xac: {  	v12 =	vsel vm6, $0xA07, v12;
	v0 =	vsel vm5, $0x9, v0;
	v1 =	vsel vm12, $0x601, v1  }
0xad: {  	[tilespmem:$0x1FA80] =	vst v57;
	v2 =	vsel vm12, $0x1, v2;
	v57 =	vunpack.c.0.s8.s32 v15;
	v15 =	vsel vm14, $0x1080, v51  }
0xae: {  	v43 =	vsel vm14, $0x1F00, v43;
	v9 =	vsel vm12, $0xD81, v9;
	v17 =	vsel vm12, $0x1201, v17  }
0xaf: {  	v12 =	vsel vm7, $0xA88, v12;
	v0 =	vsel vm4, $0x8A, v0;
	v1 =	vsel vm13, $0x682, v1  }
0xb0: {  	v2 =	vsel vm13, $0x82, v2;
	v9 =	vsel vm13, $0xE02, v9;
	v15 =	vsel vm12, $0x1101, v15  }
0xb1: {  	v17 =	vsel vm13, $0x1282, v17;
	v43 =	vsel vm12, $0x1F81, v43;
	v12 =	vsel vm5, $0xB09, v12  }
0xb2: {  	v0 =	vsel vm3, $0x10B, v0;
	v1 =	vsel vm11, $0x703, v1;
	v2 =	vsel vm11, $0x103, v2  }
0xb3: {  	v15 =	vsel vm13, $0x1182, v15;
	v43 =	vsel vm13, $0x1802, v43;
	v9 =	vsel vm11, $0xE83, v9  }
0xb4: {  	v17 =	vsel vm11, $0x1303, v17;
	v0 =	vsel vm1, $0x18C, v0;
	v1 =	vsel vm9, $0x784, v1  }
0xb5: {  	v2 =	vsel vm9, $0x184, v2;
	v15 =	vsel vm11, $0x1203, v15;
	v43 =	vsel vm11, $0x1883, v43  }
0xb6: {  	v9 =	vsel vm9, $0xF04, v9;
	v17 =	vsel vm9, $0x1384, v17;
	v0 =	vsel vm2, $0x20D, v0  }
0xb7: {  	v1 =	vsel vm10, $0x5, v1;
	v2 =	vsel vm10, $0x205, v2;
	v9 =	vsel vm10, $0xF85, v9  }
0xb8: {  	v15 =	vsel vm9, $0x1284, v15;
	v17 =	vsel vm10, $0x1405, v17;
	v43 =	vsel vm9, $0x1904, v43  }
0xb9: {  	v0 =	vsel vm0, $0x28E, v0;
	v1 =	vsel vm8, $0x86, v1;
	v2 =	vsel vm8, $0x286, v2  }
0xba: {  	v15 =	vsel vm10, $0x1305, v15;
	v43 =	vsel vm10, $0x1985, v43;
	v9 =	vsel vm8, $0x806, v9  }
0xbb: {  	v17 =	vsel vm8, $0x1486, v17;
	[tilespmem:$0x1F880] =	vst v0;
	v0 =	vsel vm2, $0x28D, v54;
	v1 =	vsel vm6, $0x107, v1  }
0xbc: {  	v2 =	vsel vm6, $0x307, v2;
	v54 =	vimm.s32 $0x108F;
	v15 =	vsel vm8, $0x1386, v15  }
0xbd: {  	v43 =	vsel vm8, $0x1A06, v43;
	v9 =	vsel vm6, $0x887, v9;
	v17 =	vsel vm6, $0x1507, v17  }
0xbe: {  	v0 =	vsel vm0, $0x30E, v0;
	v1 =	vsel vm7, $0x188, v1;
	v2 =	vsel vm7, $0x388, v2  }
0xbf: {  	v16 =	vsel vm14, $0x1100, v54;
	v9 =	vsel vm7, $0x908, v9;
	v15 =	vsel vm6, $0x1407, v15  }
0xc0: {  	v17 =	vsel vm7, $0x1588, v17;
	v43 =	vsel vm6, $0x1A87, v43;
	[tilespmem:$0x1FA70] =	vst v0;
	v0 =	vsel vm12, $0x581, v59  }
0xc1: {  	v1 =	vsel vm5, $0x209, v1;
	v2 =	vsel vm5, $0x409, v2;
	v16 =	vsel vm12, $0x1181, v16  }
0xc2: {  	v59 =	vimm.s32 $0x19181716;
	v15 =	vsel vm7, $0x1488, v15;
	v43 =	vsel vm7, $0x1B08, v43  }
0xc3: {  	v9 =	vsel vm5, $0x989, v9;
	v17 =	vsel vm5, $0x1609, v17;
	v0 =	vsel vm13, $0x602, v0  }
0xc4: {  	v1 =	vsel vm4, $0x28A, v1;
	v2 =	vsel vm4, $0x48A, v2;
	v16 =	vsel vm13, $0x1202, v16  }
0xc5: {  	v51 =	vunpack.c.0.s8.s32 v59;
	v59 =	vimm.s32 $0x1A191817;
	v15 =	vsel vm5, $0x1509, v15  }
0xc6: {  	v43 =	vsel vm5, $0x1B89, v43;
	v0 =	vsel vm11, $0x683, v0;
	v1 =	vsel vm3, $0x30B, v1  }
0xc7: {  	[tilespmem:$0x1F8F0] =	vst v60;
	v2 =	vsel vm3, $0x50B, v2;
	v16 =	vsel vm11, $0x1283, v16;
	v60 =	vunpack.c.0.s8.s32 v59  }
0xc8: {  	[tilespmem:$0x1FAC0] =	vst v63;
	v59 =	vimm.s32 $0x17161514;
	v0 =	vsel vm9, $0x704, v0;
	v63 =	vsel vm1, $0x38C, v1  }
0xc9: {  	v1 =	vsel vm2, $0x48D, v4;
	v11 =	vsel vm1, $0x58C, v2;
	v2 =	vsel vm14, $0x980, v36  }
0xca: {  	v4 =	vsel vm14, $0xA80, v38;
	v36 =	vimm.s32 $0x1B0F;
	v38 =	vimm.s32 $0x1C0F  }
0xcb: {  	v16 =	vsel vm9, $0x1304, v16;
	v0 =	vsel vm10, $0x785, v0;
	v6 =	vsel vm0, $0x50E, v1  }
0xcc: {  	v1 =	vsel vm14, $0x700, v8;
	v8 =	vsel vm14, $0xC80, v42;
	v36 =	vsel vm14, $0x1B80, v36  }
0xcd: {  	v38 =	vsel vm14, $0x1C80, v38;
	v42 =	vimm.s32 $0x1E0F;
	v2 =	vsel vm12, $0xA01, v2  }
0xce: {  	v4 =	vsel vm12, $0xB01, v4;
	v16 =	vsel vm10, $0x1385, v16;
	[tilespmem:$0x1F920] =	vst v60;
	v60 =	vunpack.c.0.s8.s32 v59  }
0xcf: {  	v0 =	vsel vm8, $0x6, v0;
	[tilespmem:$0x1F8B0] =	vst v6;
	v1 =	vsel vm12, $0x781, v1;
	v6 =	vsel vm14, $0xB80, v40  }
0xd0: {  	v40 =	vimm.s32 $0x1D0F;
	v42 =	vsel vm14, $0x1E80, v42;
	v2 =	vsel vm13, $0xA82, v2  }
0xd1: {  	v4 =	vsel vm13, $0xB82, v4;
	v8 =	vsel vm12, $0xD01, v8;
	v36 =	vsel vm12, $0x1C01, v36  }
0xd2: {  	v38 =	vsel vm12, $0x1D01, v38;
	v16 =	vsel vm8, $0x1406, v16;
	v0 =	vsel vm6, $0x87, v0  }
0xd3: {  	v1 =	vsel vm13, $0x2, v1;
	v40 =	vsel vm14, $0x1D80, v40;
	v6 =	vsel vm12, $0xC01, v6  }
0xd4: {  	v8 =	vsel vm13, $0xD82, v8;
	v36 =	vsel vm13, $0x1C82, v36;
	v38 =	vsel vm13, $0x1D82, v38  }
0xd5: {  	v42 =	vsel vm12, $0x1F01, v42;
	v2 =	vsel vm11, $0xB03, v2;
	v4 =	vsel vm11, $0xC03, v4  }
0xd6: {  	v16 =	vsel vm6, $0x1487, v16;
	[tilespmem:$0x1F950] =	vst v60;
	v60 =	vsel vm4, $0xF0A, v3;
	v3 =	vsel vm4, $0x168A, v17  }
0xd7: {  	v0 =	vsel vm7, $0x108, v0;
	v1 =	vsel vm11, $0x83, v1;
	v6 =	vsel vm13, $0xC82, v6  }
0xd8: {  	v40 =	vsel vm12, $0x1E01, v40;
	v42 =	vsel vm13, $0x1F82, v42;
	v8 =	vsel vm11, $0xE03, v8  }
0xd9: {  	v36 =	vsel vm11, $0x1D03, v36;
	v38 =	vsel vm11, $0x1E03, v38;
	v2 =	vsel vm9, $0xB84, v2  }
0xda: {  	v4 =	vsel vm9, $0xC84, v4;
	v16 =	vsel vm7, $0x1508, v16;
	v0 =	vsel vm5, $0x189, v0  }
0xdb: {  	v1 =	vsel vm9, $0x104, v1;
	v40 =	vsel vm13, $0x1E82, v40;
	v6 =	vsel vm11, $0xD03, v6  }
0xdc: {  	v42 =	vsel vm11, $0x1803, v42;
	v2 =	vsel vm10, $0xC05, v2;
	v4 =	vsel vm10, $0xD05, v4  }
0xdd: {  	v8 =	vsel vm9, $0xE84, v8;
	v36 =	vsel vm9, $0x1D84, v36;
	v38 =	vsel vm9, $0x1E84, v38  }
0xde: {  	v16 =	vsel vm5, $0x1589, v16;
	v0 =	vsel vm4, $0x20A, v0;
	v1 =	vsel vm10, $0x185, v1  }
0xdf: {  	v40 =	vsel vm11, $0x1F03, v40;
	v6 =	vsel vm9, $0xD84, v6;
	v8 =	vsel vm10, $0xF05, v8  }
0xe0: {  	v36 =	vsel vm10, $0x1E05, v36;
	v38 =	vsel vm10, $0x1F05, v38;
	v42 =	vsel vm9, $0x1884, v42  }
0xe1: {  	v2 =	vsel vm8, $0xC86, v2;
	v4 =	vsel vm8, $0xD86, v4;
	v0 =	vsel vm3, $0x28B, v0  }
0xe2: {  	v1 =	vsel vm8, $0x206, v1;
	v6 =	vsel vm10, $0xE05, v6;
	v40 =	vsel vm9, $0x1F84, v40  }
0xe3: {  	v42 =	vsel vm10, $0x1905, v42;
	v8 =	vsel vm8, $0xF86, v8;
	v36 =	vsel vm8, $0x1E86, v36  }
0xe4: {  	v38 =	vsel vm8, $0x1F86, v38;
	v2 =	vsel vm6, $0xD07, v2;
	v4 =	vsel vm6, $0xE07, v4  }
0xe5: {  	v0 =	vsel vm1, $0x30C, v0;
	v1 =	vsel vm6, $0x287, v1;
	v40 =	vsel vm10, $0x1805, v40  }
0xe6: {  	v6 =	vsel vm8, $0xE86, v6;
	v42 =	vsel vm8, $0x1986, v42;
	v2 =	vsel vm7, $0xD88, v2  }
0xe7: {  	v4 =	vsel vm7, $0xE88, v4;
	v8 =	vsel vm6, $0x807, v8;
	v36 =	vsel vm6, $0x1F07, v36  }
0xe8: {  	v38 =	vsel vm6, $0x1807, v38;
	v0 =	vsel vm2, $0x38D, v0;
	v1 =	vsel vm7, $0x308, v1  }
0xe9: {  	v40 =	vsel vm8, $0x1886, v40;
	v6 =	vsel vm6, $0xF07, v6;
	v8 =	vsel vm7, $0x888, v8  }
0xea: {  	v36 =	vsel vm7, $0x1F88, v36;
	v38 =	vsel vm7, $0x1888, v38;
	v42 =	vsel vm6, $0x1A07, v42  }
0xeb: {  	v2 =	vsel vm5, $0xE09, v2;
	v4 =	vsel vm5, $0xF09, v4;
	v0 =	vsel vm0, $0x40E, v0  }
0xec: {  	v1 =	vsel vm5, $0x389, v1;
	v6 =	vsel vm7, $0xF88, v6;
	v40 =	vsel vm6, $0x1907, v40  }
0xed: {  	v42 =	vsel vm7, $0x1A88, v42;
	v8 =	vsel vm5, $0x909, v8;
	v36 =	vsel vm5, $0x1809, v36  }
0xee: {  	v38 =	vsel vm5, $0x1909, v38;
	v2 =	vsel vm4, $0xE8A, v2;
	[tilespmem:$0x1F890] =	vst v0;
	v0 =	vsel vm2, $0x40D, v63  }
0xef: {  	v1 =	vsel vm4, $0x40A, v1;
	v63 =	vunpack.c.0.s8.s32 v32;
	v32 =	vimm.s32 $0x190F  }
0xf0: {  	v40 =	vsel vm7, $0x1988, v40;
	v6 =	vsel vm5, $0x809, v6;
	v2 =	vsel vm3, $0xF0B, v2  }
0xf1: {  	v0 =	vsel vm0, $0x48E, v0;
	v1 =	vsel vm3, $0x48B, v1;
	v32 =	vsel vm14, $0x1980, v32  }
0xf2: {  	v40 =	vsel vm5, $0x1A09, v40;
	[tilespmem:$0x1F8A0] =	vst v0;
	v0 =	vsel vm12, $0x701, v7;
	v10 =	vsel vm1, $0x50C, v1  }
0xf3: {  	v1 =	vsel vm2, $0x60D, v11;
	v7 =	vsel vm14, $0xC00, v41;
	v11 =	vsel vm14, $0xE00, v45  }
0xf4: {  	v41 =	vimm.s32 $0x1D8F;
	v45 =	vimm.s32 $0x15141312;
	v32 =	vsel vm12, $0x1A01, v32  }
0xf5: {  	v0 =	vsel vm13, $0x782, v0;
	v13 =	vsel vm0, $0x68E, v1;
	v1 =	vsel vm14, $0x900, v35  }
0xf6: {  	v35 =	vimm.s32 $0x1A8F;
	v41 =	vsel vm14, $0x1E00, v41;
	v54 =	vunpack.c.0.s8.s32 v45  }
0xf7: {  	v7 =	vsel vm12, $0xC81, v7;
	v11 =	vsel vm12, $0xE81, v11;
	v32 =	vsel vm13, $0x1A82, v32  }
0xf8: {  	v45 =	vunpack.c.0.s8.s32 v49;
	v49 =	vimm.s32 $0x1F1E1D1C;
	v0 =	vsel vm11, $0x3, v0  }
0xf9: {  	[tilespmem:$0x1F8E0] =	vst v13;
	v13 =	vsel vm14, $0xF00, v47;
	v35 =	vsel vm14, $0x1B00, v35;
	v1 =	vsel vm12, $0x981, v1  }
0xfa: {  	v7 =	vsel vm13, $0xD02, v7;
	v11 =	vsel vm13, $0xF02, v11;
	v41 =	vsel vm12, $0x1E81, v41  }
0xfb: {  	v32 =	vsel vm11, $0x1B03, v32;
	v47 =	vsel vm5, $0x1B09, v42;
	v42 =	vimm.s32 $0x1B1A1918  }
0xfc: {  	v0 =	vsel vm9, $0x84, v0;
	v1 =	vsel vm13, $0xA02, v1;
	v13 =	vsel vm12, $0xF81, v13  }
0xfd: {  	v35 =	vsel vm12, $0x1B81, v35;
	v41 =	vsel vm13, $0x1F02, v41;
	v7 =	vsel vm11, $0xD83, v7  }
0xfe: {  	v11 =	vsel vm11, $0xF83, v11;
	[tilespmem:$0x1F900] =	vst v45;
	v32 =	vsel vm9, $0x1B84, v32;
	v45 =	vunpack.c.0.s8.s32 v55  }
0xff: {  	v55 =	vimm.s32 $0x13121110;
	v0 =	vsel vm10, $0x105, v0;
	v13 =	vsel vm13, $0x802, v13  }
0x100: {  	v35 =	vsel vm13, $0x1C02, v35;
	v1 =	vsel vm11, $0xA83, v1;
	v41 =	vsel vm11, $0x1F83, v41  }
0x101: {  	v7 =	vsel vm9, $0xE04, v7;
	v11 =	vsel vm9, $0x804, v11;
	v32 =	vsel vm10, $0x1C05, v32  }
0x102: {  	v0 =	vsel vm8, $0x186, v0;
	v13 =	vsel vm11, $0x883, v13;
	v35 =	vsel vm11, $0x1C83, v35  }
0x103: {  	v1 =	vsel vm9, $0xB04, v1;
	v7 =	vsel vm10, $0xE85, v7;
	v11 =	vsel vm10, $0x885, v11  }
0x104: {  	v41 =	vsel vm9, $0x1804, v41;
	[tilespmem:$0x1F910] =	vst v45;
	v32 =	vsel vm8, $0x1C86, v32;
	v45 =	vunpack.c.0.s8.s32 v49  }
0x105: {  	v0 =	vsel vm6, $0x207, v0;
	v1 =	vsel vm10, $0xB85, v1;
	v13 =	vsel vm9, $0x904, v13  }
0x106: {  	v35 =	vsel vm9, $0x1D04, v35;
	v41 =	vsel vm10, $0x1885, v41;
	v7 =	vsel vm8, $0xF06, v7  }
0x107: {  	v11 =	vsel vm8, $0x906, v11;
	v32 =	vsel vm6, $0x1D07, v32;
	v0 =	vsel vm7, $0x288, v0  }
0x108: {  	v13 =	vsel vm10, $0x985, v13;
	v35 =	vsel vm10, $0x1D85, v35;
	v1 =	vsel vm8, $0xC06, v1  }
0x109: {  	v41 =	vsel vm8, $0x1906, v41;
	v7 =	vsel vm6, $0xF87, v7;
	v11 =	vsel vm6, $0x987, v11  }
0x10a: {  	[tilespmem:$0x1F930] =	vst v45;
	v32 =	vsel vm7, $0x1D88, v32;
	v45 =	vunpack.c.0.s8.s32 v55;
	v55 =	vsel vm1, $0xF8C, v2  }
0x10b: {  	v0 =	vsel vm5, $0x309, v0;
	v13 =	vsel vm8, $0xA06, v13;
	v35 =	vsel vm8, $0x1E06, v35  }
0x10c: {  	v1 =	vsel vm6, $0xC87, v1;
	v7 =	vsel vm7, $0x808, v7;
	v11 =	vsel vm7, $0xA08, v11  }
0x10d: {  	v41 =	vsel vm6, $0x1987, v41;
	v32 =	vsel vm5, $0x1E09, v32;
	v59 =	vsel vm2, $0x80D, v55  }
0x10e: {  	v55 =	vsel vm4, $0x80A, v5;
	v5 =	vsel vm4, $0x88A, v6;
	v0 =	vsel vm4, $0x38A, v0  }
0x10f: {  	v1 =	vsel vm7, $0xD08, v1;
	v13 =	vsel vm6, $0xA87, v13;
	v35 =	vsel vm6, $0x1E87, v35  }
0x110: {  	v41 =	vsel vm7, $0x1A08, v41;
	v7 =	vsel vm5, $0x889, v7;
	v11 =	vsel vm5, $0xA89, v11  }
0x111: {  	[tilespmem:$0x1F940] =	vst v45;
	v45 =	vunpack.c.0.s8.s32 v42;
	v42 =	vsel vm3, $0xF8B, v60;
	v2 =	vsel vm3, $0x88B, v55  }
0x112: {  	v6 =	vsel vm3, $0x90B, v5;
	v0 =	vsel vm3, $0x40B, v0;
	v13 =	vsel vm7, $0xB08, v13  }
0x113: {  	v35 =	vsel vm7, $0x1F08, v35;
	v1 =	vsel vm5, $0xD89, v1;
	v41 =	vsel vm5, $0x1A89, v41  }
0x114: {  	v60 =	vsel vm1, $0x90C, v2;
	v0 =	vsel vm1, $0x48C, v0;
	v13 =	vsel vm5, $0xB89, v13  }
0x115: {  	v35 =	vsel vm5, $0x1F89, v35;
	v1 =	vsel vm4, $0xE0A, v1;
	v0 =	vsel vm2, $0x50D, v0  }
0x116: {  	v1 =	vsel vm3, $0xE8B, v1;
	v13 =	vsel vm4, $0xC0A, v13;
	v0 =	vsel vm0, $0x58E, v0  }
0x117: {  	v1 =	vsel vm1, $0xF0C, v1;
	[tilespmem:$0x1F8C0] =	vst v0;
	v0 =	vsel vm2, $0x58D, v10;
	v10 =	vsel vm14, $0xD80, v44  }
0x118: {  	v44 =	vimm.s32 $0x1F0F;
	v49 =	vsel vm2, $0xF8D, v1;
	v0 =	vsel vm0, $0x60E, v0  }
0x119: {  	v46 =	vmovc v61;
	v44 =	vsel vm14, $0x1F80, v44;
	v10 =	vsel vm12, $0xE01, v10;
	v61 =	vsel vm0, $0x80E, v49  }
0x11a: {  	v49 =	vsel vm4, $0xF8A, v4;
	v4 =	vsel vm2, $0x98D, v60;
	[tilespmem:$0x1F8D0] =	vst v0;
	v0 =	vsel vm12, $0x901, v34  }
0x11b: {  	v34 =	vimm.s32 $0x1A0F;
	v10 =	vsel vm13, $0xE82, v10;
	v44 =	vsel vm12, $0x1801, v44  }
0x11c: {  	v1 =	vsel vm3, $0x80B, v49;
	v49 =	vsel vm4, $0x98A, v8;
	v34 =	vsel vm14, $0x1A80, v34  }
0x11d: {  	v0 =	vsel vm13, $0x982, v0;
	v44 =	vsel vm13, $0x1882, v44;
	v10 =	vsel vm11, $0xF03, v10  }
0x11e: {  	v1 =	vsel vm1, $0x88C, v1;
	v2 =	vsel vm3, $0xA0B, v49;
	v0 =	vsel vm11, $0xA03, v0  }
0x11f: {  	v34 =	vsel vm12, $0x1B01, v34;
	v44 =	vsel vm11, $0x1903, v44;
	v0 =	vsel vm9, $0xA84, v0  }
0x120: {  	v10 =	vsel vm9, $0xF84, v10;
	v34 =	vsel vm13, $0x1B82, v34;
	v0 =	vsel vm10, $0xB05, v0  }
0x121: {  	v10 =	vsel vm10, $0x805, v10;
	v44 =	vsel vm9, $0x1984, v44;
	v0 =	vsel vm8, $0xB86, v0  }
0x122: {  	v34 =	vsel vm11, $0x1C03, v34;
	v44 =	vsel vm10, $0x1A05, v44;
	v0 =	vsel vm6, $0xC07, v0  }
0x123: {  	v10 =	vsel vm8, $0x886, v10;
	v34 =	vsel vm9, $0x1C84, v34;
	v0 =	vsel vm7, $0xC88, v0  }
0x124: {  	v44 =	vsel vm8, $0x1A86, v44;
	v10 =	vsel vm6, $0x907, v10;
	v0 =	vsel vm5, $0xD09, v0  }
0x125: {  	v34 =	vsel vm10, $0x1D05, v34;
	v10 =	vsel vm7, $0x988, v10;
	v0 =	vsel vm4, $0xD8A, v0  }
0x126: {  	v44 =	vsel vm6, $0x1B07, v44;
	v34 =	vsel vm8, $0x1D86, v34;
	v0 =	vsel vm3, $0xE0B, v0  }
0x127: {  	v44 =	vsel vm7, $0x1B88, v44;
	v10 =	vsel vm5, $0xA09, v10;
	v0 =	vsel vm1, $0xE8C, v0  }
0x128: {  	v34 =	vsel vm6, $0x1E07, v34;
	v44 =	vsel vm5, $0x1C09, v44;
	v0 =	vsel vm2, $0xF0D, v0  }
0x129: {  	[tilespmem:$0x1F960] =	vst v45;
	v34 =	vsel vm7, $0x1E88, v34;
	v45 =	vsel vm0, $0xF8E, v0;
	v0 =	vsel vm0, $0x88E, v59  }
0x12a: {  	v34 =	vsel vm5, $0x1F09, v34;
	v59 =	vsel vm2, $0x90D, v1;
	[tilespmem:$0x1F970] =	vst v0;
	v0 =	vsel vm1, $0x80C, v42  }
0x12b: {  	v42 =	vsel vm4, $0x90A, v7;
	v7 =	vsel vm4, $0xB0A, v11;
	v11 =	vsel vm4, $0xB8A, v12  }
0x12c: {  	v0 =	vsel vm2, $0x88D, v0;
	v1 =	vsel vm3, $0x98B, v42;
	v12 =	vsel vm3, $0xC0B, v11  }
0x12d: {  	v11 =	vsel vm4, $0x128A, v25;
	v0 =	vsel vm0, $0x90E, v0;
	v1 =	vsel vm1, $0xA0C, v1  }
0x12e: {  	v25 =	vsel vm4, $0x1A0A, v39;
	[tilespmem:$0x1F980] =	vst v0;
	v0 =	vsel vm0, $0x98E, v59;
	v55 =	vsel vm2, $0xA8D, v1  }
0x12f: {  	v59 =	vsel vm1, $0xA8C, v2;
	v2 =	vsel vm3, $0xB8B, v7;
	v7 =	vsel vm4, $0x108A, v21  }
0x130: {  	v21 =	vsel vm4, $0x180A, v35;
	[tilespmem:$0x1F990] =	vst v0;
	v0 =	vsel vm0, $0xA0E, v4;
	v60 =	vsel vm2, $0xB0D, v59  }
0x131: {  	v4 =	vsel vm4, $0xA0A, v9;
	v9 =	vsel vm1, $0xC0C, v2;
	v2 =	vsel vm3, $0xD0B, v14  }
0x132: {  	v14 =	vsel vm4, $0x140A, v28;
	v28 =	vsel vm4, $0x1B8A, v47;
	[tilespmem:$0x1F9A0] =	vst v0;
	v0 =	vsel vm1, $0x98C, v6  }
0x133: {  	v49 =	vsel vm0, $0xB8E, v60;
	v5 =	vsel vm3, $0xA8B, v4;
	v6 =	vsel vm4, $0xA8A, v10  }
0x134: {  	v10 =	vsel vm2, $0xC8D, v9;
	v59 =	vsel vm1, $0xD8C, v2;
	v2 =	vsel vm4, $0x160A, v16  }
0x135: {  	v4 =	vsel vm4, $0x170A, v18;
	v9 =	vsel vm4, $0x118A, v23;
	v18 =	vsel vm4, $0x1E8A, v32  }
0x136: {  	v32 =	vmovc v48;
	v23 =	vsel vm4, $0x190A, v37;
	v48 =	vsel vm3, $0x148B, v14;
	v0 =	vsel vm2, $0xA0D, v0  }
0x137: {  	v1 =	vsel vm3, $0xB0B, v6;
	v60 =	vsel vm2, $0xE0D, v59;
	v6 =	vsel vm4, $0x100A, v20  }
0x138: {  	v59 =	vsel vm4, $0x1E0A, v31;
	v20 =	vsel vm4, $0x1F8A, v34;
	v31 =	vimm.s32 $0x2C2B2A29  }
0x139: {  	v0 =	vsel vm0, $0xA8E, v0;
	v1 =	vsel vm1, $0xB8C, v1;
	v35 =	vsel vm3, $0x108B, v6  }
0x13a: {  	v59 =	vsel vm3, $0x1E8B, v59;
	[tilespmem:$0x1F9B0] =	vst v0;
	v0 =	vsel vm0, $0xB0E, v55;
	v8 =	vsel vm2, $0xC0D, v1  }
0x13b: {  	v1 =	vsel vm3, $0xC8B, v13;
	v13 =	vsel vm4, $0x138A, v27;
	v27 =	vsel vm4, $0x1B0A, v41  }
0x13c: {  	v16 =	vsel vm1, $0x1F0C, v59;
	[tilespmem:$0x1F9C0] =	vst v0;
	v0 =	vsel vm1, $0xB0C, v5;
	v1 =	vsel vm1, $0xD0C, v1  }
0x13d: {  	v5 =	vsel vm4, $0x178A, v19;
	v19 =	vsel vm4, $0x1F0A, v33;
	v33 =	vsel vm3, $0x178B, v4  }
0x13e: {  	v47 =	vsel vm3, $0x140B, v13;
	v13 =	vsel vm1, $0x150C, v48;
	v16 =	vsel vm2, $0x1F8D, v16  }
0x13f: {  	v0 =	vsel vm2, $0xB8D, v0;
	v55 =	vsel vm2, $0xD8D, v1;
	v1 =	vsel vm4, $0x158A, v15  }
0x140: {  	v15 =	vsel vm4, $0x148A, v29;
	v29 =	vsel vm4, $0x1C0A, v43;
	v34 =	vsel vm3, $0x100B, v5  }
0x141: {  	v5 =	vsel vm1, $0x110C, v35;
	v13 =	vsel vm2, $0x158D, v13;
	v42 =	vsel vm0, $0xC0E, v0  }
0x142: {  	v0 =	vsel vm0, $0xC8E, v8;
	v8 =	vsel vm4, $0x110A, v22;
	v22 =	vsel vm4, $0x188A, v36  }
0x143: {  	v36 =	vsel vm3, $0x110B, v7;
	v4 =	vsel vm1, $0x108C, v34;
	v5 =	vsel vm2, $0x118D, v5  }
0x144: {  	v13 =	vsel vm0, $0x160E, v13;
	v34 =	vimm.s32 $0x2D2C2B2A;
	[tilespmem:$0x1F9D0] =	vst v0;
	v0 =	vsel vm0, $0xD0E, v10  }
0x145: {  	v10 =	vsel vm4, $0x120A, v24;
	v24 =	vsel vm4, $0x198A, v38;
	v37 =	vsel vm3, $0x118B, v8  }
0x146: {  	v38 =	vsel vm3, $0x120B, v9;
	v4 =	vsel vm2, $0x110D, v4;
	v6 =	vsel vm1, $0x118C, v36  }
0x147: {  	v5 =	vsel vm0, $0x120E, v5;
	[tilespmem:$0x1F9E0] =	vst v0;
	v0 =	vsel vm1, $0xC8C, v12;
	v12 =	vsel vm4, $0x130A, v26  }
0x148: {  	v26 =	vsel vm4, $0x1A8A, v40;
	v39 =	vsel vm3, $0x128B, v10;
	v40 =	vsel vm3, $0x130B, v11  }
0x149: {  	v7 =	vsel vm1, $0x120C, v37;
	v6 =	vsel vm2, $0x120D, v6;
	v8 =	vsel vm1, $0x128C, v38  }
0x14a: {  	v4 =	vsel vm0, $0x118E, v4;
	v37 =	vimm.s32 $0x21202F2E;
	v0 =	vsel vm2, $0xD0D, v0  }
0x14b: {  	v43 =	vsel vm3, $0x138B, v12;
	v7 =	vsel vm2, $0x128D, v7;
	v8 =	vsel vm2, $0x130D, v8  }
0x14c: {  	v9 =	vsel vm1, $0x130C, v39;
	v10 =	vsel vm1, $0x138C, v40;
	v0 =	vsel vm0, $0xD8E, v0  }
0x14d: {  	v12 =	vsel vm1, $0x148C, v47;
	v59 =	vsel vm0, $0x128E, v6;
	[tilespmem:$0x1F9F0] =	vst v0;
	v0 =	vsel vm0, $0xE0E, v55  }
0x14e: {  	v9 =	vsel vm2, $0x138D, v9;
	[tilespmem:$0x1FA00] =	vst v0;
	v0 =	vsel vm0, $0xE8E, v60;
	v60 =	vunpack.c.0.s8.s32 v31  }
0x14f: {  	v10 =	vsel vm2, $0x140D, v10;
	v11 =	vsel vm1, $0x140C, v43;
	v12 =	vsel vm2, $0x150D, v12  }
0x150: {  	v55 =	vsel vm4, $0x1D8A, v30;
	v30 =	vsel vm4, $0x1C8A, v44;
	[tilespmem:$0x1FA20] =	vst v60;
	v60 =	vsel vm3, $0x1F0B, v18  }
0x151: {  	v18 =	vsel vm3, $0x1F8B, v19;
	v19 =	vsel vm3, $0x180B, v20;
	v20 =	vsel vm3, $0x188B, v21  }
0x152: {  	v21 =	vsel vm3, $0x190B, v22;
	v22 =	vsel vm3, $0x198B, v23;
	v23 =	vsel vm3, $0x1A0B, v24  }
0x153: {  	[tilespmem:$0x1FA10] =	vst v0;
	v0 =	vsel vm3, $0x160B, v1;
	v24 =	vsel vm3, $0x1A8B, v25;
	v23 =	vsel vm1, $0x1A8C, v23  }
0x154: {  	v25 =	vsel vm3, $0x1B0B, v26;
	v0 =	vsel vm1, $0x168C, v0;
	v23 =	vsel vm2, $0x1B0D, v23  }
0x155: {  	v26 =	vsel vm3, $0x1B8B, v27;
	v27 =	vsel vm3, $0x1C0B, v28;
	v0 =	vsel vm2, $0x170D, v0  }
0x156: {  	v28 =	vsel vm3, $0x1C8B, v29;
	v29 =	vsel vm3, $0x1D0B, v30;
	v0 =	vsel vm0, $0x178E, v0  }
0x157: {  	v29 =	vsel vm1, $0x1D8C, v29;
	v35 =	vsel vm0, $0x1B8E, v23;
	v23 =	vmovc v0;
	v0 =	vunpack.c.0.s8.s32 v34  }
0x158: {  	v1 =	vsel vm3, $0x168B, v2;
	v2 =	vsel vm3, $0x170B, v3;
	v29 =	vsel vm2, $0x1E0D, v29  }
0x159: {  	v3 =	vsel vm1, $0x100C, v33;
	v33 =	vsel vm0, $0x1E8E, v29;
	[tilespmem:$0x1FB20] =	vst v0;
	v0 =	vunpack.c.0.s8.s32 v37  }
0x15a: {  	v44 =	vmovc v50;
	v50 =	vsel vm3, $0x150B, v15;
	v55 =	vsel vm3, $0x1E0B, v55;
	[tilespmem:$0x1FB10] =	vst v33;
	v33 =	vimm.s32 $0x29282726  }
0x15b: {  	v15 =	vsel vm1, $0x1E8C, v55;
	v55 =	vimm.s32 $0x25242322;
	[tilespmem:$0x1FB30] =	vst v0;
	v0 =	vunpack.c.0.s8.s32 v33  }
0x15c: {  	v43 =	vsel vm0, $0x158E, v12;
	v12 =	vunpack.c.0.s8.s32 v55;
	v34 =	vimm.s32 $0x2E2D2C2B  }
0x15d: {  	v39 =	vsel vm0, $0x130E, v7;
	v40 =	vsel vm0, $0x138E, v8;
	[tilespmem:$0x1FB50] =	vst v0;
	v0 =	vunpack.c.0.s8.s32 v34  }
0x15e: {  	v7 =	vsel vm0, $0x180E, v16;
	v11 =	vsel vm2, $0x148D, v11;
	[tilespmem:$0x1FB40] =	vst v12;
	v12 =	vimm.s32 $0x26252423  }
0x15f: {  	v14 =	vsel vm1, $0x158C, v50;
	v37 =	vimm.s32 $0x2221202F;
	[tilespmem:$0x1FB60] =	vst v0;
	v0 =	vunpack.c.0.s8.s32 v12  }
0x160: {  	v31 =	vimm.s32 $0x28272625;
	v55 =	vunpack.c.0.s8.s32 v37;
	v33 =	vimm.s32 $0x2A292827  }
0x161: {  	v30 =	vimm.s32 $0x202F2E2D;
	v1 =	vsel vm1, $0x170C, v1;
	[tilespmem:$0x1FB80] =	vst v0;
	v0 =	vunpack.c.0.s8.s32 v33  }
0x162: {  	v30 =	vunpack.c.0.s8.s32 v30;
	v1 =	vsel vm2, $0x178D, v1;
	[tilespmem:$0x1FB70] =	vst v55;
	v55 =	vimm.s32 $0x23222120  }
0x163: {  	v17 =	vsel vm1, $0x1F8C, v60;
	v34 =	vimm.s32 $0x2F2E2D2C;
	[tilespmem:$0x1FB90] =	vst v0;
	v0 =	vunpack.c.0.s8.s32 v55  }
0x164: {  	v18 =	vsel vm1, $0x180C, v18;
	[tilespmem:$0x1FA30] =	vst v30;
	v37 =	vunpack.c.0.s8.s32 v34;
	v12 =	vimm.s32 $0x27262524  }
0x165: {  	v20 =	vsel vm1, $0x190C, v20;
	v21 =	vsel vm1, $0x198C, v21;
	[tilespmem:$0x1FBB0] =	vst v0;
	v0 =	vunpack.c.0.s8.s32 v12  }
0x166: {  	v22 =	vsel vm1, $0x1A0C, v22;
	v24 =	vsel vm1, $0x1B0C, v24;
	[tilespmem:$0x1FBA0] =	vst v37;
	v37 =	vimm.s32 $0x3C3B3A39  }
0x167: {  	v1 =	vsel vm0, $0x100E, v1;
	v33 =	vimm.s32 $0x2B2A2928;
	[tilespmem:$0x1FBC0] =	vst v0;
	v0 =	vunpack.c.0.s8.s32 v37  }
0x168: {  	v25 =	vsel vm1, $0x1B8C, v25;
	[tilespmem:$0x1FA60] =	vst v1;
	v34 =	vunpack.c.0.s8.s32 v33;
	v55 =	vimm.s32 $0x303F3E3D  }
0x169: {  	v27 =	vsel vm1, $0x1C8C, v27;
	v30 =	vimm.s32 $0x24232221;
	[tilespmem:$0x1FBE0] =	vst v0;
	v0 =	vunpack.c.0.s8.s32 v55  }
0x16a: {  	v28 =	vsel vm1, $0x1D0C, v28;
	v30 =	vunpack.c.0.s8.s32 v30;
	[tilespmem:$0x1FBD0] =	vst v34;
	v34 =	vimm.s32 $0x38373635  }
0x16b: {  	v60 =	vsel vm0, $0x140E, v9;
	v12 =	vimm.s32 $0x34333231;
	[tilespmem:$0x1FBF0] =	vst v0;
	v0 =	vunpack.c.0.s8.s32 v34  }
0x16c: {  	v18 =	vsel vm2, $0x188D, v18;
	[tilespmem:$0x1FA40] =	vst v30;
	v33 =	vunpack.c.0.s8.s32 v12;
	v37 =	vimm.s32 $0x3D3C3B3A  }
0x16d: {  	v20 =	vsel vm2, $0x198D, v20;
	v21 =	vsel vm2, $0x1A0D, v21;
	[tilespmem:$0x1FC10] =	vst v0;
	v0 =	vunpack.c.0.s8.s32 v37  }
0x16e: {  	v22 =	vsel vm2, $0x1A8D, v22;
	v30 =	vunpack.c.0.s8.s32 v31;
	[tilespmem:$0x1FC00] =	vst v33;
	v33 =	vimm.s32 $0x35343332  }
0x16f: {  	v48 =	vld [tilespmem:$0x1FAC0];
	v24 =	vsel vm2, $0x1B8D, v24;
	v55 =	vimm.s32 $0x31303F3E;
	[tilespmem:$0x1FC20] =	vst v0;
	v0 =	vunpack.c.0.s8.s32 v33  }
0x170: {  	v47 =	vld [tilespmem:$0x1FAA0];
	v25 =	vsel vm2, $0x1C0D, v25;
	[tilespmem:$0x1FA50] =	vst v30;
	v12 =	vunpack.c.0.s8.s32 v55;
	v34 =	vimm.s32 $0x39383736  }
0x171: {  	v50 =	vld [tilespmem:$0x1FAF0];
	v8 =	vsel vm0, $0x190E, v18;
	v37 =	vimm.s32 $0x3E3D3C3B;
	[tilespmem:$0x1FC40] =	vst v0;
	v0 =	vunpack.c.0.s8.s32 v34  }
0x172: {  	v16 =	vsel vm0, $0x1A0E, v20;
	v20 =	vld [tilespmem:$0x1FA70];
	[tilespmem:$0x1FC30] =	vst v12;
	v12 =	vimm.s32 $0x3231303F;
	v55 =	vunpack.c.0.s8.s32 v37  }
0x173: {  	v38 =	vsel vm0, $0x1A8E, v21;
	v21 =	vld [tilespmem:$0x1FA80];
	v34 =	vimm.s32 $0x3A393837;
	[tilespmem:$0x1FC50] =	vst v0;
	v0 =	vunpack.c.0.s8.s32 v12  }
0x174: {  	s6 =	rddreg [dreg:$0x0];
	s0 =	stileid.u32;
	v18 =	vsel vm0, $0x1B0E, v22;
	v22 =	vld [tilespmem:$0x1FA90];
	v33 =	vimm.s32 $0x36353433;
	[tilespmem:$0x1FC60] =	vst v55;
	v37 =	vunpack.c.0.s8.s32 v34  }
0x175: {  	s1 =	rddreg [dreg:$0x1];
	s2 =	srdreg.scid;
	v36 =	vsel vm0, $0x1C0E, v24;
	v24 =	vld [tilespmem:$0x1FAB0];
	[tilespmem:$0x1FC70] =	vst v0;
	v0 =	vunpack.c.0.s8.s32 v33;
	v33 =	vimm.s32 $0x37363534  }
0x176: {  	s5 =	simm.s32 $0x0;
	s7 =	sand.u32 $0x1, s2;
	s2 =	rddreg [dreg:$0x3];
	v28 =	vsel vm2, $0x1D8D, v28;
	v6 =	vsel vm0, $0x1C8E, v25;
	v25 =	vld [tilespmem:$0x1FAD0];
	[tilespmem:$0x1FC90] =	vst v37;
	v34 =	vunpack.c.0.s8.s32 v33  }
0x177: {  	s3 =	sshll.u32 s0, $0x1;
	[smem:$0x7FF] =	sst s5;
	v17 =	vsel vm2, $0x180D, v17;
	v27 =	vsel vm2, $0x1D0D, v27;
	v9 =	vsel vm0, $0x1E0E, v28;
	v28 =	vld [tilespmem:$0x1FB00];
	[tilespmem:$0x1FC80] =	vst v0  }
0x178: {  	s31 =	sand.u32 $0x2, s3;
	s3 =	rddreg [dreg:$0x2];
	v30 =	vsel vm0, $0x188E, v17;
	v17 =	vsel vm0, $0x1D8E, v27;
	v27 =	vld [tilespmem:$0x1FAE0];
	_ =	strace $0x80000047;
	[tilespmem:$0x1FCC0] =	vst v34  }
0x179: {  	v10 =	vsel vm0, $0x148E, v10;
	v11 =	vsel vm0, $0x150E, v11;
	v14 =	vsel vm2, $0x160D, v14;
	[tilespmem:$0x1FCF0] =	vst v53  }
0x17a: {  	v2 =	vsel vm1, $0x178C, v2;
	v3 =	vsel vm2, $0x108D, v3;
	v15 =	vsel vm2, $0x1F0D, v15;
	[tilespmem:$0x1FD00] =	vst v57  }
0x17b: {  	v14 =	vsel vm0, $0x168E, v14;
	v2 =	vsel vm2, $0x100D, v2;
	v19 =	vsel vm1, $0x188C, v19;
	[tilespmem:$0x1FD10] =	vst v62  }
0x17c: {  	v26 =	vsel vm1, $0x1C0C, v26;
	v3 =	vsel vm0, $0x110E, v3;
	v15 =	vsel vm0, $0x1F8E, v15;
	[tilespmem:$0x1FD20] =	vst v56  }
0x17d: {  	v19 =	vsel vm2, $0x190D, v19;
	v26 =	vsel vm2, $0x1C8D, v26;
	v2 =	vsel vm0, $0x108E, v2;
	[tilespmem:$0x1FD30] =	vst v63  }
0x17e: {  	v19 =	vsel vm0, $0x198E, v19;
	v26 =	vsel vm0, $0x1D0E, v26;
	vm0 =	vcmask $0x1F10;
	[tilespmem:$0x1FD40] =	vst v54  }
0x17f: {  	v1 =	vsel vm0, v53, v44;
	[tilespmem:$0x1FD50] =	vst v51  }
0x180: {  	v31 =	vsel vm0, v62, v57;
	[tilespmem:$0x1FD60] =	vst v1  }
0x181: {  	[tilespmem:$0x1FD70] =	vst v31  }
0x182: {  	[tilespmem:$0x1FDC0] =	vst v44  }
0x183: {  	[tilespmem:$0x1FDD0] =	vst v26  }
0x184: {  	[tilespmem:$0x1FDE0] =	vst v35  }
0x185: {  	[tilespmem:$0x1FDF0] =	vst v36  }
0x186: {  	[tilespmem:$0x1FE00] =	vst v3  }
0x187: {  	[tilespmem:$0x1FE10] =	vst v5  }
0x188: {  	[tilespmem:$0x1FE20] =	vst v39  }
0x189: {  	[tilespmem:$0x1FE30] =	vst v60  }
0x18a: {  	[tilespmem:$0x1FE40] =	vst v11  }
0x18b: {  	[tilespmem:$0x1FE50] =	vst v13  }
0x18c: {  	[tilespmem:$0x1FE60] =	vst v15  }
0x18d: {  	[tilespmem:$0x1FE70] =	vst v30  }
0x18e: {  	[tilespmem:$0x1FE80] =	vst v19  }
0x18f: {  	[tilespmem:$0x1FE90] =	vst v38  }
0x190: {  	[tilespmem:$0x1FEA0] =	vst v2  }
0x191: {  	[tilespmem:$0x1FEB0] =	vst v4  }
0x192: {  	[tilespmem:$0x1FEC0] =	vst v59  }
0x193: {  	[tilespmem:$0x1FED0] =	vst v40  }
0x194: {  	[tilespmem:$0x1FEE0] =	vst v10  }
0x195: {  	[tilespmem:$0x1FEF0] =	vst v43  }
0x196: {  	[tilespmem:$0x1FF00] =	vst v14  }
0x197: {  	[tilespmem:$0x1FF10] =	vst v7  }
0x198: {  	[tilespmem:$0x1FF20] =	vst v8  }
0x199: {  	[tilespmem:$0x1FF30] =	vst v16  }
0x19a: {  	[tilespmem:$0x1FF40] =	vst v18  }
0x19b: {  	[tilespmem:$0x1FF50] =	vst v6  }
0x19c: {  	[tilespmem:$0x1FF60] =	vst v17  }
0x19d: {  	[tilespmem:$0x1FF70] =	vst v9  }
0x19e: {  	[tilespmem:$0x1FF80] =	vst v61  }
0x19f: {  	v55 =	vimm.s32 $0x3F3E3D3C;
	[tilespmem:$0x1FF90] =	vst v42  }
0x1a0: {  	v0 =	vunpack.c.0.s8.s32 v55;
	[tilespmem:$0x1FFC0] =	vst v49  }
0x1a1: {  	v12 =	vimm.s32 $0x33323130;
	[tilespmem:$0x1FFD0] =	vst v58  }
0x1a2: {  	[tilespmem:$0x1FCA0] =	vst v0;
	v0 =	vunpack.c.0.s8.s32 v12  }
0x1a3: {  	v37 =	vimm.s32 $0x3B3A3938;
	v62 =	vcombine.low v31, v1;
	[tilespmem:$0x1FFE0] =	vst v23  }
0x1a4: {  	[tilespmem:$0x1FCB0] =	vst v0;
	v0 =	vunpack.c.0.s8.s32 v37  }
0x1a5: {  	s11 =	simm.s32 $0x3;
	[tilespmem:$0x1FD80] =	vst v62  }
0x1a6: {  	s12 =	simm.s32 $0x100;
	s13 =	simm.s32 $0x6400;
	s14 =	simm.s32 $0x1;
	v12 =	vmov v45;
	[tilespmem:$0x1FCD0] =	vst v0;
	v0 =	vlaneseq.u32  }
0x1a7: {  	s15 =	simm.s32 $0xE400;
	s16 =	simm.s32 $0x16400;
	s8 =	sshrl.u32 s0, $0x1;
	[tilespmem:$0x1FFB0] =	vst v12;
	v55 =	vmul.u32 $0x81, v0;
	v57 =	vor.u32 $0x10, v0  }
0x1a8: {  	s17 =	simm.s32 $0x8000;
	s9 =	smul.u32 $0x19000, s8;
	s4 =	sor.u32 s7, s31;
	v37 =	vmul.u32 $0x80, v0;
	[tilespmem:$0x1FFF0] =	vst v57  }
0x1a9: {  	s18 =	simm.s32 $0x18400;
	s7 =	ssub.s32 $0x2, s7;
	s4 =	sshll.u32 s4, $0xA;
	[tilespmem:$0x1FCE0] =	vst v55  }
0x1aa: {  	s19 =	simm.s32 $0x2;
	s10 =	sshrl.u32 s7, $0x1;
	s9 =	sor.u32 s9, s4;
	v55 =	vsel vm0, v63, v56;
	v56 =	vsel vm0, v51, v54;
	[tilespmem:$0x1FFA0] =	vst v37  }
0x1ab: {  	s20 =	simm.s32 $0x0;
	s10 =	ssub.s32 s7, s10;
	s9 =	sshrl.u32 s9, $0x3;
	[tilespmem:$0x1FD90] =	vst v55;
	v63 =	vcombine.low v56, v55  }
0x1ac: {  	s9 =	sadd.s32 s9, s6;
	s6 =	smul.u32 $0x19, s8;
	s8 =	smax.u32 s10, $0x1;
	[tilespmem:$0x1FDA0] =	vst v56  }
0x1ad: {  	s10 =	simm.s32 $0x1000;
	s7 =	sadd.s32 $0x400, s9;
	s9 =	simm.s32 $0x400;
	v41 =	vmov v61;
	[tilespmem:$0x1FDB0] =	vst v63  }
.LBB2_1:
0x1ae: {  	[tilespmem:s5], [sflag:$0x3] =	stream.strided.gather [hbm4b:s7+s9], $0x6400, s10, s9, $0x38;
	[tilespmem:$0x1A400] =	vst v63  }
0x1af: {  	_ =	swait.ge [sflag:s11], $0x6400  }
0x1b0: {  	[sflag:s11] =	ssyncset.done $0x0  }
0x1b1: {  	s21 =	simm.s32 $0x0;
	[sflag:s11] =	ssyncadd.s32 $0xFFFF9C00  }
0x1b2: {  	[tilespmem:s13], [sflag:$0x1] =	stream.indirect.gather [hbm4b:s1+s12], $0x80, s5, s12, $0xb8;
	[tilespmem:$0x1A400] =	vst v63  }
.LBB2_2:
0x1b3: {  	_ =	swait.ge [sflag:s14], $0x8000  }
0x1b4: {  	v33 =	vld [tilespmem:$0x1F860]  }
0x1b5: {  	v31 =	vld [tilespmem:$0x1F870]  }
0x1b6: {  	v39 =	vld [tilespmem:$0x1FBC0]  }
0x1b7: {  	v40 =	vld [tilespmem:$0x1FBD0]  }
0x1b8: {  	v53 =	vld [tilespmem:$0x1FBE0]  }
0x1b9: {  	v26 =	vld [tilespmem:$0x1FBF0]  }
0x1ba: {  	v49 =	vld [tilespmem:$0x1FC00]  }
0x1bb: {  	v51 =	vld [tilespmem:$0x1FC10]  }
0x1bc: {  	v55 =	vld [tilespmem:$0x1FC20]  }
0x1bd: {  	v54 =	vld [tilespmem:$0x1FC30]  }
0x1be: {  	v56 =	vld [tilespmem:$0x1FC40]  }
0x1bf: {  	v23 =	vld [tilespmem:$0x1FC50]  }
0x1c0: {  	v45 =	vld [tilespmem:$0x1FC60]  }
0x1c1: {  	v57 =	vld [tilespmem:$0x1FC70]  }
0x1c2: {  	v58 =	vld [tilespmem:$0x1FC80]  }
0x1c3: {  	v59 =	vld [tilespmem:$0x1FC90]  }
0x1c4: {  	s22 =	sshllo.u32 s21, $0x1;
	v60 =	vld [tilespmem:$0x1FCA0]  }
0x1c5: {  	s23 =	sshll.u32 s21, $0x9;
	s22 =	sshll.u32 s22, $0x8;
	v34 =	vld [tilespmem:$0x1FCB0]  }
0x1c6: {  	[sflag:s14] =	ssyncset.done $0x0;
	s24 =	sand.u32 $0x7C00, s23;
	v35 =	vld [tilespmem:$0x1FCC0];
	s22 =	sand.u32 $0x300, s22  }
0x1c7: {  	v36 =	vld [tilespmem:$0x1FCD0];
	[sflag:s14] =	ssyncadd.s32 $0xFFFF8000;
	s24 =	sor.u32 s22, s24  }
0x1c8: {  	v61 =	vld [tilespmem:$0x1FCE0];
	[tilespmem:s15], [sflag:$0x2] =	stream.indirect.gather [hbm4b:s1+s12], $0x80, s24, s12, $0xb8  }
0x1c9: {  	s25 =	simm.s32 $0x0;
	s26 =	simm.s32 $0x0;
	v29 =	vlaneseq.u32;
	v62 =	vld [tilespmem:$0x1F890];
	s24 =	sshll.u32 s21, $0xB  }
.LBB2_3:
0x1ca: {  	v0 =	vmov s25  }
0x1cb: {  	v3 =	vld [tilespmem:$0x1F7F0];
	v0 =	vshll.u32 v0, $0x7  }
0x1cc: {  	v6 =	vld [tilespmem:$0x1F800];
	v0 =	vor.u32 v37, v0  }
0x1cd: {  	v12 =	vld [tilespmem:$0x1F810];
	v1 =	vor.u32 v29, v0  }
0x1ce: {  	v15 =	vld [tilespmem:$0x1F820];
	v2 =	vor.u32 v22, v0  }
0x1cf: {  	v16 =	vld [tilespmem:$0x1F830];
	v4 =	vor.u32 v24, v0  }
0x1d0: {  	v18 =	vld [tilespmem:$0x1F840];
	v5 =	vor.u32 v25, v0  }
0x1d1: {  	v19 =	vld [tilespmem:$0x1F850];
	v7 =	vor.u32 v27, v0  }
0x1d2: {  	v8 =	vor.u32 v28, v0;
	v1 =	vld.idx.msk [tilespmem:v1+s13+$0x0], $0xffff  }
0x1d3: {  	v9 =	vor.u32 v46, v0;
	v2 =	vld.idx.msk [tilespmem:v2+s13+$0x0], $0xffff  }
0x1d4: {  	v10 =	vor.u32 v47, v0;
	v4 =	vld.idx.msk [tilespmem:v4+s13+$0x0], $0xffff  }
0x1d5: {  	v11 =	vor.u32 v48, v0;
	v5 =	vld.idx.msk [tilespmem:v5+s13+$0x0], $0xffff  }
0x1d6: {  	v13 =	vor.u32 v50, v0;
	v7 =	vld.idx.msk [tilespmem:v7+s13+$0x0], $0xffff  }
0x1d7: {  	v14 =	vor.u32 v52, v0;
	v8 =	vld.idx.msk [tilespmem:v8+s13+$0x0], $0xffff  }
0x1d8: {  	v3 =	vor.u32 v3, v0;
	v9 =	vld.idx.msk [tilespmem:v9+s13+$0x0], $0xffff  }
0x1d9: {  	v6 =	vor.u32 v6, v0;
	v10 =	vld.idx.msk [tilespmem:v10+s13+$0x0], $0xffff  }
0x1da: {  	s28 =	sshll.u32 s26, $0xA;
	v12 =	vor.u32 v12, v0;
	v11 =	vld.idx.msk [tilespmem:v11+s13+$0x0], $0xffff  }
0x1db: {  	s29 =	sand.u32 $0x70, s25;
	s28 =	sand.u32 $0xFFFFE000, s28;
	v15 =	vor.u32 v15, v0;
	v13 =	vld.idx.msk [tilespmem:v13+s13+$0x0], $0xffff  }
0x1dc: {  	s28 =	sor.u32 s29, s28;
	v16 =	vor.u32 v16, v0;
	v14 =	vld.idx.msk [tilespmem:v14+s13+$0x0], $0xffff  }
0x1dd: {  	v17 =	vor.u32 s28, v61;
	v3 =	vld.idx.msk [tilespmem:v3+s13+$0x0], $0xffff  }
0x1de: {  	v6 =	vld.idx.msk [tilespmem:v6+s13+$0x0], $0xffff  }
0x1df: {  	v12 =	vld.idx.msk [tilespmem:v12+s13+$0x0], $0xffff  }
0x1e0: {  	v15 =	vld.idx.msk [tilespmem:v15+s13+$0x0], $0xffff  }
0x1e1: {  	v16 =	vld.idx.msk [tilespmem:v16+s13+$0x0], $0xffff  }
0x1e2: {  	v18 =	vor.u32 s28, v18;
	[tilespmem:v17+s16+$0x0] =	vst.idx.msk $0xffff, v1;
	v17 =	vld [tilespmem:$0x1FFD0]  }
0x1e3: {  	v30 =	vmov v21;
	v21 =	vor.u32 s28, v33;
	v33 =	vld [tilespmem:$0x1F880];
	v19 =	vor.u32 s28, v19  }
0x1e4: {  	v29 =	vmov v20;
	v20 =	vor.u32 s28, v32;
	_ =	sdelay $0x1  }
0x1e5: {  	v63 =	vor.u32 s28, v31;
	v31 =	vld [tilespmem:$0x1F930]  }
0x1e6: {  	[tilespmem:v18+s16+$0x0] =	vst.idx.msk $0xffff, v2;
	v18 =	vld [tilespmem:$0x1F900];
	v2 =	vor.u32 s28, v17  }
0x1e7: {  	[tilespmem:v19+s16+$0x0] =	vst.idx.msk $0xffff, v3;
	v3 =	vor.u32 s28, v33;
	v33 =	vld [tilespmem:$0x1F940]  }
0x1e8: {  	v38 =	vor.u32 s28, v29;
	[tilespmem:v20+s16+$0x0] =	vst.idx.msk $0xffff, v4;
	v20 =	vmov v29;
	v29 =	vld [tilespmem:$0x1F910]  }
0x1e9: {  	v44 =	vor.u32 s28, v30;
	[tilespmem:v21+s16+$0x0] =	vst.idx.msk $0xffff, v5;
	v21 =	vmov v30;
	v30 =	vld [tilespmem:$0x1F920]  }
0x1ea: {  	[tilespmem:v63+s16+$0x0] =	vst.idx.msk $0xffff, v6;
	v6 =	vld [tilespmem:$0x1F8A0]  }
0x1eb: {  	[tilespmem:v2+s16+$0x0] =	vst.idx.msk $0xffff, v7;
	v7 =	vld [tilespmem:$0x1F8B0]  }
0x1ec: {  	[tilespmem:v3+s16+$0x0] =	vst.idx.msk $0xffff, v8;
	v8 =	vld [tilespmem:$0x1F8C0]  }
0x1ed: {  	[tilespmem:v38+s16+$0x0] =	vst.idx.msk $0xffff, v9;
	v9 =	vld [tilespmem:$0x1F8D0]  }
0x1ee: {  	v63 =	vor.u32 s28, v62;
	[tilespmem:v44+s16+$0x0] =	vst.idx.msk $0xffff, v10;
	v10 =	vld [tilespmem:$0x1F8E0]  }
0x1ef: {  	v17 =	vld [tilespmem:$0x1F8F0];
	v2 =	vor.u32 s28, v6  }
0x1f0: {  	v62 =	vld [tilespmem:$0x1F960];
	v3 =	vor.u32 s28, v7  }
0x1f1: {  	v38 =	vld [tilespmem:$0x1FD80];
	v4 =	vor.u32 s28, v8  }
0x1f2: {  	v44 =	vld [tilespmem:$0x1F950];
	v5 =	vor.u32 s28, v9  }
0x1f3: {  	[tilespmem:v63+s16+$0x0] =	vst.idx.msk $0xffff, v11;
	v11 =	vld [tilespmem:$0x1FFF0];
	v1 =	vor.u32 s28, v10  }
0x1f4: {  	[tilespmem:v2+s16+$0x0] =	vst.idx.msk $0xffff, v12;
	v12 =	vld [tilespmem:$0x1FCF0]  }
0x1f5: {  	[tilespmem:v3+s16+$0x0] =	vst.idx.msk $0xffff, v13;
	v13 =	vld [tilespmem:$0x1FD00]  }
0x1f6: {  	[tilespmem:v4+s16+$0x0] =	vst.idx.msk $0xffff, v14;
	v14 =	vld [tilespmem:$0x1FD10]  }
0x1f7: {  	[tilespmem:v5+s16+$0x0] =	vst.idx.msk $0xffff, v15;
	v15 =	vld [tilespmem:$0x1FDC0]  }
0x1f8: {  	[tilespmem:v1+s16+$0x0] =	vst.idx.msk $0xffff, v16;
	v16 =	vld [tilespmem:$0x1FD30]  }
0x1f9: {  	v1 =	vor.u32 v38, v0;
	v38 =	vld [tilespmem:$0x1FD40];
	_ =	sdelay $0x1  }
0x1fa: {  	v2 =	vor.u32 v11, v0;
	v3 =	vsel vm0, v18, v17;
	v4 =	vsel vm0, v30, v29  }
0x1fb: {  	v10 =	vcombine.low v4, v3;
	v7 =	vsel vm0, v13, v12;
	v8 =	vsel vm0, v15, v14  }
0x1fc: {  	v15 =	vld [tilespmem:$0x1FDB0];
	v63 =	vcombine.low v8, v7  }
0x1fd: {  	v6 =	vsel vm0, v62, v44;
	v5 =	vsel vm0, v33, v31;
	[tilespmem:$0x1F520] =	vst v10;
	v13 =	vsel vm0, v38, v16;
	v38 =	vld [tilespmem:$0x1FD50]  }
0x1fe: {  	v11 =	vcombine.low v6, v5;
	v10 =	vor.u32 v10, v0;
	[tilespmem:$0x1F540] =	vst v63;
	v12 =	vor.u32 v63, v0;
	v63 =	vld [tilespmem:$0x1FD20]  }
0x1ff: {  	v44 =	vsel vm0, v44, v33  }
0x200: {  	v33 =	vcombine.low v5, v6;
	v2 =	vld.idx.msk [tilespmem:v2+s13+$0x0], $0xffff;
	[tilespmem:$0x1F530] =	vst v11;
	v11 =	vor.u32 v11, v0  }
0x201: {  	v16 =	vsel vm0, v17, v30;
	v1 =	vld.idx.msk [tilespmem:v1+s13+$0x0], $0xffff;
	v9 =	vor.u32 v15, v0;
	v15 =	vsel vm0, v29, v18  }
0x202: {  	v30 =	vld [tilespmem:$0x1FD70];
	v29 =	vcombine.low v16, v15  }
0x203: {  	[tilespmem:$0x1F5B0] =	vst v33;
	v10 =	vld.idx.msk [tilespmem:v10+s13+$0x0], $0xffff;
	v16 =	vcombine.low v15, v16;
	v14 =	vsel vm0, v63, v38  }
0x204: {  	[tilespmem:$0x1F560] =	vst v29;
	v63 =	vor.u32 v29, v0;
	v29 =	vld [tilespmem:$0x1FD60];
	v19 =	vcombine.low v14, v13  }
0x205: {  	v11 =	vld.idx.msk [tilespmem:v11+s13+$0x0], $0xffff;
	v18 =	vsel vm0, v31, v62;
	[tilespmem:$0x1F5E0] =	vst v16;
	v16 =	vor.u32 v16, v0  }
0x206: {  	v31 =	vld [tilespmem:$0x1FDA0];
	v38 =	vor.u32 v33, v0;
	v33 =	vor.u32 $0x800, v61;
	[tilespmem:$0x1F550] =	vst v19;
	v19 =	vor.u32 v19, v0  }
0x207: {  	[tilespmem:$0x1F5F0] =	vst v33;
	v17 =	vor.u32 s28, v33;
	v33 =	vld [tilespmem:$0x1F9D0]  }
0x208: {  	v9 =	vld.idx.msk [tilespmem:v9+s13+$0x0], $0xffff  }
0x209: {  	v18 =	vcombine.low v18, v44;
	v29 =	vcombine.low v29, v30;
	v30 =	vld [tilespmem:$0x1FD90]  }
0x20a: {  	v16 =	vld.idx.msk [tilespmem:v16+s13+$0x0], $0xffff  }
0x20b: {  	[tilespmem:$0x1F570] =	vst v18;
	v5 =	vld.idx.msk [tilespmem:v19+s13+$0x0], $0xffff  }
0x20c: {  	v18 =	vor.u32 v18, v0;
	v44 =	vcombine.low v13, v14;
	v19 =	vcombine.low v7, v8;
	v7 =	vld.idx.msk [tilespmem:v63+s13+$0x0], $0xffff  }
0x20d: {  	v8 =	vld.idx.msk [tilespmem:v38+s13+$0x0], $0xffff  }
0x20e: {  	[tilespmem:$0x1F5D0] =	vst v44;
	v38 =	vld [tilespmem:$0x1F990]  }
0x20f: {  	[tilespmem:$0x1F580] =	vst v29;
	v29 =	vor.u32 v29, v0;
	v63 =	vor.u32 v44, v0;
	v44 =	vld [tilespmem:$0x1F9B0]  }
0x210: {  	v30 =	vcombine.low v30, v31;
	v31 =	vcombine.low v3, v4;
	v3 =	vld.idx.msk [tilespmem:v12+s13+$0x0], $0xffff  }
0x211: {  	v12 =	vld.idx.msk [tilespmem:v18+s13+$0x0], $0xffff  }
0x212: {  	v18 =	vld [tilespmem:$0x1FFB0]  }
0x213: {  	[tilespmem:$0x1F5C0] =	vst v19;
	v62 =	vor.u32 v19, v0;
	v19 =	vor.u32 s28, v41;
	v41 =	vld [tilespmem:$0x1F9A0]  }
0x214: {  	v14 =	vld.idx.msk [tilespmem:v29+s13+$0x0], $0xffff  }
0x215: {  	v4 =	vor.u32 v30, v0;
	v29 =	vld [tilespmem:$0x1F970]  }
0x216: {  	v6 =	vor.u32 v31, v0;
	v15 =	vld.idx.msk [tilespmem:v63+s13+$0x0], $0xffff  }
0x217: {  	v63 =	vld [tilespmem:$0x1FFC0]  }
0x218: {  	v13 =	vld.idx.msk [tilespmem:v62+s13+$0x0], $0xffff  }
0x219: {  	v62 =	vld [tilespmem:$0x1F9C0]  }
0x21a: {  	v18 =	vor.u32 s28, v18;
	v4 =	vld.idx.msk [tilespmem:v4+s13+$0x0], $0xffff  }
0x21b: {  	v6 =	vld.idx.msk [tilespmem:v6+s13+$0x0], $0xffff  }
0x21c: {  	[tilespmem:$0x1F590] =	vst v30;
	v30 =	vor.u32 s28, v29;
	v29 =	vld [tilespmem:$0x1F980]  }
0x21d: {  	[tilespmem:v17+s16+$0x0] =	vst.idx.msk $0xffff, v2;
	v2 =	vor.u32 s28, v38;
	v38 =	vld [tilespmem:$0x1F9E0]  }
0x21e: {  	v17 =	vor.u32 s28, v42;
	v42 =	vld [tilespmem:$0x1FA00]  }
0x21f: {  	[tilespmem:v18+s16+$0x0] =	vst.idx.msk $0xffff, v1;
	v1 =	vor.u32 s28, v41;
	v41 =	vld [tilespmem:$0x1F9F0]  }
0x220: {  	[tilespmem:$0x1F5A0] =	vst v31;
	v18 =	vld [tilespmem:$0x1FA40]  }
0x221: {  	[tilespmem:v19+s16+$0x0] =	vst.idx.msk $0xffff, v9;
	v9 =	vor.u32 s28, v44;
	v44 =	vld [tilespmem:$0x1FA10];
	v31 =	vor.u32 s28, v29  }
0x222: {  	v19 =	vld [tilespmem:$0x1FA50]  }
0x223: {  	v43 =	vlaneseq.u32;
	v29 =	vld [tilespmem:$0x1FB20]  }
0x224: {  	[tilespmem:v30+s16+$0x0] =	vst.idx.msk $0xffff, v10;
	v10 =	vor.u32 s28, v62;
	v62 =	vor.u32 $0x20, v43;
	v30 =	vld [tilespmem:$0x1FB30]  }
0x225: {  	v43 =	vld [tilespmem:$0x1FB80];
	[tilespmem:$0x1F600] =	vst v62  }
0x226: {  	[tilespmem:v31+s16+$0x0] =	vst.idx.msk $0xffff, v11;
	v31 =	vld [tilespmem:$0x1FB40]  }
0x227: {  	v11 =	vor.u32 s28, v63;
	[tilespmem:v2+s16+$0x0] =	vst.idx.msk $0xffff, v3;
	v2 =	vor.u32 v62, v0;
	v62 =	vld [tilespmem:$0x1FBA0]  }
0x228: {  	v3 =	vor.u32 s28, v38;
	v38 =	vld [tilespmem:$0x1FBB0]  }
0x229: {  	[tilespmem:v1+s16+$0x0] =	vst.idx.msk $0xffff, v5;
	v1 =	vor.u32 s28, v33;
	v33 =	vld [tilespmem:$0x1FB50]  }
0x22a: {  	v5 =	vor.u32 s28, v41;
	v41 =	vld [tilespmem:$0x1FB60];
	[tilespmem:v9+s16+$0x0] =	vst.idx.msk $0xffff, v7  }
0x22b: {  	[tilespmem:v10+s16+$0x0] =	vst.idx.msk $0xffff, v12;
	v12 =	vld [tilespmem:$0x1FA20]  }
0x22c: {  	v7 =	vor.u32 s28, v42;
	[tilespmem:v11+s16+$0x0] =	vst.idx.msk $0xffff, v14;
	v11 =	vld [tilespmem:$0x1FA30]  }
0x22d: {  	v42 =	vld [tilespmem:$0x1FB70];
	[tilespmem:v17+s16+$0x0] =	vst.idx.msk $0xffff, v4  }
0x22e: {  	v10 =	vsel vm0, v40, v39;
	v4 =	vsel vm0, v19, v18;
	[tilespmem:v1+s16+$0x0] =	vst.idx.msk $0xffff, v6;
	v1 =	vor.u32 s28, v44;
	v44 =	vld [tilespmem:$0x1FB90]  }
0x22f: {  	v9 =	vsel vm0, v38, v62;
	v6 =	vsel vm0, v33, v31;
	[tilespmem:v3+s16+$0x0] =	vst.idx.msk $0xffff, v8  }
0x230: {  	v17 =	vcombine.low v10, v9;
	[tilespmem:v5+s16+$0x0] =	vst.idx.msk $0xffff, v13;
	v5 =	vsel vm0, v30, v29  }
0x231: {  	[tilespmem:v7+s16+$0x0] =	vst.idx.msk $0xffff, v15;
	v3 =	vsel vm0, v11, v12;
	v14 =	vcombine.low v6, v5  }
0x232: {  	[tilespmem:$0x1F640] =	vst v17;
	v7 =	vsel vm0, v42, v41;
	v11 =	vsel vm0, v18, v11;
	v12 =	vsel vm0, v12, v19  }
0x233: {  	v13 =	vcombine.low v4, v3;
	v8 =	vsel vm0, v44, v43;
	[tilespmem:v1+s16+$0x0] =	vst.idx.msk $0xffff, v16  }
0x234: {  	v18 =	vsel vm0, v29, v33;
	v63 =	vcombine.low v12, v11;
	[tilespmem:$0x1F620] =	vst v14;
	v15 =	vcombine.low v8, v7  }
0x235: {  	v19 =	vsel vm0, v43, v42;
	v42 =	vcombine.low v11, v12;
	[tilespmem:$0x1F610] =	vst v13;
	v1 =	vor.u32 v13, v0  }
0x236: {  	v13 =	vor.u32 v14, v0;
	[tilespmem:$0x1F650] =	vst v63;
	v16 =	vor.u32 v63, v0;
	v14 =	vor.u32 v15, v0  }
0x237: {  	[tilespmem:$0x1F630] =	vst v15;
	v15 =	vor.u32 v17, v0;
	v17 =	vsel vm0, v31, v30;
	v30 =	vsel vm0, v41, v44  }
0x238: {  	v2 =	vld.idx.msk [tilespmem:v2+s13+$0x0], $0xffff;
	v31 =	vsel vm0, v39, v38;
	v38 =	vcombine.low v3, v4;
	v41 =	vcombine.low v9, v10  }
0x239: {  	v62 =	vsel vm0, v62, v40;
	[tilespmem:$0x1F6D0] =	vst v42;
	v33 =	vcombine.low v18, v17;
	v44 =	vcombine.low v17, v18;
	v18 =	vld [tilespmem:$0x1FFE0]  }
0x23a: {  	v63 =	vcombine.low v62, v31;
	[tilespmem:$0x1F690] =	vst v38;
	v1 =	vld.idx.msk [tilespmem:v1+s13+$0x0], $0xffff  }
0x23b: {  	v43 =	vcombine.low v30, v19;
	v62 =	vcombine.low v5, v6;
	[tilespmem:$0x1F6C0] =	vst v41;
	v13 =	vld.idx.msk [tilespmem:v13+s13+$0x0], $0xffff  }
0x23c: {  	[tilespmem:$0x1F680] =	vst v63;
	v4 =	vor.u32 v63, v0;
	v63 =	vcombine.low v7, v8;
	v7 =	vld.idx.msk [tilespmem:v16+s13+$0x0], $0xffff  }
0x23d: {  	v6 =	vor.u32 v38, v0;
	[tilespmem:$0x1F6A0] =	vst v62;
	v38 =	vor.u32 v62, v0;
	v62 =	vor.u32 v42, v0;
	v42 =	vld [tilespmem:$0x1FE00]  }
0x23e: {  	[tilespmem:$0x1F670] =	vst v43;
	v31 =	vor.u32 v43, v0;
	v43 =	vor.u32 v41, v0;
	v41 =	vor.u32 $0x1000, v61;
	v61 =	vld [tilespmem:$0x1FEC0]  }
0x23f: {  	[tilespmem:$0x1F660] =	vst v33;
	v33 =	vor.u32 v33, v0;
	v3 =	vld.idx.msk [tilespmem:v14+s13+$0x0], $0xffff  }
0x240: {  	v5 =	vld.idx.msk [tilespmem:v15+s13+$0x0], $0xffff  }
0x241: {  	[tilespmem:$0x1F6B0] =	vst v63;
	v10 =	vor.u32 v63, v0;
	v63 =	vcombine.low v19, v30;
	v19 =	vld [tilespmem:$0x1FA60]  }
0x242: {  	v30 =	vld [tilespmem:$0x1FEA0]  }
0x243: {  	v6 =	vld.idx.msk [tilespmem:v6+s13+$0x0], $0xffff  }
0x244: {  	v9 =	vld.idx.msk [tilespmem:v33+s13+$0x0], $0xffff  }
0x245: {  	v11 =	vld.idx.msk [tilespmem:v31+s13+$0x0], $0xffff  }
0x246: {  	v4 =	vld.idx.msk [tilespmem:v4+s13+$0x0], $0xffff  }
0x247: {  	v8 =	vld.idx.msk [tilespmem:v38+s13+$0x0], $0xffff  }
0x248: {  	v12 =	vld.idx.msk [tilespmem:v43+s13+$0x0], $0xffff  }
0x249: {  	v33 =	vor.u32 v44, v0;
	v14 =	vld.idx.msk [tilespmem:v62+s13+$0x0], $0xffff  }
0x24a: {  	v17 =	vor.u32 s28, v41;
	v38 =	vor.u32 v63, v0;
	v43 =	vld [tilespmem:$0x1FEB0]  }
0x24b: {  	[tilespmem:$0x1F6E0] =	vst v44;
	v18 =	vor.u32 s28, v18;
	v44 =	vld [tilespmem:$0x1FE10]  }
0x24c: {  	v62 =	vld [tilespmem:$0x1FE20];
	v19 =	vor.u32 s28, v19  }
0x24d: {  	v10 =	vld.idx.msk [tilespmem:v10+s13+$0x0], $0xffff;
	v30 =	vor.u32 s28, v30  }
0x24e: {  	[tilespmem:$0x1F6F0] =	vst v63;
	v15 =	vld.idx.msk [tilespmem:v33+s13+$0x0], $0xffff;
	v33 =	vor.u32 s28, v42  }
0x24f: {  	v16 =	vld.idx.msk [tilespmem:v38+s13+$0x0], $0xffff;
	[tilespmem:v17+s16+$0x0] =	vst.idx.msk $0xffff, v2;
	v2 =	vor.u32 s28, v43  }
0x250: {  	v63 =	vld [tilespmem:$0x1FED0];
	[tilespmem:v18+s16+$0x0] =	vst.idx.msk $0xffff, v1;
	v1 =	vor.u32 s28, v44  }
0x251: {  	[tilespmem:v19+s16+$0x0] =	vst.idx.msk $0xffff, v13;
	v13 =	vor.u32 s28, v61  }
0x252: {  	[tilespmem:v30+s16+$0x0] =	vst.idx.msk $0xffff, v3  }
0x253: {  	[tilespmem:v33+s16+$0x0] =	vst.idx.msk $0xffff, v5  }
0x254: {  	v3 =	vor.u32 s28, v62;
	[tilespmem:v2+s16+$0x0] =	vst.idx.msk $0xffff, v7;
	v7 =	vld [tilespmem:$0x1FE30]  }
0x255: {  	v5 =	vor.u32 s28, v63;
	[tilespmem:v1+s16+$0x0] =	vst.idx.msk $0xffff, v9;
	v9 =	vld [tilespmem:$0x1FEE0]  }
0x256: {  	[tilespmem:v13+s16+$0x0] =	vst.idx.msk $0xffff, v11;
	v13 =	vld [tilespmem:$0x1FE40]  }
0x257: {  	v17 =	vld [tilespmem:$0x1FEF0]  }
0x258: {  	v38 =	vld [tilespmem:$0x1FE50]  }
0x259: {  	[tilespmem:v3+s16+$0x0] =	vst.idx.msk $0xffff, v4;
	v2 =	vor.u32 s28, v7  }
0x25a: {  	[tilespmem:v5+s16+$0x0] =	vst.idx.msk $0xffff, v6;
	v5 =	vsel vm0, v54, v55;
	v6 =	vsel vm0, v23, v56;
	v1 =	vor.u32 s28, v9  }
0x25b: {  	v44 =	vcombine.low v6, v5;
	v7 =	vor.u32 s28, v13  }
0x25c: {  	[tilespmem:$0x1F700] =	vst v41;
	v41 =	vld [tilespmem:$0x1FF00];
	v3 =	vor.u32 s28, v17  }
0x25d: {  	v18 =	vsel vm0, v55, v23;
	v19 =	vsel vm0, v58, v57;
	v4 =	vor.u32 s28, v38;
	[tilespmem:$0x1F730] =	vst v44  }
0x25e: {  	v30 =	vsel vm0, v45, v59;
	v11 =	vsel vm0, v49, v26;
	[tilespmem:v2+s16+$0x0] =	vst.idx.msk $0xffff, v8  }
0x25f: {  	v29 =	vmov v32;
	v38 =	vsel vm0, v60, v36;
	v9 =	vsel vm0, v34, v60;
	[tilespmem:v1+s16+$0x0] =	vst.idx.msk $0xffff, v10  }
0x260: {  	v32 =	vmovc v29;
	v29 =	vlaneseq.u32;
	v8 =	vsel vm0, v59, v58;
	v10 =	vsel vm0, v36, v35;
	[tilespmem:v7+s16+$0x0] =	vst.idx.msk $0xffff, v12  }
0x261: {  	v1 =	vor.u32 s28, v41;
	v41 =	vsel vm0, v35, v34;
	v62 =	vcombine.low v10, v9;
	[tilespmem:v3+s16+$0x0] =	vst.idx.msk $0xffff, v14  }
0x262: {  	v42 =	vor.u32 $0x30, v29;
	v7 =	vsel vm0, v57, v45;
	v38 =	vcombine.low v38, v41;
	[tilespmem:v4+s16+$0x0] =	vst.idx.msk $0xffff, v15  }
0x263: {  	v17 =	vsel vm0, v56, v54;
	v12 =	vsel vm0, v53, v51;
	v61 =	vcombine.low v8, v7;
	[tilespmem:$0x1F750] =	vst v62  }
0x264: {  	v13 =	vor.u32 v44, v0;
	v2 =	vor.u32 v42, v0;
	v63 =	vcombine.low v12, v11;
	[tilespmem:$0x1F790] =	vst v38  }
0x265: {  	v3 =	vsel vm0, v26, v53;
	v44 =	vcombine.low v7, v8;
	[tilespmem:$0x1F740] =	vst v61;
	v14 =	vor.u32 v61, v0  }
0x266: {  	v4 =	vsel vm0, v51, v49;
	v15 =	vor.u32 v62, v0;
	v62 =	vcombine.low v30, v19;
	[tilespmem:$0x1F760] =	vst v63  }
0x267: {  	v43 =	vcombine.low v4, v3;
	v61 =	vcombine.low v18, v17;
	[tilespmem:v1+s16+$0x0] =	vst.idx.msk $0xffff, v16  }
0x268: {  	v16 =	vor.u32 v63, v0;
	[tilespmem:$0x1F780] =	vst v62;
	v62 =	vor.u32 v62, v0;
	v63 =	vcombine.low v3, v4  }
0x269: {  	v4 =	vor.u32 v38, v0;
	v38 =	vcombine.low v11, v12;
	[tilespmem:$0x1F720] =	vst v43;
	v1 =	vor.u32 v43, v0  }
0x26a: {  	v43 =	vcombine.low v9, v10;
	[tilespmem:$0x1F7A0] =	vst v63;
	v3 =	vld.idx.msk [tilespmem:v14+s13+$0x0], $0xffff;
	v14 =	vcombine.low v5, v6  }
0x26b: {  	[tilespmem:$0x1F7B0] =	vst v38;
	v5 =	vld.idx.msk [tilespmem:v15+s13+$0x0], $0xffff;
	v6 =	vor.u32 v63, v0;
	v15 =	vcombine.low v17, v18  }
0x26c: {  	v63 =	vmovc v14;
	v8 =	vor.u32 v14, v0;
	v14 =	vor.u32 v38, v0;
	v38 =	vcombine.low v19, v30  }
0x26d: {  	[tilespmem:$0x1F770] =	vst v61;
	v61 =	vor.u32 v61, v0;
	v10 =	vor.u32 v44, v0;
	v12 =	vor.u32 v43, v0  }
0x26e: {  	v30 =	vmov v15;
	v15 =	vor.u32 v15, v0;
	[tilespmem:$0x1F7C0] =	vst v38;
	v0 =	vor.u32 v38, v0;
	v38 =	vld [tilespmem:$0x1FF10]  }
0x26f: {  	v2 =	vld.idx.msk [tilespmem:v2+s13+$0x0], $0xffff  }
0x270: {  	v13 =	vld.idx.msk [tilespmem:v13+s13+$0x0], $0xffff  }
0x271: {  	v17 =	vld [tilespmem:$0x1FE60]  }
0x272: {  	v7 =	vld.idx.msk [tilespmem:v16+s13+$0x0], $0xffff  }
0x273: {  	v18 =	vor.u32 s28, v38;
	v38 =	vld [tilespmem:$0x1FE70]  }
0x274: {  	v11 =	vld.idx.msk [tilespmem:v62+s13+$0x0], $0xffff  }
0x275: {  	v4 =	vld.idx.msk [tilespmem:v4+s13+$0x0], $0xffff  }
0x276: {  	v9 =	vld.idx.msk [tilespmem:v61+s13+$0x0], $0xffff  }
0x277: {  	v61 =	vld [tilespmem:$0x1FCE0]  }
0x278: {  	v19 =	vor.u32 s28, v38;
	v38 =	vld [tilespmem:$0x1FF20]  }
0x279: {  	[tilespmem:$0x1F7E0] =	vst v2;
	v2 =	vld.idx.msk [tilespmem:v1+s13+$0x0], $0xffff  }
0x27a: {  	v10 =	vld.idx.msk [tilespmem:v10+s13+$0x0], $0xffff  }
0x27b: {  	v12 =	vld.idx.msk [tilespmem:v12+s13+$0x0], $0xffff  }
0x27c: {  	v16 =	vor.u32 $0x1800, v61;
	v1 =	vld.idx.msk [tilespmem:v0+s13+$0x0], $0xffff  }
0x27d: {  	[tilespmem:$0x1F7D0] =	vst v16;
	v16 =	vor.u32 s28, v16;
	v0 =	vor.u32 s28, v38;
	v38 =	vld [tilespmem:$0x1F7E0]  }
0x27e: {  	v6 =	vld.idx.msk [tilespmem:v6+s13+$0x0], $0xffff  }
0x27f: {  	v8 =	vld.idx.msk [tilespmem:v8+s13+$0x0], $0xffff  }
0x280: {  	v14 =	vld.idx.msk [tilespmem:v14+s13+$0x0], $0xffff  }
0x281: {  	v15 =	vld.idx.msk [tilespmem:v15+s13+$0x0], $0xffff  }
0x282: {  	[tilespmem:v16+s16+$0x0] =	vst.idx.msk $0xffff, v38;
	v38 =	vld [tilespmem:$0x1FE80];
	_ =	sdelay $0x1  }
0x283: {  	v17 =	vor.u32 s28, v17;
	_ =	sdelay $0x2  }
0x284: {  	v16 =	vor.u32 s28, v38;
	v38 =	vld [tilespmem:$0x1FF30];
	_ =	sdelay $0x1  }
0x285: {  	[tilespmem:v17+s16+$0x0] =	vst.idx.msk $0xffff, v2;
	v17 =	vld [tilespmem:$0x1FE90];
	_ =	sdelay $0x2  }
0x286: {  	v2 =	vor.u32 s28, v38;
	v38 =	vld [tilespmem:$0x1FF40];
	_ =	sdelay $0x1  }
0x287: {  	[tilespmem:v18+s16+$0x0] =	vst.idx.msk $0xffff, v13;
	v13 =	vor.u32 s28, v17  }
0x288: {  	[tilespmem:v19+s16+$0x0] =	vst.idx.msk $0xffff, v3  }
0x289: {  	[tilespmem:v0+s16+$0x0] =	vst.idx.msk $0xffff, v5;
	v17 =	vld [tilespmem:$0x1FDE0]  }
0x28a: {  	[tilespmem:v16+s16+$0x0] =	vst.idx.msk $0xffff, v7;
	v3 =	vor.u32 s28, v38;
	v38 =	vld [tilespmem:$0x1FDF0]  }
0x28b: {  	[tilespmem:v2+s16+$0x0] =	vst.idx.msk $0xffff, v9;
	v9 =	vld [tilespmem:$0x1FF50]  }
0x28c: {  	[tilespmem:v13+s16+$0x0] =	vst.idx.msk $0xffff, v11;
	v13 =	vld [tilespmem:$0x1FDD0]  }
0x28d: {  	v16 =	vld [tilespmem:$0x1FF60]  }
0x28e: {  	v0 =	vor.u32 s28, v17;
	v17 =	vld [tilespmem:$0x1FF70]  }
0x28f: {  	v5 =	vor.u32 s28, v38;
	v38 =	vld [tilespmem:$0x1FB10]  }
0x290: {  	v2 =	vor.u32 s28, v9  }
0x291: {  	[tilespmem:$0x1F710] =	vst v42;
	v7 =	vor.u32 s28, v13  }
0x292: {  	[tilespmem:v3+s16+$0x0] =	vst.idx.msk $0xffff, v4;
	v3 =	vor.u32 s28, v16  }
0x293: {  	[tilespmem:v0+s16+$0x0] =	vst.idx.msk $0xffff, v6;
	v0 =	vor.u32 s28, v17  }
0x294: {  	p0 =	sne.s32 s26, $0xF;
	[tilespmem:v5+s16+$0x0] =	vst.idx.msk $0xffff, v8;
	v4 =	vor.u32 s28, v38  }
.Ltmp0:
0x295: {  	v31 =	vld [tilespmem:$0x1F870];
	[tilespmem:v2+s16+$0x0] =	vst.idx.msk $0xffff, v10;
	(pc) =	sbr.rel @p0 .LBB2_3-.Ltmp0, $4  }
0x296: {  	v33 =	vld [tilespmem:$0x1F860];
	[tilespmem:v7+s16+$0x0] =	vst.idx.msk $0xffff, v12  }
0x297: {  	v42 =	vld [tilespmem:$0x1FF90];
	[tilespmem:v3+s16+$0x0] =	vst.idx.msk $0xffff, v14  }
0x298: {  	v41 =	vld [tilespmem:$0x1FF80];
	[tilespmem:v0+s16+$0x0] =	vst.idx.msk $0xffff, v15  }
0x299: {  	s25 =	sadd.s32 $0x10, s25;
	s26 =	sadd.s32 $0x1, s26;
	v62 =	vld [tilespmem:$0x1F890];
	[tilespmem:v4+s16+$0x0] =	vst.idx.msk $0xffff, v1  }
0x29a: {  	s25 =	sshrl.u32 s21, $0x1;
	s23 =	sand.u32 $0x200, s23  }
0x29b: {  	s25 =	sadd.s32 s6, s25;
	s26 =	sor.u32 s4, s23  }
0x29c: {  	s31 =	sshll.u32 s25, $0xF;
	s28 =	sadd.s32 s3, s26  }
0x29d: {  	s25 =	sadd.s32 s31, s28  }
0x29e: {  	[hbm4b:s25+s9] =	stream.strided.scatter [tilespmem:s16], [sflag:$0x3], $0x2000, s17, s9, $0x38;
	[tilespmem:$0x1A400] =	vst v63  }
0x29f: {  	s23 =	sadd.s32 s3, s31;
	_ =	swait.ge [sflag:s11], $0x2000  }
0x2a0: {  	s29 =	sadd.s32 s26, s23;
	[sflag:s11] =	ssyncset.done $0x0  }
0x2a1: {  	s25 =	sadd.s32 $0x80, s29;
	[sflag:s11] =	ssyncadd.s32 $0xFFFFE000  }
0x2a2: {  	[hbm4b:s25+s9] =	stream.strided.scatter [tilespmem:s18], [sflag:$0x3], $0x2000, s17, s9, $0x38;
	[tilespmem:$0x1A400] =	vst v63  }
0x2a3: {  	_ =	swait.ge [sflag:s11], $0x2000  }
0x2a4: {  	[sflag:s11] =	ssyncset.done $0x0  }
0x2a5: {  	s25 =	simm.s32 $0x0;
	[sflag:s11] =	ssyncadd.s32 $0xFFFFE000  }
0x2a6: {  	v0 =	vmov s25;
	_ =	swait.ge [sflag:s19], $0x8000  }
0x2a7: {  	v0 =	vshll.u32 v0, $0x7;
	v23 =	vld [tilespmem:$0x1F810]  }
0x2a8: {  	p0 =	seq.s32 s21, $0x31;
	v0 =	vor.u32 v37, v0;
	v26 =	vld [tilespmem:$0x1F7F0]  }
0x2a9: {  	s24 =	sadd.s32 @!p0 $0x800, s24;
	v1 =	vor.u32 v28, v0;
	v34 =	vld [tilespmem:$0x1F800]  }
0x2aa: {  	s24 =	sand.u32 @!p0 $0x3F800, s24;
	v2 =	vor.u32 v27, v0;
	v51 =	vld [tilespmem:$0x1F820]  }
0x2ab: {  	s24 =	sshrl.u32 @!p0 s24, $0x2;
	v3 =	vor.u32 v25, v0;
	[sflag:s19] =	ssyncset.done $0x0;
	v57 =	vld [tilespmem:$0x1F830]  }
0x2ac: {  	s28 =	simm.s32 @!p0 $0x6400;
	s26 =	simm.s32 @!p0 $0x100;
	v5 =	vor.u32 v46, v0;
	v54 =	vld [tilespmem:$0x1F840];
	[sflag:s19] =	ssyncadd.s32 $0xFFFF8000  }
0x2ad: {  	v6 =	vor.u32 v47, v0;
	v55 =	vld [tilespmem:$0x1F850];
	[tilespmem:s28], [sflag:$0x1] =	stream.indirect.gather @!p0 [hbm4b:s1+s26], $0x80, s24, s26, $0xb8  }
0x2ae: {  	v7 =	vor.u32 v22, v0;
	v35 =	vld.idx.msk [tilespmem:v1+s15+$0x0], $0xffff  }
0x2af: {  	v8 =	vor.u32 v24, v0;
	v36 =	vld.idx.msk [tilespmem:v2+s15+$0x0], $0xffff  }
0x2b0: {  	v11 =	vor.u32 v29, v0;
	v3 =	vld.idx.msk [tilespmem:v3+s15+$0x0], $0xffff  }
0x2b1: {  	v12 =	vor.u32 v50, v0;
	v5 =	vld.idx.msk [tilespmem:v5+s15+$0x0], $0xffff  }
0x2b2: {  	v14 =	vor.u32 v48, v0;
	v6 =	vld.idx.msk [tilespmem:v6+s15+$0x0], $0xffff  }
0x2b3: {  	v16 =	vor.u32 v52, v0;
	v7 =	vld.idx.msk [tilespmem:v7+s15+$0x0], $0xffff  }
0x2b4: {  	v8 =	vld.idx.msk [tilespmem:v8+s15+$0x0], $0xffff;
	v4 =	vor.u32 v23, v0  }
0x2b5: {  	s30 =	simm.s32 $0x0;
	v11 =	vld.idx.msk [tilespmem:v11+s15+$0x0], $0xffff;
	v9 =	vor.u32 v26, v0  }
0x2b6: {  	s31 =	sand.u32 $0x70, s25;
	s24 =	sand.u32 $0xFFFFE000, s30;
	v12 =	vld.idx.msk [tilespmem:v12+s15+$0x0], $0xffff;
	v10 =	vor.u32 v34, v0  }
0x2b7: {  	s24 =	sor.u32 s31, s24;
	v14 =	vld.idx.msk [tilespmem:v14+s15+$0x0], $0xffff;
	v13 =	vor.u32 v51, v0  }
0x2b8: {  	v17 =	vor.u32 s24, v61;
	v16 =	vld.idx.msk [tilespmem:v16+s15+$0x0], $0xffff;
	v15 =	vor.u32 v57, v0  }
0x2b9: {  	v18 =	vor.u32 s24, v54;
	v4 =	vld.idx.msk [tilespmem:v4+s15+$0x0], $0xffff  }
0x2ba: {  	v9 =	vld.idx.msk [tilespmem:v9+s15+$0x0], $0xffff  }
0x2bb: {  	v10 =	vld.idx.msk [tilespmem:v10+s15+$0x0], $0xffff  }
0x2bc: {  	v13 =	vld.idx.msk [tilespmem:v13+s15+$0x0], $0xffff  }
0x2bd: {  	v15 =	vld.idx.msk [tilespmem:v15+s15+$0x0], $0xffff;
	[tilespmem:v17+s16+$0x0] =	vst.idx.msk $0xffff, v11  }
0x2be: {  	[tilespmem:v18+s16+$0x0] =	vst.idx.msk $0xffff, v7;
	v7 =	vld [tilespmem:$0x1FFD0]  }
0x2bf: {  	v19 =	vor.u32 s24, v55  }
0x2c0: {  	v1 =	vor.u32 s24, v32  }
0x2c1: {  	v2 =	vor.u32 s24, v33  }
0x2c2: {  	v11 =	vor.u32 s24, v31  }
0x2c3: {  	v7 =	vor.u32 s24, v7  }
0x2c4: {  	v56 =	vld [tilespmem:$0x1F880];
	[tilespmem:v19+s16+$0x0] =	vst.idx.msk $0xffff, v9  }
0x2c5: {  	[tilespmem:v1+s16+$0x0] =	vst.idx.msk $0xffff, v8  }
0x2c6: {  	[tilespmem:v2+s16+$0x0] =	vst.idx.msk $0xffff, v3  }
0x2c7: {  	[tilespmem:v11+s16+$0x0] =	vst.idx.msk $0xffff, v10  }
0x2c8: {  	[tilespmem:v7+s16+$0x0] =	vst.idx.msk $0xffff, v36;
	v36 =	vld [tilespmem:$0x1F8A0]  }
0x2c9: {  	v9 =	vor.u32 s24, v56  }
0x2ca: {  	v1 =	vor.u32 s24, v20  }
0x2cb: {  	v2 =	vor.u32 s24, v21  }
0x2cc: {  	v3 =	vor.u32 s24, v62  }
0x2cd: {  	v7 =	vor.u32 s24, v36  }
0x2ce: {  	v37 =	vld [tilespmem:$0x1F8B0];
	[tilespmem:v9+s16+$0x0] =	vst.idx.msk $0xffff, v35  }
0x2cf: {  	v38 =	vld [tilespmem:$0x1F8C0];
	[tilespmem:v1+s16+$0x0] =	vst.idx.msk $0xffff, v5  }
0x2d0: {  	v39 =	vld [tilespmem:$0x1F8D0];
	[tilespmem:v2+s16+$0x0] =	vst.idx.msk $0xffff, v6  }
0x2d1: {  	v40 =	vld [tilespmem:$0x1F8E0];
	[tilespmem:v3+s16+$0x0] =	vst.idx.msk $0xffff, v14  }
0x2d2: {  	[tilespmem:v7+s16+$0x0] =	vst.idx.msk $0xffff, v4;
	v4 =	vld [tilespmem:$0x1F560]  }
0x2d3: {  	v8 =	vor.u32 s24, v37  }
0x2d4: {  	v1 =	vor.u32 s24, v38  }
0x2d5: {  	v2 =	vor.u32 s24, v39  }
0x2d6: {  	v3 =	vor.u32 s24, v40  }
0x2d7: {  	v4 =	vor.u32 v4, v0  }
0x2d8: {  	[tilespmem:v8+s16+$0x0] =	vst.idx.msk $0xffff, v12  }
0x2d9: {  	[tilespmem:v1+s16+$0x0] =	vst.idx.msk $0xffff, v16  }
0x2da: {  	[tilespmem:v2+s16+$0x0] =	vst.idx.msk $0xffff, v13  }
0x2db: {  	v1 =	vld [tilespmem:$0x1FDB0];
	[tilespmem:v3+s16+$0x0] =	vst.idx.msk $0xffff, v15  }
0x2dc: {  	v29 =	vld.idx.msk [tilespmem:v4+s15+$0x0], $0xffff  }
0x2dd: {  	v4 =	vld [tilespmem:$0x1F590];
	_ =	sdelay $0x4  }
0x2de: {  	v1 =	vor.u32 v1, v0;
	v6 =	vor.u32 v4, v0;
	v4 =	vld [tilespmem:$0x1F550];
	_ =	sdelay $0x4  }
0x2df: {  	v7 =	vor.u32 v4, v0;
	v4 =	vld.idx.msk [tilespmem:v1+s15+$0x0], $0xffff  }
0x2e0: {  	v1 =	vld [tilespmem:$0x1F540];
	_ =	sdelay $0x4  }
0x2e1: {  	v8 =	vor.u32 v1, v0;
	v1 =	vld [tilespmem:$0x1F530];
	_ =	sdelay $0x4  }
0x2e2: {  	v9 =	vor.u32 v1, v0;
	v1 =	vld [tilespmem:$0x1F5E0];
	_ =	sdelay $0x4  }
0x2e3: {  	v10 =	vor.u32 v1, v0;
	v1 =	vld [tilespmem:$0x1F5D0];
	_ =	sdelay $0x4  }
0x2e4: {  	v12 =	vor.u32 v1, v0;
	v1 =	vld [tilespmem:$0x1F5C0];
	_ =	sdelay $0x3  }
0x2e5: {  	v5 =	vld [tilespmem:$0x1FD80]  }
0x2e6: {  	v13 =	vor.u32 v1, v0;
	v1 =	vld [tilespmem:$0x1F5A0]  }
0x2e7: {  	v45 =	vld [tilespmem:$0x1FFF0]  }
0x2e8: {  	v2 =	vld [tilespmem:$0x1F520];
	_ =	sdelay $0x1  }
0x2e9: {  	v5 =	vor.u32 v5, v0;
	v3 =	vld [tilespmem:$0x1F5B0]  }
0x2ea: {  	v14 =	vor.u32 v1, v0;
	v1 =	vld [tilespmem:$0x1F580]  }
0x2eb: {  	v11 =	vor.u32 v45, v0  }
0x2ec: {  	v2 =	vor.u32 v2, v0  }
0x2ed: {  	v53 =	vld [tilespmem:$0x1FFB0]  }
0x2ee: {  	v5 =	vld.idx.msk [tilespmem:v5+s15+$0x0], $0xffff;
	v3 =	vor.u32 v3, v0  }
0x2ef: {  	v15 =	vor.u32 v1, v0;
	v1 =	vld [tilespmem:$0x1F570]  }
0x2f0: {  	v11 =	vld.idx.msk [tilespmem:v11+s15+$0x0], $0xffff  }
0x2f1: {  	v35 =	vld.idx.msk [tilespmem:v2+s15+$0x0], $0xffff  }
0x2f2: {  	v2 =	vld [tilespmem:$0x1F980]  }
0x2f3: {  	v3 =	vld.idx.msk [tilespmem:v3+s15+$0x0], $0xffff  }
0x2f4: {  	v16 =	vor.u32 v1, v0;
	v1 =	vld [tilespmem:$0x1F5F0]  }
0x2f5: {  	v6 =	vld.idx.msk [tilespmem:v6+s15+$0x0], $0xffff  }
0x2f6: {  	v7 =	vld.idx.msk [tilespmem:v7+s15+$0x0], $0xffff  }
0x2f7: {  	v8 =	vld.idx.msk [tilespmem:v8+s15+$0x0], $0xffff  }
0x2f8: {  	v9 =	vld.idx.msk [tilespmem:v9+s15+$0x0], $0xffff  }
0x2f9: {  	v17 =	vor.u32 s24, v1;
	v1 =	vld [tilespmem:$0x1F970]  }
0x2fa: {  	v10 =	vld.idx.msk [tilespmem:v10+s15+$0x0], $0xffff  }
0x2fb: {  	v12 =	vld.idx.msk [tilespmem:v12+s15+$0x0], $0xffff  }
0x2fc: {  	v18 =	vor.u32 s24, v53;
	v13 =	vld.idx.msk [tilespmem:v13+s15+$0x0], $0xffff  }
0x2fd: {  	v19 =	vor.u32 s24, v41;
	v14 =	vld.idx.msk [tilespmem:v14+s15+$0x0], $0xffff  }
0x2fe: {  	v15 =	vld.idx.msk [tilespmem:v15+s15+$0x0], $0xffff;
	v1 =	vor.u32 s24, v1  }
0x2ff: {  	v16 =	vld.idx.msk [tilespmem:v16+s15+$0x0], $0xffff  }
0x300: {  	[tilespmem:v17+s16+$0x0] =	vst.idx.msk $0xffff, v11;
	v11 =	vld [tilespmem:$0x1F990]  }
0x301: {  	[tilespmem:v18+s16+$0x0] =	vst.idx.msk $0xffff, v5;
	v5 =	vld [tilespmem:$0x1F9A0]  }
0x302: {  	[tilespmem:v19+s16+$0x0] =	vst.idx.msk $0xffff, v4;
	v4 =	vld [tilespmem:$0x1F9B0]  }
0x303: {  	[tilespmem:v1+s16+$0x0] =	vst.idx.msk $0xffff, v35;
	v1 =	vld [tilespmem:$0x1F9C0]  }
0x304: {  	v49 =	vld [tilespmem:$0x1FFC0];
	v2 =	vor.u32 s24, v2  }
0x305: {  	v11 =	vor.u32 s24, v11  }
0x306: {  	v5 =	vor.u32 s24, v5  }
0x307: {  	v4 =	vor.u32 s24, v4  }
0x308: {  	v1 =	vor.u32 s24, v1  }
0x309: {  	[tilespmem:v2+s16+$0x0] =	vst.idx.msk $0xffff, v9;
	v2 =	vor.u32 s24, v49  }
0x30a: {  	[tilespmem:v11+s16+$0x0] =	vst.idx.msk $0xffff, v8  }
0x30b: {  	[tilespmem:v5+s16+$0x0] =	vst.idx.msk $0xffff, v7;
	v5 =	vld [tilespmem:$0x1F9D0]  }
0x30c: {  	[tilespmem:v4+s16+$0x0] =	vst.idx.msk $0xffff, v29;
	v4 =	vld [tilespmem:$0x1F9E0]  }
0x30d: {  	[tilespmem:v1+s16+$0x0] =	vst.idx.msk $0xffff, v16;
	v1 =	vld [tilespmem:$0x1F9F0]  }
0x30e: {  	[tilespmem:v2+s16+$0x0] =	vst.idx.msk $0xffff, v15;
	v2 =	vld [tilespmem:$0x1FA00]  }
0x30f: {  	v8 =	vor.u32 s24, v42  }
0x310: {  	v5 =	vor.u32 s24, v5  }
0x311: {  	v4 =	vor.u32 s24, v4  }
0x312: {  	v1 =	vor.u32 s24, v1  }
0x313: {  	v2 =	vor.u32 s24, v2  }
0x314: {  	[tilespmem:v8+s16+$0x0] =	vst.idx.msk $0xffff, v6  }
0x315: {  	[tilespmem:v5+s16+$0x0] =	vst.idx.msk $0xffff, v14  }
0x316: {  	[tilespmem:v4+s16+$0x0] =	vst.idx.msk $0xffff, v3  }
0x317: {  	v6 =	vld [tilespmem:$0x1FA10];
	[tilespmem:v1+s16+$0x0] =	vst.idx.msk $0xffff, v13  }
0x318: {  	[tilespmem:v2+s16+$0x0] =	vst.idx.msk $0xffff, v12;
	v2 =	vld [tilespmem:$0x1F650];
	_ =	sdelay $0x3  }
0x319: {  	v6 =	vor.u32 s24, v6  }
0x31a: {  	v4 =	vor.u32 v2, v0;
	_ =	sdelay $0x3  }
0x31b: {  	[tilespmem:v6+s16+$0x0] =	vst.idx.msk $0xffff, v10  }
0x31c: {  	v6 =	vld.idx.msk [tilespmem:v4+s15+$0x0], $0xffff  }
0x31d: {  	v4 =	vld [tilespmem:$0x1F660];
	_ =	sdelay $0x3  }
0x31e: {  	v2 =	vld [tilespmem:$0x1F640]  }
0x31f: {  	v11 =	vor.u32 v4, v0;
	v4 =	vld [tilespmem:$0x1F610];
	_ =	sdelay $0x2  }
0x320: {  	v5 =	vld [tilespmem:$0x1F6F0];
	_ =	sdelay $0x1  }
0x321: {  	v7 =	vor.u32 v2, v0;
	v13 =	vor.u32 v4, v0;
	v4 =	vld [tilespmem:$0x1F600];
	_ =	sdelay $0x2  }
0x322: {  	v5 =	vor.u32 v5, v0;
	v2 =	vld [tilespmem:$0x1F630];
	_ =	sdelay $0x1  }
0x323: {  	v8 =	vld.idx.msk [tilespmem:v7+s15+$0x0], $0xffff;
	v7 =	vor.u32 v4, v0;
	_ =	sdelay $0x1  }
0x324: {  	v1 =	vld [tilespmem:$0x1F670]  }
0x325: {  	v9 =	vor.u32 v2, v0;
	v2 =	vld.idx.msk [tilespmem:v5+s15+$0x0], $0xffff  }
0x326: {  	v4 =	vld [tilespmem:$0x1F6B0]  }
0x327: {  	v16 =	vld.idx.msk [tilespmem:v7+s15+$0x0], $0xffff  }
0x328: {  	v7 =	vld [tilespmem:$0x1F6D0]  }
0x329: {  	v1 =	vor.u32 v1, v0;
	v5 =	vld [tilespmem:$0x1F620];
	_ =	sdelay $0x1  }
0x32a: {  	v3 =	vld [tilespmem:$0x1F680]  }
0x32b: {  	v12 =	vld.idx.msk [tilespmem:v9+s15+$0x0], $0xffff  }
0x32c: {  	v9 =	vor.u32 v4, v0;
	v19 =	vor.u32 v7, v0;
	v7 =	vld [tilespmem:$0x1F690]  }
0x32d: {  	v10 =	vor.u32 v5, v0;
	v5 =	vld.idx.msk [tilespmem:v1+s15+$0x0], $0xffff  }
0x32e: {  	v1 =	vld [tilespmem:$0x1F6E0]  }
0x32f: {  	v15 =	vld.idx.msk [tilespmem:v13+s15+$0x0], $0xffff  }
0x330: {  	v4 =	vld [tilespmem:$0x1F6C0]  }
0x331: {  	v3 =	vor.u32 v3, v0;
	v13 =	vor.u32 v7, v0;
	v7 =	vld.idx.msk [tilespmem:v9+s15+$0x0], $0xffff  }
0x332: {  	v9 =	vld [tilespmem:$0x1F6A0];
	_ =	sdelay $0x1  }
0x333: {  	v60 =	vld [tilespmem:$0x1FFE0]  }
0x334: {  	v42 =	vld [tilespmem:$0x1FA60]  }
0x335: {  	v3 =	vld.idx.msk [tilespmem:v3+s15+$0x0], $0xffff;
	v1 =	vor.u32 v1, v0  }
0x336: {  	v29 =	vor.u32 v4, v0;
	v18 =	vor.u32 v9, v0;
	v9 =	vld [tilespmem:$0x1F700]  }
0x337: {  	v14 =	vld.idx.msk [tilespmem:v10+s15+$0x0], $0xffff  }
0x338: {  	v10 =	vld.idx.msk [tilespmem:v11+s15+$0x0], $0xffff  }
0x339: {  	v58 =	vmovc v32;
	v32 =	vmovc v23;
	v23 =	vmov v60;
	v11 =	vor.u32 s24, v60;
	v60 =	vmov v30;
	v30 =	vld [tilespmem:$0x1FD80]  }
0x33a: {  	v59 =	vmovc v33;
	v33 =	vmov v20;
	v31 =	vmov v43;
	v35 =	vmov v62;
	v4 =	vld.idx.msk [tilespmem:v1+s15+$0x0], $0xffff  }
0x33b: {  	s26 =	simm.s32 $0x1;
	v62 =	vmovc v42;
	v1 =	vor.u32 s24, v42;
	v17 =	vor.u32 s24, v9;
	v9 =	vld.idx.msk [tilespmem:v29+s15+$0x0], $0xffff;
	v29 =	vmovc v34;
	v34 =	vmov v21  }
.LBB2_5:
0x33c: {  	_ =	sdelay $0x2  }
0x33d: {  	v19 =	vld.idx.msk [tilespmem:v19+s15+$0x0], $0xffff  }
0x33e: {  	v13 =	vld.idx.msk [tilespmem:v13+s15+$0x0], $0xffff  }
0x33f: {  	v20 =	vld [tilespmem:$0x1FEA0]  }
0x340: {  	v18 =	vld.idx.msk [tilespmem:v18+s15+$0x0], $0xffff  }
0x341: {  	v21 =	vld [tilespmem:$0x1FE00]  }
0x342: {  	[tilespmem:v17+s16+$0x0] =	vst.idx.msk $0xffff, v16;
	v16 =	vld [tilespmem:$0x1FEB0];
	_ =	sdelay $0x1  }
0x343: {  	[tilespmem:v11+s16+$0x0] =	vst.idx.msk $0xffff, v15;
	v11 =	vld [tilespmem:$0x1FE10]  }
0x344: {  	v20 =	vor.u32 s24, v20  }
0x345: {  	v21 =	vor.u32 s24, v21  }
0x346: {  	v16 =	vor.u32 s24, v16  }
0x347: {  	[tilespmem:v1+s16+$0x0] =	vst.idx.msk $0xffff, v14;
	v1 =	vld [tilespmem:$0x1FEC0]  }
0x348: {  	v11 =	vor.u32 s24, v11  }
0x349: {  	[tilespmem:v20+s16+$0x0] =	vst.idx.msk $0xffff, v12;
	v12 =	vld [tilespmem:$0x1FE20]  }
0x34a: {  	[tilespmem:v21+s16+$0x0] =	vst.idx.msk $0xffff, v8;
	v8 =	vld [tilespmem:$0x1FED0]  }
0x34b: {  	[tilespmem:v16+s16+$0x0] =	vst.idx.msk $0xffff, v6;
	v6 =	vld [tilespmem:$0x1FE30]  }
0x34c: {  	v1 =	vor.u32 s24, v1  }
0x34d: {  	[tilespmem:v11+s16+$0x0] =	vst.idx.msk $0xffff, v10;
	v10 =	vld [tilespmem:$0x1FEE0]  }
0x34e: {  	v12 =	vor.u32 s24, v12  }
0x34f: {  	v8 =	vor.u32 s24, v8  }
0x350: {  	v6 =	vor.u32 s24, v6  }
0x351: {  	[tilespmem:v1+s16+$0x0] =	vst.idx.msk $0xffff, v5;
	v1 =	vld [tilespmem:$0x1FE40]  }
0x352: {  	v10 =	vor.u32 s24, v10  }
0x353: {  	[tilespmem:v12+s16+$0x0] =	vst.idx.msk $0xffff, v3;
	v3 =	vld [tilespmem:$0x1FEF0]  }
0x354: {  	v5 =	vld [tilespmem:$0x1FE50];
	[tilespmem:v8+s16+$0x0] =	vst.idx.msk $0xffff, v13  }
0x355: {  	[tilespmem:v6+s16+$0x0] =	vst.idx.msk $0xffff, v18;
	v6 =	vld [tilespmem:$0x1FF00]  }
0x356: {  	v15 =	vld [tilespmem:$0x1F7C0];
	v1 =	vor.u32 s24, v1  }
0x357: {  	[tilespmem:v10+s16+$0x0] =	vst.idx.msk $0xffff, v7;
	v7 =	vld [tilespmem:$0x1F710]  }
0x358: {  	v16 =	vld [tilespmem:$0x1F770];
	v3 =	vor.u32 s24, v3  }
0x359: {  	v5 =	vor.u32 s24, v5;
	v8 =	vld [tilespmem:$0x1F790]  }
0x35a: {  	v13 =	vld [tilespmem:$0x1F7B0];
	v6 =	vor.u32 s24, v6  }
0x35b: {  	[tilespmem:v1+s16+$0x0] =	vst.idx.msk $0xffff, v9;
	v1 =	vld [tilespmem:$0x1F720]  }
0x35c: {  	v9 =	vld [tilespmem:$0x1F7A0];
	v7 =	vor.u32 v7, v0  }
0x35d: {  	[tilespmem:v3+s16+$0x0] =	vst.idx.msk $0xffff, v19;
	v3 =	vld [tilespmem:$0x1F730]  }
0x35e: {  	[tilespmem:v5+s16+$0x0] =	vst.idx.msk $0xffff, v4;
	v4 =	vld [tilespmem:$0x1F740]  }
0x35f: {  	[tilespmem:v6+s16+$0x0] =	vst.idx.msk $0xffff, v2;
	v2 =	vld [tilespmem:$0x1F750]  }
0x360: {  	v6 =	vld [tilespmem:$0x1F760]  }
0x361: {  	v8 =	vor.u32 v8, v0;
	v5 =	vld.idx.msk [tilespmem:v7+s15+$0x0], $0xffff  }
0x362: {  	v10 =	vor.u32 v63, v0;
	v7 =	vld [tilespmem:$0x1F780]  }
0x363: {  	v17 =	vld [tilespmem:$0x1FE60];
	v11 =	vor.u32 v44, v0  }
0x364: {  	v14 =	vor.u32 v60, v0;
	v15 =	vor.u32 v15, v0;
	v12 =	vor.u32 v31, v0;
	v18 =	vld [tilespmem:$0x1FF10]  }
0x365: {  	v13 =	vor.u32 v13, v0;
	v1 =	vor.u32 v1, v0;
	v9 =	vor.u32 v9, v0;
	v19 =	vld [tilespmem:$0x1FE70]  }
0x366: {  	v8 =	vld.idx.msk [tilespmem:v8+s15+$0x0], $0xffff;
	v3 =	vor.u32 v3, v0;
	v4 =	vor.u32 v4, v0;
	v2 =	vor.u32 v2, v0  }
0x367: {  	v10 =	vld.idx.msk [tilespmem:v10+s15+$0x0], $0xffff;
	v6 =	vor.u32 v6, v0;
	v7 =	vor.u32 v7, v0;
	v0 =	vor.u32 v16, v0  }
0x368: {  	v11 =	vld.idx.msk [tilespmem:v11+s15+$0x0], $0xffff  }
0x369: {  	v12 =	vld.idx.msk [tilespmem:v12+s15+$0x0], $0xffff  }
0x36a: {  	v13 =	vld.idx.msk [tilespmem:v13+s15+$0x0], $0xffff  }
0x36b: {  	v16 =	vld [tilespmem:$0x1F7D0]  }
0x36c: {  	v20 =	vld.idx.msk [tilespmem:v0+s15+$0x0], $0xffff  }
0x36d: {  	v0 =	vld [tilespmem:$0x1FF20]  }
0x36e: {  	v14 =	vld.idx.msk [tilespmem:v14+s15+$0x0], $0xffff  }
0x36f: {  	v15 =	vld.idx.msk [tilespmem:v15+s15+$0x0], $0xffff  }
0x370: {  	v1 =	vld.idx.msk [tilespmem:v1+s15+$0x0], $0xffff  }
0x371: {  	v9 =	vld.idx.msk [tilespmem:v9+s15+$0x0], $0xffff  }
0x372: {  	v16 =	vor.u32 s24, v16;
	v21 =	vor.u32 s24, v0;
	v0 =	vld [tilespmem:$0x1FE80]  }
0x373: {  	v17 =	vor.u32 s24, v17;
	v3 =	vld.idx.msk [tilespmem:v3+s15+$0x0], $0xffff  }
0x374: {  	v18 =	vor.u32 s24, v18;
	v4 =	vld.idx.msk [tilespmem:v4+s15+$0x0], $0xffff  }
0x375: {  	v19 =	vor.u32 s24, v19;
	v2 =	vld.idx.msk [tilespmem:v2+s15+$0x0], $0xffff  }
0x376: {  	v6 =	vld.idx.msk [tilespmem:v6+s15+$0x0], $0xffff  }
0x377: {  	v7 =	vld.idx.msk [tilespmem:v7+s15+$0x0], $0xffff;
	[tilespmem:v16+s16+$0x0] =	vst.idx.msk $0xffff, v5;
	v5 =	vor.u32 s24, v0  }
0x378: {  	[tilespmem:v17+s16+$0x0] =	vst.idx.msk $0xffff, v1;
	v1 =	vld [tilespmem:$0x1FF30]  }
0x379: {  	[tilespmem:v18+s16+$0x0] =	vst.idx.msk $0xffff, v3;
	v3 =	vld [tilespmem:$0x1FE90]  }
0x37a: {  	[tilespmem:v19+s16+$0x0] =	vst.idx.msk $0xffff, v4;
	v4 =	vld [tilespmem:$0x1FF40]  }
0x37b: {  	[tilespmem:v21+s16+$0x0] =	vst.idx.msk $0xffff, v2;
	v2 =	vld [tilespmem:$0x1FDE0]  }
0x37c: {  	[tilespmem:v5+s16+$0x0] =	vst.idx.msk $0xffff, v6;
	v5 =	vld [tilespmem:$0x1FDF0]  }
0x37d: {  	v1 =	vor.u32 s24, v1  }
0x37e: {  	v3 =	vor.u32 s24, v3  }
0x37f: {  	v4 =	vor.u32 s24, v4  }
0x380: {  	v2 =	vor.u32 s24, v2  }
0x381: {  	v16 =	vld [tilespmem:$0x1FFA0];
	v5 =	vor.u32 s24, v5  }
0x382: {  	[tilespmem:v1+s16+$0x0] =	vst.idx.msk $0xffff, v20;
	v1 =	vld [tilespmem:$0x1FF50]  }
0x383: {  	[tilespmem:v3+s16+$0x0] =	vst.idx.msk $0xffff, v7;
	v3 =	vld [tilespmem:$0x1FDD0]  }
0x384: {  	[tilespmem:v4+s16+$0x0] =	vst.idx.msk $0xffff, v8;
	v4 =	vld [tilespmem:$0x1FF60]  }
0x385: {  	s25 =	sadd.s32 $0x10, s25;
	[tilespmem:v2+s16+$0x0] =	vst.idx.msk $0xffff, v9;
	v2 =	vld [tilespmem:$0x1FF70]  }
0x386: {  	v0 =	vmov s25;
	[tilespmem:v5+s16+$0x0] =	vst.idx.msk $0xffff, v10;
	v5 =	vld [tilespmem:$0x1FB10]  }
0x387: {  	v0 =	vshll.u32 v0, $0x7;
	v1 =	vor.u32 s24, v1  }
0x388: {  	v0 =	vor.u32 v16, v0;
	v3 =	vor.u32 s24, v3  }
0x389: {  	v42 =	vmovc v49;
	v49 =	vmovc v47;
	v43 =	vmov v63;
	v17 =	vor.u32 v22, v0;
	v4 =	vor.u32 s24, v4  }
0x38a: {  	v41 =	vmovc v53;
	v53 =	vmovc v52;
	v18 =	vor.u32 v24, v0;
	v19 =	vor.u32 v25, v0;
	v2 =	vor.u32 s24, v2  }
0x38b: {  	v63 =	vmovc v45;
	v45 =	vmovc v23;
	v21 =	vor.u32 v28, v0;
	v23 =	vor.u32 v52, v0;
	v5 =	vor.u32 s24, v5  }
0x38c: {  	v52 =	vmov v50;
	v6 =	vor.u32 v27, v0;
	v20 =	vor.u32 v47, v0;
	[tilespmem:v1+s16+$0x0] =	vst.idx.msk $0xffff, v11  }
0x38d: {  	v47 =	vmovc v28;
	v28 =	vmov v25;
	v25 =	vmov v22;
	v22 =	vor.u32 v48, v0;
	[tilespmem:v3+s16+$0x0] =	vst.idx.msk $0xffff, v12  }
0x38e: {  	v7 =	vor.u32 v50, v0;
	v50 =	vmov v48;
	v8 =	vor.u32 v46, v0;
	[tilespmem:v4+s16+$0x0] =	vst.idx.msk $0xffff, v13  }
0x38f: {  	v48 =	vmovc v46;
	v46 =	vmov v27;
	v27 =	vmov v24;
	v24 =	vor.u32 v32, v0;
	[tilespmem:v2+s16+$0x0] =	vst.idx.msk $0xffff, v14  }
0x390: {  	[tilespmem:v5+s16+$0x0] =	vst.idx.msk $0xffff, v15  }
0x391: {  	v3 =	vld.idx.msk [tilespmem:v21+s15+$0x0], $0xffff  }
0x392: {  	v4 =	vld.idx.msk [tilespmem:v6+s15+$0x0], $0xffff  }
0x393: {  	v5 =	vld.idx.msk [tilespmem:v19+s15+$0x0], $0xffff  }
0x394: {  	v1 =	vor.u32 v26, v0;
	v6 =	vld.idx.msk [tilespmem:v24+s15+$0x0], $0xffff  }
0x395: {  	v16 =	vlaneseq.u32;
	v2 =	vor.u32 v29, v0;
	v8 =	vld.idx.msk [tilespmem:v8+s15+$0x0], $0xffff  }
0x396: {  	v16 =	vor.u32 v16, v0;
	v11 =	vld.idx.msk [tilespmem:v20+s15+$0x0], $0xffff  }
0x397: {  	v12 =	vld.idx.msk [tilespmem:v17+s15+$0x0], $0xffff  }
0x398: {  	s28 =	smov.u32 s26;
	v9 =	vor.u32 v51, v0;
	v13 =	vld.idx.msk [tilespmem:v18+s15+$0x0], $0xffff  }
0x399: {  	s30 =	sshll.u32 s28, $0xA;
	v14 =	vld.idx.msk [tilespmem:v1+s15+$0x0], $0xffff  }
0x39a: {  	s31 =	sand.u32 $0x70, s25;
	v10 =	vor.u32 v57, v0;
	s24 =	sand.u32 $0xFFFFE000, s30;
	v2 =	vld.idx.msk [tilespmem:v2+s15+$0x0], $0xffff  }
0x39b: {  	s24 =	sor.u32 s31, s24;
	v15 =	vld.idx.msk [tilespmem:v16+s15+$0x0], $0xffff  }
0x39c: {  	v7 =	vld.idx.msk [tilespmem:v7+s15+$0x0], $0xffff;
	v16 =	vor.u32 s24, v61  }
0x39d: {  	v9 =	vld.idx.msk [tilespmem:v9+s15+$0x0], $0xffff;
	v17 =	vor.u32 s24, v54  }
0x39e: {  	v18 =	vld.idx.msk [tilespmem:v22+s15+$0x0], $0xffff  }
0x39f: {  	v10 =	vld.idx.msk [tilespmem:v10+s15+$0x0], $0xffff  }
0x3a0: {  	v21 =	vld.idx.msk [tilespmem:v23+s15+$0x0], $0xffff  }
0x3a1: {  	[tilespmem:v16+s16+$0x0] =	vst.idx.msk $0xffff, v15;
	v15 =	vld [tilespmem:$0x1F870]  }
0x3a2: {  	[tilespmem:v17+s16+$0x0] =	vst.idx.msk $0xffff, v12;
	v12 =	vld [tilespmem:$0x1FFD0]  }
0x3a3: {  	v19 =	vor.u32 s24, v55  }
0x3a4: {  	v20 =	vor.u32 s24, v58  }
0x3a5: {  	v22 =	vor.u32 s24, v59  }
0x3a6: {  	v15 =	vor.u32 s24, v15  }
0x3a7: {  	v24 =	vmovc v27;
	v27 =	vmov v46;
	v46 =	vmov v48;
	v12 =	vor.u32 s24, v12  }
0x3a8: {  	v48 =	vmovc v50;
	v50 =	vmovc v52;
	v52 =	vmov v53;
	v53 =	vmov v41;
	v41 =	vld [tilespmem:$0x1FF80];
	[tilespmem:v19+s16+$0x0] =	vst.idx.msk $0xffff, v14;
	v14 =	vor.u32 s24, v56  }
0x3a9: {  	v16 =	vld [tilespmem:$0x1F580];
	[tilespmem:v20+s16+$0x0] =	vst.idx.msk $0xffff, v13;
	v13 =	vor.u32 s24, v33  }
0x3aa: {  	v17 =	vld [tilespmem:$0x1F570];
	[tilespmem:v22+s16+$0x0] =	vst.idx.msk $0xffff, v5;
	v5 =	vor.u32 s24, v34  }
0x3ab: {  	v22 =	vld [tilespmem:$0x1F980];
	[tilespmem:v15+s16+$0x0] =	vst.idx.msk $0xffff, v2;
	v2 =	vor.u32 s24, v35  }
0x3ac: {  	v15 =	vld [tilespmem:$0x1F5A0];
	[tilespmem:v12+s16+$0x0] =	vst.idx.msk $0xffff, v4;
	v4 =	vor.u32 s24, v36  }
0x3ad: {  	[tilespmem:v14+s16+$0x0] =	vst.idx.msk $0xffff, v3;
	v14 =	vld [tilespmem:$0x1F5C0]  }
0x3ae: {  	v3 =	vor.u32 s24, v37;
	[tilespmem:v13+s16+$0x0] =	vst.idx.msk $0xffff, v8;
	v13 =	vld [tilespmem:$0x1F5D0]  }
0x3af: {  	v8 =	vor.u32 s24, v38;
	[tilespmem:v5+s16+$0x0] =	vst.idx.msk $0xffff, v11;
	v11 =	vld [tilespmem:$0x1F5E0]  }
0x3b0: {  	[tilespmem:v2+s16+$0x0] =	vst.idx.msk $0xffff, v18;
	v18 =	vld [tilespmem:$0x1F5F0]  }
0x3b1: {  	v5 =	vor.u32 s24, v39;
	[tilespmem:v4+s16+$0x0] =	vst.idx.msk $0xffff, v6;
	v4 =	vld [tilespmem:$0x1F560]  }
0x3b2: {  	v6 =	vld [tilespmem:$0x1FDB0]  }
0x3b3: {  	v2 =	vor.u32 s24, v40;
	[tilespmem:v3+s16+$0x0] =	vst.idx.msk $0xffff, v7;
	v7 =	vld [tilespmem:$0x1F590]  }
0x3b4: {  	v23 =	vmov v45;
	v45 =	vmov v63;
	[tilespmem:v8+s16+$0x0] =	vst.idx.msk $0xffff, v21;
	v8 =	vld [tilespmem:$0x1F550]  }
0x3b5: {  	v12 =	vor.u32 v45, v0;
	v21 =	vld [tilespmem:$0x1F970]  }
0x3b6: {  	v15 =	vor.u32 v15, v0;
	[tilespmem:v5+s16+$0x0] =	vst.idx.msk $0xffff, v9;
	v5 =	vld [tilespmem:$0x1F520]  }
0x3b7: {  	v16 =	vor.u32 v16, v0;
	v9 =	vld [tilespmem:$0x1F540]  }
0x3b8: {  	v17 =	vor.u32 v17, v0;
	[tilespmem:v2+s16+$0x0] =	vst.idx.msk $0xffff, v10;
	v2 =	vld [tilespmem:$0x1F5B0]  }
0x3b9: {  	v3 =	vor.u32 v30, v0;
	v10 =	vld [tilespmem:$0x1F530]  }
0x3ba: {  	v14 =	vor.u32 v14, v0;
	v12 =	vld.idx.msk [tilespmem:v12+s15+$0x0], $0xffff  }
0x3bb: {  	v13 =	vor.u32 v13, v0;
	v15 =	vld.idx.msk [tilespmem:v15+s15+$0x0], $0xffff  }
0x3bc: {  	v11 =	vor.u32 v11, v0;
	v16 =	vld.idx.msk [tilespmem:v16+s15+$0x0], $0xffff  }
0x3bd: {  	v4 =	vor.u32 v4, v0;
	v17 =	vld.idx.msk [tilespmem:v17+s15+$0x0], $0xffff  }
0x3be: {  	v6 =	vor.u32 v6, v0;
	v3 =	vld.idx.msk [tilespmem:v3+s15+$0x0], $0xffff  }
0x3bf: {  	v7 =	vor.u32 v7, v0;
	v14 =	vld.idx.msk [tilespmem:v14+s15+$0x0], $0xffff  }
0x3c0: {  	v8 =	vor.u32 v8, v0;
	v13 =	vld.idx.msk [tilespmem:v13+s15+$0x0], $0xffff  }
0x3c1: {  	v5 =	vor.u32 v5, v0;
	v11 =	vld.idx.msk [tilespmem:v11+s15+$0x0], $0xffff  }
0x3c2: {  	v9 =	vor.u32 v9, v0;
	v4 =	vld.idx.msk [tilespmem:v4+s15+$0x0], $0xffff  }
0x3c3: {  	v2 =	vor.u32 v2, v0;
	v6 =	vld.idx.msk [tilespmem:v6+s15+$0x0], $0xffff  }
0x3c4: {  	v10 =	vor.u32 v10, v0;
	v7 =	vld.idx.msk [tilespmem:v7+s15+$0x0], $0xffff  }
0x3c5: {  	v18 =	vor.u32 s24, v18;
	v8 =	vld.idx.msk [tilespmem:v8+s15+$0x0], $0xffff  }
0x3c6: {  	v19 =	vor.u32 s24, v53;
	v5 =	vld.idx.msk [tilespmem:v5+s15+$0x0], $0xffff  }
0x3c7: {  	v20 =	vor.u32 s24, v41;
	v9 =	vld.idx.msk [tilespmem:v9+s15+$0x0], $0xffff  }
0x3c8: {  	v2 =	vld.idx.msk [tilespmem:v2+s15+$0x0], $0xffff  }
0x3c9: {  	v10 =	vld.idx.msk [tilespmem:v10+s15+$0x0], $0xffff  }
0x3ca: {  	[tilespmem:v18+s16+$0x0] =	vst.idx.msk $0xffff, v12;
	v12 =	vld [tilespmem:$0x1F990]  }
0x3cb: {  	[tilespmem:v19+s16+$0x0] =	vst.idx.msk $0xffff, v3;
	v3 =	vld [tilespmem:$0x1F9A0]  }
0x3cc: {  	[tilespmem:v20+s16+$0x0] =	vst.idx.msk $0xffff, v6;
	v6 =	vld [tilespmem:$0x1F9B0]  }
0x3cd: {  	v21 =	vor.u32 s24, v21  }
0x3ce: {  	v22 =	vor.u32 s24, v22  }
0x3cf: {  	v12 =	vor.u32 s24, v12  }
0x3d0: {  	v3 =	vor.u32 s24, v3  }
0x3d1: {  	v6 =	vor.u32 s24, v6  }
0x3d2: {  	[tilespmem:v21+s16+$0x0] =	vst.idx.msk $0xffff, v5;
	v5 =	vld [tilespmem:$0x1F9C0]  }
0x3d3: {  	[tilespmem:v22+s16+$0x0] =	vst.idx.msk $0xffff, v10  }
0x3d4: {  	v22 =	vmovc v25;
	v25 =	vmovc v28;
	v28 =	vmov v47;
	v47 =	vmov v49;
	v49 =	vmov v42;
	v42 =	vld [tilespmem:$0x1FF90];
	[tilespmem:v12+s16+$0x0] =	vst.idx.msk $0xffff, v9  }
0x3d5: {  	[tilespmem:v3+s16+$0x0] =	vst.idx.msk $0xffff, v8;
	v3 =	vld [tilespmem:$0x1F9D0]  }
0x3d6: {  	[tilespmem:v6+s16+$0x0] =	vst.idx.msk $0xffff, v4;
	v4 =	vld [tilespmem:$0x1F9E0]  }
0x3d7: {  	v5 =	vor.u32 s24, v5  }
0x3d8: {  	v10 =	vor.u32 s24, v49  }
0x3d9: {  	v9 =	vor.u32 s24, v42  }
0x3da: {  	v3 =	vor.u32 s24, v3  }
0x3db: {  	v4 =	vor.u32 s24, v4  }
0x3dc: {  	[tilespmem:v5+s16+$0x0] =	vst.idx.msk $0xffff, v17  }
0x3dd: {  	[tilespmem:v10+s16+$0x0] =	vst.idx.msk $0xffff, v16  }
0x3de: {  	[tilespmem:v9+s16+$0x0] =	vst.idx.msk $0xffff, v7  }
0x3df: {  	v5 =	vld [tilespmem:$0x1F9F0];
	[tilespmem:v3+s16+$0x0] =	vst.idx.msk $0xffff, v15  }
0x3e0: {  	[tilespmem:v4+s16+$0x0] =	vst.idx.msk $0xffff, v2;
	v2 =	vld [tilespmem:$0x1F680];
	_ =	sdelay $0x3  }
0x3e1: {  	v6 =	vld [tilespmem:$0x1FA00]  }
0x3e2: {  	v5 =	vor.u32 s24, v5;
	v4 =	vor.u32 v2, v0;
	v2 =	vld [tilespmem:$0x1F670];
	_ =	sdelay $0x3  }
0x3e3: {  	v7 =	vld [tilespmem:$0x1FA10]  }
0x3e4: {  	v6 =	vor.u32 s24, v6;
	[tilespmem:v5+s16+$0x0] =	vst.idx.msk $0xffff, v14;
	v5 =	vor.u32 v2, v0;
	v2 =	vld [tilespmem:$0x1F650];
	_ =	sdelay $0x3  }
0x3e5: {  	v3 =	vld [tilespmem:$0x1F6F0]  }
0x3e6: {  	v7 =	vor.u32 s24, v7;
	[tilespmem:v6+s16+$0x0] =	vst.idx.msk $0xffff, v13;
	v6 =	vor.u32 v2, v0;
	v2 =	vld [tilespmem:$0x1F640];
	_ =	sdelay $0x3  }
0x3e7: {  	v8 =	vld [tilespmem:$0x1F660]  }
0x3e8: {  	v3 =	vor.u32 v3, v0;
	[tilespmem:v7+s16+$0x0] =	vst.idx.msk $0xffff, v11;
	v7 =	vor.u32 v2, v0;
	v2 =	vld [tilespmem:$0x1F630];
	_ =	sdelay $0x3  }
0x3e9: {  	v11 =	vor.u32 v8, v0;
	v8 =	vld [tilespmem:$0x1F610]  }
0x3ea: {  	v9 =	vor.u32 v2, v0;
	v2 =	vld.idx.msk [tilespmem:v3+s15+$0x0], $0xffff  }
0x3eb: {  	v3 =	vld [tilespmem:$0x1F620];
	_ =	sdelay $0x2  }
0x3ec: {  	v13 =	vor.u32 v8, v0;
	v8 =	vld.idx.msk [tilespmem:v7+s15+$0x0], $0xffff  }
0x3ed: {  	v7 =	vld [tilespmem:$0x1F600]  }
0x3ee: {  	v10 =	vor.u32 v3, v0;
	_ =	sdelay $0x2  }
0x3ef: {  	v12 =	vld.idx.msk [tilespmem:v9+s15+$0x0], $0xffff  }
0x3f0: {  	v7 =	vor.u32 v7, v0;
	v9 =	vld [tilespmem:$0x1F6B0]  }
0x3f1: {  	v14 =	vld.idx.msk [tilespmem:v10+s15+$0x0], $0xffff  }
0x3f2: {  	v10 =	vld [tilespmem:$0x1F6C0]  }
0x3f3: {  	v3 =	vld.idx.msk [tilespmem:v4+s15+$0x0], $0xffff  }
0x3f4: {  	v4 =	vld [tilespmem:$0x1F6E0]  }
0x3f5: {  	v16 =	vld.idx.msk [tilespmem:v7+s15+$0x0], $0xffff  }
0x3f6: {  	v9 =	vor.u32 v9, v0;
	v7 =	vld [tilespmem:$0x1F6A0]  }
0x3f7: {  	v20 =	vor.u32 v10, v0;
	v10 =	vld.idx.msk [tilespmem:v11+s15+$0x0], $0xffff  }
0x3f8: {  	v11 =	vld [tilespmem:$0x1F6D0];
	_ =	sdelay $0x2  }
0x3f9: {  	v18 =	vor.u32 v7, v0;
	v7 =	vld.idx.msk [tilespmem:v9+s15+$0x0], $0xffff  }
0x3fa: {  	v4 =	vor.u32 v4, v0;
	v9 =	vld [tilespmem:$0x1F700]  }
0x3fb: {  	p0 =	sne.s32 s26, $0xF;
	v19 =	vor.u32 v11, v0;
	v11 =	vld [tilespmem:$0x1F690]  }
.Ltmp1:
0x3fc: {  	v15 =	vld.idx.msk [tilespmem:v13+s15+$0x0], $0xffff;
	(pc) =	sbr.rel @p0 .LBB2_5-.Ltmp1, $4  }
0x3fd: {  	v5 =	vld.idx.msk [tilespmem:v5+s15+$0x0], $0xffff  }
0x3fe: {  	v6 =	vld.idx.msk [tilespmem:v6+s15+$0x0], $0xffff  }
0x3ff: {  	v1 =	vor.u32 s24, v62;
	v4 =	vld.idx.msk [tilespmem:v4+s15+$0x0], $0xffff  }
0x400: {  	s26 =	sadd.s32 $0x1, s26;
	v63 =	vmovc v43;
	v17 =	vor.u32 s24, v9;
	v9 =	vld.idx.msk [tilespmem:v20+s15+$0x0], $0xffff;
	v13 =	vor.u32 v11, v0;
	v11 =	vor.u32 s24, v23  }
0x401: {  	_ =	sdelay $0x3  }
0x402: {  	v19 =	vld.idx.msk [tilespmem:v19+s15+$0x0], $0xffff  }
0x403: {  	v13 =	vld.idx.msk [tilespmem:v13+s15+$0x0], $0xffff  }
0x404: {  	v20 =	vld [tilespmem:$0x1FEA0]  }
0x405: {  	v18 =	vld.idx.msk [tilespmem:v18+s15+$0x0], $0xffff  }
0x406: {  	v21 =	vld [tilespmem:$0x1FE00]  }
0x407: {  	v38 =	vld [tilespmem:$0x1FEB0]  }
0x408: {  	v39 =	vld [tilespmem:$0x1FE10]  }
0x409: {  	v40 =	vld [tilespmem:$0x1FEC0]  }
0x40a: {  	v43 =	vld [tilespmem:$0x1FE20]  }
0x40b: {  	v45 =	vld [tilespmem:$0x1FED0]  }
0x40c: {  	v49 =	vld [tilespmem:$0x1FE30]  }
0x40d: {  	v54 =	vld [tilespmem:$0x1FEE0]  }
0x40e: {  	v55 =	vld [tilespmem:$0x1FE40]  }
0x40f: {  	v56 =	vld [tilespmem:$0x1FE50]  }
0x410: {  	v30 =	vld [tilespmem:$0x1FF00]  }
0x411: {  	[tilespmem:v17+s16+$0x0] =	vst.idx.msk $0xffff, v16;
	v17 =	vld [tilespmem:$0x1F760];
	v20 =	vor.u32 s24, v20  }
0x412: {  	v32 =	vld [tilespmem:$0x1F780];
	v21 =	vor.u32 s24, v21  }
0x413: {  	v35 =	vld [tilespmem:$0x1F790];
	v16 =	vor.u32 s24, v38  }
0x414: {  	v36 =	vld [tilespmem:$0x1F7A0];
	[tilespmem:v11+s16+$0x0] =	vst.idx.msk $0xffff, v15;
	v11 =	vor.u32 s24, v39  }
0x415: {  	v57 =	vld [tilespmem:$0x1FE60];
	[tilespmem:v1+s16+$0x0] =	vst.idx.msk $0xffff, v14;
	v1 =	vor.u32 s24, v40  }
0x416: {  	[tilespmem:v20+s16+$0x0] =	vst.idx.msk $0xffff, v12;
	v12 =	vor.u32 s24, v43;
	v43 =	vld [tilespmem:$0x1FEF0]  }
0x417: {  	v15 =	vld [tilespmem:$0x1F740];
	[tilespmem:v21+s16+$0x0] =	vst.idx.msk $0xffff, v8;
	v8 =	vor.u32 s24, v45  }
0x418: {  	v14 =	vld [tilespmem:$0x1F730];
	[tilespmem:v16+s16+$0x0] =	vst.idx.msk $0xffff, v6;
	v6 =	vor.u32 s24, v49  }
0x419: {  	v51 =	vor.u32 s24, v54;
	v40 =	vld [tilespmem:$0x1F7B0];
	[tilespmem:v11+s16+$0x0] =	vst.idx.msk $0xffff, v10  }
0x41a: {  	v53 =	vor.u32 s24, v55;
	v54 =	vld [tilespmem:$0x1F7D0];
	[tilespmem:v1+s16+$0x0] =	vst.idx.msk $0xffff, v5  }
0x41b: {  	v45 =	vld [tilespmem:$0x1F7C0];
	[tilespmem:v12+s16+$0x0] =	vst.idx.msk $0xffff, v3;
	v61 =	vor.u32 s24, v43  }
0x41c: {  	v62 =	vor.u32 s24, v56;
	v16 =	vld [tilespmem:$0x1F750];
	[tilespmem:v8+s16+$0x0] =	vst.idx.msk $0xffff, v13  }
0x41d: {  	v11 =	vor.u32 s24, v30;
	v12 =	vld [tilespmem:$0x1F710];
	[tilespmem:v6+s16+$0x0] =	vst.idx.msk $0xffff, v18  }
0x41e: {  	v3 =	vor.u32 v14, v0;
	v13 =	vld [tilespmem:$0x1F720];
	[tilespmem:v51+s16+$0x0] =	vst.idx.msk $0xffff, v7  }
0x41f: {  	v8 =	vor.u32 v35, v0;
	v35 =	vld [tilespmem:$0x1FF10];
	v6 =	vor.u32 v17, v0;
	[tilespmem:v53+s16+$0x0] =	vst.idx.msk $0xffff, v9  }
0x420: {  	v37 =	vor.u32 v63, v0;
	v51 =	vld [tilespmem:$0x1F770];
	[tilespmem:v61+s16+$0x0] =	vst.idx.msk $0xffff, v19  }
0x421: {  	v38 =	vor.u32 v44, v0;
	v9 =	vor.u32 v36, v0;
	v36 =	vld [tilespmem:$0x1FF20];
	[tilespmem:v62+s16+$0x0] =	vst.idx.msk $0xffff, v4  }
0x422: {  	v39 =	vor.u32 v31, v0;
	v61 =	vld [tilespmem:$0x1FE70];
	[tilespmem:v11+s16+$0x0] =	vst.idx.msk $0xffff, v2  }
0x423: {  	v43 =	vor.u32 v40, v0;
	v3 =	vld.idx.msk [tilespmem:v3+s15+$0x0], $0xffff  }
0x424: {  	v44 =	vor.u32 v60, v0;
	v6 =	vld.idx.msk [tilespmem:v6+s15+$0x0], $0xffff  }
0x425: {  	v49 =	vor.u32 v45, v0;
	v10 =	vld.idx.msk [tilespmem:v37+s15+$0x0], $0xffff  }
0x426: {  	v11 =	vld.idx.msk [tilespmem:v38+s15+$0x0], $0xffff  }
0x427: {  	v7 =	vor.u32 v12, v0;
	v12 =	vld.idx.msk [tilespmem:v39+s15+$0x0], $0xffff  }
0x428: {  	v1 =	vor.u32 v13, v0;
	v13 =	vld.idx.msk [tilespmem:v43+s15+$0x0], $0xffff  }
0x429: {  	v14 =	vld.idx.msk [tilespmem:v44+s15+$0x0], $0xffff  }
0x42a: {  	v4 =	vor.u32 v15, v0;
	v15 =	vld.idx.msk [tilespmem:v49+s15+$0x0], $0xffff  }
0x42b: {  	v37 =	vld [tilespmem:$0x1FE80]  }
0x42c: {  	v39 =	vld [tilespmem:$0x1FF30]  }
0x42d: {  	v2 =	vor.u32 v16, v0;
	v9 =	vld.idx.msk [tilespmem:v9+s15+$0x0], $0xffff  }
0x42e: {  	v53 =	vor.u32 v51, v0;
	v5 =	vld.idx.msk [tilespmem:v7+s15+$0x0], $0xffff  }
0x42f: {  	v55 =	vor.u32 s24, v54;
	v7 =	vor.u32 v32, v0;
	v32 =	vld.idx.msk [tilespmem:v8+s15+$0x0], $0xffff  }
0x430: {  	v59 =	vor.u32 s24, v57;
	v1 =	vld.idx.msk [tilespmem:v1+s15+$0x0], $0xffff  }
0x431: {  	v18 =	vor.u32 s24, v35;
	v4 =	vld.idx.msk [tilespmem:v4+s15+$0x0], $0xffff  }
0x432: {  	v2 =	vld.idx.msk [tilespmem:v2+s15+$0x0], $0xffff  }
0x433: {  	v0 =	vld.idx.msk [tilespmem:v53+s15+$0x0], $0xffff  }
0x434: {  	v21 =	vld.idx.msk [tilespmem:v7+s15+$0x0], $0xffff;
	[tilespmem:v55+s16+$0x0] =	vst.idx.msk $0xffff, v5  }
0x435: {  	v62 =	vld [tilespmem:$0x1FE90];
	[tilespmem:v59+s16+$0x0] =	vst.idx.msk $0xffff, v1  }
0x436: {  	v19 =	vor.u32 s24, v61;
	[tilespmem:v18+s16+$0x0] =	vst.idx.msk $0xffff, v3;
	v18 =	vld [tilespmem:$0x1FF40]  }
0x437: {  	v29 =	vld [tilespmem:$0x1FDE0];
	v20 =	vor.u32 s24, v36  }
0x438: {  	v51 =	vld [tilespmem:$0x1FDF0];
	v38 =	vor.u32 s24, v37  }
0x439: {  	v40 =	vor.u32 s24, v39;
	v55 =	vld [tilespmem:$0x1FF50]  }
0x43a: {  	v26 =	vld [tilespmem:$0x1FDD0];
	v43 =	vor.u32 s24, v62  }
0x43b: {  	v59 =	vld [tilespmem:$0x1FF60];
	[tilespmem:v19+s16+$0x0] =	vst.idx.msk $0xffff, v4;
	v44 =	vor.u32 s24, v18  }
0x43c: {  	v45 =	vor.u32 s24, v29;
	v61 =	vld [tilespmem:$0x1FF70];
	[tilespmem:v20+s16+$0x0] =	vst.idx.msk $0xffff, v2  }
0x43d: {  	v63 =	vld [tilespmem:$0x1FB10];
	v54 =	vor.u32 s24, v51;
	[tilespmem:v38+s16+$0x0] =	vst.idx.msk $0xffff, v6  }
0x43e: {  	v56 =	vor.u32 s24, v55;
	[tilespmem:v40+s16+$0x0] =	vst.idx.msk $0xffff, v0  }
0x43f: {  	v57 =	vor.u32 s24, v26;
	[tilespmem:v43+s16+$0x0] =	vst.idx.msk $0xffff, v21  }
0x440: {  	v60 =	vor.u32 s24, v59;
	[tilespmem:v44+s16+$0x0] =	vst.idx.msk $0xffff, v32  }
0x441: {  	v62 =	vor.u32 s24, v61;
	[tilespmem:v45+s16+$0x0] =	vst.idx.msk $0xffff, v9  }
0x442: {  	v4 =	vor.u32 s24, v63;
	[tilespmem:v54+s16+$0x0] =	vst.idx.msk $0xffff, v10  }
0x443: {  	[tilespmem:v56+s16+$0x0] =	vst.idx.msk $0xffff, v11  }
0x444: {  	[tilespmem:v57+s16+$0x0] =	vst.idx.msk $0xffff, v12  }
0x445: {  	[tilespmem:v60+s16+$0x0] =	vst.idx.msk $0xffff, v13  }
0x446: {  	s22 =	sor.u32 s4, s22;
	[tilespmem:v62+s16+$0x0] =	vst.idx.msk $0xffff, v14  }
0x447: {  	s22 =	sadd.s32 s22, s23;
	[tilespmem:v4+s16+$0x0] =	vst.idx.msk $0xffff, v15  }
0x448: {  	[hbm4b:s22+s9] =	stream.strided.scatter [tilespmem:s16], [sflag:$0x3], $0x2000, s17, s9, $0x38;
	[tilespmem:$0x1A400] =	vst v63  }
0x449: {  	_ =	swait.ge [sflag:s11], $0x2000  }
0x44a: {  	s21 =	sadd.s32 $0x1, s21;
	[sflag:s11] =	ssyncset.done $0x0  }
0x44b: {  	p0 =	sne.s32 s21, $0x32;
	s22 =	sadd.s32 $0x80, s22;
	[sflag:s11] =	ssyncadd.s32 $0xFFFFE000  }
0x44c: {  	[hbm4b:s22+s9] =	stream.strided.scatter [tilespmem:s18], [sflag:$0x3], $0x2000, s17, s9, $0x38;
	[tilespmem:$0x1A400] =	vst v63  }
.Ltmp2:
0x44d: {  	_ = 	snop;
	(pc) =	sbr.rel @p0 .LBB2_2-.Ltmp2, $4  }
0x44e: {  	_ =	swait.ge [sflag:s11], $0x2000  }
0x44f: {  	v37 =	vld [tilespmem:$0x1FFA0]  }
0x450: {  	[sflag:s11] =	ssyncset.done $0x0  }
0x451: {  	v20 =	vmov v33;
	v21 =	vmov v34;
	v32 =	vmov v58;
	[sflag:s11] =	ssyncadd.s32 $0xFFFFE000  }
0x452: {  	s20 =	sadd.s32 $0x1, s20  }
0x453: {  	p0 =	sne.s32 s20, s8  }
.Ltmp3:
0x454: {  	_ = 	snop;
	(pc) =	sbr.rel @p0 .LBB2_1-.Ltmp3, $1  }
0x455: {  	_ =	sdelay $0x3  }
0x456: {  	_ =	sfence.sel $0x180000  }
0x457: {  	[bflag:$0x0] =	sbarrier.arrive $0xFFFF  }
0x458: {  	p0 =	sne.s32 s0, $0x0;
	_ =	strace $0x90000047  }
0x459: {  	s0 =	sadd.s32 @!p0 $0x100000, s2;
	[bflag:$0x2] =	sbarrier.arrive $0xFFFF  }
0x45a: {  	[sflag:s0] =	ssyncadd.tile.s32 @!p0 $0x1;
	_ =	shalt  }
.Lfunc_end2:
_tile_overlayer_lowered:
.L_overlay_start_2:
0x45b: {  	(tag) =	ssettag $0x2  }
0x45c: {  	s0 =	rddreg [dreg:$0x0];
	s2 =	stileid.u32  }
0x45d: {  	s1 =	rddreg [dreg:$0x1];
	p0 =	sne.s32 s2, $0x0  }
0x45e: {  	s3 =	rddreg [dreg:$0x2];
	[bflag:$0x3] =	sbarrier.arrive $0xFFFF;
	s2 =	simm.s32 @!p0 $0x1C03  }
0x45f: {  	[timem:s3], [sflag:s2] =	dma.local @!p0 [hbm:s0], s1  }
0x460: {  	s0 =	simm.s32 @!p0 $0x3  }
0x461: {  	_ =	swait.ge @!p0 [sflag:s0], s1  }
0x462: {  	s1 =	ssub.s32 @!p0 $0x0, s1;
	[sflag:s0] =	ssyncset.done @!p0 $0x0  }
0x463: {  	[sflag:s0] =	ssyncadd.s32 @!p0 s1  }
0x464: {  	[bflag:$0x3] =	sbarrier.arrive $0xFFFF  }
0x465: {  	_ =	shalt  }

</sc_bundles>
